<compile_context>
chip_gen: v7x
topology: tpu7x:2x2x1
jax: 0.10.2.dev20260603
libtpu: 0.0.44.dev20260713+nightly
codegen_flags: <defaults>
</compile_context>

<pallas_src>
import functools

import jax
import jax.numpy as jnp
from jax import lax
from jax.experimental import pallas as pl
from jax.experimental.pallas import tpu as pltpu, tpu_sc as plsc

_N = 10000
_D = 128
_E = 320000
_EPS = 1e-5

_NP = 10240
_EPAD = 327680
_EPT = _EPAD // 32
_CH = 128
_NCHUNK = 2 * _EPT // _CH
_CH0 = 118
_CH1 = _NCHUNK - _CH0
_RPT = _NP // 16
_CHC = 128
_NCHUNKC = _EPT // _CHC

_SC_CACHE = {}


def _sc_kernels():
    if "k" in _SC_CACHE:
        return _SC_CACHE["k"]
    mesh = plsc.VectorSubcoreMesh(core_axis_name="c", subcore_axis_name="s")

    @functools.partial(
        pl.kernel,
        mesh=mesh,
        out_type=jax.ShapeDtypeStruct((2, _NP), jnp.float32),
        scratch_types=[
            pltpu.VMEM((_EPT,), jnp.int32),
            pltpu.VMEM((_CHC,), jnp.int32),
            pltpu.VMEM((_CHC,), jnp.float32),
            pltpu.VMEM((_RPT,), jnp.float32),
            pltpu.VMEM_SHARED((_NP,), jnp.float32),
        ],
    )
    def sc_counts(dst_hbm, out_hbm, dst_1d, dst_c, ones_v, zero_v, acc_sh):
        cid = lax.axis_index("c")
        sid = lax.axis_index("s")
        wid = sid * 2 + cid
        for k in range(_CHC // 16):
            ones_v[pl.ds(k * 16, 16)] = jnp.ones((16,), jnp.float32)

        def zbody(k, carry):
            zero_v[pl.ds(k * 16, 16)] = jnp.zeros((16,), jnp.float32)
            return carry

        lax.fori_loop(0, _RPT // 16, zbody, 0)
        pltpu.sync_copy(zero_v, acc_sh.at[pl.ds(sid * _RPT, _RPT)])
        pltpu.sync_copy(dst_hbm.at[pl.ds(wid * _EPT, _EPT)], dst_1d)
        plsc.subcore_barrier()

        def body(j, carry):
            for k in range(_CHC // 16):
                dst_c[pl.ds(k * 16, 16)] = dst_1d[pl.ds(j * _CHC + k * 16, 16)]
            pltpu.sync_copy(ones_v, acc_sh.at[dst_c], add=True)
            return carry

        lax.fori_loop(0, _NCHUNKC, body, 0)
        plsc.subcore_barrier()
        pltpu.sync_copy(acc_sh.at[pl.ds(sid * _RPT, _RPT)],
                        out_hbm.at[cid, pl.ds(sid * _RPT, _RPT)])

    @functools.partial(
        pl.kernel,
        mesh=mesh,
        out_type=jax.ShapeDtypeStruct((2, _NP, _D), jnp.float32),
        scratch_types=(
            [pltpu.VMEM((_CH,), jnp.int32) for _ in range(4)]
            + [pltpu.VMEM((_CH, _D), jnp.float32) for _ in range(2)]
            + [pltpu.VMEM_SHARED((_NP, _D), jnp.float32)]
            + [pltpu.SemaphoreType.DMA for _ in range(2)]
        ),
    )
    def sc_spmm(xp_hbm, src_hbm, dst_hbm, out_hbm, *scratch):
        src_v = scratch[0:2]
        dst_v = scratch[2:4]
        rows = scratch[4:6]
        acc_sh = scratch[6]
        sems = scratch[7:9]
        cid = lax.axis_index("c")
        sid = lax.axis_index("s")

        def zbody(r, carry):
            for k in range(_D // 16):
                rows[0][r, pl.ds(k * 16, 16)] = jnp.zeros((16,), jnp.float32)
            return carry

        lax.fori_loop(0, _CH, zbody, 0)
        for k in range(_RPT // _CH):
            pltpu.sync_copy(rows[0],
                            acc_sh.at[pl.ds(sid * _RPT + k * _CH, _CH), :])
        plsc.subcore_barrier()

        def run_edges(base_chunk, nchunks):
            def fetch(j, p):
                base = (base_chunk + j) * _CH
                pltpu.sync_copy(src_hbm.at[pl.ds(base, _CH)], src_v[p])
                pltpu.sync_copy(dst_hbm.at[pl.ds(base, _CH)], dst_v[p])
                pltpu.async_copy(xp_hbm.at[src_v[p]], rows[p], sems[p])

            def drain(p):
                pltpu.make_async_copy(xp_hbm.at[src_v[p]], rows[p],
                                      sems[p]).wait()
                pltpu.sync_copy(rows[p], acc_sh.at[dst_v[p]], add=True)

            fetch(0, 0)

            def body(m, carry):
                fetch(2 * m + 1, 1)
                drain(0)

                @pl.when(m < nchunks // 2 - 1)
                def _():
                    fetch(2 * m + 2, 0)

                drain(1)
                return carry

            lax.fori_loop(0, nchunks // 2, body, 0)

        @pl.when(cid == 0)
        def _():
            run_edges(sid * _NCHUNK, _CH0)

        @pl.when(cid == 1)
        def _():
            run_edges(sid * _NCHUNK + _CH0, _CH1)
        plsc.subcore_barrier()
        pltpu.sync_copy(acc_sh.at[pl.ds(sid * _RPT, _RPT), :],
                        out_hbm.at[cid, pl.ds(sid * _RPT, _RPT), :])

    _SC_CACHE["k"] = (sc_counts, sc_spmm)
    return _SC_CACHE["k"]


def _tc_prep_body(cnt_ref, x_ref, dinv_ref, xp_ref):
    deg = cnt_ref[0:1, :] + cnt_ref[1:2, :] + 1.0
    dinv_row = lax.rsqrt(deg)
    eye = (lax.broadcasted_iota(jnp.int32, (128, 128), 0)
           == lax.broadcasted_iota(jnp.int32, (128, 128), 1)).astype(jnp.float32)
    blocks = [
        jnp.sum(eye * dinv_row[:, i * 128:(i + 1) * 128], axis=1,
                keepdims=True)
        for i in range(_NP // 128)
    ]
    dinv = jnp.concatenate(blocks, axis=0)
    dinv_ref[...] = dinv
    xp_ref[...] = x_ref[...] * dinv


_tc_prep = pl.pallas_call(
    _tc_prep_body,
    out_shape=(
        jax.ShapeDtypeStruct((_NP, 1), jnp.float32),
        jax.ShapeDtypeStruct((_NP, _D), jnp.float32),
    ),
)


def _tc_layer_body(p_ref, xp_ref, dinv_ref, w_ref, b_ref, g_ref, bt_ref,
                   o_ref):
    dinv = dinv_ref[...]
    t = (p_ref[0] + p_ref[1] + xp_ref[...]) * dinv
    y = jnp.dot(t, w_ref[...], preferred_element_type=jnp.float32) + b_ref[...]
    yr = y[:_N]
    m = jnp.mean(yr, axis=0, keepdims=True)
    v = jnp.mean((yr - m) * (yr - m), axis=0, keepdims=True)
    h = (y - m) * lax.rsqrt(v + _EPS) * g_ref[...] + bt_ref[...]
    o_ref[...] = jnp.maximum(h, 0.0) * dinv


_tc_layer = pl.pallas_call(
    _tc_layer_body,
    out_shape=jax.ShapeDtypeStruct((_NP, _D), jnp.float32),
)


def _tc_final_body(p_ref, xp_ref, dinv_ref, w_ref, b_ref, x_ref, o_ref):
    t = (p_ref[0] + p_ref[1] + xp_ref[...]) * dinv_ref[...]
    y = jnp.dot(t, w_ref[...], preferred_element_type=jnp.float32)
    o_ref[...] = y + b_ref[...] + x_ref[...]


_tc_final = pl.pallas_call(
    _tc_final_body,
    out_shape=jax.ShapeDtypeStruct((_NP, _D), jnp.float32),
)


def kernel(x, edge_index, W1, b1, g1, bt1, W2, b2, g2, bt2, W3, b3):
    sc_counts, sc_spmm = _sc_kernels()
    src = edge_index[0].astype(jnp.int32)
    dst = edge_index[1].astype(jnp.int32)
    pad = jnp.full((_EPAD - _E,), _N, jnp.int32)
    srcp = jnp.concatenate([src, pad])
    dstp = jnp.concatenate([dst, pad])
    xpd = jnp.pad(x, ((0, _NP - _N), (0, 0)))

    cnt = sc_counts(dstp)
    dinv, xp1 = _tc_prep(cnt, xpd)
    p1 = sc_spmm(xp1, srcp, dstp)
    xp2 = _tc_layer(p1, xp1, dinv, W1, b1.reshape(1, _D),
                    g1.reshape(1, _D), bt1.reshape(1, _D))
    p2 = sc_spmm(xp2, srcp, dstp)
    xp3 = _tc_layer(p2, xp2, dinv, W2, b2.reshape(1, _D),
                    g2.reshape(1, _D), bt2.reshape(1, _D))
    p3 = sc_spmm(xp3, srcp, dstp)
    out = _tc_final(p3, xp3, dinv, W3, b3.reshape(1, _D), xpd)
    return out[:_N]

# --- scband reference (transcript-rebuilt; emitter-appended) ---
"""Pipeline reference for scband-gcnmodel-53523882443689 (READ-ONLY COPY).

The authoritative reference and input builder live on the scoring server;
editing this copy changes nothing except your own understanding.
"""

import jax, jax.numpy as jnp
import numpy as np

N = 10000
D = 128
E = 320000
EPS = 1e-5


def setup_inputs(seed: int = 0) -> dict:
    key = jax.random.key(seed)
    ks = jax.random.split(key, 12)
    x = jax.random.normal(ks[0], (N, D), dtype=jnp.float32)
    edge_index = jax.random.randint(ks[1], (2, E), 0, N, dtype=jnp.int64 if jax.config.jax_enable_x64 else jnp.int32)
    s = 1.0 / np.sqrt(D)
    W1 = jax.random.normal(ks[2], (D, D), dtype=jnp.float32) * s
    b1 = jnp.zeros((D,), dtype=jnp.float32)
    g1 = jnp.ones((D,), dtype=jnp.float32)
    bt1 = jnp.zeros((D,), dtype=jnp.float32)
    W2 = jax.random.normal(ks[3], (D, D), dtype=jnp.float32) * s
    b2 = jnp.zeros((D,), dtype=jnp.float32)
    g2 = jnp.ones((D,), dtype=jnp.float32)
    bt2 = jnp.zeros((D,), dtype=jnp.float32)
    W3 = jax.random.normal(ks[4], (D, D), dtype=jnp.float32) * s
    b3 = jnp.zeros((D,), dtype=jnp.float32)
    return {"x": x, "edge_index": edge_index, "W1": W1, "b1": b1, "g1": g1, "bt1": bt1,
            "W2": W2, "b2": b2, "g2": g2, "bt2": bt2, "W3": W3, "b3": b3}


def _gcn_conv(x, src, dst, norm, W, b):
    h = x @ W
    msg = h[src] * norm[:, None]
    out = jnp.zeros((x.shape[0], W.shape[1]), dtype=x.dtype).at[dst].add(msg)
    return out + b


def _batch_norm(x, g, b):
    m = jnp.mean(x, axis=0)
    v = jnp.var(x, axis=0)
    return (x - m) / jnp.sqrt(v + EPS) * g + b


def reference(x, edge_index, W1, b1, g1, bt1, W2, b2, g2, bt2, W3, b3):
    src = edge_index[0]
    dst = edge_index[1]
    loop = jnp.arange(N, dtype=src.dtype)
    src = jnp.concatenate([src, loop])
    dst = jnp.concatenate([dst, loop])
    deg = jnp.zeros((N,), dtype=jnp.float32).at[dst].add(1.0)
    dinv = jnp.where(deg > 0, deg ** -0.5, 0.0)
    norm = dinv[src] * dinv[dst]
    x_res = x
    h = _gcn_conv(x, src, dst, norm, W1, b1)
    h = _batch_norm(h, g1, bt1)
    h = jax.nn.relu(h)
    # dropout is identity in eval mode
    h = _gcn_conv(h, src, dst, norm, W2, b2)
    h = _batch_norm(h, g2, bt2)
    h = jax.nn.relu(h)
    h = _gcn_conv(h, src, dst, norm, W3, b3)
    # residual: in_channels == out_channels == 128
    h = h + x_res
    return h

if __name__ == "__main__":
    import jax
    _d = setup_inputs()
    print(jax.jit(kernel)(*tuple(_d.values())))

</pallas_src>

<mosaic_0001>
#map = affine_map<(d0, d1) -> (0)>
#map1 = affine_map<(d0, d1) -> (0, 0)>
module attributes {stable_mosaic.version = 14 : i64} {
  func.func @sc_counts(%arg0: i32, %arg1: i32, %arg2: memref<327680xi32, #tpu.memory_space<hbm>>, %arg3: memref<2x10240xf32, #tpu.memory_space<hbm>>, %arg4: memref<10240xi32, #tpu.memory_space<vmem>>, %arg5: memref<128xi32, #tpu.memory_space<vmem>>, %arg6: memref<128xf32, #tpu.memory_space<vmem>>, %arg7: memref<640xf32, #tpu.memory_space<vmem>>, %arg8: memref<10240xf32, #tpu.memory_space<vmem_shared>>) attributes {dimension_semantics = [#tpu.dimension_semantics<core_parallel>, #tpu.dimension_semantics<subcore_parallel>], iteration_bounds = array<i64: 2, 16>, scalar_prefetch = 0 : i64, scratch_operands = 5 : i64, tpu.core_type = #tpu.core_type<sc_vector_subcore>, window_params = [{transform_indices = #map}, {transform_indices = #map1}]} {
    %mul3A = arith.constant 2 : i32
    %mul3A_0 = arith.muli %arg1, %mul3A : i32
    %add3A = arith.addi %mul3A_0, %arg0 : i32
    %broadcast_in_dim3A = arith.constant 1.000000e+00 : f32
    %broadcast_in_dim3A_1 = vector.broadcast %broadcast_in_dim3A : f32 to vector<16xf32>
    %swap3A = arith.constant 0 : index
    %swap3A_2 = tpu.vector_load %arg6[%swap3A] {strides = array<i32>} : memref<128xf32, #tpu.memory_space<vmem>>, vector<16xf32>,
    %swap3A_3 = vector.shape_cast %swap3A_2 : vector<16xf32> to vector<16xf32>
    %swap3A_4 = vector.shape_cast %broadcast_in_dim3A_1 : vector<16xf32> to vector<16xf32>
    tpu.vector_store %arg6[%swap3A], %swap3A_4 {strides = array<i32>} : memref<128xf32, #tpu.memory_space<vmem>>, vector<16xf32>,
    %broadcast_in_dim3A_5 = arith.constant 1.000000e+00 : f32
    %broadcast_in_dim3A_6 = vector.broadcast %broadcast_in_dim3A_5 : f32 to vector<16xf32>
    %swap3A_7 = arith.constant 16 : index
    %swap3A_8 = tpu.vector_load %arg6[%swap3A_7] {strides = array<i32>} : memref<128xf32, #tpu.memory_space<vmem>>, vector<16xf32>,
    %swap3A_9 = vector.shape_cast %swap3A_8 : vector<16xf32> to vector<16xf32>
    %swap3A_10 = vector.shape_cast %broadcast_in_dim3A_6 : vector<16xf32> to vector<16xf32>
    tpu.vector_store %arg6[%swap3A_7], %swap3A_10 {strides = array<i32>} : memref<128xf32, #tpu.memory_space<vmem>>, vector<16xf32>,
    %broadcast_in_dim3A_11 = arith.constant 1.000000e+00 : f32
    %broadcast_in_dim3A_12 = vector.broadcast %broadcast_in_dim3A_11 : f32 to vector<16xf32>
    %swap3A_13 = arith.constant 32 : index
    %swap3A_14 = tpu.vector_load %arg6[%swap3A_13] {strides = array<i32>} : memref<128xf32, #tpu.memory_space<vmem>>, vector<16xf32>,
    %swap3A_15 = vector.shape_cast %swap3A_14 : vector<16xf32> to vector<16xf32>
    %swap3A_16 = vector.shape_cast %broadcast_in_dim3A_12 : vector<16xf32> to vector<16xf32>
    tpu.vector_store %arg6[%swap3A_13], %swap3A_16 {strides = array<i32>} : memref<128xf32, #tpu.memory_space<vmem>>, vector<16xf32>,
    %broadcast_in_dim3A_17 = arith.constant 1.000000e+00 : f32
    %broadcast_in_dim3A_18 = vector.broadcast %broadcast_in_dim3A_17 : f32 to vector<16xf32>
    %swap3A_19 = arith.constant 48 : index
    %swap3A_20 = tpu.vector_load %arg6[%swap3A_19] {strides = array<i32>} : memref<128xf32, #tpu.memory_space<vmem>>, vector<16xf32>,
    %swap3A_21 = vector.shape_cast %swap3A_20 : vector<16xf32> to vector<16xf32>
    %swap3A_22 = vector.shape_cast %broadcast_in_dim3A_18 : vector<16xf32> to vector<16xf32>
    tpu.vector_store %arg6[%swap3A_19], %swap3A_22 {strides = array<i32>} : memref<128xf32, #tpu.memory_space<vmem>>, vector<16xf32>,
    %broadcast_in_dim3A_23 = arith.constant 1.000000e+00 : f32
    %broadcast_in_dim3A_24 = vector.broadcast %broadcast_in_dim3A_23 : f32 to vector<16xf32>
    %swap3A_25 = arith.constant 64 : index
    %swap3A_26 = tpu.vector_load %arg6[%swap3A_25] {strides = array<i32>} : memref<128xf32, #tpu.memory_space<vmem>>, vector<16xf32>,
    %swap3A_27 = vector.shape_cast %swap3A_26 : vector<16xf32> to vector<16xf32>
    %swap3A_28 = vector.shape_cast %broadcast_in_dim3A_24 : vector<16xf32> to vector<16xf32>
    tpu.vector_store %arg6[%swap3A_25], %swap3A_28 {strides = array<i32>} : memref<128xf32, #tpu.memory_space<vmem>>, vector<16xf32>,
    %broadcast_in_dim3A_29 = arith.constant 1.000000e+00 : f32
    %broadcast_in_dim3A_30 = vector.broadcast %broadcast_in_dim3A_29 : f32 to vector<16xf32>
    %swap3A_31 = arith.constant 80 : index
    %swap3A_32 = tpu.vector_load %arg6[%swap3A_31] {strides = array<i32>} : memref<128xf32, #tpu.memory_space<vmem>>, vector<16xf32>,
    %swap3A_33 = vector.shape_cast %swap3A_32 : vector<16xf32> to vector<16xf32>
    %swap3A_34 = vector.shape_cast %broadcast_in_dim3A_30 : vector<16xf32> to vector<16xf32>
    tpu.vector_store %arg6[%swap3A_31], %swap3A_34 {strides = array<i32>} : memref<128xf32, #tpu.memory_space<vmem>>, vector<16xf32>,
    %broadcast_in_dim3A_35 = arith.constant 1.000000e+00 : f32
    %broadcast_in_dim3A_36 = vector.broadcast %broadcast_in_dim3A_35 : f32 to vector<16xf32>
    %swap3A_37 = arith.constant 96 : index
    %swap3A_38 = tpu.vector_load %arg6[%swap3A_37] {strides = array<i32>} : memref<128xf32, #tpu.memory_space<vmem>>, vector<16xf32>,
    %swap3A_39 = vector.shape_cast %swap3A_38 : vector<16xf32> to vector<16xf32>
    %swap3A_40 = vector.shape_cast %broadcast_in_dim3A_36 : vector<16xf32> to vector<16xf32>
    tpu.vector_store %arg6[%swap3A_37], %swap3A_40 {strides = array<i32>} : memref<128xf32, #tpu.memory_space<vmem>>, vector<16xf32>,
    %broadcast_in_dim3A_41 = arith.constant 1.000000e+00 : f32
    %broadcast_in_dim3A_42 = vector.broadcast %broadcast_in_dim3A_41 : f32 to vector<16xf32>
    %swap3A_43 = arith.constant 112 : index
    %swap3A_44 = tpu.vector_load %arg6[%swap3A_43] {strides = array<i32>} : memref<128xf32, #tpu.memory_space<vmem>>, vector<16xf32>,
    %swap3A_45 = vector.shape_cast %swap3A_44 : vector<16xf32> to vector<16xf32>
    %swap3A_46 = vector.shape_cast %broadcast_in_dim3A_42 : vector<16xf32> to vector<16xf32>
    tpu.vector_store %arg6[%swap3A_43], %swap3A_46 {strides = array<i32>} : memref<128xf32, #tpu.memory_space<vmem>>, vector<16xf32>,
    %scan3A = arith.constant 0 : i32
    %scan3A_47 = arith.constant 0 : i32
    %scan3A_48 = arith.constant 40 : i32
    %scan3A_49 = arith.addi %scan3A_47, %scan3A_48 : i32
    %scan3A_50 = arith.constant 1 : i32
    scf.for %scan3A_67 = %scan3A_47 to %scan3A_49 step %scan3A_50  : i32 {
      %broadcast_in_dim3A_68 = arith.constant 0.000000e+00 : f32
      %broadcast_in_dim3A_69 = vector.broadcast %broadcast_in_dim3A_68 : f32 to vector<16xf32>
      %mul3A_70 = arith.constant 16 : i32
      %mul3A_71 = arith.muli %scan3A_67, %mul3A_70 : i32
      %swap3A_72 = arith.index_cast %mul3A_71 : i32 to index
      %swap3A_73 = tpu.vector_load %arg7[%swap3A_72] {strides = array<i32>} : memref<640xf32, #tpu.memory_space<vmem>>, vector<16xf32>,
      %swap3A_74 = vector.shape_cast %swap3A_73 : vector<16xf32> to vector<16xf32>
      %swap3A_75 = vector.shape_cast %broadcast_in_dim3A_69 : vector<16xf32> to vector<16xf32>
      tpu.vector_store %arg7[%swap3A_72], %swap3A_75 {strides = array<i32>} : memref<640xf32, #tpu.memory_space<vmem>>, vector<16xf32>,
    }
    %scan3A_51 = arith.constant 40 : i32
    %mul3A_52 = arith.constant 640 : i32
    %mul3A_53 = arith.muli %arg1, %mul3A_52 : i32
    "tpu.region"() ({
      %run_scoped3A = tpu.sem_alloc : memref<!tpu.dma_semaphore, #tpu.memory_space<semaphore_mem>>
      %dma_start3A = tpu.memref_slice %arg8[%mul3A_53] : memref<10240xf32, #tpu.memory_space<vmem_shared>> -> memref<640xf32, #tpu.memory_space<vmem_shared>>
      %dma_start3A_67 = tpu.memref_slice %arg8[%mul3A_53] : memref<10240xf32, #tpu.memory_space<vmem_shared>> -> memref<640xf32, #tpu.memory_space<vmem_shared>>
      tpu.enqueue_dma source(%arg7 : memref<640xf32, #tpu.memory_space<vmem>>) target(%dma_start3A_67 : memref<640xf32, #tpu.memory_space<vmem_shared>>) target_semaphore(%run_scoped3A : memref<!tpu.dma_semaphore, #tpu.memory_space<semaphore_mem>>)
      %dma_wait3A = tpu.memref_slice %arg8[%mul3A_53] : memref<10240xf32, #tpu.memory_space<vmem_shared>> -> memref<640xf32, #tpu.memory_space<vmem_shared>>
      %dma_wait3A_68 = tpu.memref_slice %arg8[%mul3A_53] : memref<10240xf32, #tpu.memory_space<vmem_shared>> -> memref<640xf32, #tpu.memory_space<vmem_shared>>
      tpu.wait_dma2 semaphore(%run_scoped3A : memref<!tpu.dma_semaphore, #tpu.memory_space<semaphore_mem>>) src(%arg7 : memref<640xf32, #tpu.memory_space<vmem>>) dst(%dma_wait3A_68 : memref<640xf32, #tpu.memory_space<vmem_shared>>)
      tpu.yield
    }) : () -> ()
    %mul3A_54 = arith.constant 10240 : i32
    %mul3A_55 = arith.muli %add3A, %mul3A_54 : i32
    "tpu.region"() ({
      %run_scoped3A = tpu.sem_alloc : memref<!tpu.dma_semaphore, #tpu.memory_space<semaphore_mem>>
      %dma_start3A = tpu.memref_slice %arg2[%mul3A_55] : memref<327680xi32, #tpu.memory_space<hbm>> -> memref<10240xi32, #tpu.memory_space<hbm>>
      %dma_start3A_67 = tpu.memref_slice %arg2[%mul3A_55] : memref<327680xi32, #tpu.memory_space<hbm>> -> memref<10240xi32, #tpu.memory_space<hbm>>
      tpu.enqueue_dma source(%dma_start3A_67 : memref<10240xi32, #tpu.memory_space<hbm>>) target(%arg4 : memref<10240xi32, #tpu.memory_space<vmem>>) target_semaphore(%run_scoped3A : memref<!tpu.dma_semaphore, #tpu.memory_space<semaphore_mem>>)
      %dma_wait3A = tpu.memref_slice %arg2[%mul3A_55] : memref<327680xi32, #tpu.memory_space<hbm>> -> memref<10240xi32, #tpu.memory_space<hbm>>
      %dma_wait3A_68 = tpu.memref_slice %arg2[%mul3A_55] : memref<327680xi32, #tpu.memory_space<hbm>> -> memref<10240xi32, #tpu.memory_space<hbm>>
      tpu.wait_dma2 semaphore(%run_scoped3A : memref<!tpu.dma_semaphore, #tpu.memory_space<semaphore_mem>>) src(%dma_wait3A_68 : memref<10240xi32, #tpu.memory_space<hbm>>) dst(%arg4 : memref<10240xi32, #tpu.memory_space<vmem>>)
      tpu.yield
    }) : () -> ()
    %barrier3A = arith.constant 0 : index
    tpu.barrier barrier_id(%barrier3A)
    %scan3A_56 = arith.constant 0 : i32
    %scan3A_57 = arith.constant 0 : i32
    %scan3A_58 = arith.constant 80 : i32
    %scan3A_59 = arith.addi %scan3A_57, %scan3A_58 : i32
    %scan3A_60 = arith.constant 1 : i32
    scf.for %scan3A_67 = %scan3A_57 to %scan3A_59 step %scan3A_60  : i32 {
      %mul3A_68 = arith.constant 128 : i32
      %mul3A_69 = arith.muli %scan3A_67, %mul3A_68 : i32
      %add3A_70 = arith.constant 0 : i32
      %add3A_71 = arith.addi %mul3A_69, %add3A_70 : i32
      %get3A = arith.index_cast %add3A_71 : i32 to index
      %get3A_72 = tpu.vector_load %arg4[%get3A] {strides = array<i32>} : memref<10240xi32, #tpu.memory_space<vmem>>, vector<16xi32>,
      %get3A_73 = vector.shape_cast %get3A_72 : vector<16xi32> to vector<16xi32>
      %swap3A_74 = arith.constant 0 : index
      %swap3A_75 = tpu.vector_load %arg5[%swap3A_74] {strides = array<i32>} : memref<128xi32, #tpu.memory_space<vmem>>, vector<16xi32>,
      %swap3A_76 = vector.shape_cast %swap3A_75 : vector<16xi32> to vector<16xi32>
      %swap3A_77 = vector.shape_cast %get3A_73 : vector<16xi32> to vector<16xi32>
      tpu.vector_store %arg5[%swap3A_74], %swap3A_77 {strides = array<i32>} : memref<128xi32, #tpu.memory_space<vmem>>, vector<16xi32>,
      %mul3A_78 = arith.constant 128 : i32
      %mul3A_79 = arith.muli %scan3A_67, %mul3A_78 : i32
      %add3A_80 = arith.constant 16 : i32
      %add3A_81 = arith.addi %mul3A_79, %add3A_80 : i32
      %get3A_82 = arith.index_cast %add3A_81 : i32 to index
      %get3A_83 = tpu.vector_load %arg4[%get3A_82] {strides = array<i32>} : memref<10240xi32, #tpu.memory_space<vmem>>, vector<16xi32>,
      %get3A_84 = vector.shape_cast %get3A_83 : vector<16xi32> to vector<16xi32>
      %swap3A_85 = arith.constant 16 : index
      %swap3A_86 = tpu.vector_load %arg5[%swap3A_85] {strides = array<i32>} : memref<128xi32, #tpu.memory_space<vmem>>, vector<16xi32>,
      %swap3A_87 = vector.shape_cast %swap3A_86 : vector<16xi32> to vector<16xi32>
      %swap3A_88 = vector.shape_cast %get3A_84 : vector<16xi32> to vector<16xi32>
      tpu.vector_store %arg5[%swap3A_85], %swap3A_88 {strides = array<i32>} : memref<128xi32, #tpu.memory_space<vmem>>, vector<16xi32>,
      %mul3A_89 = arith.constant 128 : i32
      %mul3A_90 = arith.muli %scan3A_67, %mul3A_89 : i32
      %add3A_91 = arith.constant 32 : i32
      %add3A_92 = arith.addi %mul3A_90, %add3A_91 : i32
      %get3A_93 = arith.index_cast %add3A_92 : i32 to index
      %get3A_94 = tpu.vector_load %arg4[%get3A_93] {strides = array<i32>} : memref<10240xi32, #tpu.memory_space<vmem>>, vector<16xi32>,
      %get3A_95 = vector.shape_cast %get3A_94 : vector<16xi32> to vector<16xi32>
      %swap3A_96 = arith.constant 32 : index
      %swap3A_97 = tpu.vector_load %arg5[%swap3A_96] {strides = array<i32>} : memref<128xi32, #tpu.memory_space<vmem>>, vector<16xi32>,
      %swap3A_98 = vector.shape_cast %swap3A_97 : vector<16xi32> to vector<16xi32>
      %swap3A_99 = vector.shape_cast %get3A_95 : vector<16xi32> to vector<16xi32>
      tpu.vector_store %arg5[%swap3A_96], %swap3A_99 {strides = array<i32>} : memref<128xi32, #tpu.memory_space<vmem>>, vector<16xi32>,
      %mul3A_100 = arith.constant 128 : i32
      %mul3A_101 = arith.muli %scan3A_67, %mul3A_100 : i32
      %add3A_102 = arith.constant 48 : i32
      %add3A_103 = arith.addi %mul3A_101, %add3A_102 : i32
      %get3A_104 = arith.index_cast %add3A_103 : i32 to index
      %get3A_105 = tpu.vector_load %arg4[%get3A_104] {strides = array<i32>} : memref<10240xi32, #tpu.memory_space<vmem>>, vector<16xi32>,
      %get3A_106 = vector.shape_cast %get3A_105 : vector<16xi32> to vector<16xi32>
      %swap3A_107 = arith.constant 48 : index
      %swap3A_108 = tpu.vector_load %arg5[%swap3A_107] {strides = array<i32>} : memref<128xi32, #tpu.memory_space<vmem>>, vector<16xi32>,
      %swap3A_109 = vector.shape_cast %swap3A_108 : vector<16xi32> to vector<16xi32>
      %swap3A_110 = vector.shape_cast %get3A_106 : vector<16xi32> to vector<16xi32>
      tpu.vector_store %arg5[%swap3A_107], %swap3A_110 {strides = array<i32>} : memref<128xi32, #tpu.memory_space<vmem>>, vector<16xi32>,
      %mul3A_111 = arith.constant 128 : i32
      %mul3A_112 = arith.muli %scan3A_67, %mul3A_111 : i32
      %add3A_113 = arith.constant 64 : i32
      %add3A_114 = arith.addi %mul3A_112, %add3A_113 : i32
      %get3A_115 = arith.index_cast %add3A_114 : i32 to index
      %get3A_116 = tpu.vector_load %arg4[%get3A_115] {strides = array<i32>} : memref<10240xi32, #tpu.memory_space<vmem>>, vector<16xi32>,
      %get3A_117 = vector.shape_cast %get3A_116 : vector<16xi32> to vector<16xi32>
      %swap3A_118 = arith.constant 64 : index
      %swap3A_119 = tpu.vector_load %arg5[%swap3A_118] {strides = array<i32>} : memref<128xi32, #tpu.memory_space<vmem>>, vector<16xi32>,
      %swap3A_120 = vector.shape_cast %swap3A_119 : vector<16xi32> to vector<16xi32>
      %swap3A_121 = vector.shape_cast %get3A_117 : vector<16xi32> to vector<16xi32>
      tpu.vector_store %arg5[%swap3A_118], %swap3A_121 {strides = array<i32>} : memref<128xi32, #tpu.memory_space<vmem>>, vector<16xi32>,
      %mul3A_122 = arith.constant 128 : i32
      %mul3A_123 = arith.muli %scan3A_67, %mul3A_122 : i32
      %add3A_124 = arith.constant 80 : i32
      %add3A_125 = arith.addi %mul3A_123, %add3A_124 : i32
      %get3A_126 = arith.index_cast %add3A_125 : i32 to index
      %get3A_127 = tpu.vector_load %arg4[%get3A_126] {strides = array<i32>} : memref<10240xi32, #tpu.memory_space<vmem>>, vector<16xi32>,
      %get3A_128 = vector.shape_cast %get3A_127 : vector<16xi32> to vector<16xi32>
      %swap3A_129 = arith.constant 80 : index
      %swap3A_130 = tpu.vector_load %arg5[%swap3A_129] {strides = array<i32>} : memref<128xi32, #tpu.memory_space<vmem>>, vector<16xi32>,
      %swap3A_131 = vector.shape_cast %swap3A_130 : vector<16xi32> to vector<16xi32>
      %swap3A_132 = vector.shape_cast %get3A_128 : vector<16xi32> to vector<16xi32>
      tpu.vector_store %arg5[%swap3A_129], %swap3A_132 {strides = array<i32>} : memref<128xi32, #tpu.memory_space<vmem>>, vector<16xi32>,
      %mul3A_133 = arith.constant 128 : i32
      %mul3A_134 = arith.muli %scan3A_67, %mul3A_133 : i32
      %add3A_135 = arith.constant 96 : i32
      %add3A_136 = arith.addi %mul3A_134, %add3A_135 : i32
      %get3A_137 = arith.index_cast %add3A_136 : i32 to index
      %get3A_138 = tpu.vector_load %arg4[%get3A_137] {strides = array<i32>} : memref<10240xi32, #tpu.memory_space<vmem>>, vector<16xi32>,
      %get3A_139 = vector.shape_cast %get3A_138 : vector<16xi32> to vector<16xi32>
      %swap3A_140 = arith.constant 96 : index
      %swap3A_141 = tpu.vector_load %arg5[%swap3A_140] {strides = array<i32>} : memref<128xi32, #tpu.memory_space<vmem>>, vector<16xi32>,
      %swap3A_142 = vector.shape_cast %swap3A_141 : vector<16xi32> to vector<16xi32>
      %swap3A_143 = vector.shape_cast %get3A_139 : vector<16xi32> to vector<16xi32>
      tpu.vector_store %arg5[%swap3A_140], %swap3A_143 {strides = array<i32>} : memref<128xi32, #tpu.memory_space<vmem>>, vector<16xi32>,
      %mul3A_144 = arith.constant 128 : i32
      %mul3A_145 = arith.muli %scan3A_67, %mul3A_144 : i32
      %add3A_146 = arith.constant 112 : i32
      %add3A_147 = arith.addi %mul3A_145, %add3A_146 : i32
      %get3A_148 = arith.index_cast %add3A_147 : i32 to index
      %get3A_149 = tpu.vector_load %arg4[%get3A_148] {strides = array<i32>} : memref<10240xi32, #tpu.memory_space<vmem>>, vector<16xi32>,
      %get3A_150 = vector.shape_cast %get3A_149 : vector<16xi32> to vector<16xi32>
      %swap3A_151 = arith.constant 112 : index
      %swap3A_152 = tpu.vector_load %arg5[%swap3A_151] {strides = array<i32>} : memref<128xi32, #tpu.memory_space<vmem>>, vector<16xi32>,
      %swap3A_153 = vector.shape_cast %swap3A_152 : vector<16xi32> to vector<16xi32>
      %swap3A_154 = vector.shape_cast %get3A_150 : vector<16xi32> to vector<16xi32>
      tpu.vector_store %arg5[%swap3A_151], %swap3A_154 {strides = array<i32>} : memref<128xi32, #tpu.memory_space<vmem>>, vector<16xi32>,
      "tpu.region"() ({
        %run_scoped3A = tpu.sem_alloc : memref<!tpu.dma_semaphore, #tpu.memory_space<semaphore_mem>>
        %dma_start3A = arith.constant 0 : i32
        %dma_start3A_155 = tpu.memref_slice %arg8[%dma_start3A] : memref<10240xf32, #tpu.memory_space<vmem_shared>> -> memref<10240xf32, #tpu.memory_space<vmem_shared>>
        tpu.enqueue_indirect_dma source(%arg6 : memref<128xf32, #tpu.memory_space<vmem>>) target(%dma_start3A_155 : memref<10240xf32, #tpu.memory_space<vmem_shared>>) offsets(%arg5 : memref<128xi32, #tpu.memory_space<vmem>>) semaphore(%run_scoped3A : memref<!tpu.dma_semaphore, #tpu.memory_space<semaphore_mem>>) {add = true}
        %dma_wait3A = arith.constant 0 : i32
        %dma_wait3A_156 = tpu.memref_slice %arg8[%dma_wait3A] : memref<10240xf32, #tpu.memory_space<vmem_shared>> -> memref<10240xf32, #tpu.memory_space<vmem_shared>>
        tpu.wait_indirect_dma semaphore(%run_scoped3A : memref<!tpu.dma_semaphore, #tpu.memory_space<semaphore_mem>>) src(%arg6 : memref<128xf32, #tpu.memory_space<vmem>>) dst(%dma_wait3A_156 : memref<10240xf32, #tpu.memory_space<vmem_shared>>)
        tpu.yield
      }) : () -> ()
    }
    %scan3A_61 = arith.constant 80 : i32
    %barrier3A_62 = arith.constant 0 : index
    tpu.barrier barrier_id(%barrier3A_62)
    %mul3A_63 = arith.constant 640 : i32
    %mul3A_64 = arith.muli %arg1, %mul3A_63 : i32
    %mul3A_65 = arith.constant 640 : i32
    %mul3A_66 = arith.muli %arg1, %mul3A_65 : i32
    "tpu.region"() ({
      %run_scoped3A = tpu.sem_alloc : memref<!tpu.dma_semaphore, #tpu.memory_space<semaphore_mem>>
      %dma_start3A = tpu.memref_slice %arg3[%arg0, %mul3A_66] : memref<2x10240xf32, #tpu.memory_space<hbm>> -> memref<1x640xf32, #tpu.memory_space<hbm>>
      %dma_start3A_67 = tpu.memref_squeeze %dma_start3A : memref<1x640xf32, #tpu.memory_space<hbm>> -> memref<640xf32, #tpu.memory_space<hbm>>
      %dma_start3A_68 = tpu.memref_slice %arg8[%mul3A_64] : memref<10240xf32, #tpu.memory_space<vmem_shared>> -> memref<640xf32, #tpu.memory_space<vmem_shared>>
      tpu.enqueue_dma source(%dma_start3A_68 : memref<640xf32, #tpu.memory_space<vmem_shared>>) target(%dma_start3A_67 : memref<640xf32, #tpu.memory_space<hbm>>) target_semaphore(%run_scoped3A : memref<!tpu.dma_semaphore, #tpu.memory_space<semaphore_mem>>)
      %dma_wait3A = tpu.memref_slice %arg3[%arg0, %mul3A_66] : memref<2x10240xf32, #tpu.memory_space<hbm>> -> memref<1x640xf32, #tpu.memory_space<hbm>>
      %dma_wait3A_69 = tpu.memref_squeeze %dma_wait3A : memref<1x640xf32, #tpu.memory_space<hbm>> -> memref<640xf32, #tpu.memory_space<hbm>>
      %dma_wait3A_70 = tpu.memref_slice %arg8[%mul3A_64] : memref<10240xf32, #tpu.memory_space<vmem_shared>> -> memref<640xf32, #tpu.memory_space<vmem_shared>>
      tpu.wait_dma2 semaphore(%run_scoped3A : memref<!tpu.dma_semaphore, #tpu.memory_space<semaphore_mem>>) src(%dma_wait3A_70 : memref<640xf32, #tpu.memory_space<vmem_shared>>) dst(%dma_wait3A_69 : memref<640xf32, #tpu.memory_space<hbm>>)
      tpu.yield
    }) : () -> ()
    return
  }
}

#map = affine_map<(d0, d1) -> (0, 0)>
#map1 = affine_map<(d0, d1) -> (0)>
#map2 = affine_map<(d0, d1) -> (0, 0, 0)>
module attributes {stable_mosaic.version = 14 : i64} {
  func.func @sc_spmm(%arg0: i32, %arg1: i32, %arg2: memref<10240x128xf32, #tpu.memory_space<hbm>>, %arg3: memref<327680xi32, #tpu.memory_space<hbm>>, %arg4: memref<327680xi32, #tpu.memory_space<hbm>>, %arg5: memref<2x10240x128xf32, #tpu.memory_space<hbm>>, %arg6: memref<128xi32, #tpu.memory_space<vmem>>, %arg7: memref<128xi32, #tpu.memory_space<vmem>>, %arg8: memref<128xi32, #tpu.memory_space<vmem>>, %arg9: memref<128xi32, #tpu.memory_space<vmem>>, %arg10: memref<128x128xf32, #tpu.memory_space<vmem>>, %arg11: memref<128x128xf32, #tpu.memory_space<vmem>>, %arg12: memref<10240x128xf32, #tpu.memory_space<vmem_shared>>, %arg13: memref<!tpu.dma_semaphore, #tpu.memory_space<semaphore_mem>>, %arg14: memref<!tpu.dma_semaphore, #tpu.memory_space<semaphore_mem>>) attributes {dimension_semantics = [#tpu.dimension_semantics<core_parallel>, #tpu.dimension_semantics<subcore_parallel>], iteration_bounds = array<i64: 2, 16>, scalar_prefetch = 0 : i64, scratch_operands = 9 : i64, tpu.core_type = #tpu.core_type<sc_vector_subcore>, window_params = [{transform_indices = #map}, {transform_indices = #map1}, {transform_indices = #map1}, {transform_indices = #map2}]} {
    %scan3A = arith.constant 0 : i32
    %scan3A_0 = arith.constant 0 : i32
    %scan3A_1 = arith.constant 128 : i32
    %scan3A_2 = arith.addi %scan3A_0, %scan3A_1 : i32
    %scan3A_3 = arith.constant 1 : i32
    scf.for %scan3A_35 = %scan3A_0 to %scan3A_2 step %scan3A_3  : i32 {
      %broadcast_in_dim3A = arith.constant 0.000000e+00 : f32
      %broadcast_in_dim3A_36 = vector.broadcast %broadcast_in_dim3A : f32 to vector<16xf32>
      %swap3A = arith.index_cast %scan3A_35 : i32 to index
      %swap3A_37 = arith.constant 0 : index
      %swap3A_38 = tpu.vector_load %arg10[%swap3A, %swap3A_37] {strides = array<i32>} : memref<128x128xf32, #tpu.memory_space<vmem>>, vector<1x16xf32>,
      %swap3A_39 = vector.shape_cast %swap3A_38 : vector<1x16xf32> to vector<16xf32>
      %swap3A_40 = vector.shape_cast %broadcast_in_dim3A_36 : vector<16xf32> to vector<1x16xf32>
      tpu.vector_store %arg10[%swap3A, %swap3A_37], %swap3A_40 {strides = array<i32>} : memref<128x128xf32, #tpu.memory_space<vmem>>, vector<1x16xf32>,
      %broadcast_in_dim3A_41 = arith.constant 0.000000e+00 : f32
      %broadcast_in_dim3A_42 = vector.broadcast %broadcast_in_dim3A_41 : f32 to vector<16xf32>
      %swap3A_43 = arith.index_cast %scan3A_35 : i32 to index
      %swap3A_44 = arith.constant 16 : index
      %swap3A_45 = tpu.vector_load %arg10[%swap3A_43, %swap3A_44] {strides = array<i32>} : memref<128x128xf32, #tpu.memory_space<vmem>>, vector<1x16xf32>,
      %swap3A_46 = vector.shape_cast %swap3A_45 : vector<1x16xf32> to vector<16xf32>
      %swap3A_47 = vector.shape_cast %broadcast_in_dim3A_42 : vector<16xf32> to vector<1x16xf32>
      tpu.vector_store %arg10[%swap3A_43, %swap3A_44], %swap3A_47 {strides = array<i32>} : memref<128x128xf32, #tpu.memory_space<vmem>>, vector<1x16xf32>,
      %broadcast_in_dim3A_48 = arith.constant 0.000000e+00 : f32
      %broadcast_in_dim3A_49 = vector.broadcast %broadcast_in_dim3A_48 : f32 to vector<16xf32>
      %swap3A_50 = arith.index_cast %scan3A_35 : i32 to index
      %swap3A_51 = arith.constant 32 : index
      %swap3A_52 = tpu.vector_load %arg10[%swap3A_50, %swap3A_51] {strides = array<i32>} : memref<128x128xf32, #tpu.memory_space<vmem>>, vector<1x16xf32>,
      %swap3A_53 = vector.shape_cast %swap3A_52 : vector<1x16xf32> to vector<16xf32>
      %swap3A_54 = vector.shape_cast %broadcast_in_dim3A_49 : vector<16xf32> to vector<1x16xf32>
      tpu.vector_store %arg10[%swap3A_50, %swap3A_51], %swap3A_54 {strides = array<i32>} : memref<128x128xf32, #tpu.memory_space<vmem>>, vector<1x16xf32>,
      %broadcast_in_dim3A_55 = arith.constant 0.000000e+00 : f32
      %broadcast_in_dim3A_56 = vector.broadcast %broadcast_in_dim3A_55 : f32 to vector<16xf32>
      %swap3A_57 = arith.index_cast %scan3A_35 : i32 to index
      %swap3A_58 = arith.constant 48 : index
      %swap3A_59 = tpu.vector_load %arg10[%swap3A_57, %swap3A_58] {strides = array<i32>} : memref<128x128xf32, #tpu.memory_space<vmem>>, vector<1x16xf32>,
      %swap3A_60 = vector.shape_cast %swap3A_59 : vector<1x16xf32> to vector<16xf32>
      %swap3A_61 = vector.shape_cast %broadcast_in_dim3A_56 : vector<16xf32> to vector<1x16xf32>
      tpu.vector_store %arg10[%swap3A_57, %swap3A_58], %swap3A_61 {strides = array<i32>} : memref<128x128xf32, #tpu.memory_space<vmem>>, vector<1x16xf32>,
      %broadcast_in_dim3A_62 = arith.constant 0.000000e+00 : f32
      %broadcast_in_dim3A_63 = vector.broadcast %broadcast_in_dim3A_62 : f32 to vector<16xf32>
      %swap3A_64 = arith.index_cast %scan3A_35 : i32 to index
      %swap3A_65 = arith.constant 64 : index
      %swap3A_66 = tpu.vector_load %arg10[%swap3A_64, %swap3A_65] {strides = array<i32>} : memref<128x128xf32, #tpu.memory_space<vmem>>, vector<1x16xf32>,
      %swap3A_67 = vector.shape_cast %swap3A_66 : vector<1x16xf32> to vector<16xf32>
      %swap3A_68 = vector.shape_cast %broadcast_in_dim3A_63 : vector<16xf32> to vector<1x16xf32>
      tpu.vector_store %arg10[%swap3A_64, %swap3A_65], %swap3A_68 {strides = array<i32>} : memref<128x128xf32, #tpu.memory_space<vmem>>, vector<1x16xf32>,
      %broadcast_in_dim3A_69 = arith.constant 0.000000e+00 : f32
      %broadcast_in_dim3A_70 = vector.broadcast %broadcast_in_dim3A_69 : f32 to vector<16xf32>
      %swap3A_71 = arith.index_cast %scan3A_35 : i32 to index
      %swap3A_72 = arith.constant 80 : index
      %swap3A_73 = tpu.vector_load %arg10[%swap3A_71, %swap3A_72] {strides = array<i32>} : memref<128x128xf32, #tpu.memory_space<vmem>>, vector<1x16xf32>,
      %swap3A_74 = vector.shape_cast %swap3A_73 : vector<1x16xf32> to vector<16xf32>
      %swap3A_75 = vector.shape_cast %broadcast_in_dim3A_70 : vector<16xf32> to vector<1x16xf32>
      tpu.vector_store %arg10[%swap3A_71, %swap3A_72], %swap3A_75 {strides = array<i32>} : memref<128x128xf32, #tpu.memory_space<vmem>>, vector<1x16xf32>,
      %broadcast_in_dim3A_76 = arith.constant 0.000000e+00 : f32
      %broadcast_in_dim3A_77 = vector.broadcast %broadcast_in_dim3A_76 : f32 to vector<16xf32>
      %swap3A_78 = arith.index_cast %scan3A_35 : i32 to index
      %swap3A_79 = arith.constant 96 : index
      %swap3A_80 = tpu.vector_load %arg10[%swap3A_78, %swap3A_79] {strides = array<i32>} : memref<128x128xf32, #tpu.memory_space<vmem>>, vector<1x16xf32>,
      %swap3A_81 = vector.shape_cast %swap3A_80 : vector<1x16xf32> to vector<16xf32>
      %swap3A_82 = vector.shape_cast %broadcast_in_dim3A_77 : vector<16xf32> to vector<1x16xf32>
      tpu.vector_store %arg10[%swap3A_78, %swap3A_79], %swap3A_82 {strides = array<i32>} : memref<128x128xf32, #tpu.memory_space<vmem>>, vector<1x16xf32>,
      %broadcast_in_dim3A_83 = arith.constant 0.000000e+00 : f32
      %broadcast_in_dim3A_84 = vector.broadcast %broadcast_in_dim3A_83 : f32 to vector<16xf32>
      %swap3A_85 = arith.index_cast %scan3A_35 : i32 to index
      %swap3A_86 = arith.constant 112 : index
      %swap3A_87 = tpu.vector_load %arg10[%swap3A_85, %swap3A_86] {strides = array<i32>} : memref<128x128xf32, #tpu.memory_space<vmem>>, vector<1x16xf32>,
      %swap3A_88 = vector.shape_cast %swap3A_87 : vector<1x16xf32> to vector<16xf32>
      %swap3A_89 = vector.shape_cast %broadcast_in_dim3A_84 : vector<16xf32> to vector<1x16xf32>
      tpu.vector_store %arg10[%swap3A_85, %swap3A_86], %swap3A_89 {strides = array<i32>} : memref<128x128xf32, #tpu.memory_space<vmem>>, vector<1x16xf32>,
    }
    %scan3A_4 = arith.constant 128 : i32
    %mul3A = arith.constant 640 : i32
    %mul3A_5 = arith.muli %arg1, %mul3A : i32
    %add3A = arith.constant 0 : i32
    %add3A_6 = arith.addi %mul3A_5, %add3A : i32
    "tpu.region"() ({
      %run_scoped3A = tpu.sem_alloc : memref<!tpu.dma_semaphore, #tpu.memory_space<semaphore_mem>>
      %dma_start3A = arith.constant 0 : i32
      %dma_start3A_35 = tpu.memref_slice %arg12[%add3A_6, %dma_start3A] : memref<10240x128xf32, #tpu.memory_space<vmem_shared>> -> memref<128x128xf32, #tpu.memory_space<vmem_shared>>
      %dma_start3A_36 = arith.constant 0 : i32
      %dma_start3A_37 = tpu.memref_slice %arg12[%add3A_6, %dma_start3A_36] : memref<10240x128xf32, #tpu.memory_space<vmem_shared>> -> memref<128x128xf32, #tpu.memory_space<vmem_shared>>
      tpu.enqueue_dma source(%arg10 : memref<128x128xf32, #tpu.memory_space<vmem>>) target(%dma_start3A_37 : memref<128x128xf32, #tpu.memory_space<vmem_shared>>) target_semaphore(%run_scoped3A : memref<!tpu.dma_semaphore, #tpu.memory_space<semaphore_mem>>)
      %dma_wait3A = arith.constant 0 : i32
      %dma_wait3A_38 = tpu.memref_slice %arg12[%add3A_6, %dma_wait3A] : memref<10240x128xf32, #tpu.memory_space<vmem_shared>> -> memref<128x128xf32, #tpu.memory_space<vmem_shared>>
      %dma_wait3A_39 = arith.constant 0 : i32
      %dma_wait3A_40 = tpu.memref_slice %arg12[%add3A_6, %dma_wait3A_39] : memref<10240x128xf32, #tpu.memory_space<vmem_shared>> -> memref<128x128xf32, #tpu.memory_space<vmem_shared>>
      tpu.wait_dma2 semaphore(%run_scoped3A : memref<!tpu.dma_semaphore, #tpu.memory_space<semaphore_mem>>) src(%arg10 : memref<128x128xf32, #tpu.memory_space<vmem>>) dst(%dma_wait3A_40 : memref<128x128xf32, #tpu.memory_space<vmem_shared>>)
      tpu.yield
    }) : () -> ()
    %mul3A_7 = arith.constant 640 : i32
    %mul3A_8 = arith.muli %arg1, %mul3A_7 : i32
    %add3A_9 = arith.constant 128 : i32
    %add3A_10 = arith.addi %mul3A_8, %add3A_9 : i32
    "tpu.region"() ({
      %run_scoped3A = tpu.sem_alloc : memref<!tpu.dma_semaphore, #tpu.memory_space<semaphore_mem>>
      %dma_start3A = arith.constant 0 : i32
      %dma_start3A_35 = tpu.memref_slice %arg12[%add3A_10, %dma_start3A] : memref<10240x128xf32, #tpu.memory_space<vmem_shared>> -> memref<128x128xf32, #tpu.memory_space<vmem_shared>>
      %dma_start3A_36 = arith.constant 0 : i32
      %dma_start3A_37 = tpu.memref_slice %arg12[%add3A_10, %dma_start3A_36] : memref<10240x128xf32, #tpu.memory_space<vmem_shared>> -> memref<128x128xf32, #tpu.memory_space<vmem_shared>>
      tpu.enqueue_dma source(%arg10 : memref<128x128xf32, #tpu.memory_space<vmem>>) target(%dma_start3A_37 : memref<128x128xf32, #tpu.memory_space<vmem_shared>>) target_semaphore(%run_scoped3A : memref<!tpu.dma_semaphore, #tpu.memory_space<semaphore_mem>>)
      %dma_wait3A = arith.constant 0 : i32
      %dma_wait3A_38 = tpu.memref_slice %arg12[%add3A_10, %dma_wait3A] : memref<10240x128xf32, #tpu.memory_space<vmem_shared>> -> memref<128x128xf32, #tpu.memory_space<vmem_shared>>
      %dma_wait3A_39 = arith.constant 0 : i32
      %dma_wait3A_40 = tpu.memref_slice %arg12[%add3A_10, %dma_wait3A_39] : memref<10240x128xf32, #tpu.memory_space<vmem_shared>> -> memref<128x128xf32, #tpu.memory_space<vmem_shared>>
      tpu.wait_dma2 semaphore(%run_scoped3A : memref<!tpu.dma_semaphore, #tpu.memory_space<semaphore_mem>>) src(%arg10 : memref<128x128xf32, #tpu.memory_space<vmem>>) dst(%dma_wait3A_40 : memref<128x128xf32, #tpu.memory_space<vmem_shared>>)
      tpu.yield
    }) : () -> ()
    %mul3A_11 = arith.constant 640 : i32
    %mul3A_12 = arith.muli %arg1, %mul3A_11 : i32
    %add3A_13 = arith.constant 256 : i32
    %add3A_14 = arith.addi %mul3A_12, %add3A_13 : i32
    "tpu.region"() ({
      %run_scoped3A = tpu.sem_alloc : memref<!tpu.dma_semaphore, #tpu.memory_space<semaphore_mem>>
      %dma_start3A = arith.constant 0 : i32
      %dma_start3A_35 = tpu.memref_slice %arg12[%add3A_14, %dma_start3A] : memref<10240x128xf32, #tpu.memory_space<vmem_shared>> -> memref<128x128xf32, #tpu.memory_space<vmem_shared>>
      %dma_start3A_36 = arith.constant 0 : i32
      %dma_start3A_37 = tpu.memref_slice %arg12[%add3A_14, %dma_start3A_36] : memref<10240x128xf32, #tpu.memory_space<vmem_shared>> -> memref<128x128xf32, #tpu.memory_space<vmem_shared>>
      tpu.enqueue_dma source(%arg10 : memref<128x128xf32, #tpu.memory_space<vmem>>) target(%dma_start3A_37 : memref<128x128xf32, #tpu.memory_space<vmem_shared>>) target_semaphore(%run_scoped3A : memref<!tpu.dma_semaphore, #tpu.memory_space<semaphore_mem>>)
      %dma_wait3A = arith.constant 0 : i32
      %dma_wait3A_38 = tpu.memref_slice %arg12[%add3A_14, %dma_wait3A] : memref<10240x128xf32, #tpu.memory_space<vmem_shared>> -> memref<128x128xf32, #tpu.memory_space<vmem_shared>>
      %dma_wait3A_39 = arith.constant 0 : i32
      %dma_wait3A_40 = tpu.memref_slice %arg12[%add3A_14, %dma_wait3A_39] : memref<10240x128xf32, #tpu.memory_space<vmem_shared>> -> memref<128x128xf32, #tpu.memory_space<vmem_shared>>
      tpu.wait_dma2 semaphore(%run_scoped3A : memref<!tpu.dma_semaphore, #tpu.memory_space<semaphore_mem>>) src(%arg10 : memref<128x128xf32, #tpu.memory_space<vmem>>) dst(%dma_wait3A_40 : memref<128x128xf32, #tpu.memory_space<vmem_shared>>)
      tpu.yield
    }) : () -> ()
    %mul3A_15 = arith.constant 640 : i32
    %mul3A_16 = arith.muli %arg1, %mul3A_15 : i32
    %add3A_17 = arith.constant 384 : i32
    %add3A_18 = arith.addi %mul3A_16, %add3A_17 : i32
    "tpu.region"() ({
      %run_scoped3A = tpu.sem_alloc : memref<!tpu.dma_semaphore, #tpu.memory_space<semaphore_mem>>
      %dma_start3A = arith.constant 0 : i32
      %dma_start3A_35 = tpu.memref_slice %arg12[%add3A_18, %dma_start3A] : memref<10240x128xf32, #tpu.memory_space<vmem_shared>> -> memref<128x128xf32, #tpu.memory_space<vmem_shared>>
      %dma_start3A_36 = arith.constant 0 : i32
      %dma_start3A_37 = tpu.memref_slice %arg12[%add3A_18, %dma_start3A_36] : memref<10240x128xf32, #tpu.memory_space<vmem_shared>> -> memref<128x128xf32, #tpu.memory_space<vmem_shared>>
      tpu.enqueue_dma source(%arg10 : memref<128x128xf32, #tpu.memory_space<vmem>>) target(%dma_start3A_37 : memref<128x128xf32, #tpu.memory_space<vmem_shared>>) target_semaphore(%run_scoped3A : memref<!tpu.dma_semaphore, #tpu.memory_space<semaphore_mem>>)
      %dma_wait3A = arith.constant 0 : i32
      %dma_wait3A_38 = tpu.memref_slice %arg12[%add3A_18, %dma_wait3A] : memref<10240x128xf32, #tpu.memory_space<vmem_shared>> -> memref<128x128xf32, #tpu.memory_space<vmem_shared>>
      %dma_wait3A_39 = arith.constant 0 : i32
      %dma_wait3A_40 = tpu.memref_slice %arg12[%add3A_18, %dma_wait3A_39] : memref<10240x128xf32, #tpu.memory_space<vmem_shared>> -> memref<128x128xf32, #tpu.memory_space<vmem_shared>>
      tpu.wait_dma2 semaphore(%run_scoped3A : memref<!tpu.dma_semaphore, #tpu.memory_space<semaphore_mem>>) src(%arg10 : memref<128x128xf32, #tpu.memory_space<vmem>>) dst(%dma_wait3A_40 : memref<128x128xf32, #tpu.memory_space<vmem_shared>>)
      tpu.yield
    }) : () -> ()
    %mul3A_19 = arith.constant 640 : i32
    %mul3A_20 = arith.muli %arg1, %mul3A_19 : i32
    %add3A_21 = arith.constant 512 : i32
    %add3A_22 = arith.addi %mul3A_20, %add3A_21 : i32
    "tpu.region"() ({
      %run_scoped3A = tpu.sem_alloc : memref<!tpu.dma_semaphore, #tpu.memory_space<semaphore_mem>>
      %dma_start3A = arith.constant 0 : i32
      %dma_start3A_35 = tpu.memref_slice %arg12[%add3A_22, %dma_start3A] : memref<10240x128xf32, #tpu.memory_space<vmem_shared>> -> memref<128x128xf32, #tpu.memory_space<vmem_shared>>
      %dma_start3A_36 = arith.constant 0 : i32
      %dma_start3A_37 = tpu.memref_slice %arg12[%add3A_22, %dma_start3A_36] : memref<10240x128xf32, #tpu.memory_space<vmem_shared>> -> memref<128x128xf32, #tpu.memory_space<vmem_shared>>
      tpu.enqueue_dma source(%arg10 : memref<128x128xf32, #tpu.memory_space<vmem>>) target(%dma_start3A_37 : memref<128x128xf32, #tpu.memory_space<vmem_shared>>) target_semaphore(%run_scoped3A : memref<!tpu.dma_semaphore, #tpu.memory_space<semaphore_mem>>)
      %dma_wait3A = arith.constant 0 : i32
      %dma_wait3A_38 = tpu.memref_slice %arg12[%add3A_22, %dma_wait3A] : memref<10240x128xf32, #tpu.memory_space<vmem_shared>> -> memref<128x128xf32, #tpu.memory_space<vmem_shared>>
      %dma_wait3A_39 = arith.constant 0 : i32
      %dma_wait3A_40 = tpu.memref_slice %arg12[%add3A_22, %dma_wait3A_39] : memref<10240x128xf32, #tpu.memory_space<vmem_shared>> -> memref<128x128xf32, #tpu.memory_space<vmem_shared>>
      tpu.wait_dma2 semaphore(%run_scoped3A : memref<!tpu.dma_semaphore, #tpu.memory_space<semaphore_mem>>) src(%arg10 : memref<128x128xf32, #tpu.memory_space<vmem>>) dst(%dma_wait3A_40 : memref<128x128xf32, #tpu.memory_space<vmem_shared>>)
      tpu.yield
    }) : () -> ()
    %barrier3A = arith.constant 0 : index
    tpu.barrier barrier_id(%barrier3A)
    %eq3A = arith.constant 0 : i32
    %eq3A_23 = arith.cmpi eq, %arg0, %eq3A : i32
    %convert_element_type3A = arith.extui %eq3A_23 : i1 to i32
    %cond3A = arith.constant 0 : i32
    %cond3A_24 = arith.cmpi ne, %convert_element_type3A, %cond3A : i32
    scf.if %cond3A_24 {
      %mul3A_35 = arith.constant 160 : i32
      %mul3A_36 = arith.muli %arg1, %mul3A_35 : i32
      %add3A_37 = arith.constant 0 : i32
      %add3A_38 = arith.addi %mul3A_36, %add3A_37 : i32
      %mul3A_39 = arith.constant 128 : i32
      %mul3A_40 = arith.muli %add3A_38, %mul3A_39 : i32
      "tpu.region"() ({
        %run_scoped3A = tpu.sem_alloc : memref<!tpu.dma_semaphore, #tpu.memory_space<semaphore_mem>>
        %dma_start3A_49 = tpu.memref_slice %arg3[%mul3A_40] : memref<327680xi32, #tpu.memory_space<hbm>> -> memref<128xi32, #tpu.memory_space<hbm>>
        %dma_start3A_50 = tpu.memref_slice %arg3[%mul3A_40] : memref<327680xi32, #tpu.memory_space<hbm>> -> memref<128xi32, #tpu.memory_space<hbm>>
        tpu.enqueue_dma source(%dma_start3A_50 : memref<128xi32, #tpu.memory_space<hbm>>) target(%arg6 : memref<128xi32, #tpu.memory_space<vmem>>) target_semaphore(%run_scoped3A : memref<!tpu.dma_semaphore, #tpu.memory_space<semaphore_mem>>)
        %dma_wait3A = tpu.memref_slice %arg3[%mul3A_40] : memref<327680xi32, #tpu.memory_space<hbm>> -> memref<128xi32, #tpu.memory_space<hbm>>
        %dma_wait3A_51 = tpu.memref_slice %arg3[%mul3A_40] : memref<327680xi32, #tpu.memory_space<hbm>> -> memref<128xi32, #tpu.memory_space<hbm>>
        tpu.wait_dma2 semaphore(%run_scoped3A : memref<!tpu.dma_semaphore, #tpu.memory_space<semaphore_mem>>) src(%dma_wait3A_51 : memref<128xi32, #tpu.memory_space<hbm>>) dst(%arg6 : memref<128xi32, #tpu.memory_space<vmem>>)
        tpu.yield
      }) : () -> ()
      "tpu.region"() ({
        %run_scoped3A = tpu.sem_alloc : memref<!tpu.dma_semaphore, #tpu.memory_space<semaphore_mem>>
        %dma_start3A_49 = tpu.memref_slice %arg4[%mul3A_40] : memref<327680xi32, #tpu.memory_space<hbm>> -> memref<128xi32, #tpu.memory_space<hbm>>
        %dma_start3A_50 = tpu.memref_slice %arg4[%mul3A_40] : memref<327680xi32, #tpu.memory_space<hbm>> -> memref<128xi32, #tpu.memory_space<hbm>>
        tpu.enqueue_dma source(%dma_start3A_50 : memref<128xi32, #tpu.memory_space<hbm>>) target(%arg8 : memref<128xi32, #tpu.memory_space<vmem>>) target_semaphore(%run_scoped3A : memref<!tpu.dma_semaphore, #tpu.memory_space<semaphore_mem>>)
        %dma_wait3A = tpu.memref_slice %arg4[%mul3A_40] : memref<327680xi32, #tpu.memory_space<hbm>> -> memref<128xi32, #tpu.memory_space<hbm>>
        %dma_wait3A_51 = tpu.memref_slice %arg4[%mul3A_40] : memref<327680xi32, #tpu.memory_space<hbm>> -> memref<128xi32, #tpu.memory_space<hbm>>
        tpu.wait_dma2 semaphore(%run_scoped3A : memref<!tpu.dma_semaphore, #tpu.memory_space<semaphore_mem>>) src(%dma_wait3A_51 : memref<128xi32, #tpu.memory_space<hbm>>) dst(%arg8 : memref<128xi32, #tpu.memory_space<vmem>>)
        tpu.yield
      }) : () -> ()
      %dma_start3A = arith.constant 0 : i32
      %dma_start3A_41 = arith.constant 0 : i32
      %dma_start3A_42 = tpu.memref_slice %arg2[%dma_start3A, %dma_start3A_41] : memref<10240x128xf32, #tpu.memory_space<hbm>> -> memref<10240x128xf32, #tpu.memory_space<hbm>>
      tpu.enqueue_indirect_dma source(%dma_start3A_42 : memref<10240x128xf32, #tpu.memory_space<hbm>>) target(%arg10 : memref<128x128xf32, #tpu.memory_space<vmem>>) offsets(%arg6 : memref<128xi32, #tpu.memory_space<vmem>>) semaphore(%arg13 : memref<!tpu.dma_semaphore, #tpu.memory_space<semaphore_mem>>)
      %scan3A_43 = arith.constant 0 : i32
      %scan3A_44 = arith.constant 0 : i32
      %scan3A_45 = arith.constant 59 : i32
      %scan3A_46 = arith.addi %scan3A_44, %scan3A_45 : i32
      %scan3A_47 = arith.constant 1 : i32
      scf.for %scan3A_49 = %scan3A_44 to %scan3A_46 step %scan3A_47  : i32 {
        %mul3A_50 = arith.constant 2 : i32
        %mul3A_51 = arith.muli %mul3A_50, %scan3A_49 : i32
        %add3A_52 = arith.constant 1 : i32
        %add3A_53 = arith.addi %mul3A_51, %add3A_52 : i32
        %add3A_54 = arith.addi %mul3A_36, %add3A_53 : i32
        %mul3A_55 = arith.constant 128 : i32
        %mul3A_56 = arith.muli %add3A_54, %mul3A_55 : i32
        "tpu.region"() ({
          %run_scoped3A = tpu.sem_alloc : memref<!tpu.dma_semaphore, #tpu.memory_space<semaphore_mem>>
          %dma_start3A_69 = tpu.memref_slice %arg3[%mul3A_56] : memref<327680xi32, #tpu.memory_space<hbm>> -> memref<128xi32, #tpu.memory_space<hbm>>
          %dma_start3A_70 = tpu.memref_slice %arg3[%mul3A_56] : memref<327680xi32, #tpu.memory_space<hbm>> -> memref<128xi32, #tpu.memory_space<hbm>>
          tpu.enqueue_dma source(%dma_start3A_70 : memref<128xi32, #tpu.memory_space<hbm>>) target(%arg7 : memref<128xi32, #tpu.memory_space<vmem>>) target_semaphore(%run_scoped3A : memref<!tpu.dma_semaphore, #tpu.memory_space<semaphore_mem>>)
          %dma_wait3A_71 = tpu.memref_slice %arg3[%mul3A_56] : memref<327680xi32, #tpu.memory_space<hbm>> -> memref<128xi32, #tpu.memory_space<hbm>>
          %dma_wait3A_72 = tpu.memref_slice %arg3[%mul3A_56] : memref<327680xi32, #tpu.memory_space<hbm>> -> memref<128xi32, #tpu.memory_space<hbm>>
          tpu.wait_dma2 semaphore(%run_scoped3A : memref<!tpu.dma_semaphore, #tpu.memory_space<semaphore_mem>>) src(%dma_wait3A_72 : memref<128xi32, #tpu.memory_space<hbm>>) dst(%arg7 : memref<128xi32, #tpu.memory_space<vmem>>)
          tpu.yield
        }) : () -> ()
        "tpu.region"() ({
          %run_scoped3A = tpu.sem_alloc : memref<!tpu.dma_semaphore, #tpu.memory_space<semaphore_mem>>
          %dma_start3A_69 = tpu.memref_slice %arg4[%mul3A_56] : memref<327680xi32, #tpu.memory_space<hbm>> -> memref<128xi32, #tpu.memory_space<hbm>>
          %dma_start3A_70 = tpu.memref_slice %arg4[%mul3A_56] : memref<327680xi32, #tpu.memory_space<hbm>> -> memref<128xi32, #tpu.memory_space<hbm>>
          tpu.enqueue_dma source(%dma_start3A_70 : memref<128xi32, #tpu.memory_space<hbm>>) target(%arg9 : memref<128xi32, #tpu.memory_space<vmem>>) target_semaphore(%run_scoped3A : memref<!tpu.dma_semaphore, #tpu.memory_space<semaphore_mem>>)
          %dma_wait3A_71 = tpu.memref_slice %arg4[%mul3A_56] : memref<327680xi32, #tpu.memory_space<hbm>> -> memref<128xi32, #tpu.memory_space<hbm>>
          %dma_wait3A_72 = tpu.memref_slice %arg4[%mul3A_56] : memref<327680xi32, #tpu.memory_space<hbm>> -> memref<128xi32, #tpu.memory_space<hbm>>
          tpu.wait_dma2 semaphore(%run_scoped3A : memref<!tpu.dma_semaphore, #tpu.memory_space<semaphore_mem>>) src(%dma_wait3A_72 : memref<128xi32, #tpu.memory_space<hbm>>) dst(%arg9 : memref<128xi32, #tpu.memory_space<vmem>>)
          tpu.yield
        }) : () -> ()
        %dma_start3A_57 = arith.constant 0 : i32
        %dma_start3A_58 = arith.constant 0 : i32
        %dma_start3A_59 = tpu.memref_slice %arg2[%dma_start3A_57, %dma_start3A_58] : memref<10240x128xf32, #tpu.memory_space<hbm>> -> memref<10240x128xf32, #tpu.memory_space<hbm>>
        tpu.enqueue_indirect_dma source(%dma_start3A_59 : memref<10240x128xf32, #tpu.memory_space<hbm>>) target(%arg11 : memref<128x128xf32, #tpu.memory_space<vmem>>) offsets(%arg7 : memref<128xi32, #tpu.memory_space<vmem>>) semaphore(%arg14 : memref<!tpu.dma_semaphore, #tpu.memory_space<semaphore_mem>>)
        %dma_wait3A = arith.constant 0 : i32
        %dma_wait3A_60 = arith.constant 0 : i32
        %dma_wait3A_61 = tpu.memref_slice %arg2[%dma_wait3A, %dma_wait3A_60] : memref<10240x128xf32, #tpu.memory_space<hbm>> -> memref<10240x128xf32, #tpu.memory_space<hbm>>
        tpu.wait_indirect_dma semaphore(%arg13 : memref<!tpu.dma_semaphore, #tpu.memory_space<semaphore_mem>>) src(%dma_wait3A_61 : memref<10240x128xf32, #tpu.memory_space<hbm>>) dst(%arg10 : memref<128x128xf32, #tpu.memory_space<vmem>>)
        "tpu.region"() ({
          %run_scoped3A = tpu.sem_alloc : memref<!tpu.dma_semaphore, #tpu.memory_space<semaphore_mem>>
          %dma_start3A_69 = arith.constant 0 : i32
          %dma_start3A_70 = arith.constant 0 : i32
          %dma_start3A_71 = tpu.memref_slice %arg12[%dma_start3A_69, %dma_start3A_70] : memref<10240x128xf32, #tpu.memory_space<vmem_shared>> -> memref<10240x128xf32, #tpu.memory_space<vmem_shared>>
          tpu.enqueue_indirect_dma source(%arg10 : memref<128x128xf32, #tpu.memory_space<vmem>>) target(%dma_start3A_71 : memref<10240x128xf32, #tpu.memory_space<vmem_shared>>) offsets(%arg8 : memref<128xi32, #tpu.memory_space<vmem>>) semaphore(%run_scoped3A : memref<!tpu.dma_semaphore, #tpu.memory_space<semaphore_mem>>) {add = true}
          %dma_wait3A_72 = arith.constant 0 : i32
          %dma_wait3A_73 = arith.constant 0 : i32
          %dma_wait3A_74 = tpu.memref_slice %arg12[%dma_wait3A_72, %dma_wait3A_73] : memref<10240x128xf32, #tpu.memory_space<vmem_shared>> -> memref<10240x128xf32, #tpu.memory_space<vmem_shared>>
          tpu.wait_indirect_dma semaphore(%run_scoped3A : memref<!tpu.dma_semaphore, #tpu.memory_space<semaphore_mem>>) src(%arg10 : memref<128x128xf32, #tpu.memory_space<vmem>>) dst(%dma_wait3A_74 : memref<10240x128xf32, #tpu.memory_space<vmem_shared>>)
          tpu.yield
        }) : () -> ()
        %lt3A = arith.constant 58 : i32
        %lt3A_62 = arith.cmpi slt, %scan3A_49, %lt3A : i32
        %convert_element_type3A_63 = arith.extui %lt3A_62 : i1 to i32
        %cond3A_64 = arith.constant 0 : i32
        %cond3A_65 = arith.cmpi ne, %convert_element_type3A_63, %cond3A_64 : i32
        scf.if %cond3A_65 {
          %mul3A_69 = arith.constant 2 : i32
          %mul3A_70 = arith.muli %mul3A_69, %scan3A_49 : i32
          %add3A_71 = arith.constant 2 : i32
          %add3A_72 = arith.addi %mul3A_70, %add3A_71 : i32
          %add3A_73 = arith.addi %mul3A_36, %add3A_72 : i32
          %mul3A_74 = arith.constant 128 : i32
          %mul3A_75 = arith.muli %add3A_73, %mul3A_74 : i32
          "tpu.region"() ({
            %run_scoped3A = tpu.sem_alloc : memref<!tpu.dma_semaphore, #tpu.memory_space<semaphore_mem>>
            %dma_start3A_79 = tpu.memref_slice %arg3[%mul3A_75] : memref<327680xi32, #tpu.memory_space<hbm>> -> memref<128xi32, #tpu.memory_space<hbm>>
            %dma_start3A_80 = tpu.memref_slice %arg3[%mul3A_75] : memref<327680xi32, #tpu.memory_space<hbm>> -> memref<128xi32, #tpu.memory_space<hbm>>
            tpu.enqueue_dma source(%dma_start3A_80 : memref<128xi32, #tpu.memory_space<hbm>>) target(%arg6 : memref<128xi32, #tpu.memory_space<vmem>>) target_semaphore(%run_scoped3A : memref<!tpu.dma_semaphore, #tpu.memory_space<semaphore_mem>>)
            %dma_wait3A_81 = tpu.memref_slice %arg3[%mul3A_75] : memref<327680xi32, #tpu.memory_space<hbm>> -> memref<128xi32, #tpu.memory_space<hbm>>
            %dma_wait3A_82 = tpu.memref_slice %arg3[%mul3A_75] : memref<327680xi32, #tpu.memory_space<hbm>> -> memref<128xi32, #tpu.memory_space<hbm>>
            tpu.wait_dma2 semaphore(%run_scoped3A : memref<!tpu.dma_semaphore, #tpu.memory_space<semaphore_mem>>) src(%dma_wait3A_82 : memref<128xi32, #tpu.memory_space<hbm>>) dst(%arg6 : memref<128xi32, #tpu.memory_space<vmem>>)
            tpu.yield
          }) : () -> ()
          "tpu.region"() ({
            %run_scoped3A = tpu.sem_alloc : memref<!tpu.dma_semaphore, #tpu.memory_space<semaphore_mem>>
            %dma_start3A_79 = tpu.memref_slice %arg4[%mul3A_75] : memref<327680xi32, #tpu.memory_space<hbm>> -> memref<128xi32, #tpu.memory_space<hbm>>
            %dma_start3A_80 = tpu.memref_slice %arg4[%mul3A_75] : memref<327680xi32, #tpu.memory_space<hbm>> -> memref<128xi32, #tpu.memory_space<hbm>>
            tpu.enqueue_dma source(%dma_start3A_80 : memref<128xi32, #tpu.memory_space<hbm>>) target(%arg8 : memref<128xi32, #tpu.memory_space<vmem>>) target_semaphore(%run_scoped3A : memref<!tpu.dma_semaphore, #tpu.memory_space<semaphore_mem>>)
            %dma_wait3A_81 = tpu.memref_slice %arg4[%mul3A_75] : memref<327680xi32, #tpu.memory_space<hbm>> -> memref<128xi32, #tpu.memory_space<hbm>>
            %dma_wait3A_82 = tpu.memref_slice %arg4[%mul3A_75] : memref<327680xi32, #tpu.memory_space<hbm>> -> memref<128xi32, #tpu.memory_space<hbm>>
            tpu.wait_dma2 semaphore(%run_scoped3A : memref<!tpu.dma_semaphore, #tpu.memory_space<semaphore_mem>>) src(%dma_wait3A_82 : memref<128xi32, #tpu.memory_space<hbm>>) dst(%arg8 : memref<128xi32, #tpu.memory_space<vmem>>)
            tpu.yield
          }) : () -> ()
          %dma_start3A_76 = arith.constant 0 : i32
          %dma_start3A_77 = arith.constant 0 : i32
          %dma_start3A_78 = tpu.memref_slice %arg2[%dma_start3A_76, %dma_start3A_77] : memref<10240x128xf32, #tpu.memory_space<hbm>> -> memref<10240x128xf32, #tpu.memory_space<hbm>>
          tpu.enqueue_indirect_dma source(%dma_start3A_78 : memref<10240x128xf32, #tpu.memory_space<hbm>>) target(%arg10 : memref<128x128xf32, #tpu.memory_space<vmem>>) offsets(%arg6 : memref<128xi32, #tpu.memory_space<vmem>>) semaphore(%arg13 : memref<!tpu.dma_semaphore, #tpu.memory_space<semaphore_mem>>)
        } else {
        }
        %dma_wait3A_66 = arith.constant 0 : i32
        %dma_wait3A_67 = arith.constant 0 : i32
        %dma_wait3A_68 = tpu.memref_slice %arg2[%dma_wait3A_66, %dma_wait3A_67] : memref<10240x128xf32, #tpu.memory_space<hbm>> -> memref<10240x128xf32, #tpu.memory_space<hbm>>
        tpu.wait_indirect_dma semaphore(%arg14 : memref<!tpu.dma_semaphore, #tpu.memory_space<semaphore_mem>>) src(%dma_wait3A_68 : memref<10240x128xf32, #tpu.memory_space<hbm>>) dst(%arg11 : memref<128x128xf32, #tpu.memory_space<vmem>>)
        "tpu.region"() ({
          %run_scoped3A = tpu.sem_alloc : memref<!tpu.dma_semaphore, #tpu.memory_space<semaphore_mem>>
          %dma_start3A_69 = arith.constant 0 : i32
          %dma_start3A_70 = arith.constant 0 : i32
          %dma_start3A_71 = tpu.memref_slice %arg12[%dma_start3A_69, %dma_start3A_70] : memref<10240x128xf32, #tpu.memory_space<vmem_shared>> -> memref<10240x128xf32, #tpu.memory_space<vmem_shared>>
          tpu.enqueue_indirect_dma source(%arg11 : memref<128x128xf32, #tpu.memory_space<vmem>>) target(%dma_start3A_71 : memref<10240x128xf32, #tpu.memory_space<vmem_shared>>) offsets(%arg9 : memref<128xi32, #tpu.memory_space<vmem>>) semaphore(%run_scoped3A : memref<!tpu.dma_semaphore, #tpu.memory_space<semaphore_mem>>) {add = true}
          %dma_wait3A_72 = arith.constant 0 : i32
          %dma_wait3A_73 = arith.constant 0 : i32
          %dma_wait3A_74 = tpu.memref_slice %arg12[%dma_wait3A_72, %dma_wait3A_73] : memref<10240x128xf32, #tpu.memory_space<vmem_shared>> -> memref<10240x128xf32, #tpu.memory_space<vmem_shared>>
          tpu.wait_indirect_dma semaphore(%run_scoped3A : memref<!tpu.dma_semaphore, #tpu.memory_space<semaphore_mem>>) src(%arg11 : memref<128x128xf32, #tpu.memory_space<vmem>>) dst(%dma_wait3A_74 : memref<10240x128xf32, #tpu.memory_space<vmem_shared>>)
          tpu.yield
        }) : () -> ()
      }
      %scan3A_48 = arith.constant 59 : i32
    } else {
    }
    %eq3A_25 = arith.constant 1 : i32
    %eq3A_26 = arith.cmpi eq, %arg0, %eq3A_25 : i32
    %convert_element_type3A_27 = arith.extui %eq3A_26 : i1 to i32
    %cond3A_28 = arith.constant 0 : i32
    %cond3A_29 = arith.cmpi ne, %convert_element_type3A_27, %cond3A_28 : i32
    scf.if %cond3A_29 {
      %mul3A_35 = arith.constant 160 : i32
      %mul3A_36 = arith.muli %arg1, %mul3A_35 : i32
      %add3A_37 = arith.constant 118 : i32
      %add3A_38 = arith.addi %mul3A_36, %add3A_37 : i32
      %add3A_39 = arith.constant 0 : i32
      %add3A_40 = arith.addi %add3A_38, %add3A_39 : i32
      %mul3A_41 = arith.constant 128 : i32
      %mul3A_42 = arith.muli %add3A_40, %mul3A_41 : i32
      "tpu.region"() ({
        %run_scoped3A = tpu.sem_alloc : memref<!tpu.dma_semaphore, #tpu.memory_space<semaphore_mem>>
        %dma_start3A_51 = tpu.memref_slice %arg3[%mul3A_42] : memref<327680xi32, #tpu.memory_space<hbm>> -> memref<128xi32, #tpu.memory_space<hbm>>
        %dma_start3A_52 = tpu.memref_slice %arg3[%mul3A_42] : memref<327680xi32, #tpu.memory_space<hbm>> -> memref<128xi32, #tpu.memory_space<hbm>>
        tpu.enqueue_dma source(%dma_start3A_52 : memref<128xi32, #tpu.memory_space<hbm>>) target(%arg6 : memref<128xi32, #tpu.memory_space<vmem>>) target_semaphore(%run_scoped3A : memref<!tpu.dma_semaphore, #tpu.memory_space<semaphore_mem>>)
        %dma_wait3A = tpu.memref_slice %arg3[%mul3A_42] : memref<327680xi32, #tpu.memory_space<hbm>> -> memref<128xi32, #tpu.memory_space<hbm>>
        %dma_wait3A_53 = tpu.memref_slice %arg3[%mul3A_42] : memref<327680xi32, #tpu.memory_space<hbm>> -> memref<128xi32, #tpu.memory_space<hbm>>
        tpu.wait_dma2 semaphore(%run_scoped3A : memref<!tpu.dma_semaphore, #tpu.memory_space<semaphore_mem>>) src(%dma_wait3A_53 : memref<128xi32, #tpu.memory_space<hbm>>) dst(%arg6 : memref<128xi32, #tpu.memory_space<vmem>>)
        tpu.yield
      }) : () -> ()
      "tpu.region"() ({
        %run_scoped3A = tpu.sem_alloc : memref<!tpu.dma_semaphore, #tpu.memory_space<semaphore_mem>>
        %dma_start3A_51 = tpu.memref_slice %arg4[%mul3A_42] : memref<327680xi32, #tpu.memory_space<hbm>> -> memref<128xi32, #tpu.memory_space<hbm>>
        %dma_start3A_52 = tpu.memref_slice %arg4[%mul3A_42] : memref<327680xi32, #tpu.memory_space<hbm>> -> memref<128xi32, #tpu.memory_space<hbm>>
        tpu.enqueue_dma source(%dma_start3A_52 : memref<128xi32, #tpu.memory_space<hbm>>) target(%arg8 : memref<128xi32, #tpu.memory_space<vmem>>) target_semaphore(%run_scoped3A : memref<!tpu.dma_semaphore, #tpu.memory_space<semaphore_mem>>)
        %dma_wait3A = tpu.memref_slice %arg4[%mul3A_42] : memref<327680xi32, #tpu.memory_space<hbm>> -> memref<128xi32, #tpu.memory_space<hbm>>
        %dma_wait3A_53 = tpu.memref_slice %arg4[%mul3A_42] : memref<327680xi32, #tpu.memory_space<hbm>> -> memref<128xi32, #tpu.memory_space<hbm>>
        tpu.wait_dma2 semaphore(%run_scoped3A : memref<!tpu.dma_semaphore, #tpu.memory_space<semaphore_mem>>) src(%dma_wait3A_53 : memref<128xi32, #tpu.memory_space<hbm>>) dst(%arg8 : memref<128xi32, #tpu.memory_space<vmem>>)
        tpu.yield
      }) : () -> ()
      %dma_start3A = arith.constant 0 : i32
      %dma_start3A_43 = arith.constant 0 : i32
      %dma_start3A_44 = tpu.memref_slice %arg2[%dma_start3A, %dma_start3A_43] : memref<10240x128xf32, #tpu.memory_space<hbm>> -> memref<10240x128xf32, #tpu.memory_space<hbm>>
      tpu.enqueue_indirect_dma source(%dma_start3A_44 : memref<10240x128xf32, #tpu.memory_space<hbm>>) target(%arg10 : memref<128x128xf32, #tpu.memory_space<vmem>>) offsets(%arg6 : memref<128xi32, #tpu.memory_space<vmem>>) semaphore(%arg13 : memref<!tpu.dma_semaphore, #tpu.memory_space<semaphore_mem>>)
      %scan3A_45 = arith.constant 0 : i32
      %scan3A_46 = arith.constant 0 : i32
      %scan3A_47 = arith.constant 21 : i32
      %scan3A_48 = arith.addi %scan3A_46, %scan3A_47 : i32
      %scan3A_49 = arith.constant 1 : i32
      scf.for %scan3A_51 = %scan3A_46 to %scan3A_48 step %scan3A_49  : i32 {
        %mul3A_52 = arith.constant 2 : i32
        %mul3A_53 = arith.muli %mul3A_52, %scan3A_51 : i32
        %add3A_54 = arith.constant 1 : i32
        %add3A_55 = arith.addi %mul3A_53, %add3A_54 : i32
        %add3A_56 = arith.addi %add3A_38, %add3A_55 : i32
        %mul3A_57 = arith.constant 128 : i32
        %mul3A_58 = arith.muli %add3A_56, %mul3A_57 : i32
        "tpu.region"() ({
          %run_scoped3A = tpu.sem_alloc : memref<!tpu.dma_semaphore, #tpu.memory_space<semaphore_mem>>
          %dma_start3A_71 = tpu.memref_slice %arg3[%mul3A_58] : memref<327680xi32, #tpu.memory_space<hbm>> -> memref<128xi32, #tpu.memory_space<hbm>>
          %dma_start3A_72 = tpu.memref_slice %arg3[%mul3A_58] : memref<327680xi32, #tpu.memory_space<hbm>> -> memref<128xi32, #tpu.memory_space<hbm>>
          tpu.enqueue_dma source(%dma_start3A_72 : memref<128xi32, #tpu.memory_space<hbm>>) target(%arg7 : memref<128xi32, #tpu.memory_space<vmem>>) target_semaphore(%run_scoped3A : memref<!tpu.dma_semaphore, #tpu.memory_space<semaphore_mem>>)
          %dma_wait3A_73 = tpu.memref_slice %arg3[%mul3A_58] : memref<327680xi32, #tpu.memory_space<hbm>> -> memref<128xi32, #tpu.memory_space<hbm>>
          %dma_wait3A_74 = tpu.memref_slice %arg3[%mul3A_58] : memref<327680xi32, #tpu.memory_space<hbm>> -> memref<128xi32, #tpu.memory_space<hbm>>
          tpu.wait_dma2 semaphore(%run_scoped3A : memref<!tpu.dma_semaphore, #tpu.memory_space<semaphore_mem>>) src(%dma_wait3A_74 : memref<128xi32, #tpu.memory_space<hbm>>) dst(%arg7 : memref<128xi32, #tpu.memory_space<vmem>>)
          tpu.yield
        }) : () -> ()
        "tpu.region"() ({
          %run_scoped3A = tpu.sem_alloc : memref<!tpu.dma_semaphore, #tpu.memory_space<semaphore_mem>>
          %dma_start3A_71 = tpu.memref_slice %arg4[%mul3A_58] : memref<327680xi32, #tpu.memory_space<hbm>> -> memref<128xi32, #tpu.memory_space<hbm>>
          %dma_start3A_72 = tpu.memref_slice %arg4[%mul3A_58] : memref<327680xi32, #tpu.memory_space<hbm>> -> memref<128xi32, #tpu.memory_space<hbm>>
          tpu.enqueue_dma source(%dma_start3A_72 : memref<128xi32, #tpu.memory_space<hbm>>) target(%arg9 : memref<128xi32, #tpu.memory_space<vmem>>) target_semaphore(%run_scoped3A : memref<!tpu.dma_semaphore, #tpu.memory_space<semaphore_mem>>)
          %dma_wait3A_73 = tpu.memref_slice %arg4[%mul3A_58] : memref<327680xi32, #tpu.memory_space<hbm>> -> memref<128xi32, #tpu.memory_space<hbm>>
          %dma_wait3A_74 = tpu.memref_slice %arg4[%mul3A_58] : memref<327680xi32, #tpu.memory_space<hbm>> -> memref<128xi32, #tpu.memory_space<hbm>>
          tpu.wait_dma2 semaphore(%run_scoped3A : memref<!tpu.dma_semaphore, #tpu.memory_space<semaphore_mem>>) src(%dma_wait3A_74 : memref<128xi32, #tpu.memory_space<hbm>>) dst(%arg9 : memref<128xi32, #tpu.memory_space<vmem>>)
          tpu.yield
        }) : () -> ()
        %dma_start3A_59 = arith.constant 0 : i32
        %dma_start3A_60 = arith.constant 0 : i32
        %dma_start3A_61 = tpu.memref_slice %arg2[%dma_start3A_59, %dma_start3A_60] : memref<10240x128xf32, #tpu.memory_space<hbm>> -> memref<10240x128xf32, #tpu.memory_space<hbm>>
        tpu.enqueue_indirect_dma source(%dma_start3A_61 : memref<10240x128xf32, #tpu.memory_space<hbm>>) target(%arg11 : memref<128x128xf32, #tpu.memory_space<vmem>>) offsets(%arg7 : memref<128xi32, #tpu.memory_space<vmem>>) semaphore(%arg14 : memref<!tpu.dma_semaphore, #tpu.memory_space<semaphore_mem>>)
        %dma_wait3A = arith.constant 0 : i32
        %dma_wait3A_62 = arith.constant 0 : i32
        %dma_wait3A_63 = tpu.memref_slice %arg2[%dma_wait3A, %dma_wait3A_62] : memref<10240x128xf32, #tpu.memory_space<hbm>> -> memref<10240x128xf32, #tpu.memory_space<hbm>>
        tpu.wait_indirect_dma semaphore(%arg13 : memref<!tpu.dma_semaphore, #tpu.memory_space<semaphore_mem>>) src(%dma_wait3A_63 : memref<10240x128xf32, #tpu.memory_space<hbm>>) dst(%arg10 : memref<128x128xf32, #tpu.memory_space<vmem>>)
        "tpu.region"() ({
          %run_scoped3A = tpu.sem_alloc : memref<!tpu.dma_semaphore, #tpu.memory_space<semaphore_mem>>
          %dma_start3A_71 = arith.constant 0 : i32
          %dma_start3A_72 = arith.constant 0 : i32
          %dma_start3A_73 = tpu.memref_slice %arg12[%dma_start3A_71, %dma_start3A_72] : memref<10240x128xf32, #tpu.memory_space<vmem_shared>> -> memref<10240x128xf32, #tpu.memory_space<vmem_shared>>
          tpu.enqueue_indirect_dma source(%arg10 : memref<128x128xf32, #tpu.memory_space<vmem>>) target(%dma_start3A_73 : memref<10240x128xf32, #tpu.memory_space<vmem_shared>>) offsets(%arg8 : memref<128xi32, #tpu.memory_space<vmem>>) semaphore(%run_scoped3A : memref<!tpu.dma_semaphore, #tpu.memory_space<semaphore_mem>>) {add = true}
          %dma_wait3A_74 = arith.constant 0 : i32
          %dma_wait3A_75 = arith.constant 0 : i32
          %dma_wait3A_76 = tpu.memref_slice %arg12[%dma_wait3A_74, %dma_wait3A_75] : memref<10240x128xf32, #tpu.memory_space<vmem_shared>> -> memref<10240x128xf32, #tpu.memory_space<vmem_shared>>
          tpu.wait_indirect_dma semaphore(%run_scoped3A : memref<!tpu.dma_semaphore, #tpu.memory_space<semaphore_mem>>) src(%arg10 : memref<128x128xf32, #tpu.memory_space<vmem>>) dst(%dma_wait3A_76 : memref<10240x128xf32, #tpu.memory_space<vmem_shared>>)
          tpu.yield
        }) : () -> ()
        %lt3A = arith.constant 20 : i32
        %lt3A_64 = arith.cmpi slt, %scan3A_51, %lt3A : i32
        %convert_element_type3A_65 = arith.extui %lt3A_64 : i1 to i32
        %cond3A_66 = arith.constant 0 : i32
        %cond3A_67 = arith.cmpi ne, %convert_element_type3A_65, %cond3A_66 : i32
        scf.if %cond3A_67 {
          %mul3A_71 = arith.constant 2 : i32
          %mul3A_72 = arith.muli %mul3A_71, %scan3A_51 : i32
          %add3A_73 = arith.constant 2 : i32
          %add3A_74 = arith.addi %mul3A_72, %add3A_73 : i32
          %add3A_75 = arith.addi %add3A_38, %add3A_74 : i32
          %mul3A_76 = arith.constant 128 : i32
          %mul3A_77 = arith.muli %add3A_75, %mul3A_76 : i32
          "tpu.region"() ({
            %run_scoped3A = tpu.sem_alloc : memref<!tpu.dma_semaphore, #tpu.memory_space<semaphore_mem>>
            %dma_start3A_81 = tpu.memref_slice %arg3[%mul3A_77] : memref<327680xi32, #tpu.memory_space<hbm>> -> memref<128xi32, #tpu.memory_space<hbm>>
            %dma_start3A_82 = tpu.memref_slice %arg3[%mul3A_77] : memref<327680xi32, #tpu.memory_space<hbm>> -> memref<128xi32, #tpu.memory_space<hbm>>
            tpu.enqueue_dma source(%dma_start3A_82 : memref<128xi32, #tpu.memory_space<hbm>>) target(%arg6 : memref<128xi32, #tpu.memory_space<vmem>>) target_semaphore(%run_scoped3A : memref<!tpu.dma_semaphore, #tpu.memory_space<semaphore_mem>>)
            %dma_wait3A_83 = tpu.memref_slice %arg3[%mul3A_77] : memref<327680xi32, #tpu.memory_space<hbm>> -> memref<128xi32, #tpu.memory_space<hbm>>
            %dma_wait3A_84 = tpu.memref_slice %arg3[%mul3A_77] : memref<327680xi32, #tpu.memory_space<hbm>> -> memref<128xi32, #tpu.memory_space<hbm>>
            tpu.wait_dma2 semaphore(%run_scoped3A : memref<!tpu.dma_semaphore, #tpu.memory_space<semaphore_mem>>) src(%dma_wait3A_84 : memref<128xi32, #tpu.memory_space<hbm>>) dst(%arg6 : memref<128xi32, #tpu.memory_space<vmem>>)
            tpu.yield
          }) : () -> ()
          "tpu.region"() ({
            %run_scoped3A = tpu.sem_alloc : memref<!tpu.dma_semaphore, #tpu.memory_space<semaphore_mem>>
            %dma_start3A_81 = tpu.memref_slice %arg4[%mul3A_77] : memref<327680xi32, #tpu.memory_space<hbm>> -> memref<128xi32, #tpu.memory_space<hbm>>
            %dma_start3A_82 = tpu.memref_slice %arg4[%mul3A_77] : memref<327680xi32, #tpu.memory_space<hbm>> -> memref<128xi32, #tpu.memory_space<hbm>>
            tpu.enqueue_dma source(%dma_start3A_82 : memref<128xi32, #tpu.memory_space<hbm>>) target(%arg8 : memref<128xi32, #tpu.memory_space<vmem>>) target_semaphore(%run_scoped3A : memref<!tpu.dma_semaphore, #tpu.memory_space<semaphore_mem>>)
            %dma_wait3A_83 = tpu.memref_slice %arg4[%mul3A_77] : memref<327680xi32, #tpu.memory_space<hbm>> -> memref<128xi32, #tpu.memory_space<hbm>>
            %dma_wait3A_84 = tpu.memref_slice %arg4[%mul3A_77] : memref<327680xi32, #tpu.memory_space<hbm>> -> memref<128xi32, #tpu.memory_space<hbm>>
            tpu.wait_dma2 semaphore(%run_scoped3A : memref<!tpu.dma_semaphore, #tpu.memory_space<semaphore_mem>>) src(%dma_wait3A_84 : memref<128xi32, #tpu.memory_space<hbm>>) dst(%arg8 : memref<128xi32, #tpu.memory_space<vmem>>)
            tpu.yield
          }) : () -> ()
          %dma_start3A_78 = arith.constant 0 : i32
          %dma_start3A_79 = arith.constant 0 : i32
          %dma_start3A_80 = tpu.memref_slice %arg2[%dma_start3A_78, %dma_start3A_79] : memref<10240x128xf32, #tpu.memory_space<hbm>> -> memref<10240x128xf32, #tpu.memory_space<hbm>>
          tpu.enqueue_indirect_dma source(%dma_start3A_80 : memref<10240x128xf32, #tpu.memory_space<hbm>>) target(%arg10 : memref<128x128xf32, #tpu.memory_space<vmem>>) offsets(%arg6 : memref<128xi32, #tpu.memory_space<vmem>>) semaphore(%arg13 : memref<!tpu.dma_semaphore, #tpu.memory_space<semaphore_mem>>)
        } else {
        }
        %dma_wait3A_68 = arith.constant 0 : i32
        %dma_wait3A_69 = arith.constant 0 : i32
        %dma_wait3A_70 = tpu.memref_slice %arg2[%dma_wait3A_68, %dma_wait3A_69] : memref<10240x128xf32, #tpu.memory_space<hbm>> -> memref<10240x128xf32, #tpu.memory_space<hbm>>
        tpu.wait_indirect_dma semaphore(%arg14 : memref<!tpu.dma_semaphore, #tpu.memory_space<semaphore_mem>>) src(%dma_wait3A_70 : memref<10240x128xf32, #tpu.memory_space<hbm>>) dst(%arg11 : memref<128x128xf32, #tpu.memory_space<vmem>>)
        "tpu.region"() ({
          %run_scoped3A = tpu.sem_alloc : memref<!tpu.dma_semaphore, #tpu.memory_space<semaphore_mem>>
          %dma_start3A_71 = arith.constant 0 : i32
          %dma_start3A_72 = arith.constant 0 : i32
          %dma_start3A_73 = tpu.memref_slice %arg12[%dma_start3A_71, %dma_start3A_72] : memref<10240x128xf32, #tpu.memory_space<vmem_shared>> -> memref<10240x128xf32, #tpu.memory_space<vmem_shared>>
          tpu.enqueue_indirect_dma source(%arg11 : memref<128x128xf32, #tpu.memory_space<vmem>>) target(%dma_start3A_73 : memref<10240x128xf32, #tpu.memory_space<vmem_shared>>) offsets(%arg9 : memref<128xi32, #tpu.memory_space<vmem>>) semaphore(%run_scoped3A : memref<!tpu.dma_semaphore, #tpu.memory_space<semaphore_mem>>) {add = true}
          %dma_wait3A_74 = arith.constant 0 : i32
          %dma_wait3A_75 = arith.constant 0 : i32
          %dma_wait3A_76 = tpu.memref_slice %arg12[%dma_wait3A_74, %dma_wait3A_75] : memref<10240x128xf32, #tpu.memory_space<vmem_shared>> -> memref<10240x128xf32, #tpu.memory_space<vmem_shared>>
          tpu.wait_indirect_dma semaphore(%run_scoped3A : memref<!tpu.dma_semaphore, #tpu.memory_space<semaphore_mem>>) src(%arg11 : memref<128x128xf32, #tpu.memory_space<vmem>>) dst(%dma_wait3A_76 : memref<10240x128xf32, #tpu.memory_space<vmem_shared>>)
          tpu.yield
        }) : () -> ()
      }
      %scan3A_50 = arith.constant 21 : i32
    } else {
    }
    %barrier3A_30 = arith.constant 0 : index
    tpu.barrier barrier_id(%barrier3A_30)
    %mul3A_31 = arith.constant 640 : i32
    %mul3A_32 = arith.muli %arg1, %mul3A_31 : i32
    %mul3A_33 = arith.constant 640 : i32
    %mul3A_34 = arith.muli %arg1, %mul3A_33 : i32
    "tpu.region"() ({
      %run_scoped3A = tpu.sem_alloc : memref<!tpu.dma_semaphore, #tpu.memory_space<semaphore_mem>>
      %dma_start3A = arith.constant 0 : i32
      %dma_start3A_35 = tpu.memref_slice %arg5[%arg0, %mul3A_34, %dma_start3A] : memref<2x10240x128xf32, #tpu.memory_space<hbm>> -> memref<1x640x128xf32, #tpu.memory_space<hbm>>
      %dma_start3A_36 = tpu.memref_squeeze %dma_start3A_35 : memref<1x640x128xf32, #tpu.memory_space<hbm>> -> memref<640x128xf32, #tpu.memory_space<hbm>>
      %dma_start3A_37 = arith.constant 0 : i32
      %dma_start3A_38 = tpu.memref_slice %arg12[%mul3A_32, %dma_start3A_37] : memref<10240x128xf32, #tpu.memory_space<vmem_shared>> -> memref<640x128xf32, #tpu.memory_space<vmem_shared>>
      tpu.enqueue_dma source(%dma_start3A_38 : memref<640x128xf32, #tpu.memory_space<vmem_shared>>) target(%dma_start3A_36 : memref<640x128xf32, #tpu.memory_space<hbm>>) target_semaphore(%run_scoped3A : memref<!tpu.dma_semaphore, #tpu.memory_space<semaphore_mem>>)
      %dma_wait3A = arith.constant 0 : i32
      %dma_wait3A_39 = tpu.memref_slice %arg5[%arg0, %mul3A_34, %dma_wait3A] : memref<2x10240x128xf32, #tpu.memory_space<hbm>> -> memref<1x640x128xf32, #tpu.memory_space<hbm>>
      %dma_wait3A_40 = tpu.memref_squeeze %dma_wait3A_39 : memref<1x640x128xf32, #tpu.memory_space<hbm>> -> memref<640x128xf32, #tpu.memory_space<hbm>>
      %dma_wait3A_41 = arith.constant 0 : i32
      %dma_wait3A_42 = tpu.memref_slice %arg12[%mul3A_32, %dma_wait3A_41] : memref<10240x128xf32, #tpu.memory_space<vmem_shared>> -> memref<640x128xf32, #tpu.memory_space<vmem_shared>>
      tpu.wait_dma2 semaphore(%run_scoped3A : memref<!tpu.dma_semaphore, #tpu.memory_space<semaphore_mem>>) src(%dma_wait3A_42 : memref<640x128xf32, #tpu.memory_space<vmem_shared>>) dst(%dma_wait3A_40 : memref<640x128xf32, #tpu.memory_space<hbm>>)
      tpu.yield
    }) : () -> ()
    return
  }
}

#map = affine_map<(d0, d1) -> (0, 0)>
#map1 = affine_map<(d0, d1) -> (0)>
#map2 = affine_map<(d0, d1) -> (0, 0, 0)>
module attributes {stable_mosaic.version = 14 : i64} {
  func.func @sc_spmm(%arg0: i32, %arg1: i32, %arg2: memref<10240x128xf32, #tpu.memory_space<hbm>>, %arg3: memref<327680xi32, #tpu.memory_space<hbm>>, %arg4: memref<327680xi32, #tpu.memory_space<hbm>>, %arg5: memref<2x10240x128xf32, #tpu.memory_space<hbm>>, %arg6: memref<128xi32, #tpu.memory_space<vmem>>, %arg7: memref<128xi32, #tpu.memory_space<vmem>>, %arg8: memref<128xi32, #tpu.memory_space<vmem>>, %arg9: memref<128xi32, #tpu.memory_space<vmem>>, %arg10: memref<128x128xf32, #tpu.memory_space<vmem>>, %arg11: memref<128x128xf32, #tpu.memory_space<vmem>>, %arg12: memref<10240x128xf32, #tpu.memory_space<vmem_shared>>, %arg13: memref<!tpu.dma_semaphore, #tpu.memory_space<semaphore_mem>>, %arg14: memref<!tpu.dma_semaphore, #tpu.memory_space<semaphore_mem>>) attributes {dimension_semantics = [#tpu.dimension_semantics<core_parallel>, #tpu.dimension_semantics<subcore_parallel>], iteration_bounds = array<i64: 2, 16>, scalar_prefetch = 0 : i64, scratch_operands = 9 : i64, tpu.core_type = #tpu.core_type<sc_vector_subcore>, window_params = [{transform_indices = #map}, {transform_indices = #map1}, {transform_indices = #map1}, {transform_indices = #map2}]} {
    %scan3A = arith.constant 0 : i32
    %scan3A_0 = arith.constant 0 : i32
    %scan3A_1 = arith.constant 128 : i32
    %scan3A_2 = arith.addi %scan3A_0, %scan3A_1 : i32
    %scan3A_3 = arith.constant 1 : i32
    scf.for %scan3A_35 = %scan3A_0 to %scan3A_2 step %scan3A_3  : i32 {
      %broadcast_in_dim3A = arith.constant 0.000000e+00 : f32
      %broadcast_in_dim3A_36 = vector.broadcast %broadcast_in_dim3A : f32 to vector<16xf32>
      %swap3A = arith.index_cast %scan3A_35 : i32 to index
      %swap3A_37 = arith.constant 0 : index
      %swap3A_38 = tpu.vector_load %arg10[%swap3A, %swap3A_37] {strides = array<i32>} : memref<128x128xf32, #tpu.memory_space<vmem>>, vector<1x16xf32>,
      %swap3A_39 = vector.shape_cast %swap3A_38 : vector<1x16xf32> to vector<16xf32>
      %swap3A_40 = vector.shape_cast %broadcast_in_dim3A_36 : vector<16xf32> to vector<1x16xf32>
      tpu.vector_store %arg10[%swap3A, %swap3A_37], %swap3A_40 {strides = array<i32>} : memref<128x128xf32, #tpu.memory_space<vmem>>, vector<1x16xf32>,
      %broadcast_in_dim3A_41 = arith.constant 0.000000e+00 : f32
      %broadcast_in_dim3A_42 = vector.broadcast %broadcast_in_dim3A_41 : f32 to vector<16xf32>
      %swap3A_43 = arith.index_cast %scan3A_35 : i32 to index
      %swap3A_44 = arith.constant 16 : index
      %swap3A_45 = tpu.vector_load %arg10[%swap3A_43, %swap3A_44] {strides = array<i32>} : memref<128x128xf32, #tpu.memory_space<vmem>>, vector<1x16xf32>,
      %swap3A_46 = vector.shape_cast %swap3A_45 : vector<1x16xf32> to vector<16xf32>
      %swap3A_47 = vector.shape_cast %broadcast_in_dim3A_42 : vector<16xf32> to vector<1x16xf32>
      tpu.vector_store %arg10[%swap3A_43, %swap3A_44], %swap3A_47 {strides = array<i32>} : memref<128x128xf32, #tpu.memory_space<vmem>>, vector<1x16xf32>,
      %broadcast_in_dim3A_48 = arith.constant 0.000000e+00 : f32
      %broadcast_in_dim3A_49 = vector.broadcast %broadcast_in_dim3A_48 : f32 to vector<16xf32>
      %swap3A_50 = arith.index_cast %scan3A_35 : i32 to index
      %swap3A_51 = arith.constant 32 : index
      %swap3A_52 = tpu.vector_load %arg10[%swap3A_50, %swap3A_51] {strides = array<i32>} : memref<128x128xf32, #tpu.memory_space<vmem>>, vector<1x16xf32>,
      %swap3A_53 = vector.shape_cast %swap3A_52 : vector<1x16xf32> to vector<16xf32>
      %swap3A_54 = vector.shape_cast %broadcast_in_dim3A_49 : vector<16xf32> to vector<1x16xf32>
      tpu.vector_store %arg10[%swap3A_50, %swap3A_51], %swap3A_54 {strides = array<i32>} : memref<128x128xf32, #tpu.memory_space<vmem>>, vector<1x16xf32>,
      %broadcast_in_dim3A_55 = arith.constant 0.000000e+00 : f32
      %broadcast_in_dim3A_56 = vector.broadcast %broadcast_in_dim3A_55 : f32 to vector<16xf32>
      %swap3A_57 = arith.index_cast %scan3A_35 : i32 to index
      %swap3A_58 = arith.constant 48 : index
      %swap3A_59 = tpu.vector_load %arg10[%swap3A_57, %swap3A_58] {strides = array<i32>} : memref<128x128xf32, #tpu.memory_space<vmem>>, vector<1x16xf32>,
      %swap3A_60 = vector.shape_cast %swap3A_59 : vector<1x16xf32> to vector<16xf32>
      %swap3A_61 = vector.shape_cast %broadcast_in_dim3A_56 : vector<16xf32> to vector<1x16xf32>
      tpu.vector_store %arg10[%swap3A_57, %swap3A_58], %swap3A_61 {strides = array<i32>} : memref<128x128xf32, #tpu.memory_space<vmem>>, vector<1x16xf32>,
      %broadcast_in_dim3A_62 = arith.constant 0.000000e+00 : f32
      %broadcast_in_dim3A_63 = vector.broadcast %broadcast_in_dim3A_62 : f32 to vector<16xf32>
      %swap3A_64 = arith.index_cast %scan3A_35 : i32 to index
      %swap3A_65 = arith.constant 64 : index
      %swap3A_66 = tpu.vector_load %arg10[%swap3A_64, %swap3A_65] {strides = array<i32>} : memref<128x128xf32, #tpu.memory_space<vmem>>, vector<1x16xf32>,
      %swap3A_67 = vector.shape_cast %swap3A_66 : vector<1x16xf32> to vector<16xf32>
      %swap3A_68 = vector.shape_cast %broadcast_in_dim3A_63 : vector<16xf32> to vector<1x16xf32>
      tpu.vector_store %arg10[%swap3A_64, %swap3A_65], %swap3A_68 {strides = array<i32>} : memref<128x128xf32, #tpu.memory_space<vmem>>, vector<1x16xf32>,
      %broadcast_in_dim3A_69 = arith.constant 0.000000e+00 : f32
      %broadcast_in_dim3A_70 = vector.broadcast %broadcast_in_dim3A_69 : f32 to vector<16xf32>
      %swap3A_71 = arith.index_cast %scan3A_35 : i32 to index
      %swap3A_72 = arith.constant 80 : index
      %swap3A_73 = tpu.vector_load %arg10[%swap3A_71, %swap3A_72] {strides = array<i32>} : memref<128x128xf32, #tpu.memory_space<vmem>>, vector<1x16xf32>,
      %swap3A_74 = vector.shape_cast %swap3A_73 : vector<1x16xf32> to vector<16xf32>
      %swap3A_75 = vector.shape_cast %broadcast_in_dim3A_70 : vector<16xf32> to vector<1x16xf32>
      tpu.vector_store %arg10[%swap3A_71, %swap3A_72], %swap3A_75 {strides = array<i32>} : memref<128x128xf32, #tpu.memory_space<vmem>>, vector<1x16xf32>,
      %broadcast_in_dim3A_76 = arith.constant 0.000000e+00 : f32
      %broadcast_in_dim3A_77 = vector.broadcast %broadcast_in_dim3A_76 : f32 to vector<16xf32>
      %swap3A_78 = arith.index_cast %scan3A_35 : i32 to index
      %swap3A_79 = arith.constant 96 : index
      %swap3A_80 = tpu.vector_load %arg10[%swap3A_78, %swap3A_79] {strides = array<i32>} : memref<128x128xf32, #tpu.memory_space<vmem>>, vector<1x16xf32>,
      %swap3A_81 = vector.shape_cast %swap3A_80 : vector<1x16xf32> to vector<16xf32>
      %swap3A_82 = vector.shape_cast %broadcast_in_dim3A_77 : vector<16xf32> to vector<1x16xf32>
      tpu.vector_store %arg10[%swap3A_78, %swap3A_79], %swap3A_82 {strides = array<i32>} : memref<128x128xf32, #tpu.memory_space<vmem>>, vector<1x16xf32>,
      %broadcast_in_dim3A_83 = arith.constant 0.000000e+00 : f32
      %broadcast_in_dim3A_84 = vector.broadcast %broadcast_in_dim3A_83 : f32 to vector<16xf32>
      %swap3A_85 = arith.index_cast %scan3A_35 : i32 to index
      %swap3A_86 = arith.constant 112 : index
      %swap3A_87 = tpu.vector_load %arg10[%swap3A_85, %swap3A_86] {strides = array<i32>} : memref<128x128xf32, #tpu.memory_space<vmem>>, vector<1x16xf32>,
      %swap3A_88 = vector.shape_cast %swap3A_87 : vector<1x16xf32> to vector<16xf32>
      %swap3A_89 = vector.shape_cast %broadcast_in_dim3A_84 : vector<16xf32> to vector<1x16xf32>
      tpu.vector_store %arg10[%swap3A_85, %swap3A_86], %swap3A_89 {strides = array<i32>} : memref<128x128xf32, #tpu.memory_space<vmem>>, vector<1x16xf32>,
    }
    %scan3A_4 = arith.constant 128 : i32
    %mul3A = arith.constant 640 : i32
    %mul3A_5 = arith.muli %arg1, %mul3A : i32
    %add3A = arith.constant 0 : i32
    %add3A_6 = arith.addi %mul3A_5, %add3A : i32
    "tpu.region"() ({
      %run_scoped3A = tpu.sem_alloc : memref<!tpu.dma_semaphore, #tpu.memory_space<semaphore_mem>>
      %dma_start3A = arith.constant 0 : i32
      %dma_start3A_35 = tpu.memref_slice %arg12[%add3A_6, %dma_start3A] : memref<10240x128xf32, #tpu.memory_space<vmem_shared>> -> memref<128x128xf32, #tpu.memory_space<vmem_shared>>
      %dma_start3A_36 = arith.constant 0 : i32
      %dma_start3A_37 = tpu.memref_slice %arg12[%add3A_6, %dma_start3A_36] : memref<10240x128xf32, #tpu.memory_space<vmem_shared>> -> memref<128x128xf32, #tpu.memory_space<vmem_shared>>
      tpu.enqueue_dma source(%arg10 : memref<128x128xf32, #tpu.memory_space<vmem>>) target(%dma_start3A_37 : memref<128x128xf32, #tpu.memory_space<vmem_shared>>) target_semaphore(%run_scoped3A : memref<!tpu.dma_semaphore, #tpu.memory_space<semaphore_mem>>)
      %dma_wait3A = arith.constant 0 : i32
      %dma_wait3A_38 = tpu.memref_slice %arg12[%add3A_6, %dma_wait3A] : memref<10240x128xf32, #tpu.memory_space<vmem_shared>> -> memref<128x128xf32, #tpu.memory_space<vmem_shared>>
      %dma_wait3A_39 = arith.constant 0 : i32
      %dma_wait3A_40 = tpu.memref_slice %arg12[%add3A_6, %dma_wait3A_39] : memref<10240x128xf32, #tpu.memory_space<vmem_shared>> -> memref<128x128xf32, #tpu.memory_space<vmem_shared>>
      tpu.wait_dma2 semaphore(%run_scoped3A : memref<!tpu.dma_semaphore, #tpu.memory_space<semaphore_mem>>) src(%arg10 : memref<128x128xf32, #tpu.memory_space<vmem>>) dst(%dma_wait3A_40 : memref<128x128xf32, #tpu.memory_space<vmem_shared>>)
      tpu.yield
    }) : () -> ()
    %mul3A_7 = arith.constant 640 : i32
    %mul3A_8 = arith.muli %arg1, %mul3A_7 : i32
    %add3A_9 = arith.constant 128 : i32
    %add3A_10 = arith.addi %mul3A_8, %add3A_9 : i32
    "tpu.region"() ({
      %run_scoped3A = tpu.sem_alloc : memref<!tpu.dma_semaphore, #tpu.memory_space<semaphore_mem>>
      %dma_start3A = arith.constant 0 : i32
      %dma_start3A_35 = tpu.memref_slice %arg12[%add3A_10, %dma_start3A] : memref<10240x128xf32, #tpu.memory_space<vmem_shared>> -> memref<128x128xf32, #tpu.memory_space<vmem_shared>>
      %dma_start3A_36 = arith.constant 0 : i32
      %dma_start3A_37 = tpu.memref_slice %arg12[%add3A_10, %dma_start3A_36] : memref<10240x128xf32, #tpu.memory_space<vmem_shared>> -> memref<128x128xf32, #tpu.memory_space<vmem_shared>>
      tpu.enqueue_dma source(%arg10 : memref<128x128xf32, #tpu.memory_space<vmem>>) target(%dma_start3A_37 : memref<128x128xf32, #tpu.memory_space<vmem_shared>>) target_semaphore(%run_scoped3A : memref<!tpu.dma_semaphore, #tpu.memory_space<semaphore_mem>>)
      %dma_wait3A = arith.constant 0 : i32
      %dma_wait3A_38 = tpu.memref_slice %arg12[%add3A_10, %dma_wait3A] : memref<10240x128xf32, #tpu.memory_space<vmem_shared>> -> memref<128x128xf32, #tpu.memory_space<vmem_shared>>
      %dma_wait3A_39 = arith.constant 0 : i32
      %dma_wait3A_40 = tpu.memref_slice %arg12[%add3A_10, %dma_wait3A_39] : memref<10240x128xf32, #tpu.memory_space<vmem_shared>> -> memref<128x128xf32, #tpu.memory_space<vmem_shared>>
      tpu.wait_dma2 semaphore(%run_scoped3A : memref<!tpu.dma_semaphore, #tpu.memory_space<semaphore_mem>>) src(%arg10 : memref<128x128xf32, #tpu.memory_space<vmem>>) dst(%dma_wait3A_40 : memref<128x128xf32, #tpu.memory_space<vmem_shared>>)
      tpu.yield
    }) : () -> ()
    %mul3A_11 = arith.constant 640 : i32
    %mul3A_12 = arith.muli %arg1, %mul3A_11 : i32
    %add3A_13 = arith.constant 256 : i32
    %add3A_14 = arith.addi %mul3A_12, %add3A_13 : i32
    "tpu.region"() ({
      %run_scoped3A = tpu.sem_alloc : memref<!tpu.dma_semaphore, #tpu.memory_space<semaphore_mem>>
      %dma_start3A = arith.constant 0 : i32
      %dma_start3A_35 = tpu.memref_slice %arg12[%add3A_14, %dma_start3A] : memref<10240x128xf32, #tpu.memory_space<vmem_shared>> -> memref<128x128xf32, #tpu.memory_space<vmem_shared>>
      %dma_start3A_36 = arith.constant 0 : i32
      %dma_start3A_37 = tpu.memref_slice %arg12[%add3A_14, %dma_start3A_36] : memref<10240x128xf32, #tpu.memory_space<vmem_shared>> -> memref<128x128xf32, #tpu.memory_space<vmem_shared>>
      tpu.enqueue_dma source(%arg10 : memref<128x128xf32, #tpu.memory_space<vmem>>) target(%dma_start3A_37 : memref<128x128xf32, #tpu.memory_space<vmem_shared>>) target_semaphore(%run_scoped3A : memref<!tpu.dma_semaphore, #tpu.memory_space<semaphore_mem>>)
      %dma_wait3A = arith.constant 0 : i32
      %dma_wait3A_38 = tpu.memref_slice %arg12[%add3A_14, %dma_wait3A] : memref<10240x128xf32, #tpu.memory_space<vmem_shared>> -> memref<128x128xf32, #tpu.memory_space<vmem_shared>>
      %dma_wait3A_39 = arith.constant 0 : i32
      %dma_wait3A_40 = tpu.memref_slice %arg12[%add3A_14, %dma_wait3A_39] : memref<10240x128xf32, #tpu.memory_space<vmem_shared>> -> memref<128x128xf32, #tpu.memory_space<vmem_shared>>
      tpu.wait_dma2 semaphore(%run_scoped3A : memref<!tpu.dma_semaphore, #tpu.memory_space<semaphore_mem>>) src(%arg10 : memref<128x128xf32, #tpu.memory_space<vmem>>) dst(%dma_wait3A_40 : memref<128x128xf32, #tpu.memory_space<vmem_shared>>)
      tpu.yield
    }) : () -> ()
    %mul3A_15 = arith.constant 640 : i32
    %mul3A_16 = arith.muli %arg1, %mul3A_15 : i32
    %add3A_17 = arith.constant 384 : i32
    %add3A_18 = arith.addi %mul3A_16, %add3A_17 : i32
    "tpu.region"() ({
      %run_scoped3A = tpu.sem_alloc : memref<!tpu.dma_semaphore, #tpu.memory_space<semaphore_mem>>
      %dma_start3A = arith.constant 0 : i32
      %dma_start3A_35 = tpu.memref_slice %arg12[%add3A_18, %dma_start3A] : memref<10240x128xf32, #tpu.memory_space<vmem_shared>> -> memref<128x128xf32, #tpu.memory_space<vmem_shared>>
      %dma_start3A_36 = arith.constant 0 : i32
      %dma_start3A_37 = tpu.memref_slice %arg12[%add3A_18, %dma_start3A_36] : memref<10240x128xf32, #tpu.memory_space<vmem_shared>> -> memref<128x128xf32, #tpu.memory_space<vmem_shared>>
      tpu.enqueue_dma source(%arg10 : memref<128x128xf32, #tpu.memory_space<vmem>>) target(%dma_start3A_37 : memref<128x128xf32, #tpu.memory_space<vmem_shared>>) target_semaphore(%run_scoped3A : memref<!tpu.dma_semaphore, #tpu.memory_space<semaphore_mem>>)
      %dma_wait3A = arith.constant 0 : i32
      %dma_wait3A_38 = tpu.memref_slice %arg12[%add3A_18, %dma_wait3A] : memref<10240x128xf32, #tpu.memory_space<vmem_shared>> -> memref<128x128xf32, #tpu.memory_space<vmem_shared>>
      %dma_wait3A_39 = arith.constant 0 : i32
      %dma_wait3A_40 = tpu.memref_slice %arg12[%add3A_18, %dma_wait3A_39] : memref<10240x128xf32, #tpu.memory_space<vmem_shared>> -> memref<128x128xf32, #tpu.memory_space<vmem_shared>>
      tpu.wait_dma2 semaphore(%run_scoped3A : memref<!tpu.dma_semaphore, #tpu.memory_space<semaphore_mem>>) src(%arg10 : memref<128x128xf32, #tpu.memory_space<vmem>>) dst(%dma_wait3A_40 : memref<128x128xf32, #tpu.memory_space<vmem_shared>>)
      tpu.yield
    }) : () -> ()
    %mul3A_19 = arith.constant 640 : i32
    %mul3A_20 = arith.muli %arg1, %mul3A_19 : i32
    %add3A_21 = arith.constant 512 : i32
    %add3A_22 = arith.addi %mul3A_20, %add3A_21 : i32
    "tpu.region"() ({
      %run_scoped3A = tpu.sem_alloc : memref<!tpu.dma_semaphore, #tpu.memory_space<semaphore_mem>>
      %dma_start3A = arith.constant 0 : i32
      %dma_start3A_35 = tpu.memref_slice %arg12[%add3A_22, %dma_start3A] : memref<10240x128xf32, #tpu.memory_space<vmem_shared>> -> memref<128x128xf32, #tpu.memory_space<vmem_shared>>
      %dma_start3A_36 = arith.constant 0 : i32
      %dma_start3A_37 = tpu.memref_slice %arg12[%add3A_22, %dma_start3A_36] : memref<10240x128xf32, #tpu.memory_space<vmem_shared>> -> memref<128x128xf32, #tpu.memory_space<vmem_shared>>
      tpu.enqueue_dma source(%arg10 : memref<128x128xf32, #tpu.memory_space<vmem>>) target(%dma_start3A_37 : memref<128x128xf32, #tpu.memory_space<vmem_shared>>) target_semaphore(%run_scoped3A : memref<!tpu.dma_semaphore, #tpu.memory_space<semaphore_mem>>)
      %dma_wait3A = arith.constant 0 : i32
      %dma_wait3A_38 = tpu.memref_slice %arg12[%add3A_22, %dma_wait3A] : memref<10240x128xf32, #tpu.memory_space<vmem_shared>> -> memref<128x128xf32, #tpu.memory_space<vmem_shared>>
      %dma_wait3A_39 = arith.constant 0 : i32
      %dma_wait3A_40 = tpu.memref_slice %arg12[%add3A_22, %dma_wait3A_39] : memref<10240x128xf32, #tpu.memory_space<vmem_shared>> -> memref<128x128xf32, #tpu.memory_space<vmem_shared>>
      tpu.wait_dma2 semaphore(%run_scoped3A : memref<!tpu.dma_semaphore, #tpu.memory_space<semaphore_mem>>) src(%arg10 : memref<128x128xf32, #tpu.memory_space<vmem>>) dst(%dma_wait3A_40 : memref<128x128xf32, #tpu.memory_space<vmem_shared>>)
      tpu.yield
    }) : () -> ()
    %barrier3A = arith.constant 0 : index
    tpu.barrier barrier_id(%barrier3A)
    %eq3A = arith.constant 0 : i32
    %eq3A_23 = arith.cmpi eq, %arg0, %eq3A : i32
    %convert_element_type3A = arith.extui %eq3A_23 : i1 to i32
    %cond3A = arith.constant 0 : i32
    %cond3A_24 = arith.cmpi ne, %convert_element_type3A, %cond3A : i32
    scf.if %cond3A_24 {
      %mul3A_35 = arith.constant 160 : i32
      %mul3A_36 = arith.muli %arg1, %mul3A_35 : i32
      %add3A_37 = arith.constant 0 : i32
      %add3A_38 = arith.addi %mul3A_36, %add3A_37 : i32
      %mul3A_39 = arith.constant 128 : i32
      %mul3A_40 = arith.muli %add3A_38, %mul3A_39 : i32
      "tpu.region"() ({
        %run_scoped3A = tpu.sem_alloc : memref<!tpu.dma_semaphore, #tpu.memory_space<semaphore_mem>>
        %dma_start3A_49 = tpu.memref_slice %arg3[%mul3A_40] : memref<327680xi32, #tpu.memory_space<hbm>> -> memref<128xi32, #tpu.memory_space<hbm>>
        %dma_start3A_50 = tpu.memref_slice %arg3[%mul3A_40] : memref<327680xi32, #tpu.memory_space<hbm>> -> memref<128xi32, #tpu.memory_space<hbm>>
        tpu.enqueue_dma source(%dma_start3A_50 : memref<128xi32, #tpu.memory_space<hbm>>) target(%arg6 : memref<128xi32, #tpu.memory_space<vmem>>) target_semaphore(%run_scoped3A : memref<!tpu.dma_semaphore, #tpu.memory_space<semaphore_mem>>)
        %dma_wait3A = tpu.memref_slice %arg3[%mul3A_40] : memref<327680xi32, #tpu.memory_space<hbm>> -> memref<128xi32, #tpu.memory_space<hbm>>
        %dma_wait3A_51 = tpu.memref_slice %arg3[%mul3A_40] : memref<327680xi32, #tpu.memory_space<hbm>> -> memref<128xi32, #tpu.memory_space<hbm>>
        tpu.wait_dma2 semaphore(%run_scoped3A : memref<!tpu.dma_semaphore, #tpu.memory_space<semaphore_mem>>) src(%dma_wait3A_51 : memref<128xi32, #tpu.memory_space<hbm>>) dst(%arg6 : memref<128xi32, #tpu.memory_space<vmem>>)
        tpu.yield
      }) : () -> ()
      "tpu.region"() ({
        %run_scoped3A = tpu.sem_alloc : memref<!tpu.dma_semaphore, #tpu.memory_space<semaphore_mem>>
        %dma_start3A_49 = tpu.memref_slice %arg4[%mul3A_40] : memref<327680xi32, #tpu.memory_space<hbm>> -> memref<128xi32, #tpu.memory_space<hbm>>
        %dma_start3A_50 = tpu.memref_slice %arg4[%mul3A_40] : memref<327680xi32, #tpu.memory_space<hbm>> -> memref<128xi32, #tpu.memory_space<hbm>>
        tpu.enqueue_dma source(%dma_start3A_50 : memref<128xi32, #tpu.memory_space<hbm>>) target(%arg8 : memref<128xi32, #tpu.memory_space<vmem>>) target_semaphore(%run_scoped3A : memref<!tpu.dma_semaphore, #tpu.memory_space<semaphore_mem>>)
        %dma_wait3A = tpu.memref_slice %arg4[%mul3A_40] : memref<327680xi32, #tpu.memory_space<hbm>> -> memref<128xi32, #tpu.memory_space<hbm>>
        %dma_wait3A_51 = tpu.memref_slice %arg4[%mul3A_40] : memref<327680xi32, #tpu.memory_space<hbm>> -> memref<128xi32, #tpu.memory_space<hbm>>
        tpu.wait_dma2 semaphore(%run_scoped3A : memref<!tpu.dma_semaphore, #tpu.memory_space<semaphore_mem>>) src(%dma_wait3A_51 : memref<128xi32, #tpu.memory_space<hbm>>) dst(%arg8 : memref<128xi32, #tpu.memory_space<vmem>>)
        tpu.yield
      }) : () -> ()
      %dma_start3A = arith.constant 0 : i32
      %dma_start3A_41 = arith.constant 0 : i32
      %dma_start3A_42 = tpu.memref_slice %arg2[%dma_start3A, %dma_start3A_41] : memref<10240x128xf32, #tpu.memory_space<hbm>> -> memref<10240x128xf32, #tpu.memory_space<hbm>>
      tpu.enqueue_indirect_dma source(%dma_start3A_42 : memref<10240x128xf32, #tpu.memory_space<hbm>>) target(%arg10 : memref<128x128xf32, #tpu.memory_space<vmem>>) offsets(%arg6 : memref<128xi32, #tpu.memory_space<vmem>>) semaphore(%arg13 : memref<!tpu.dma_semaphore, #tpu.memory_space<semaphore_mem>>)
      %scan3A_43 = arith.constant 0 : i32
      %scan3A_44 = arith.constant 0 : i32
      %scan3A_45 = arith.constant 59 : i32
      %scan3A_46 = arith.addi %scan3A_44, %scan3A_45 : i32
      %scan3A_47 = arith.constant 1 : i32
      scf.for %scan3A_49 = %scan3A_44 to %scan3A_46 step %scan3A_47  : i32 {
        %mul3A_50 = arith.constant 2 : i32
        %mul3A_51 = arith.muli %mul3A_50, %scan3A_49 : i32
        %add3A_52 = arith.constant 1 : i32
        %add3A_53 = arith.addi %mul3A_51, %add3A_52 : i32
        %add3A_54 = arith.addi %mul3A_36, %add3A_53 : i32
        %mul3A_55 = arith.constant 128 : i32
        %mul3A_56 = arith.muli %add3A_54, %mul3A_55 : i32
        "tpu.region"() ({
          %run_scoped3A = tpu.sem_alloc : memref<!tpu.dma_semaphore, #tpu.memory_space<semaphore_mem>>
          %dma_start3A_69 = tpu.memref_slice %arg3[%mul3A_56] : memref<327680xi32, #tpu.memory_space<hbm>> -> memref<128xi32, #tpu.memory_space<hbm>>
          %dma_start3A_70 = tpu.memref_slice %arg3[%mul3A_56] : memref<327680xi32, #tpu.memory_space<hbm>> -> memref<128xi32, #tpu.memory_space<hbm>>
          tpu.enqueue_dma source(%dma_start3A_70 : memref<128xi32, #tpu.memory_space<hbm>>) target(%arg7 : memref<128xi32, #tpu.memory_space<vmem>>) target_semaphore(%run_scoped3A : memref<!tpu.dma_semaphore, #tpu.memory_space<semaphore_mem>>)
          %dma_wait3A_71 = tpu.memref_slice %arg3[%mul3A_56] : memref<327680xi32, #tpu.memory_space<hbm>> -> memref<128xi32, #tpu.memory_space<hbm>>
          %dma_wait3A_72 = tpu.memref_slice %arg3[%mul3A_56] : memref<327680xi32, #tpu.memory_space<hbm>> -> memref<128xi32, #tpu.memory_space<hbm>>
          tpu.wait_dma2 semaphore(%run_scoped3A : memref<!tpu.dma_semaphore, #tpu.memory_space<semaphore_mem>>) src(%dma_wait3A_72 : memref<128xi32, #tpu.memory_space<hbm>>) dst(%arg7 : memref<128xi32, #tpu.memory_space<vmem>>)
          tpu.yield
        }) : () -> ()
        "tpu.region"() ({
          %run_scoped3A = tpu.sem_alloc : memref<!tpu.dma_semaphore, #tpu.memory_space<semaphore_mem>>
          %dma_start3A_69 = tpu.memref_slice %arg4[%mul3A_56] : memref<327680xi32, #tpu.memory_space<hbm>> -> memref<128xi32, #tpu.memory_space<hbm>>
          %dma_start3A_70 = tpu.memref_slice %arg4[%mul3A_56] : memref<327680xi32, #tpu.memory_space<hbm>> -> memref<128xi32, #tpu.memory_space<hbm>>
          tpu.enqueue_dma source(%dma_start3A_70 : memref<128xi32, #tpu.memory_space<hbm>>) target(%arg9 : memref<128xi32, #tpu.memory_space<vmem>>) target_semaphore(%run_scoped3A : memref<!tpu.dma_semaphore, #tpu.memory_space<semaphore_mem>>)
          %dma_wait3A_71 = tpu.memref_slice %arg4[%mul3A_56] : memref<327680xi32, #tpu.memory_space<hbm>> -> memref<128xi32, #tpu.memory_space<hbm>>
          %dma_wait3A_72 = tpu.memref_slice %arg4[%mul3A_56] : memref<327680xi32, #tpu.memory_space<hbm>> -> memref<128xi32, #tpu.memory_space<hbm>>
          tpu.wait_dma2 semaphore(%run_scoped3A : memref<!tpu.dma_semaphore, #tpu.memory_space<semaphore_mem>>) src(%dma_wait3A_72 : memref<128xi32, #tpu.memory_space<hbm>>) dst(%arg9 : memref<128xi32, #tpu.memory_space<vmem>>)
          tpu.yield
        }) : () -> ()
        %dma_start3A_57 = arith.constant 0 : i32
        %dma_start3A_58 = arith.constant 0 : i32
        %dma_start3A_59 = tpu.memref_slice %arg2[%dma_start3A_57, %dma_start3A_58] : memref<10240x128xf32, #tpu.memory_space<hbm>> -> memref<10240x128xf32, #tpu.memory_space<hbm>>
        tpu.enqueue_indirect_dma source(%dma_start3A_59 : memref<10240x128xf32, #tpu.memory_space<hbm>>) target(%arg11 : memref<128x128xf32, #tpu.memory_space<vmem>>) offsets(%arg7 : memref<128xi32, #tpu.memory_space<vmem>>) semaphore(%arg14 : memref<!tpu.dma_semaphore, #tpu.memory_space<semaphore_mem>>)
        %dma_wait3A = arith.constant 0 : i32
        %dma_wait3A_60 = arith.constant 0 : i32
        %dma_wait3A_61 = tpu.memref_slice %arg2[%dma_wait3A, %dma_wait3A_60] : memref<10240x128xf32, #tpu.memory_space<hbm>> -> memref<10240x128xf32, #tpu.memory_space<hbm>>
        tpu.wait_indirect_dma semaphore(%arg13 : memref<!tpu.dma_semaphore, #tpu.memory_space<semaphore_mem>>) src(%dma_wait3A_61 : memref<10240x128xf32, #tpu.memory_space<hbm>>) dst(%arg10 : memref<128x128xf32, #tpu.memory_space<vmem>>)
        "tpu.region"() ({
          %run_scoped3A = tpu.sem_alloc : memref<!tpu.dma_semaphore, #tpu.memory_space<semaphore_mem>>
          %dma_start3A_69 = arith.constant 0 : i32
          %dma_start3A_70 = arith.constant 0 : i32
          %dma_start3A_71 = tpu.memref_slice %arg12[%dma_start3A_69, %dma_start3A_70] : memref<10240x128xf32, #tpu.memory_space<vmem_shared>> -> memref<10240x128xf32, #tpu.memory_space<vmem_shared>>
          tpu.enqueue_indirect_dma source(%arg10 : memref<128x128xf32, #tpu.memory_space<vmem>>) target(%dma_start3A_71 : memref<10240x128xf32, #tpu.memory_space<vmem_shared>>) offsets(%arg8 : memref<128xi32, #tpu.memory_space<vmem>>) semaphore(%run_scoped3A : memref<!tpu.dma_semaphore, #tpu.memory_space<semaphore_mem>>) {add = true}
          %dma_wait3A_72 = arith.constant 0 : i32
          %dma_wait3A_73 = arith.constant 0 : i32
          %dma_wait3A_74 = tpu.memref_slice %arg12[%dma_wait3A_72, %dma_wait3A_73] : memref<10240x128xf32, #tpu.memory_space<vmem_shared>> -> memref<10240x128xf32, #tpu.memory_space<vmem_shared>>
          tpu.wait_indirect_dma semaphore(%run_scoped3A : memref<!tpu.dma_semaphore, #tpu.memory_space<semaphore_mem>>) src(%arg10 : memref<128x128xf32, #tpu.memory_space<vmem>>) dst(%dma_wait3A_74 : memref<10240x128xf32, #tpu.memory_space<vmem_shared>>)
          tpu.yield
        }) : () -> ()
        %lt3A = arith.constant 58 : i32
        %lt3A_62 = arith.cmpi slt, %scan3A_49, %lt3A : i32
        %convert_element_type3A_63 = arith.extui %lt3A_62 : i1 to i32
        %cond3A_64 = arith.constant 0 : i32
        %cond3A_65 = arith.cmpi ne, %convert_element_type3A_63, %cond3A_64 : i32
        scf.if %cond3A_65 {
          %mul3A_69 = arith.constant 2 : i32
          %mul3A_70 = arith.muli %mul3A_69, %scan3A_49 : i32
          %add3A_71 = arith.constant 2 : i32
          %add3A_72 = arith.addi %mul3A_70, %add3A_71 : i32
          %add3A_73 = arith.addi %mul3A_36, %add3A_72 : i32
          %mul3A_74 = arith.constant 128 : i32
          %mul3A_75 = arith.muli %add3A_73, %mul3A_74 : i32
          "tpu.region"() ({
            %run_scoped3A = tpu.sem_alloc : memref<!tpu.dma_semaphore, #tpu.memory_space<semaphore_mem>>
            %dma_start3A_79 = tpu.memref_slice %arg3[%mul3A_75] : memref<327680xi32, #tpu.memory_space<hbm>> -> memref<128xi32, #tpu.memory_space<hbm>>
            %dma_start3A_80 = tpu.memref_slice %arg3[%mul3A_75] : memref<327680xi32, #tpu.memory_space<hbm>> -> memref<128xi32, #tpu.memory_space<hbm>>
            tpu.enqueue_dma source(%dma_start3A_80 : memref<128xi32, #tpu.memory_space<hbm>>) target(%arg6 : memref<128xi32, #tpu.memory_space<vmem>>) target_semaphore(%run_scoped3A : memref<!tpu.dma_semaphore, #tpu.memory_space<semaphore_mem>>)
            %dma_wait3A_81 = tpu.memref_slice %arg3[%mul3A_75] : memref<327680xi32, #tpu.memory_space<hbm>> -> memref<128xi32, #tpu.memory_space<hbm>>
            %dma_wait3A_82 = tpu.memref_slice %arg3[%mul3A_75] : memref<327680xi32, #tpu.memory_space<hbm>> -> memref<128xi32, #tpu.memory_space<hbm>>
            tpu.wait_dma2 semaphore(%run_scoped3A : memref<!tpu.dma_semaphore, #tpu.memory_space<semaphore_mem>>) src(%dma_wait3A_82 : memref<128xi32, #tpu.memory_space<hbm>>) dst(%arg6 : memref<128xi32, #tpu.memory_space<vmem>>)
            tpu.yield
          }) : () -> ()
          "tpu.region"() ({
            %run_scoped3A = tpu.sem_alloc : memref<!tpu.dma_semaphore, #tpu.memory_space<semaphore_mem>>
            %dma_start3A_79 = tpu.memref_slice %arg4[%mul3A_75] : memref<327680xi32, #tpu.memory_space<hbm>> -> memref<128xi32, #tpu.memory_space<hbm>>
            %dma_start3A_80 = tpu.memref_slice %arg4[%mul3A_75] : memref<327680xi32, #tpu.memory_space<hbm>> -> memref<128xi32, #tpu.memory_space<hbm>>
            tpu.enqueue_dma source(%dma_start3A_80 : memref<128xi32, #tpu.memory_space<hbm>>) target(%arg8 : memref<128xi32, #tpu.memory_space<vmem>>) target_semaphore(%run_scoped3A : memref<!tpu.dma_semaphore, #tpu.memory_space<semaphore_mem>>)
            %dma_wait3A_81 = tpu.memref_slice %arg4[%mul3A_75] : memref<327680xi32, #tpu.memory_space<hbm>> -> memref<128xi32, #tpu.memory_space<hbm>>
            %dma_wait3A_82 = tpu.memref_slice %arg4[%mul3A_75] : memref<327680xi32, #tpu.memory_space<hbm>> -> memref<128xi32, #tpu.memory_space<hbm>>
            tpu.wait_dma2 semaphore(%run_scoped3A : memref<!tpu.dma_semaphore, #tpu.memory_space<semaphore_mem>>) src(%dma_wait3A_82 : memref<128xi32, #tpu.memory_space<hbm>>) dst(%arg8 : memref<128xi32, #tpu.memory_space<vmem>>)
            tpu.yield
          }) : () -> ()
          %dma_start3A_76 = arith.constant 0 : i32
          %dma_start3A_77 = arith.constant 0 : i32
          %dma_start3A_78 = tpu.memref_slice %arg2[%dma_start3A_76, %dma_start3A_77] : memref<10240x128xf32, #tpu.memory_space<hbm>> -> memref<10240x128xf32, #tpu.memory_space<hbm>>
          tpu.enqueue_indirect_dma source(%dma_start3A_78 : memref<10240x128xf32, #tpu.memory_space<hbm>>) target(%arg10 : memref<128x128xf32, #tpu.memory_space<vmem>>) offsets(%arg6 : memref<128xi32, #tpu.memory_space<vmem>>) semaphore(%arg13 : memref<!tpu.dma_semaphore, #tpu.memory_space<semaphore_mem>>)
        } else {
        }
        %dma_wait3A_66 = arith.constant 0 : i32
        %dma_wait3A_67 = arith.constant 0 : i32
        %dma_wait3A_68 = tpu.memref_slice %arg2[%dma_wait3A_66, %dma_wait3A_67] : memref<10240x128xf32, #tpu.memory_space<hbm>> -> memref<10240x128xf32, #tpu.memory_space<hbm>>
        tpu.wait_indirect_dma semaphore(%arg14 : memref<!tpu.dma_semaphore, #tpu.memory_space<semaphore_mem>>) src(%dma_wait3A_68 : memref<10240x128xf32, #tpu.memory_space<hbm>>) dst(%arg11 : memref<128x128xf32, #tpu.memory_space<vmem>>)
        "tpu.region"() ({
          %run_scoped3A = tpu.sem_alloc : memref<!tpu.dma_semaphore, #tpu.memory_space<semaphore_mem>>
          %dma_start3A_69 = arith.constant 0 : i32
          %dma_start3A_70 = arith.constant 0 : i32
          %dma_start3A_71 = tpu.memref_slice %arg12[%dma_start3A_69, %dma_start3A_70] : memref<10240x128xf32, #tpu.memory_space<vmem_shared>> -> memref<10240x128xf32, #tpu.memory_space<vmem_shared>>
          tpu.enqueue_indirect_dma source(%arg11 : memref<128x128xf32, #tpu.memory_space<vmem>>) target(%dma_start3A_71 : memref<10240x128xf32, #tpu.memory_space<vmem_shared>>) offsets(%arg9 : memref<128xi32, #tpu.memory_space<vmem>>) semaphore(%run_scoped3A : memref<!tpu.dma_semaphore, #tpu.memory_space<semaphore_mem>>) {add = true}
          %dma_wait3A_72 = arith.constant 0 : i32
          %dma_wait3A_73 = arith.constant 0 : i32
          %dma_wait3A_74 = tpu.memref_slice %arg12[%dma_wait3A_72, %dma_wait3A_73] : memref<10240x128xf32, #tpu.memory_space<vmem_shared>> -> memref<10240x128xf32, #tpu.memory_space<vmem_shared>>
          tpu.wait_indirect_dma semaphore(%run_scoped3A : memref<!tpu.dma_semaphore, #tpu.memory_space<semaphore_mem>>) src(%arg11 : memref<128x128xf32, #tpu.memory_space<vmem>>) dst(%dma_wait3A_74 : memref<10240x128xf32, #tpu.memory_space<vmem_shared>>)
          tpu.yield
        }) : () -> ()
      }
      %scan3A_48 = arith.constant 59 : i32
    } else {
    }
    %eq3A_25 = arith.constant 1 : i32
    %eq3A_26 = arith.cmpi eq, %arg0, %eq3A_25 : i32
    %convert_element_type3A_27 = arith.extui %eq3A_26 : i1 to i32
    %cond3A_28 = arith.constant 0 : i32
    %cond3A_29 = arith.cmpi ne, %convert_element_type3A_27, %cond3A_28 : i32
    scf.if %cond3A_29 {
      %mul3A_35 = arith.constant 160 : i32
      %mul3A_36 = arith.muli %arg1, %mul3A_35 : i32
      %add3A_37 = arith.constant 118 : i32
      %add3A_38 = arith.addi %mul3A_36, %add3A_37 : i32
      %add3A_39 = arith.constant 0 : i32
      %add3A_40 = arith.addi %add3A_38, %add3A_39 : i32
      %mul3A_41 = arith.constant 128 : i32
      %mul3A_42 = arith.muli %add3A_40, %mul3A_41 : i32
      "tpu.region"() ({
        %run_scoped3A = tpu.sem_alloc : memref<!tpu.dma_semaphore, #tpu.memory_space<semaphore_mem>>
        %dma_start3A_51 = tpu.memref_slice %arg3[%mul3A_42] : memref<327680xi32, #tpu.memory_space<hbm>> -> memref<128xi32, #tpu.memory_space<hbm>>
        %dma_start3A_52 = tpu.memref_slice %arg3[%mul3A_42] : memref<327680xi32, #tpu.memory_space<hbm>> -> memref<128xi32, #tpu.memory_space<hbm>>
        tpu.enqueue_dma source(%dma_start3A_52 : memref<128xi32, #tpu.memory_space<hbm>>) target(%arg6 : memref<128xi32, #tpu.memory_space<vmem>>) target_semaphore(%run_scoped3A : memref<!tpu.dma_semaphore, #tpu.memory_space<semaphore_mem>>)
        %dma_wait3A = tpu.memref_slice %arg3[%mul3A_42] : memref<327680xi32, #tpu.memory_space<hbm>> -> memref<128xi32, #tpu.memory_space<hbm>>
        %dma_wait3A_53 = tpu.memref_slice %arg3[%mul3A_42] : memref<327680xi32, #tpu.memory_space<hbm>> -> memref<128xi32, #tpu.memory_space<hbm>>
        tpu.wait_dma2 semaphore(%run_scoped3A : memref<!tpu.dma_semaphore, #tpu.memory_space<semaphore_mem>>) src(%dma_wait3A_53 : memref<128xi32, #tpu.memory_space<hbm>>) dst(%arg6 : memref<128xi32, #tpu.memory_space<vmem>>)
        tpu.yield
      }) : () -> ()
      "tpu.region"() ({
        %run_scoped3A = tpu.sem_alloc : memref<!tpu.dma_semaphore, #tpu.memory_space<semaphore_mem>>
        %dma_start3A_51 = tpu.memref_slice %arg4[%mul3A_42] : memref<327680xi32, #tpu.memory_space<hbm>> -> memref<128xi32, #tpu.memory_space<hbm>>
        %dma_start3A_52 = tpu.memref_slice %arg4[%mul3A_42] : memref<327680xi32, #tpu.memory_space<hbm>> -> memref<128xi32, #tpu.memory_space<hbm>>
        tpu.enqueue_dma source(%dma_start3A_52 : memref<128xi32, #tpu.memory_space<hbm>>) target(%arg8 : memref<128xi32, #tpu.memory_space<vmem>>) target_semaphore(%run_scoped3A : memref<!tpu.dma_semaphore, #tpu.memory_space<semaphore_mem>>)
        %dma_wait3A = tpu.memref_slice %arg4[%mul3A_42] : memref<327680xi32, #tpu.memory_space<hbm>> -> memref<128xi32, #tpu.memory_space<hbm>>
        %dma_wait3A_53 = tpu.memref_slice %arg4[%mul3A_42] : memref<327680xi32, #tpu.memory_space<hbm>> -> memref<128xi32, #tpu.memory_space<hbm>>
        tpu.wait_dma2 semaphore(%run_scoped3A : memref<!tpu.dma_semaphore, #tpu.memory_space<semaphore_mem>>) src(%dma_wait3A_53 : memref<128xi32, #tpu.memory_space<hbm>>) dst(%arg8 : memref<128xi32, #tpu.memory_space<vmem>>)
        tpu.yield
      }) : () -> ()
      %dma_start3A = arith.constant 0 : i32
      %dma_start3A_43 = arith.constant 0 : i32
      %dma_start3A_44 = tpu.memref_slice %arg2[%dma_start3A, %dma_start3A_43] : memref<10240x128xf32, #tpu.memory_space<hbm>> -> memref<10240x128xf32, #tpu.memory_space<hbm>>
      tpu.enqueue_indirect_dma source(%dma_start3A_44 : memref<10240x128xf32, #tpu.memory_space<hbm>>) target(%arg10 : memref<128x128xf32, #tpu.memory_space<vmem>>) offsets(%arg6 : memref<128xi32, #tpu.memory_space<vmem>>) semaphore(%arg13 : memref<!tpu.dma_semaphore, #tpu.memory_space<semaphore_mem>>)
      %scan3A_45 = arith.constant 0 : i32
      %scan3A_46 = arith.constant 0 : i32
      %scan3A_47 = arith.constant 21 : i32
      %scan3A_48 = arith.addi %scan3A_46, %scan3A_47 : i32
      %scan3A_49 = arith.constant 1 : i32
      scf.for %scan3A_51 = %scan3A_46 to %scan3A_48 step %scan3A_49  : i32 {
        %mul3A_52 = arith.constant 2 : i32
        %mul3A_53 = arith.muli %mul3A_52, %scan3A_51 : i32
        %add3A_54 = arith.constant 1 : i32
        %add3A_55 = arith.addi %mul3A_53, %add3A_54 : i32
        %add3A_56 = arith.addi %add3A_38, %add3A_55 : i32
        %mul3A_57 = arith.constant 128 : i32
        %mul3A_58 = arith.muli %add3A_56, %mul3A_57 : i32
        "tpu.region"() ({
          %run_scoped3A = tpu.sem_alloc : memref<!tpu.dma_semaphore, #tpu.memory_space<semaphore_mem>>
          %dma_start3A_71 = tpu.memref_slice %arg3[%mul3A_58] : memref<327680xi32, #tpu.memory_space<hbm>> -> memref<128xi32, #tpu.memory_space<hbm>>
          %dma_start3A_72 = tpu.memref_slice %arg3[%mul3A_58] : memref<327680xi32, #tpu.memory_space<hbm>> -> memref<128xi32, #tpu.memory_space<hbm>>
          tpu.enqueue_dma source(%dma_start3A_72 : memref<128xi32, #tpu.memory_space<hbm>>) target(%arg7 : memref<128xi32, #tpu.memory_space<vmem>>) target_semaphore(%run_scoped3A : memref<!tpu.dma_semaphore, #tpu.memory_space<semaphore_mem>>)
          %dma_wait3A_73 = tpu.memref_slice %arg3[%mul3A_58] : memref<327680xi32, #tpu.memory_space<hbm>> -> memref<128xi32, #tpu.memory_space<hbm>>
          %dma_wait3A_74 = tpu.memref_slice %arg3[%mul3A_58] : memref<327680xi32, #tpu.memory_space<hbm>> -> memref<128xi32, #tpu.memory_space<hbm>>
          tpu.wait_dma2 semaphore(%run_scoped3A : memref<!tpu.dma_semaphore, #tpu.memory_space<semaphore_mem>>) src(%dma_wait3A_74 : memref<128xi32, #tpu.memory_space<hbm>>) dst(%arg7 : memref<128xi32, #tpu.memory_space<vmem>>)
          tpu.yield
        }) : () -> ()
        "tpu.region"() ({
          %run_scoped3A = tpu.sem_alloc : memref<!tpu.dma_semaphore, #tpu.memory_space<semaphore_mem>>
          %dma_start3A_71 = tpu.memref_slice %arg4[%mul3A_58] : memref<327680xi32, #tpu.memory_space<hbm>> -> memref<128xi32, #tpu.memory_space<hbm>>
          %dma_start3A_72 = tpu.memref_slice %arg4[%mul3A_58] : memref<327680xi32, #tpu.memory_space<hbm>> -> memref<128xi32, #tpu.memory_space<hbm>>
          tpu.enqueue_dma source(%dma_start3A_72 : memref<128xi32, #tpu.memory_space<hbm>>) target(%arg9 : memref<128xi32, #tpu.memory_space<vmem>>) target_semaphore(%run_scoped3A : memref<!tpu.dma_semaphore, #tpu.memory_space<semaphore_mem>>)
          %dma_wait3A_73 = tpu.memref_slice %arg4[%mul3A_58] : memref<327680xi32, #tpu.memory_space<hbm>> -> memref<128xi32, #tpu.memory_space<hbm>>
          %dma_wait3A_74 = tpu.memref_slice %arg4[%mul3A_58] : memref<327680xi32, #tpu.memory_space<hbm>> -> memref<128xi32, #tpu.memory_space<hbm>>
          tpu.wait_dma2 semaphore(%run_scoped3A : memref<!tpu.dma_semaphore, #tpu.memory_space<semaphore_mem>>) src(%dma_wait3A_74 : memref<128xi32, #tpu.memory_space<hbm>>) dst(%arg9 : memref<128xi32, #tpu.memory_space<vmem>>)
          tpu.yield
        }) : () -> ()
        %dma_start3A_59 = arith.constant 0 : i32
        %dma_start3A_60 = arith.constant 0 : i32
        %dma_start3A_61 = tpu.memref_slice %arg2[%dma_start3A_59, %dma_start3A_60] : memref<10240x128xf32, #tpu.memory_space<hbm>> -> memref<10240x128xf32, #tpu.memory_space<hbm>>
        tpu.enqueue_indirect_dma source(%dma_start3A_61 : memref<10240x128xf32, #tpu.memory_space<hbm>>) target(%arg11 : memref<128x128xf32, #tpu.memory_space<vmem>>) offsets(%arg7 : memref<128xi32, #tpu.memory_space<vmem>>) semaphore(%arg14 : memref<!tpu.dma_semaphore, #tpu.memory_space<semaphore_mem>>)
        %dma_wait3A = arith.constant 0 : i32
        %dma_wait3A_62 = arith.constant 0 : i32
        %dma_wait3A_63 = tpu.memref_slice %arg2[%dma_wait3A, %dma_wait3A_62] : memref<10240x128xf32, #tpu.memory_space<hbm>> -> memref<10240x128xf32, #tpu.memory_space<hbm>>
        tpu.wait_indirect_dma semaphore(%arg13 : memref<!tpu.dma_semaphore, #tpu.memory_space<semaphore_mem>>) src(%dma_wait3A_63 : memref<10240x128xf32, #tpu.memory_space<hbm>>) dst(%arg10 : memref<128x128xf32, #tpu.memory_space<vmem>>)
        "tpu.region"() ({
          %run_scoped3A = tpu.sem_alloc : memref<!tpu.dma_semaphore, #tpu.memory_space<semaphore_mem>>
          %dma_start3A_71 = arith.constant 0 : i32
          %dma_start3A_72 = arith.constant 0 : i32
          %dma_start3A_73 = tpu.memref_slice %arg12[%dma_start3A_71, %dma_start3A_72] : memref<10240x128xf32, #tpu.memory_space<vmem_shared>> -> memref<10240x128xf32, #tpu.memory_space<vmem_shared>>
          tpu.enqueue_indirect_dma source(%arg10 : memref<128x128xf32, #tpu.memory_space<vmem>>) target(%dma_start3A_73 : memref<10240x128xf32, #tpu.memory_space<vmem_shared>>) offsets(%arg8 : memref<128xi32, #tpu.memory_space<vmem>>) semaphore(%run_scoped3A : memref<!tpu.dma_semaphore, #tpu.memory_space<semaphore_mem>>) {add = true}
          %dma_wait3A_74 = arith.constant 0 : i32
          %dma_wait3A_75 = arith.constant 0 : i32
          %dma_wait3A_76 = tpu.memref_slice %arg12[%dma_wait3A_74, %dma_wait3A_75] : memref<10240x128xf32, #tpu.memory_space<vmem_shared>> -> memref<10240x128xf32, #tpu.memory_space<vmem_shared>>
          tpu.wait_indirect_dma semaphore(%run_scoped3A : memref<!tpu.dma_semaphore, #tpu.memory_space<semaphore_mem>>) src(%arg10 : memref<128x128xf32, #tpu.memory_space<vmem>>) dst(%dma_wait3A_76 : memref<10240x128xf32, #tpu.memory_space<vmem_shared>>)
          tpu.yield
        }) : () -> ()
        %lt3A = arith.constant 20 : i32
        %lt3A_64 = arith.cmpi slt, %scan3A_51, %lt3A : i32
        %convert_element_type3A_65 = arith.extui %lt3A_64 : i1 to i32
        %cond3A_66 = arith.constant 0 : i32
        %cond3A_67 = arith.cmpi ne, %convert_element_type3A_65, %cond3A_66 : i32
        scf.if %cond3A_67 {
          %mul3A_71 = arith.constant 2 : i32
          %mul3A_72 = arith.muli %mul3A_71, %scan3A_51 : i32
          %add3A_73 = arith.constant 2 : i32
          %add3A_74 = arith.addi %mul3A_72, %add3A_73 : i32
          %add3A_75 = arith.addi %add3A_38, %add3A_74 : i32
          %mul3A_76 = arith.constant 128 : i32
          %mul3A_77 = arith.muli %add3A_75, %mul3A_76 : i32
          "tpu.region"() ({
            %run_scoped3A = tpu.sem_alloc : memref<!tpu.dma_semaphore, #tpu.memory_space<semaphore_mem>>
            %dma_start3A_81 = tpu.memref_slice %arg3[%mul3A_77] : memref<327680xi32, #tpu.memory_space<hbm>> -> memref<128xi32, #tpu.memory_space<hbm>>
            %dma_start3A_82 = tpu.memref_slice %arg3[%mul3A_77] : memref<327680xi32, #tpu.memory_space<hbm>> -> memref<128xi32, #tpu.memory_space<hbm>>
            tpu.enqueue_dma source(%dma_start3A_82 : memref<128xi32, #tpu.memory_space<hbm>>) target(%arg6 : memref<128xi32, #tpu.memory_space<vmem>>) target_semaphore(%run_scoped3A : memref<!tpu.dma_semaphore, #tpu.memory_space<semaphore_mem>>)
            %dma_wait3A_83 = tpu.memref_slice %arg3[%mul3A_77] : memref<327680xi32, #tpu.memory_space<hbm>> -> memref<128xi32, #tpu.memory_space<hbm>>
            %dma_wait3A_84 = tpu.memref_slice %arg3[%mul3A_77] : memref<327680xi32, #tpu.memory_space<hbm>> -> memref<128xi32, #tpu.memory_space<hbm>>
            tpu.wait_dma2 semaphore(%run_scoped3A : memref<!tpu.dma_semaphore, #tpu.memory_space<semaphore_mem>>) src(%dma_wait3A_84 : memref<128xi32, #tpu.memory_space<hbm>>) dst(%arg6 : memref<128xi32, #tpu.memory_space<vmem>>)
            tpu.yield
          }) : () -> ()
          "tpu.region"() ({
            %run_scoped3A = tpu.sem_alloc : memref<!tpu.dma_semaphore, #tpu.memory_space<semaphore_mem>>
            %dma_start3A_81 = tpu.memref_slice %arg4[%mul3A_77] : memref<327680xi32, #tpu.memory_space<hbm>> -> memref<128xi32, #tpu.memory_space<hbm>>
            %dma_start3A_82 = tpu.memref_slice %arg4[%mul3A_77] : memref<327680xi32, #tpu.memory_space<hbm>> -> memref<128xi32, #tpu.memory_space<hbm>>
            tpu.enqueue_dma source(%dma_start3A_82 : memref<128xi32, #tpu.memory_space<hbm>>) target(%arg8 : memref<128xi32, #tpu.memory_space<vmem>>) target_semaphore(%run_scoped3A : memref<!tpu.dma_semaphore, #tpu.memory_space<semaphore_mem>>)
            %dma_wait3A_83 = tpu.memref_slice %arg4[%mul3A_77] : memref<327680xi32, #tpu.memory_space<hbm>> -> memref<128xi32, #tpu.memory_space<hbm>>
            %dma_wait3A_84 = tpu.memref_slice %arg4[%mul3A_77] : memref<327680xi32, #tpu.memory_space<hbm>> -> memref<128xi32, #tpu.memory_space<hbm>>
            tpu.wait_dma2 semaphore(%run_scoped3A : memref<!tpu.dma_semaphore, #tpu.memory_space<semaphore_mem>>) src(%dma_wait3A_84 : memref<128xi32, #tpu.memory_space<hbm>>) dst(%arg8 : memref<128xi32, #tpu.memory_space<vmem>>)
            tpu.yield
          }) : () -> ()
          %dma_start3A_78 = arith.constant 0 : i32
          %dma_start3A_79 = arith.constant 0 : i32
          %dma_start3A_80 = tpu.memref_slice %arg2[%dma_start3A_78, %dma_start3A_79] : memref<10240x128xf32, #tpu.memory_space<hbm>> -> memref<10240x128xf32, #tpu.memory_space<hbm>>
          tpu.enqueue_indirect_dma source(%dma_start3A_80 : memref<10240x128xf32, #tpu.memory_space<hbm>>) target(%arg10 : memref<128x128xf32, #tpu.memory_space<vmem>>) offsets(%arg6 : memref<128xi32, #tpu.memory_space<vmem>>) semaphore(%arg13 : memref<!tpu.dma_semaphore, #tpu.memory_space<semaphore_mem>>)
        } else {
        }
        %dma_wait3A_68 = arith.constant 0 : i32
        %dma_wait3A_69 = arith.constant 0 : i32
        %dma_wait3A_70 = tpu.memref_slice %arg2[%dma_wait3A_68, %dma_wait3A_69] : memref<10240x128xf32, #tpu.memory_space<hbm>> -> memref<10240x128xf32, #tpu.memory_space<hbm>>
        tpu.wait_indirect_dma semaphore(%arg14 : memref<!tpu.dma_semaphore, #tpu.memory_space<semaphore_mem>>) src(%dma_wait3A_70 : memref<10240x128xf32, #tpu.memory_space<hbm>>) dst(%arg11 : memref<128x128xf32, #tpu.memory_space<vmem>>)
        "tpu.region"() ({
          %run_scoped3A = tpu.sem_alloc : memref<!tpu.dma_semaphore, #tpu.memory_space<semaphore_mem>>
          %dma_start3A_71 = arith.constant 0 : i32
          %dma_start3A_72 = arith.constant 0 : i32
          %dma_start3A_73 = tpu.memref_slice %arg12[%dma_start3A_71, %dma_start3A_72] : memref<10240x128xf32, #tpu.memory_space<vmem_shared>> -> memref<10240x128xf32, #tpu.memory_space<vmem_shared>>
          tpu.enqueue_indirect_dma source(%arg11 : memref<128x128xf32, #tpu.memory_space<vmem>>) target(%dma_start3A_73 : memref<10240x128xf32, #tpu.memory_space<vmem_shared>>) offsets(%arg9 : memref<128xi32, #tpu.memory_space<vmem>>) semaphore(%run_scoped3A : memref<!tpu.dma_semaphore, #tpu.memory_space<semaphore_mem>>) {add = true}
          %dma_wait3A_74 = arith.constant 0 : i32
          %dma_wait3A_75 = arith.constant 0 : i32
          %dma_wait3A_76 = tpu.memref_slice %arg12[%dma_wait3A_74, %dma_wait3A_75] : memref<10240x128xf32, #tpu.memory_space<vmem_shared>> -> memref<10240x128xf32, #tpu.memory_space<vmem_shared>>
          tpu.wait_indirect_dma semaphore(%run_scoped3A : memref<!tpu.dma_semaphore, #tpu.memory_space<semaphore_mem>>) src(%arg11 : memref<128x128xf32, #tpu.memory_space<vmem>>) dst(%dma_wait3A_76 : memref<10240x128xf32, #tpu.memory_space<vmem_shared>>)
          tpu.yield
        }) : () -> ()
      }
      %scan3A_50 = arith.constant 21 : i32
    } else {
    }
    %barrier3A_30 = arith.constant 0 : index
    tpu.barrier barrier_id(%barrier3A_30)
    %mul3A_31 = arith.constant 640 : i32
    %mul3A_32 = arith.muli %arg1, %mul3A_31 : i32
    %mul3A_33 = arith.constant 640 : i32
    %mul3A_34 = arith.muli %arg1, %mul3A_33 : i32
    "tpu.region"() ({
      %run_scoped3A = tpu.sem_alloc : memref<!tpu.dma_semaphore, #tpu.memory_space<semaphore_mem>>
      %dma_start3A = arith.constant 0 : i32
      %dma_start3A_35 = tpu.memref_slice %arg5[%arg0, %mul3A_34, %dma_start3A] : memref<2x10240x128xf32, #tpu.memory_space<hbm>> -> memref<1x640x128xf32, #tpu.memory_space<hbm>>
      %dma_start3A_36 = tpu.memref_squeeze %dma_start3A_35 : memref<1x640x128xf32, #tpu.memory_space<hbm>> -> memref<640x128xf32, #tpu.memory_space<hbm>>
      %dma_start3A_37 = arith.constant 0 : i32
      %dma_start3A_38 = tpu.memref_slice %arg12[%mul3A_32, %dma_start3A_37] : memref<10240x128xf32, #tpu.memory_space<vmem_shared>> -> memref<640x128xf32, #tpu.memory_space<vmem_shared>>
      tpu.enqueue_dma source(%dma_start3A_38 : memref<640x128xf32, #tpu.memory_space<vmem_shared>>) target(%dma_start3A_36 : memref<640x128xf32, #tpu.memory_space<hbm>>) target_semaphore(%run_scoped3A : memref<!tpu.dma_semaphore, #tpu.memory_space<semaphore_mem>>)
      %dma_wait3A = arith.constant 0 : i32
      %dma_wait3A_39 = tpu.memref_slice %arg5[%arg0, %mul3A_34, %dma_wait3A] : memref<2x10240x128xf32, #tpu.memory_space<hbm>> -> memref<1x640x128xf32, #tpu.memory_space<hbm>>
      %dma_wait3A_40 = tpu.memref_squeeze %dma_wait3A_39 : memref<1x640x128xf32, #tpu.memory_space<hbm>> -> memref<640x128xf32, #tpu.memory_space<hbm>>
      %dma_wait3A_41 = arith.constant 0 : i32
      %dma_wait3A_42 = tpu.memref_slice %arg12[%mul3A_32, %dma_wait3A_41] : memref<10240x128xf32, #tpu.memory_space<vmem_shared>> -> memref<640x128xf32, #tpu.memory_space<vmem_shared>>
      tpu.wait_dma2 semaphore(%run_scoped3A : memref<!tpu.dma_semaphore, #tpu.memory_space<semaphore_mem>>) src(%dma_wait3A_42 : memref<640x128xf32, #tpu.memory_space<vmem_shared>>) dst(%dma_wait3A_40 : memref<640x128xf32, #tpu.memory_space<hbm>>)
      tpu.yield
    }) : () -> ()
    return
  }
}

#map = affine_map<(d0, d1) -> (0, 0)>
#map1 = affine_map<(d0, d1) -> (0)>
#map2 = affine_map<(d0, d1) -> (0, 0, 0)>
module attributes {stable_mosaic.version = 14 : i64} {
  func.func @sc_spmm(%arg0: i32, %arg1: i32, %arg2: memref<10240x128xf32, #tpu.memory_space<hbm>>, %arg3: memref<327680xi32, #tpu.memory_space<hbm>>, %arg4: memref<327680xi32, #tpu.memory_space<hbm>>, %arg5: memref<2x10240x128xf32, #tpu.memory_space<hbm>>, %arg6: memref<128xi32, #tpu.memory_space<vmem>>, %arg7: memref<128xi32, #tpu.memory_space<vmem>>, %arg8: memref<128xi32, #tpu.memory_space<vmem>>, %arg9: memref<128xi32, #tpu.memory_space<vmem>>, %arg10: memref<128x128xf32, #tpu.memory_space<vmem>>, %arg11: memref<128x128xf32, #tpu.memory_space<vmem>>, %arg12: memref<10240x128xf32, #tpu.memory_space<vmem_shared>>, %arg13: memref<!tpu.dma_semaphore, #tpu.memory_space<semaphore_mem>>, %arg14: memref<!tpu.dma_semaphore, #tpu.memory_space<semaphore_mem>>) attributes {dimension_semantics = [#tpu.dimension_semantics<core_parallel>, #tpu.dimension_semantics<subcore_parallel>], iteration_bounds = array<i64: 2, 16>, scalar_prefetch = 0 : i64, scratch_operands = 9 : i64, tpu.core_type = #tpu.core_type<sc_vector_subcore>, window_params = [{transform_indices = #map}, {transform_indices = #map1}, {transform_indices = #map1}, {transform_indices = #map2}]} {
    %scan3A = arith.constant 0 : i32
    %scan3A_0 = arith.constant 0 : i32
    %scan3A_1 = arith.constant 128 : i32
    %scan3A_2 = arith.addi %scan3A_0, %scan3A_1 : i32
    %scan3A_3 = arith.constant 1 : i32
    scf.for %scan3A_35 = %scan3A_0 to %scan3A_2 step %scan3A_3  : i32 {
      %broadcast_in_dim3A = arith.constant 0.000000e+00 : f32
      %broadcast_in_dim3A_36 = vector.broadcast %broadcast_in_dim3A : f32 to vector<16xf32>
      %swap3A = arith.index_cast %scan3A_35 : i32 to index
      %swap3A_37 = arith.constant 0 : index
      %swap3A_38 = tpu.vector_load %arg10[%swap3A, %swap3A_37] {strides = array<i32>} : memref<128x128xf32, #tpu.memory_space<vmem>>, vector<1x16xf32>,
      %swap3A_39 = vector.shape_cast %swap3A_38 : vector<1x16xf32> to vector<16xf32>
      %swap3A_40 = vector.shape_cast %broadcast_in_dim3A_36 : vector<16xf32> to vector<1x16xf32>
      tpu.vector_store %arg10[%swap3A, %swap3A_37], %swap3A_40 {strides = array<i32>} : memref<128x128xf32, #tpu.memory_space<vmem>>, vector<1x16xf32>,
      %broadcast_in_dim3A_41 = arith.constant 0.000000e+00 : f32
      %broadcast_in_dim3A_42 = vector.broadcast %broadcast_in_dim3A_41 : f32 to vector<16xf32>
      %swap3A_43 = arith.index_cast %scan3A_35 : i32 to index
      %swap3A_44 = arith.constant 16 : index
      %swap3A_45 = tpu.vector_load %arg10[%swap3A_43, %swap3A_44] {strides = array<i32>} : memref<128x128xf32, #tpu.memory_space<vmem>>, vector<1x16xf32>,
      %swap3A_46 = vector.shape_cast %swap3A_45 : vector<1x16xf32> to vector<16xf32>
      %swap3A_47 = vector.shape_cast %broadcast_in_dim3A_42 : vector<16xf32> to vector<1x16xf32>
      tpu.vector_store %arg10[%swap3A_43, %swap3A_44], %swap3A_47 {strides = array<i32>} : memref<128x128xf32, #tpu.memory_space<vmem>>, vector<1x16xf32>,
      %broadcast_in_dim3A_48 = arith.constant 0.000000e+00 : f32
      %broadcast_in_dim3A_49 = vector.broadcast %broadcast_in_dim3A_48 : f32 to vector<16xf32>
      %swap3A_50 = arith.index_cast %scan3A_35 : i32 to index
      %swap3A_51 = arith.constant 32 : index
      %swap3A_52 = tpu.vector_load %arg10[%swap3A_50, %swap3A_51] {strides = array<i32>} : memref<128x128xf32, #tpu.memory_space<vmem>>, vector<1x16xf32>,
      %swap3A_53 = vector.shape_cast %swap3A_52 : vector<1x16xf32> to vector<16xf32>
      %swap3A_54 = vector.shape_cast %broadcast_in_dim3A_49 : vector<16xf32> to vector<1x16xf32>
      tpu.vector_store %arg10[%swap3A_50, %swap3A_51], %swap3A_54 {strides = array<i32>} : memref<128x128xf32, #tpu.memory_space<vmem>>, vector<1x16xf32>,
      %broadcast_in_dim3A_55 = arith.constant 0.000000e+00 : f32
      %broadcast_in_dim3A_56 = vector.broadcast %broadcast_in_dim3A_55 : f32 to vector<16xf32>
      %swap3A_57 = arith.index_cast %scan3A_35 : i32 to index
      %swap3A_58 = arith.constant 48 : index
      %swap3A_59 = tpu.vector_load %arg10[%swap3A_57, %swap3A_58] {strides = array<i32>} : memref<128x128xf32, #tpu.memory_space<vmem>>, vector<1x16xf32>,
      %swap3A_60 = vector.shape_cast %swap3A_59 : vector<1x16xf32> to vector<16xf32>
      %swap3A_61 = vector.shape_cast %broadcast_in_dim3A_56 : vector<16xf32> to vector<1x16xf32>
      tpu.vector_store %arg10[%swap3A_57, %swap3A_58], %swap3A_61 {strides = array<i32>} : memref<128x128xf32, #tpu.memory_space<vmem>>, vector<1x16xf32>,
      %broadcast_in_dim3A_62 = arith.constant 0.000000e+00 : f32
      %broadcast_in_dim3A_63 = vector.broadcast %broadcast_in_dim3A_62 : f32 to vector<16xf32>
      %swap3A_64 = arith.index_cast %scan3A_35 : i32 to index
      %swap3A_65 = arith.constant 64 : index
      %swap3A_66 = tpu.vector_load %arg10[%swap3A_64, %swap3A_65] {strides = array<i32>} : memref<128x128xf32, #tpu.memory_space<vmem>>, vector<1x16xf32>,
      %swap3A_67 = vector.shape_cast %swap3A_66 : vector<1x16xf32> to vector<16xf32>
      %swap3A_68 = vector.shape_cast %broadcast_in_dim3A_63 : vector<16xf32> to vector<1x16xf32>
      tpu.vector_store %arg10[%swap3A_64, %swap3A_65], %swap3A_68 {strides = array<i32>} : memref<128x128xf32, #tpu.memory_space<vmem>>, vector<1x16xf32>,
      %broadcast_in_dim3A_69 = arith.constant 0.000000e+00 : f32
      %broadcast_in_dim3A_70 = vector.broadcast %broadcast_in_dim3A_69 : f32 to vector<16xf32>
      %swap3A_71 = arith.index_cast %scan3A_35 : i32 to index
      %swap3A_72 = arith.constant 80 : index
      %swap3A_73 = tpu.vector_load %arg10[%swap3A_71, %swap3A_72] {strides = array<i32>} : memref<128x128xf32, #tpu.memory_space<vmem>>, vector<1x16xf32>,
      %swap3A_74 = vector.shape_cast %swap3A_73 : vector<1x16xf32> to vector<16xf32>
      %swap3A_75 = vector.shape_cast %broadcast_in_dim3A_70 : vector<16xf32> to vector<1x16xf32>
      tpu.vector_store %arg10[%swap3A_71, %swap3A_72], %swap3A_75 {strides = array<i32>} : memref<128x128xf32, #tpu.memory_space<vmem>>, vector<1x16xf32>,
      %broadcast_in_dim3A_76 = arith.constant 0.000000e+00 : f32
      %broadcast_in_dim3A_77 = vector.broadcast %broadcast_in_dim3A_76 : f32 to vector<16xf32>
      %swap3A_78 = arith.index_cast %scan3A_35 : i32 to index
      %swap3A_79 = arith.constant 96 : index
      %swap3A_80 = tpu.vector_load %arg10[%swap3A_78, %swap3A_79] {strides = array<i32>} : memref<128x128xf32, #tpu.memory_space<vmem>>, vector<1x16xf32>,
      %swap3A_81 = vector.shape_cast %swap3A_80 : vector<1x16xf32> to vector<16xf32>
      %swap3A_82 = vector.shape_cast %broadcast_in_dim3A_77 : vector<16xf32> to vector<1x16xf32>
      tpu.vector_store %arg10[%swap3A_78, %swap3A_79], %swap3A_82 {strides = array<i32>} : memref<128x128xf32, #tpu.memory_space<vmem>>, vector<1x16xf32>,
      %broadcast_in_dim3A_83 = arith.constant 0.000000e+00 : f32
      %broadcast_in_dim3A_84 = vector.broadcast %broadcast_in_dim3A_83 : f32 to vector<16xf32>
      %swap3A_85 = arith.index_cast %scan3A_35 : i32 to index
      %swap3A_86 = arith.constant 112 : index
      %swap3A_87 = tpu.vector_load %arg10[%swap3A_85, %swap3A_86] {strides = array<i32>} : memref<128x128xf32, #tpu.memory_space<vmem>>, vector<1x16xf32>,
      %swap3A_88 = vector.shape_cast %swap3A_87 : vector<1x16xf32> to vector<16xf32>
      %swap3A_89 = vector.shape_cast %broadcast_in_dim3A_84 : vector<16xf32> to vector<1x16xf32>
      tpu.vector_store %arg10[%swap3A_85, %swap3A_86], %swap3A_89 {strides = array<i32>} : memref<128x128xf32, #tpu.memory_space<vmem>>, vector<1x16xf32>,
    }
    %scan3A_4 = arith.constant 128 : i32
    %mul3A = arith.constant 640 : i32
    %mul3A_5 = arith.muli %arg1, %mul3A : i32
    %add3A = arith.constant 0 : i32
    %add3A_6 = arith.addi %mul3A_5, %add3A : i32
    "tpu.region"() ({
      %run_scoped3A = tpu.sem_alloc : memref<!tpu.dma_semaphore, #tpu.memory_space<semaphore_mem>>
      %dma_start3A = arith.constant 0 : i32
      %dma_start3A_35 = tpu.memref_slice %arg12[%add3A_6, %dma_start3A] : memref<10240x128xf32, #tpu.memory_space<vmem_shared>> -> memref<128x128xf32, #tpu.memory_space<vmem_shared>>
      %dma_start3A_36 = arith.constant 0 : i32
      %dma_start3A_37 = tpu.memref_slice %arg12[%add3A_6, %dma_start3A_36] : memref<10240x128xf32, #tpu.memory_space<vmem_shared>> -> memref<128x128xf32, #tpu.memory_space<vmem_shared>>
      tpu.enqueue_dma source(%arg10 : memref<128x128xf32, #tpu.memory_space<vmem>>) target(%dma_start3A_37 : memref<128x128xf32, #tpu.memory_space<vmem_shared>>) target_semaphore(%run_scoped3A : memref<!tpu.dma_semaphore, #tpu.memory_space<semaphore_mem>>)
      %dma_wait3A = arith.constant 0 : i32
      %dma_wait3A_38 = tpu.memref_slice %arg12[%add3A_6, %dma_wait3A] : memref<10240x128xf32, #tpu.memory_space<vmem_shared>> -> memref<128x128xf32, #tpu.memory_space<vmem_shared>>
      %dma_wait3A_39 = arith.constant 0 : i32
      %dma_wait3A_40 = tpu.memref_slice %arg12[%add3A_6, %dma_wait3A_39] : memref<10240x128xf32, #tpu.memory_space<vmem_shared>> -> memref<128x128xf32, #tpu.memory_space<vmem_shared>>
      tpu.wait_dma2 semaphore(%run_scoped3A : memref<!tpu.dma_semaphore, #tpu.memory_space<semaphore_mem>>) src(%arg10 : memref<128x128xf32, #tpu.memory_space<vmem>>) dst(%dma_wait3A_40 : memref<128x128xf32, #tpu.memory_space<vmem_shared>>)
      tpu.yield
    }) : () -> ()
    %mul3A_7 = arith.constant 640 : i32
    %mul3A_8 = arith.muli %arg1, %mul3A_7 : i32
    %add3A_9 = arith.constant 128 : i32
    %add3A_10 = arith.addi %mul3A_8, %add3A_9 : i32
    "tpu.region"() ({
      %run_scoped3A = tpu.sem_alloc : memref<!tpu.dma_semaphore, #tpu.memory_space<semaphore_mem>>
      %dma_start3A = arith.constant 0 : i32
      %dma_start3A_35 = tpu.memref_slice %arg12[%add3A_10, %dma_start3A] : memref<10240x128xf32, #tpu.memory_space<vmem_shared>> -> memref<128x128xf32, #tpu.memory_space<vmem_shared>>
      %dma_start3A_36 = arith.constant 0 : i32
      %dma_start3A_37 = tpu.memref_slice %arg12[%add3A_10, %dma_start3A_36] : memref<10240x128xf32, #tpu.memory_space<vmem_shared>> -> memref<128x128xf32, #tpu.memory_space<vmem_shared>>
      tpu.enqueue_dma source(%arg10 : memref<128x128xf32, #tpu.memory_space<vmem>>) target(%dma_start3A_37 : memref<128x128xf32, #tpu.memory_space<vmem_shared>>) target_semaphore(%run_scoped3A : memref<!tpu.dma_semaphore, #tpu.memory_space<semaphore_mem>>)
      %dma_wait3A = arith.constant 0 : i32
      %dma_wait3A_38 = tpu.memref_slice %arg12[%add3A_10, %dma_wait3A] : memref<10240x128xf32, #tpu.memory_space<vmem_shared>> -> memref<128x128xf32, #tpu.memory_space<vmem_shared>>
      %dma_wait3A_39 = arith.constant 0 : i32
      %dma_wait3A_40 = tpu.memref_slice %arg12[%add3A_10, %dma_wait3A_39] : memref<10240x128xf32, #tpu.memory_space<vmem_shared>> -> memref<128x128xf32, #tpu.memory_space<vmem_shared>>
      tpu.wait_dma2 semaphore(%run_scoped3A : memref<!tpu.dma_semaphore, #tpu.memory_space<semaphore_mem>>) src(%arg10 : memref<128x128xf32, #tpu.memory_space<vmem>>) dst(%dma_wait3A_40 : memref<128x128xf32, #tpu.memory_space<vmem_shared>>)
      tpu.yield
    }) : () -> ()
    %mul3A_11 = arith.constant 640 : i32
    %mul3A_12 = arith.muli %arg1, %mul3A_11 : i32
    %add3A_13 = arith.constant 256 : i32
    %add3A_14 = arith.addi %mul3A_12, %add3A_13 : i32
    "tpu.region"() ({
      %run_scoped3A = tpu.sem_alloc : memref<!tpu.dma_semaphore, #tpu.memory_space<semaphore_mem>>
      %dma_start3A = arith.constant 0 : i32
      %dma_start3A_35 = tpu.memref_slice %arg12[%add3A_14, %dma_start3A] : memref<10240x128xf32, #tpu.memory_space<vmem_shared>> -> memref<128x128xf32, #tpu.memory_space<vmem_shared>>
      %dma_start3A_36 = arith.constant 0 : i32
      %dma_start3A_37 = tpu.memref_slice %arg12[%add3A_14, %dma_start3A_36] : memref<10240x128xf32, #tpu.memory_space<vmem_shared>> -> memref<128x128xf32, #tpu.memory_space<vmem_shared>>
      tpu.enqueue_dma source(%arg10 : memref<128x128xf32, #tpu.memory_space<vmem>>) target(%dma_start3A_37 : memref<128x128xf32, #tpu.memory_space<vmem_shared>>) target_semaphore(%run_scoped3A : memref<!tpu.dma_semaphore, #tpu.memory_space<semaphore_mem>>)
      %dma_wait3A = arith.constant 0 : i32
      %dma_wait3A_38 = tpu.memref_slice %arg12[%add3A_14, %dma_wait3A] : memref<10240x128xf32, #tpu.memory_space<vmem_shared>> -> memref<128x128xf32, #tpu.memory_space<vmem_shared>>
      %dma_wait3A_39 = arith.constant 0 : i32
      %dma_wait3A_40 = tpu.memref_slice %arg12[%add3A_14, %dma_wait3A_39] : memref<10240x128xf32, #tpu.memory_space<vmem_shared>> -> memref<128x128xf32, #tpu.memory_space<vmem_shared>>
      tpu.wait_dma2 semaphore(%run_scoped3A : memref<!tpu.dma_semaphore, #tpu.memory_space<semaphore_mem>>) src(%arg10 : memref<128x128xf32, #tpu.memory_space<vmem>>) dst(%dma_wait3A_40 : memref<128x128xf32, #tpu.memory_space<vmem_shared>>)
      tpu.yield
    }) : () -> ()
    %mul3A_15 = arith.constant 640 : i32
    %mul3A_16 = arith.muli %arg1, %mul3A_15 : i32
    %add3A_17 = arith.constant 384 : i32
    %add3A_18 = arith.addi %mul3A_16, %add3A_17 : i32
    "tpu.region"() ({
      %run_scoped3A = tpu.sem_alloc : memref<!tpu.dma_semaphore, #tpu.memory_space<semaphore_mem>>
      %dma_start3A = arith.constant 0 : i32
      %dma_start3A_35 = tpu.memref_slice %arg12[%add3A_18, %dma_start3A] : memref<10240x128xf32, #tpu.memory_space<vmem_shared>> -> memref<128x128xf32, #tpu.memory_space<vmem_shared>>
      %dma_start3A_36 = arith.constant 0 : i32
      %dma_start3A_37 = tpu.memref_slice %arg12[%add3A_18, %dma_start3A_36] : memref<10240x128xf32, #tpu.memory_space<vmem_shared>> -> memref<128x128xf32, #tpu.memory_space<vmem_shared>>
      tpu.enqueue_dma source(%arg10 : memref<128x128xf32, #tpu.memory_space<vmem>>) target(%dma_start3A_37 : memref<128x128xf32, #tpu.memory_space<vmem_shared>>) target_semaphore(%run_scoped3A : memref<!tpu.dma_semaphore, #tpu.memory_space<semaphore_mem>>)
      %dma_wait3A = arith.constant 0 : i32
      %dma_wait3A_38 = tpu.memref_slice %arg12[%add3A_18, %dma_wait3A] : memref<10240x128xf32, #tpu.memory_space<vmem_shared>> -> memref<128x128xf32, #tpu.memory_space<vmem_shared>>
      %dma_wait3A_39 = arith.constant 0 : i32
      %dma_wait3A_40 = tpu.memref_slice %arg12[%add3A_18, %dma_wait3A_39] : memref<10240x128xf32, #tpu.memory_space<vmem_shared>> -> memref<128x128xf32, #tpu.memory_space<vmem_shared>>
      tpu.wait_dma2 semaphore(%run_scoped3A : memref<!tpu.dma_semaphore, #tpu.memory_space<semaphore_mem>>) src(%arg10 : memref<128x128xf32, #tpu.memory_space<vmem>>) dst(%dma_wait3A_40 : memref<128x128xf32, #tpu.memory_space<vmem_shared>>)
      tpu.yield
    }) : () -> ()
    %mul3A_19 = arith.constant 640 : i32
    %mul3A_20 = arith.muli %arg1, %mul3A_19 : i32
    %add3A_21 = arith.constant 512 : i32
    %add3A_22 = arith.addi %mul3A_20, %add3A_21 : i32
    "tpu.region"() ({
      %run_scoped3A = tpu.sem_alloc : memref<!tpu.dma_semaphore, #tpu.memory_space<semaphore_mem>>
      %dma_start3A = arith.constant 0 : i32
      %dma_start3A_35 = tpu.memref_slice %arg12[%add3A_22, %dma_start3A] : memref<10240x128xf32, #tpu.memory_space<vmem_shared>> -> memref<128x128xf32, #tpu.memory_space<vmem_shared>>
      %dma_start3A_36 = arith.constant 0 : i32
      %dma_start3A_37 = tpu.memref_slice %arg12[%add3A_22, %dma_start3A_36] : memref<10240x128xf32, #tpu.memory_space<vmem_shared>> -> memref<128x128xf32, #tpu.memory_space<vmem_shared>>
      tpu.enqueue_dma source(%arg10 : memref<128x128xf32, #tpu.memory_space<vmem>>) target(%dma_start3A_37 : memref<128x128xf32, #tpu.memory_space<vmem_shared>>) target_semaphore(%run_scoped3A : memref<!tpu.dma_semaphore, #tpu.memory_space<semaphore_mem>>)
      %dma_wait3A = arith.constant 0 : i32
      %dma_wait3A_38 = tpu.memref_slice %arg12[%add3A_22, %dma_wait3A] : memref<10240x128xf32, #tpu.memory_space<vmem_shared>> -> memref<128x128xf32, #tpu.memory_space<vmem_shared>>
      %dma_wait3A_39 = arith.constant 0 : i32
      %dma_wait3A_40 = tpu.memref_slice %arg12[%add3A_22, %dma_wait3A_39] : memref<10240x128xf32, #tpu.memory_space<vmem_shared>> -> memref<128x128xf32, #tpu.memory_space<vmem_shared>>
      tpu.wait_dma2 semaphore(%run_scoped3A : memref<!tpu.dma_semaphore, #tpu.memory_space<semaphore_mem>>) src(%arg10 : memref<128x128xf32, #tpu.memory_space<vmem>>) dst(%dma_wait3A_40 : memref<128x128xf32, #tpu.memory_space<vmem_shared>>)
      tpu.yield
    }) : () -> ()
    %barrier3A = arith.constant 0 : index
    tpu.barrier barrier_id(%barrier3A)
    %eq3A = arith.constant 0 : i32
    %eq3A_23 = arith.cmpi eq, %arg0, %eq3A : i32
    %convert_element_type3A = arith.extui %eq3A_23 : i1 to i32
    %cond3A = arith.constant 0 : i32
    %cond3A_24 = arith.cmpi ne, %convert_element_type3A, %cond3A : i32
    scf.if %cond3A_24 {
      %mul3A_35 = arith.constant 160 : i32
      %mul3A_36 = arith.muli %arg1, %mul3A_35 : i32
      %add3A_37 = arith.constant 0 : i32
      %add3A_38 = arith.addi %mul3A_36, %add3A_37 : i32
      %mul3A_39 = arith.constant 128 : i32
      %mul3A_40 = arith.muli %add3A_38, %mul3A_39 : i32
      "tpu.region"() ({
        %run_scoped3A = tpu.sem_alloc : memref<!tpu.dma_semaphore, #tpu.memory_space<semaphore_mem>>
        %dma_start3A_49 = tpu.memref_slice %arg3[%mul3A_40] : memref<327680xi32, #tpu.memory_space<hbm>> -> memref<128xi32, #tpu.memory_space<hbm>>
        %dma_start3A_50 = tpu.memref_slice %arg3[%mul3A_40] : memref<327680xi32, #tpu.memory_space<hbm>> -> memref<128xi32, #tpu.memory_space<hbm>>
        tpu.enqueue_dma source(%dma_start3A_50 : memref<128xi32, #tpu.memory_space<hbm>>) target(%arg6 : memref<128xi32, #tpu.memory_space<vmem>>) target_semaphore(%run_scoped3A : memref<!tpu.dma_semaphore, #tpu.memory_space<semaphore_mem>>)
        %dma_wait3A = tpu.memref_slice %arg3[%mul3A_40] : memref<327680xi32, #tpu.memory_space<hbm>> -> memref<128xi32, #tpu.memory_space<hbm>>
        %dma_wait3A_51 = tpu.memref_slice %arg3[%mul3A_40] : memref<327680xi32, #tpu.memory_space<hbm>> -> memref<128xi32, #tpu.memory_space<hbm>>
        tpu.wait_dma2 semaphore(%run_scoped3A : memref<!tpu.dma_semaphore, #tpu.memory_space<semaphore_mem>>) src(%dma_wait3A_51 : memref<128xi32, #tpu.memory_space<hbm>>) dst(%arg6 : memref<128xi32, #tpu.memory_space<vmem>>)
        tpu.yield
      }) : () -> ()
      "tpu.region"() ({
        %run_scoped3A = tpu.sem_alloc : memref<!tpu.dma_semaphore, #tpu.memory_space<semaphore_mem>>
        %dma_start3A_49 = tpu.memref_slice %arg4[%mul3A_40] : memref<327680xi32, #tpu.memory_space<hbm>> -> memref<128xi32, #tpu.memory_space<hbm>>
        %dma_start3A_50 = tpu.memref_slice %arg4[%mul3A_40] : memref<327680xi32, #tpu.memory_space<hbm>> -> memref<128xi32, #tpu.memory_space<hbm>>
        tpu.enqueue_dma source(%dma_start3A_50 : memref<128xi32, #tpu.memory_space<hbm>>) target(%arg8 : memref<128xi32, #tpu.memory_space<vmem>>) target_semaphore(%run_scoped3A : memref<!tpu.dma_semaphore, #tpu.memory_space<semaphore_mem>>)
        %dma_wait3A = tpu.memref_slice %arg4[%mul3A_40] : memref<327680xi32, #tpu.memory_space<hbm>> -> memref<128xi32, #tpu.memory_space<hbm>>
        %dma_wait3A_51 = tpu.memref_slice %arg4[%mul3A_40] : memref<327680xi32, #tpu.memory_space<hbm>> -> memref<128xi32, #tpu.memory_space<hbm>>
        tpu.wait_dma2 semaphore(%run_scoped3A : memref<!tpu.dma_semaphore, #tpu.memory_space<semaphore_mem>>) src(%dma_wait3A_51 : memref<128xi32, #tpu.memory_space<hbm>>) dst(%arg8 : memref<128xi32, #tpu.memory_space<vmem>>)
        tpu.yield
      }) : () -> ()
      %dma_start3A = arith.constant 0 : i32
      %dma_start3A_41 = arith.constant 0 : i32
      %dma_start3A_42 = tpu.memref_slice %arg2[%dma_start3A, %dma_start3A_41] : memref<10240x128xf32, #tpu.memory_space<hbm>> -> memref<10240x128xf32, #tpu.memory_space<hbm>>
      tpu.enqueue_indirect_dma source(%dma_start3A_42 : memref<10240x128xf32, #tpu.memory_space<hbm>>) target(%arg10 : memref<128x128xf32, #tpu.memory_space<vmem>>) offsets(%arg6 : memref<128xi32, #tpu.memory_space<vmem>>) semaphore(%arg13 : memref<!tpu.dma_semaphore, #tpu.memory_space<semaphore_mem>>)
      %scan3A_43 = arith.constant 0 : i32
      %scan3A_44 = arith.constant 0 : i32
      %scan3A_45 = arith.constant 59 : i32
      %scan3A_46 = arith.addi %scan3A_44, %scan3A_45 : i32
      %scan3A_47 = arith.constant 1 : i32
      scf.for %scan3A_49 = %scan3A_44 to %scan3A_46 step %scan3A_47  : i32 {
        %mul3A_50 = arith.constant 2 : i32
        %mul3A_51 = arith.muli %mul3A_50, %scan3A_49 : i32
        %add3A_52 = arith.constant 1 : i32
        %add3A_53 = arith.addi %mul3A_51, %add3A_52 : i32
        %add3A_54 = arith.addi %mul3A_36, %add3A_53 : i32
        %mul3A_55 = arith.constant 128 : i32
        %mul3A_56 = arith.muli %add3A_54, %mul3A_55 : i32
        "tpu.region"() ({
          %run_scoped3A = tpu.sem_alloc : memref<!tpu.dma_semaphore, #tpu.memory_space<semaphore_mem>>
          %dma_start3A_69 = tpu.memref_slice %arg3[%mul3A_56] : memref<327680xi32, #tpu.memory_space<hbm>> -> memref<128xi32, #tpu.memory_space<hbm>>
          %dma_start3A_70 = tpu.memref_slice %arg3[%mul3A_56] : memref<327680xi32, #tpu.memory_space<hbm>> -> memref<128xi32, #tpu.memory_space<hbm>>
          tpu.enqueue_dma source(%dma_start3A_70 : memref<128xi32, #tpu.memory_space<hbm>>) target(%arg7 : memref<128xi32, #tpu.memory_space<vmem>>) target_semaphore(%run_scoped3A : memref<!tpu.dma_semaphore, #tpu.memory_space<semaphore_mem>>)
          %dma_wait3A_71 = tpu.memref_slice %arg3[%mul3A_56] : memref<327680xi32, #tpu.memory_space<hbm>> -> memref<128xi32, #tpu.memory_space<hbm>>
          %dma_wait3A_72 = tpu.memref_slice %arg3[%mul3A_56] : memref<327680xi32, #tpu.memory_space<hbm>> -> memref<128xi32, #tpu.memory_space<hbm>>
          tpu.wait_dma2 semaphore(%run_scoped3A : memref<!tpu.dma_semaphore, #tpu.memory_space<semaphore_mem>>) src(%dma_wait3A_72 : memref<128xi32, #tpu.memory_space<hbm>>) dst(%arg7 : memref<128xi32, #tpu.memory_space<vmem>>)
          tpu.yield
        }) : () -> ()
        "tpu.region"() ({
          %run_scoped3A = tpu.sem_alloc : memref<!tpu.dma_semaphore, #tpu.memory_space<semaphore_mem>>
          %dma_start3A_69 = tpu.memref_slice %arg4[%mul3A_56] : memref<327680xi32, #tpu.memory_space<hbm>> -> memref<128xi32, #tpu.memory_space<hbm>>
          %dma_start3A_70 = tpu.memref_slice %arg4[%mul3A_56] : memref<327680xi32, #tpu.memory_space<hbm>> -> memref<128xi32, #tpu.memory_space<hbm>>
          tpu.enqueue_dma source(%dma_start3A_70 : memref<128xi32, #tpu.memory_space<hbm>>) target(%arg9 : memref<128xi32, #tpu.memory_space<vmem>>) target_semaphore(%run_scoped3A : memref<!tpu.dma_semaphore, #tpu.memory_space<semaphore_mem>>)
          %dma_wait3A_71 = tpu.memref_slice %arg4[%mul3A_56] : memref<327680xi32, #tpu.memory_space<hbm>> -> memref<128xi32, #tpu.memory_space<hbm>>
          %dma_wait3A_72 = tpu.memref_slice %arg4[%mul3A_56] : memref<327680xi32, #tpu.memory_space<hbm>> -> memref<128xi32, #tpu.memory_space<hbm>>
          tpu.wait_dma2 semaphore(%run_scoped3A : memref<!tpu.dma_semaphore, #tpu.memory_space<semaphore_mem>>) src(%dma_wait3A_72 : memref<128xi32, #tpu.memory_space<hbm>>) dst(%arg9 : memref<128xi32, #tpu.memory_space<vmem>>)
          tpu.yield
        }) : () -> ()
        %dma_start3A_57 = arith.constant 0 : i32
        %dma_start3A_58 = arith.constant 0 : i32
        %dma_start3A_59 = tpu.memref_slice %arg2[%dma_start3A_57, %dma_start3A_58] : memref<10240x128xf32, #tpu.memory_space<hbm>> -> memref<10240x128xf32, #tpu.memory_space<hbm>>
        tpu.enqueue_indirect_dma source(%dma_start3A_59 : memref<10240x128xf32, #tpu.memory_space<hbm>>) target(%arg11 : memref<128x128xf32, #tpu.memory_space<vmem>>) offsets(%arg7 : memref<128xi32, #tpu.memory_space<vmem>>) semaphore(%arg14 : memref<!tpu.dma_semaphore, #tpu.memory_space<semaphore_mem>>)
        %dma_wait3A = arith.constant 0 : i32
        %dma_wait3A_60 = arith.constant 0 : i32
        %dma_wait3A_61 = tpu.memref_slice %arg2[%dma_wait3A, %dma_wait3A_60] : memref<10240x128xf32, #tpu.memory_space<hbm>> -> memref<10240x128xf32, #tpu.memory_space<hbm>>
        tpu.wait_indirect_dma semaphore(%arg13 : memref<!tpu.dma_semaphore, #tpu.memory_space<semaphore_mem>>) src(%dma_wait3A_61 : memref<10240x128xf32, #tpu.memory_space<hbm>>) dst(%arg10 : memref<128x128xf32, #tpu.memory_space<vmem>>)
        "tpu.region"() ({
          %run_scoped3A = tpu.sem_alloc : memref<!tpu.dma_semaphore, #tpu.memory_space<semaphore_mem>>
          %dma_start3A_69 = arith.constant 0 : i32
          %dma_start3A_70 = arith.constant 0 : i32
          %dma_start3A_71 = tpu.memref_slice %arg12[%dma_start3A_69, %dma_start3A_70] : memref<10240x128xf32, #tpu.memory_space<vmem_shared>> -> memref<10240x128xf32, #tpu.memory_space<vmem_shared>>
          tpu.enqueue_indirect_dma source(%arg10 : memref<128x128xf32, #tpu.memory_space<vmem>>) target(%dma_start3A_71 : memref<10240x128xf32, #tpu.memory_space<vmem_shared>>) offsets(%arg8 : memref<128xi32, #tpu.memory_space<vmem>>) semaphore(%run_scoped3A : memref<!tpu.dma_semaphore, #tpu.memory_space<semaphore_mem>>) {add = true}
          %dma_wait3A_72 = arith.constant 0 : i32
          %dma_wait3A_73 = arith.constant 0 : i32
          %dma_wait3A_74 = tpu.memref_slice %arg12[%dma_wait3A_72, %dma_wait3A_73] : memref<10240x128xf32, #tpu.memory_space<vmem_shared>> -> memref<10240x128xf32, #tpu.memory_space<vmem_shared>>
          tpu.wait_indirect_dma semaphore(%run_scoped3A : memref<!tpu.dma_semaphore, #tpu.memory_space<semaphore_mem>>) src(%arg10 : memref<128x128xf32, #tpu.memory_space<vmem>>) dst(%dma_wait3A_74 : memref<10240x128xf32, #tpu.memory_space<vmem_shared>>)
          tpu.yield
        }) : () -> ()
        %lt3A = arith.constant 58 : i32
        %lt3A_62 = arith.cmpi slt, %scan3A_49, %lt3A : i32
        %convert_element_type3A_63 = arith.extui %lt3A_62 : i1 to i32
        %cond3A_64 = arith.constant 0 : i32
        %cond3A_65 = arith.cmpi ne, %convert_element_type3A_63, %cond3A_64 : i32
        scf.if %cond3A_65 {
          %mul3A_69 = arith.constant 2 : i32
          %mul3A_70 = arith.muli %mul3A_69, %scan3A_49 : i32
          %add3A_71 = arith.constant 2 : i32
          %add3A_72 = arith.addi %mul3A_70, %add3A_71 : i32
          %add3A_73 = arith.addi %mul3A_36, %add3A_72 : i32
          %mul3A_74 = arith.constant 128 : i32
          %mul3A_75 = arith.muli %add3A_73, %mul3A_74 : i32
          "tpu.region"() ({
            %run_scoped3A = tpu.sem_alloc : memref<!tpu.dma_semaphore, #tpu.memory_space<semaphore_mem>>
            %dma_start3A_79 = tpu.memref_slice %arg3[%mul3A_75] : memref<327680xi32, #tpu.memory_space<hbm>> -> memref<128xi32, #tpu.memory_space<hbm>>
            %dma_start3A_80 = tpu.memref_slice %arg3[%mul3A_75] : memref<327680xi32, #tpu.memory_space<hbm>> -> memref<128xi32, #tpu.memory_space<hbm>>
            tpu.enqueue_dma source(%dma_start3A_80 : memref<128xi32, #tpu.memory_space<hbm>>) target(%arg6 : memref<128xi32, #tpu.memory_space<vmem>>) target_semaphore(%run_scoped3A : memref<!tpu.dma_semaphore, #tpu.memory_space<semaphore_mem>>)
            %dma_wait3A_81 = tpu.memref_slice %arg3[%mul3A_75] : memref<327680xi32, #tpu.memory_space<hbm>> -> memref<128xi32, #tpu.memory_space<hbm>>
            %dma_wait3A_82 = tpu.memref_slice %arg3[%mul3A_75] : memref<327680xi32, #tpu.memory_space<hbm>> -> memref<128xi32, #tpu.memory_space<hbm>>
            tpu.wait_dma2 semaphore(%run_scoped3A : memref<!tpu.dma_semaphore, #tpu.memory_space<semaphore_mem>>) src(%dma_wait3A_82 : memref<128xi32, #tpu.memory_space<hbm>>) dst(%arg6 : memref<128xi32, #tpu.memory_space<vmem>>)
            tpu.yield
          }) : () -> ()
          "tpu.region"() ({
            %run_scoped3A = tpu.sem_alloc : memref<!tpu.dma_semaphore, #tpu.memory_space<semaphore_mem>>
            %dma_start3A_79 = tpu.memref_slice %arg4[%mul3A_75] : memref<327680xi32, #tpu.memory_space<hbm>> -> memref<128xi32, #tpu.memory_space<hbm>>
            %dma_start3A_80 = tpu.memref_slice %arg4[%mul3A_75] : memref<327680xi32, #tpu.memory_space<hbm>> -> memref<128xi32, #tpu.memory_space<hbm>>
            tpu.enqueue_dma source(%dma_start3A_80 : memref<128xi32, #tpu.memory_space<hbm>>) target(%arg8 : memref<128xi32, #tpu.memory_space<vmem>>) target_semaphore(%run_scoped3A : memref<!tpu.dma_semaphore, #tpu.memory_space<semaphore_mem>>)
            %dma_wait3A_81 = tpu.memref_slice %arg4[%mul3A_75] : memref<327680xi32, #tpu.memory_space<hbm>> -> memref<128xi32, #tpu.memory_space<hbm>>
            %dma_wait3A_82 = tpu.memref_slice %arg4[%mul3A_75] : memref<327680xi32, #tpu.memory_space<hbm>> -> memref<128xi32, #tpu.memory_space<hbm>>
            tpu.wait_dma2 semaphore(%run_scoped3A : memref<!tpu.dma_semaphore, #tpu.memory_space<semaphore_mem>>) src(%dma_wait3A_82 : memref<128xi32, #tpu.memory_space<hbm>>) dst(%arg8 : memref<128xi32, #tpu.memory_space<vmem>>)
            tpu.yield
          }) : () -> ()
          %dma_start3A_76 = arith.constant 0 : i32
          %dma_start3A_77 = arith.constant 0 : i32
          %dma_start3A_78 = tpu.memref_slice %arg2[%dma_start3A_76, %dma_start3A_77] : memref<10240x128xf32, #tpu.memory_space<hbm>> -> memref<10240x128xf32, #tpu.memory_space<hbm>>
          tpu.enqueue_indirect_dma source(%dma_start3A_78 : memref<10240x128xf32, #tpu.memory_space<hbm>>) target(%arg10 : memref<128x128xf32, #tpu.memory_space<vmem>>) offsets(%arg6 : memref<128xi32, #tpu.memory_space<vmem>>) semaphore(%arg13 : memref<!tpu.dma_semaphore, #tpu.memory_space<semaphore_mem>>)
        } else {
        }
        %dma_wait3A_66 = arith.constant 0 : i32
        %dma_wait3A_67 = arith.constant 0 : i32
        %dma_wait3A_68 = tpu.memref_slice %arg2[%dma_wait3A_66, %dma_wait3A_67] : memref<10240x128xf32, #tpu.memory_space<hbm>> -> memref<10240x128xf32, #tpu.memory_space<hbm>>
        tpu.wait_indirect_dma semaphore(%arg14 : memref<!tpu.dma_semaphore, #tpu.memory_space<semaphore_mem>>) src(%dma_wait3A_68 : memref<10240x128xf32, #tpu.memory_space<hbm>>) dst(%arg11 : memref<128x128xf32, #tpu.memory_space<vmem>>)
        "tpu.region"() ({
          %run_scoped3A = tpu.sem_alloc : memref<!tpu.dma_semaphore, #tpu.memory_space<semaphore_mem>>
          %dma_start3A_69 = arith.constant 0 : i32
          %dma_start3A_70 = arith.constant 0 : i32
          %dma_start3A_71 = tpu.memref_slice %arg12[%dma_start3A_69, %dma_start3A_70] : memref<10240x128xf32, #tpu.memory_space<vmem_shared>> -> memref<10240x128xf32, #tpu.memory_space<vmem_shared>>
          tpu.enqueue_indirect_dma source(%arg11 : memref<128x128xf32, #tpu.memory_space<vmem>>) target(%dma_start3A_71 : memref<10240x128xf32, #tpu.memory_space<vmem_shared>>) offsets(%arg9 : memref<128xi32, #tpu.memory_space<vmem>>) semaphore(%run_scoped3A : memref<!tpu.dma_semaphore, #tpu.memory_space<semaphore_mem>>) {add = true}
          %dma_wait3A_72 = arith.constant 0 : i32
          %dma_wait3A_73 = arith.constant 0 : i32
          %dma_wait3A_74 = tpu.memref_slice %arg12[%dma_wait3A_72, %dma_wait3A_73] : memref<10240x128xf32, #tpu.memory_space<vmem_shared>> -> memref<10240x128xf32, #tpu.memory_space<vmem_shared>>
          tpu.wait_indirect_dma semaphore(%run_scoped3A : memref<!tpu.dma_semaphore, #tpu.memory_space<semaphore_mem>>) src(%arg11 : memref<128x128xf32, #tpu.memory_space<vmem>>) dst(%dma_wait3A_74 : memref<10240x128xf32, #tpu.memory_space<vmem_shared>>)
          tpu.yield
        }) : () -> ()
      }
      %scan3A_48 = arith.constant 59 : i32
    } else {
    }
    %eq3A_25 = arith.constant 1 : i32
    %eq3A_26 = arith.cmpi eq, %arg0, %eq3A_25 : i32
    %convert_element_type3A_27 = arith.extui %eq3A_26 : i1 to i32
    %cond3A_28 = arith.constant 0 : i32
    %cond3A_29 = arith.cmpi ne, %convert_element_type3A_27, %cond3A_28 : i32
    scf.if %cond3A_29 {
      %mul3A_35 = arith.constant 160 : i32
      %mul3A_36 = arith.muli %arg1, %mul3A_35 : i32
      %add3A_37 = arith.constant 118 : i32
      %add3A_38 = arith.addi %mul3A_36, %add3A_37 : i32
      %add3A_39 = arith.constant 0 : i32
      %add3A_40 = arith.addi %add3A_38, %add3A_39 : i32
      %mul3A_41 = arith.constant 128 : i32
      %mul3A_42 = arith.muli %add3A_40, %mul3A_41 : i32
      "tpu.region"() ({
        %run_scoped3A = tpu.sem_alloc : memref<!tpu.dma_semaphore, #tpu.memory_space<semaphore_mem>>
        %dma_start3A_51 = tpu.memref_slice %arg3[%mul3A_42] : memref<327680xi32, #tpu.memory_space<hbm>> -> memref<128xi32, #tpu.memory_space<hbm>>
        %dma_start3A_52 = tpu.memref_slice %arg3[%mul3A_42] : memref<327680xi32, #tpu.memory_space<hbm>> -> memref<128xi32, #tpu.memory_space<hbm>>
        tpu.enqueue_dma source(%dma_start3A_52 : memref<128xi32, #tpu.memory_space<hbm>>) target(%arg6 : memref<128xi32, #tpu.memory_space<vmem>>) target_semaphore(%run_scoped3A : memref<!tpu.dma_semaphore, #tpu.memory_space<semaphore_mem>>)
        %dma_wait3A = tpu.memref_slice %arg3[%mul3A_42] : memref<327680xi32, #tpu.memory_space<hbm>> -> memref<128xi32, #tpu.memory_space<hbm>>
        %dma_wait3A_53 = tpu.memref_slice %arg3[%mul3A_42] : memref<327680xi32, #tpu.memory_space<hbm>> -> memref<128xi32, #tpu.memory_space<hbm>>
        tpu.wait_dma2 semaphore(%run_scoped3A : memref<!tpu.dma_semaphore, #tpu.memory_space<semaphore_mem>>) src(%dma_wait3A_53 : memref<128xi32, #tpu.memory_space<hbm>>) dst(%arg6 : memref<128xi32, #tpu.memory_space<vmem>>)
        tpu.yield
      }) : () -> ()
      "tpu.region"() ({
        %run_scoped3A = tpu.sem_alloc : memref<!tpu.dma_semaphore, #tpu.memory_space<semaphore_mem>>
        %dma_start3A_51 = tpu.memref_slice %arg4[%mul3A_42] : memref<327680xi32, #tpu.memory_space<hbm>> -> memref<128xi32, #tpu.memory_space<hbm>>
        %dma_start3A_52 = tpu.memref_slice %arg4[%mul3A_42] : memref<327680xi32, #tpu.memory_space<hbm>> -> memref<128xi32, #tpu.memory_space<hbm>>
        tpu.enqueue_dma source(%dma_start3A_52 : memref<128xi32, #tpu.memory_space<hbm>>) target(%arg8 : memref<128xi32, #tpu.memory_space<vmem>>) target_semaphore(%run_scoped3A : memref<!tpu.dma_semaphore, #tpu.memory_space<semaphore_mem>>)
        %dma_wait3A = tpu.memref_slice %arg4[%mul3A_42] : memref<327680xi32, #tpu.memory_space<hbm>> -> memref<128xi32, #tpu.memory_space<hbm>>
        %dma_wait3A_53 = tpu.memref_slice %arg4[%mul3A_42] : memref<327680xi32, #tpu.memory_space<hbm>> -> memref<128xi32, #tpu.memory_space<hbm>>
        tpu.wait_dma2 semaphore(%run_scoped3A : memref<!tpu.dma_semaphore, #tpu.memory_space<semaphore_mem>>) src(%dma_wait3A_53 : memref<128xi32, #tpu.memory_space<hbm>>) dst(%arg8 : memref<128xi32, #tpu.memory_space<vmem>>)
        tpu.yield
      }) : () -> ()
      %dma_start3A = arith.constant 0 : i32
      %dma_start3A_43 = arith.constant 0 : i32
      %dma_start3A_44 = tpu.memref_slice %arg2[%dma_start3A, %dma_start3A_43] : memref<10240x128xf32, #tpu.memory_space<hbm>> -> memref<10240x128xf32, #tpu.memory_space<hbm>>
      tpu.enqueue_indirect_dma source(%dma_start3A_44 : memref<10240x128xf32, #tpu.memory_space<hbm>>) target(%arg10 : memref<128x128xf32, #tpu.memory_space<vmem>>) offsets(%arg6 : memref<128xi32, #tpu.memory_space<vmem>>) semaphore(%arg13 : memref<!tpu.dma_semaphore, #tpu.memory_space<semaphore_mem>>)
      %scan3A_45 = arith.constant 0 : i32
      %scan3A_46 = arith.constant 0 : i32
      %scan3A_47 = arith.constant 21 : i32
      %scan3A_48 = arith.addi %scan3A_46, %scan3A_47 : i32
      %scan3A_49 = arith.constant 1 : i32
      scf.for %scan3A_51 = %scan3A_46 to %scan3A_48 step %scan3A_49  : i32 {
        %mul3A_52 = arith.constant 2 : i32
        %mul3A_53 = arith.muli %mul3A_52, %scan3A_51 : i32
        %add3A_54 = arith.constant 1 : i32
        %add3A_55 = arith.addi %mul3A_53, %add3A_54 : i32
        %add3A_56 = arith.addi %add3A_38, %add3A_55 : i32
        %mul3A_57 = arith.constant 128 : i32
        %mul3A_58 = arith.muli %add3A_56, %mul3A_57 : i32
        "tpu.region"() ({
          %run_scoped3A = tpu.sem_alloc : memref<!tpu.dma_semaphore, #tpu.memory_space<semaphore_mem>>
          %dma_start3A_71 = tpu.memref_slice %arg3[%mul3A_58] : memref<327680xi32, #tpu.memory_space<hbm>> -> memref<128xi32, #tpu.memory_space<hbm>>
          %dma_start3A_72 = tpu.memref_slice %arg3[%mul3A_58] : memref<327680xi32, #tpu.memory_space<hbm>> -> memref<128xi32, #tpu.memory_space<hbm>>
          tpu.enqueue_dma source(%dma_start3A_72 : memref<128xi32, #tpu.memory_space<hbm>>) target(%arg7 : memref<128xi32, #tpu.memory_space<vmem>>) target_semaphore(%run_scoped3A : memref<!tpu.dma_semaphore, #tpu.memory_space<semaphore_mem>>)
          %dma_wait3A_73 = tpu.memref_slice %arg3[%mul3A_58] : memref<327680xi32, #tpu.memory_space<hbm>> -> memref<128xi32, #tpu.memory_space<hbm>>
          %dma_wait3A_74 = tpu.memref_slice %arg3[%mul3A_58] : memref<327680xi32, #tpu.memory_space<hbm>> -> memref<128xi32, #tpu.memory_space<hbm>>
          tpu.wait_dma2 semaphore(%run_scoped3A : memref<!tpu.dma_semaphore, #tpu.memory_space<semaphore_mem>>) src(%dma_wait3A_74 : memref<128xi32, #tpu.memory_space<hbm>>) dst(%arg7 : memref<128xi32, #tpu.memory_space<vmem>>)
          tpu.yield
        }) : () -> ()
        "tpu.region"() ({
          %run_scoped3A = tpu.sem_alloc : memref<!tpu.dma_semaphore, #tpu.memory_space<semaphore_mem>>
          %dma_start3A_71 = tpu.memref_slice %arg4[%mul3A_58] : memref<327680xi32, #tpu.memory_space<hbm>> -> memref<128xi32, #tpu.memory_space<hbm>>
          %dma_start3A_72 = tpu.memref_slice %arg4[%mul3A_58] : memref<327680xi32, #tpu.memory_space<hbm>> -> memref<128xi32, #tpu.memory_space<hbm>>
          tpu.enqueue_dma source(%dma_start3A_72 : memref<128xi32, #tpu.memory_space<hbm>>) target(%arg9 : memref<128xi32, #tpu.memory_space<vmem>>) target_semaphore(%run_scoped3A : memref<!tpu.dma_semaphore, #tpu.memory_space<semaphore_mem>>)
          %dma_wait3A_73 = tpu.memref_slice %arg4[%mul3A_58] : memref<327680xi32, #tpu.memory_space<hbm>> -> memref<128xi32, #tpu.memory_space<hbm>>
          %dma_wait3A_74 = tpu.memref_slice %arg4[%mul3A_58] : memref<327680xi32, #tpu.memory_space<hbm>> -> memref<128xi32, #tpu.memory_space<hbm>>
          tpu.wait_dma2 semaphore(%run_scoped3A : memref<!tpu.dma_semaphore, #tpu.memory_space<semaphore_mem>>) src(%dma_wait3A_74 : memref<128xi32, #tpu.memory_space<hbm>>) dst(%arg9 : memref<128xi32, #tpu.memory_space<vmem>>)
          tpu.yield
        }) : () -> ()
        %dma_start3A_59 = arith.constant 0 : i32
        %dma_start3A_60 = arith.constant 0 : i32
        %dma_start3A_61 = tpu.memref_slice %arg2[%dma_start3A_59, %dma_start3A_60] : memref<10240x128xf32, #tpu.memory_space<hbm>> -> memref<10240x128xf32, #tpu.memory_space<hbm>>
        tpu.enqueue_indirect_dma source(%dma_start3A_61 : memref<10240x128xf32, #tpu.memory_space<hbm>>) target(%arg11 : memref<128x128xf32, #tpu.memory_space<vmem>>) offsets(%arg7 : memref<128xi32, #tpu.memory_space<vmem>>) semaphore(%arg14 : memref<!tpu.dma_semaphore, #tpu.memory_space<semaphore_mem>>)
        %dma_wait3A = arith.constant 0 : i32
        %dma_wait3A_62 = arith.constant 0 : i32
        %dma_wait3A_63 = tpu.memref_slice %arg2[%dma_wait3A, %dma_wait3A_62] : memref<10240x128xf32, #tpu.memory_space<hbm>> -> memref<10240x128xf32, #tpu.memory_space<hbm>>
        tpu.wait_indirect_dma semaphore(%arg13 : memref<!tpu.dma_semaphore, #tpu.memory_space<semaphore_mem>>) src(%dma_wait3A_63 : memref<10240x128xf32, #tpu.memory_space<hbm>>) dst(%arg10 : memref<128x128xf32, #tpu.memory_space<vmem>>)
        "tpu.region"() ({
          %run_scoped3A = tpu.sem_alloc : memref<!tpu.dma_semaphore, #tpu.memory_space<semaphore_mem>>
          %dma_start3A_71 = arith.constant 0 : i32
          %dma_start3A_72 = arith.constant 0 : i32
          %dma_start3A_73 = tpu.memref_slice %arg12[%dma_start3A_71, %dma_start3A_72] : memref<10240x128xf32, #tpu.memory_space<vmem_shared>> -> memref<10240x128xf32, #tpu.memory_space<vmem_shared>>
          tpu.enqueue_indirect_dma source(%arg10 : memref<128x128xf32, #tpu.memory_space<vmem>>) target(%dma_start3A_73 : memref<10240x128xf32, #tpu.memory_space<vmem_shared>>) offsets(%arg8 : memref<128xi32, #tpu.memory_space<vmem>>) semaphore(%run_scoped3A : memref<!tpu.dma_semaphore, #tpu.memory_space<semaphore_mem>>) {add = true}
          %dma_wait3A_74 = arith.constant 0 : i32
          %dma_wait3A_75 = arith.constant 0 : i32
          %dma_wait3A_76 = tpu.memref_slice %arg12[%dma_wait3A_74, %dma_wait3A_75] : memref<10240x128xf32, #tpu.memory_space<vmem_shared>> -> memref<10240x128xf32, #tpu.memory_space<vmem_shared>>
          tpu.wait_indirect_dma semaphore(%run_scoped3A : memref<!tpu.dma_semaphore, #tpu.memory_space<semaphore_mem>>) src(%arg10 : memref<128x128xf32, #tpu.memory_space<vmem>>) dst(%dma_wait3A_76 : memref<10240x128xf32, #tpu.memory_space<vmem_shared>>)
          tpu.yield
        }) : () -> ()
        %lt3A = arith.constant 20 : i32
        %lt3A_64 = arith.cmpi slt, %scan3A_51, %lt3A : i32
        %convert_element_type3A_65 = arith.extui %lt3A_64 : i1 to i32
        %cond3A_66 = arith.constant 0 : i32
        %cond3A_67 = arith.cmpi ne, %convert_element_type3A_65, %cond3A_66 : i32
        scf.if %cond3A_67 {
          %mul3A_71 = arith.constant 2 : i32
          %mul3A_72 = arith.muli %mul3A_71, %scan3A_51 : i32
          %add3A_73 = arith.constant 2 : i32
          %add3A_74 = arith.addi %mul3A_72, %add3A_73 : i32
          %add3A_75 = arith.addi %add3A_38, %add3A_74 : i32
          %mul3A_76 = arith.constant 128 : i32
          %mul3A_77 = arith.muli %add3A_75, %mul3A_76 : i32
          "tpu.region"() ({
            %run_scoped3A = tpu.sem_alloc : memref<!tpu.dma_semaphore, #tpu.memory_space<semaphore_mem>>
            %dma_start3A_81 = tpu.memref_slice %arg3[%mul3A_77] : memref<327680xi32, #tpu.memory_space<hbm>> -> memref<128xi32, #tpu.memory_space<hbm>>
            %dma_start3A_82 = tpu.memref_slice %arg3[%mul3A_77] : memref<327680xi32, #tpu.memory_space<hbm>> -> memref<128xi32, #tpu.memory_space<hbm>>
            tpu.enqueue_dma source(%dma_start3A_82 : memref<128xi32, #tpu.memory_space<hbm>>) target(%arg6 : memref<128xi32, #tpu.memory_space<vmem>>) target_semaphore(%run_scoped3A : memref<!tpu.dma_semaphore, #tpu.memory_space<semaphore_mem>>)
            %dma_wait3A_83 = tpu.memref_slice %arg3[%mul3A_77] : memref<327680xi32, #tpu.memory_space<hbm>> -> memref<128xi32, #tpu.memory_space<hbm>>
            %dma_wait3A_84 = tpu.memref_slice %arg3[%mul3A_77] : memref<327680xi32, #tpu.memory_space<hbm>> -> memref<128xi32, #tpu.memory_space<hbm>>
            tpu.wait_dma2 semaphore(%run_scoped3A : memref<!tpu.dma_semaphore, #tpu.memory_space<semaphore_mem>>) src(%dma_wait3A_84 : memref<128xi32, #tpu.memory_space<hbm>>) dst(%arg6 : memref<128xi32, #tpu.memory_space<vmem>>)
            tpu.yield
          }) : () -> ()
          "tpu.region"() ({
            %run_scoped3A = tpu.sem_alloc : memref<!tpu.dma_semaphore, #tpu.memory_space<semaphore_mem>>
            %dma_start3A_81 = tpu.memref_slice %arg4[%mul3A_77] : memref<327680xi32, #tpu.memory_space<hbm>> -> memref<128xi32, #tpu.memory_space<hbm>>
            %dma_start3A_82 = tpu.memref_slice %arg4[%mul3A_77] : memref<327680xi32, #tpu.memory_space<hbm>> -> memref<128xi32, #tpu.memory_space<hbm>>
            tpu.enqueue_dma source(%dma_start3A_82 : memref<128xi32, #tpu.memory_space<hbm>>) target(%arg8 : memref<128xi32, #tpu.memory_space<vmem>>) target_semaphore(%run_scoped3A : memref<!tpu.dma_semaphore, #tpu.memory_space<semaphore_mem>>)
            %dma_wait3A_83 = tpu.memref_slice %arg4[%mul3A_77] : memref<327680xi32, #tpu.memory_space<hbm>> -> memref<128xi32, #tpu.memory_space<hbm>>
            %dma_wait3A_84 = tpu.memref_slice %arg4[%mul3A_77] : memref<327680xi32, #tpu.memory_space<hbm>> -> memref<128xi32, #tpu.memory_space<hbm>>
            tpu.wait_dma2 semaphore(%run_scoped3A : memref<!tpu.dma_semaphore, #tpu.memory_space<semaphore_mem>>) src(%dma_wait3A_84 : memref<128xi32, #tpu.memory_space<hbm>>) dst(%arg8 : memref<128xi32, #tpu.memory_space<vmem>>)
            tpu.yield
          }) : () -> ()
          %dma_start3A_78 = arith.constant 0 : i32
          %dma_start3A_79 = arith.constant 0 : i32
          %dma_start3A_80 = tpu.memref_slice %arg2[%dma_start3A_78, %dma_start3A_79] : memref<10240x128xf32, #tpu.memory_space<hbm>> -> memref<10240x128xf32, #tpu.memory_space<hbm>>
          tpu.enqueue_indirect_dma source(%dma_start3A_80 : memref<10240x128xf32, #tpu.memory_space<hbm>>) target(%arg10 : memref<128x128xf32, #tpu.memory_space<vmem>>) offsets(%arg6 : memref<128xi32, #tpu.memory_space<vmem>>) semaphore(%arg13 : memref<!tpu.dma_semaphore, #tpu.memory_space<semaphore_mem>>)
        } else {
        }
        %dma_wait3A_68 = arith.constant 0 : i32
        %dma_wait3A_69 = arith.constant 0 : i32
        %dma_wait3A_70 = tpu.memref_slice %arg2[%dma_wait3A_68, %dma_wait3A_69] : memref<10240x128xf32, #tpu.memory_space<hbm>> -> memref<10240x128xf32, #tpu.memory_space<hbm>>
        tpu.wait_indirect_dma semaphore(%arg14 : memref<!tpu.dma_semaphore, #tpu.memory_space<semaphore_mem>>) src(%dma_wait3A_70 : memref<10240x128xf32, #tpu.memory_space<hbm>>) dst(%arg11 : memref<128x128xf32, #tpu.memory_space<vmem>>)
        "tpu.region"() ({
          %run_scoped3A = tpu.sem_alloc : memref<!tpu.dma_semaphore, #tpu.memory_space<semaphore_mem>>
          %dma_start3A_71 = arith.constant 0 : i32
          %dma_start3A_72 = arith.constant 0 : i32
          %dma_start3A_73 = tpu.memref_slice %arg12[%dma_start3A_71, %dma_start3A_72] : memref<10240x128xf32, #tpu.memory_space<vmem_shared>> -> memref<10240x128xf32, #tpu.memory_space<vmem_shared>>
          tpu.enqueue_indirect_dma source(%arg11 : memref<128x128xf32, #tpu.memory_space<vmem>>) target(%dma_start3A_73 : memref<10240x128xf32, #tpu.memory_space<vmem_shared>>) offsets(%arg9 : memref<128xi32, #tpu.memory_space<vmem>>) semaphore(%run_scoped3A : memref<!tpu.dma_semaphore, #tpu.memory_space<semaphore_mem>>) {add = true}
          %dma_wait3A_74 = arith.constant 0 : i32
          %dma_wait3A_75 = arith.constant 0 : i32
          %dma_wait3A_76 = tpu.memref_slice %arg12[%dma_wait3A_74, %dma_wait3A_75] : memref<10240x128xf32, #tpu.memory_space<vmem_shared>> -> memref<10240x128xf32, #tpu.memory_space<vmem_shared>>
          tpu.wait_indirect_dma semaphore(%run_scoped3A : memref<!tpu.dma_semaphore, #tpu.memory_space<semaphore_mem>>) src(%arg11 : memref<128x128xf32, #tpu.memory_space<vmem>>) dst(%dma_wait3A_76 : memref<10240x128xf32, #tpu.memory_space<vmem_shared>>)
          tpu.yield
        }) : () -> ()
      }
      %scan3A_50 = arith.constant 21 : i32
    } else {
    }
    %barrier3A_30 = arith.constant 0 : index
    tpu.barrier barrier_id(%barrier3A_30)
    %mul3A_31 = arith.constant 640 : i32
    %mul3A_32 = arith.muli %arg1, %mul3A_31 : i32
    %mul3A_33 = arith.constant 640 : i32
    %mul3A_34 = arith.muli %arg1, %mul3A_33 : i32
    "tpu.region"() ({
      %run_scoped3A = tpu.sem_alloc : memref<!tpu.dma_semaphore, #tpu.memory_space<semaphore_mem>>
      %dma_start3A = arith.constant 0 : i32
      %dma_start3A_35 = tpu.memref_slice %arg5[%arg0, %mul3A_34, %dma_start3A] : memref<2x10240x128xf32, #tpu.memory_space<hbm>> -> memref<1x640x128xf32, #tpu.memory_space<hbm>>
      %dma_start3A_36 = tpu.memref_squeeze %dma_start3A_35 : memref<1x640x128xf32, #tpu.memory_space<hbm>> -> memref<640x128xf32, #tpu.memory_space<hbm>>
      %dma_start3A_37 = arith.constant 0 : i32
      %dma_start3A_38 = tpu.memref_slice %arg12[%mul3A_32, %dma_start3A_37] : memref<10240x128xf32, #tpu.memory_space<vmem_shared>> -> memref<640x128xf32, #tpu.memory_space<vmem_shared>>
      tpu.enqueue_dma source(%dma_start3A_38 : memref<640x128xf32, #tpu.memory_space<vmem_shared>>) target(%dma_start3A_36 : memref<640x128xf32, #tpu.memory_space<hbm>>) target_semaphore(%run_scoped3A : memref<!tpu.dma_semaphore, #tpu.memory_space<semaphore_mem>>)
      %dma_wait3A = arith.constant 0 : i32
      %dma_wait3A_39 = tpu.memref_slice %arg5[%arg0, %mul3A_34, %dma_wait3A] : memref<2x10240x128xf32, #tpu.memory_space<hbm>> -> memref<1x640x128xf32, #tpu.memory_space<hbm>>
      %dma_wait3A_40 = tpu.memref_squeeze %dma_wait3A_39 : memref<1x640x128xf32, #tpu.memory_space<hbm>> -> memref<640x128xf32, #tpu.memory_space<hbm>>
      %dma_wait3A_41 = arith.constant 0 : i32
      %dma_wait3A_42 = tpu.memref_slice %arg12[%mul3A_32, %dma_wait3A_41] : memref<10240x128xf32, #tpu.memory_space<vmem_shared>> -> memref<640x128xf32, #tpu.memory_space<vmem_shared>>
      tpu.wait_dma2 semaphore(%run_scoped3A : memref<!tpu.dma_semaphore, #tpu.memory_space<semaphore_mem>>) src(%dma_wait3A_42 : memref<640x128xf32, #tpu.memory_space<vmem_shared>>) dst(%dma_wait3A_40 : memref<640x128xf32, #tpu.memory_space<hbm>>)
      tpu.yield
    }) : () -> ()
    return
  }
}

module attributes {stable_mosaic.version = 14 : i64} {
  func.func @_tc_prep_body(%arg0: memref<2x10240xf32, #tpu.memory_space<vmem>>, %arg1: memref<10240x128xf32, #tpu.memory_space<vmem>>, %arg2: memref<10240x1xf32, #tpu.memory_space<vmem>>, %arg3: memref<10240x128xf32, #tpu.memory_space<vmem>>) attributes {dimension_semantics = [], scalar_prefetch = 0 : i64, scratch_operands = 0 : i64, tpu.core_type = #tpu.core_type<tc>} {
    %get3A = arith.constant 0 : index
    %get3A_0 = arith.constant 0 : index
    %get3A_1 = vector.load %arg0[%get3A, %get3A_0] : memref<2x10240xf32, #tpu.memory_space<vmem>>, vector<1x10240xf32>
    %get3A_2 = arith.constant 1 : index
    %get3A_3 = arith.constant 0 : index
    %get3A_4 = vector.load %arg0[%get3A_2, %get3A_3] : memref<2x10240xf32, #tpu.memory_space<vmem>>, vector<1x10240xf32>
    %add3A = arith.addf %get3A_1, %get3A_4 : vector<1x10240xf32>
    %add3A_5 = arith.constant 1.000000e+00 : f32
    %add3A_6 = vector.broadcast %add3A_5 : f32 to vector<1x10240xf32>
    %add3A_7 = arith.addf %add3A, %add3A_6 : vector<1x10240xf32>
    %rsqrt3A = math.rsqrt %add3A_7 : vector<1x10240xf32>
    %iota3A = tpu.iota {dimensions = array<i32: 0>} : vector<128x128xi32>
    %iota3A_8 = tpu.iota {dimensions = array<i32: 1>} : vector<128x128xi32>
    %eq3A = arith.cmpi eq, %iota3A, %iota3A_8 : vector<128x128xi32>
    %convert_element_type3A = arith.extui %eq3A : vector<128x128xi1> to vector<128x128xi32>
    %convert_element_type3A_9 = arith.sitofp %convert_element_type3A : vector<128x128xi32> to vector<128x128xf32>
    %slice3A = vector.extract_strided_slice %rsqrt3A {offsets = [0, 0], sizes = [1, 128], strides = [1, 1]} : vector<1x10240xf32> to vector<1x128xf32>
    %mul3A = vector.broadcast %slice3A : vector<1x128xf32> to vector<128x128xf32>
    %mul3A_10 = arith.mulf %convert_element_type3A_9, %mul3A : vector<128x128xf32>
    %reduce_sum3A = arith.constant dense<0.000000e+00> : vector<128xf32>
    %reduce_sum3A_11 = vector.multi_reduction <add>, %mul3A_10, %reduce_sum3A [1] : vector<128x128xf32> to vector<128xf32>
    %broadcast_in_dim3A = vector.shape_cast %reduce_sum3A_11 : vector<128xf32> to vector<128x1xf32>
    %slice3A_12 = vector.extract_strided_slice %rsqrt3A {offsets = [0, 128], sizes = [1, 128], strides = [1, 1]} : vector<1x10240xf32> to vector<1x128xf32>
    %mul3A_13 = vector.broadcast %slice3A_12 : vector<1x128xf32> to vector<128x128xf32>
    %mul3A_14 = arith.mulf %convert_element_type3A_9, %mul3A_13 : vector<128x128xf32>
    %reduce_sum3A_15 = arith.constant dense<0.000000e+00> : vector<128xf32>
    %reduce_sum3A_16 = vector.multi_reduction <add>, %mul3A_14, %reduce_sum3A_15 [1] : vector<128x128xf32> to vector<128xf32>
    %broadcast_in_dim3A_17 = vector.shape_cast %reduce_sum3A_16 : vector<128xf32> to vector<128x1xf32>
    %slice3A_18 = vector.extract_strided_slice %rsqrt3A {offsets = [0, 256], sizes = [1, 128], strides = [1, 1]} : vector<1x10240xf32> to vector<1x128xf32>
    %mul3A_19 = vector.broadcast %slice3A_18 : vector<1x128xf32> to vector<128x128xf32>
    %mul3A_20 = arith.mulf %convert_element_type3A_9, %mul3A_19 : vector<128x128xf32>
    %reduce_sum3A_21 = arith.constant dense<0.000000e+00> : vector<128xf32>
    %reduce_sum3A_22 = vector.multi_reduction <add>, %mul3A_20, %reduce_sum3A_21 [1] : vector<128x128xf32> to vector<128xf32>
    %broadcast_in_dim3A_23 = vector.shape_cast %reduce_sum3A_22 : vector<128xf32> to vector<128x1xf32>
    %slice3A_24 = vector.extract_strided_slice %rsqrt3A {offsets = [0, 384], sizes = [1, 128], strides = [1, 1]} : vector<1x10240xf32> to vector<1x128xf32>
    %mul3A_25 = vector.broadcast %slice3A_24 : vector<1x128xf32> to vector<128x128xf32>
    %mul3A_26 = arith.mulf %convert_element_type3A_9, %mul3A_25 : vector<128x128xf32>
    %reduce_sum3A_27 = arith.constant dense<0.000000e+00> : vector<128xf32>
    %reduce_sum3A_28 = vector.multi_reduction <add>, %mul3A_26, %reduce_sum3A_27 [1] : vector<128x128xf32> to vector<128xf32>
    %broadcast_in_dim3A_29 = vector.shape_cast %reduce_sum3A_28 : vector<128xf32> to vector<128x1xf32>
    %slice3A_30 = vector.extract_strided_slice %rsqrt3A {offsets = [0, 512], sizes = [1, 128], strides = [1, 1]} : vector<1x10240xf32> to vector<1x128xf32>
    %mul3A_31 = vector.broadcast %slice3A_30 : vector<1x128xf32> to vector<128x128xf32>
    %mul3A_32 = arith.mulf %convert_element_type3A_9, %mul3A_31 : vector<128x128xf32>
    %reduce_sum3A_33 = arith.constant dense<0.000000e+00> : vector<128xf32>
    %reduce_sum3A_34 = vector.multi_reduction <add>, %mul3A_32, %reduce_sum3A_33 [1] : vector<128x128xf32> to vector<128xf32>
    %broadcast_in_dim3A_35 = vector.shape_cast %reduce_sum3A_34 : vector<128xf32> to vector<128x1xf32>
    %slice3A_36 = vector.extract_strided_slice %rsqrt3A {offsets = [0, 640], sizes = [1, 128], strides = [1, 1]} : vector<1x10240xf32> to vector<1x128xf32>
    %mul3A_37 = vector.broadcast %slice3A_36 : vector<1x128xf32> to vector<128x128xf32>
    %mul3A_38 = arith.mulf %convert_element_type3A_9, %mul3A_37 : vector<128x128xf32>
    %reduce_sum3A_39 = arith.constant dense<0.000000e+00> : vector<128xf32>
    %reduce_sum3A_40 = vector.multi_reduction <add>, %mul3A_38, %reduce_sum3A_39 [1] : vector<128x128xf32> to vector<128xf32>
    %broadcast_in_dim3A_41 = vector.shape_cast %reduce_sum3A_40 : vector<128xf32> to vector<128x1xf32>
    %slice3A_42 = vector.extract_strided_slice %rsqrt3A {offsets = [0, 768], sizes = [1, 128], strides = [1, 1]} : vector<1x10240xf32> to vector<1x128xf32>
    %mul3A_43 = vector.broadcast %slice3A_42 : vector<1x128xf32> to vector<128x128xf32>
    %mul3A_44 = arith.mulf %convert_element_type3A_9, %mul3A_43 : vector<128x128xf32>
    %reduce_sum3A_45 = arith.constant dense<0.000000e+00> : vector<128xf32>
    %reduce_sum3A_46 = vector.multi_reduction <add>, %mul3A_44, %reduce_sum3A_45 [1] : vector<128x128xf32> to vector<128xf32>
    %broadcast_in_dim3A_47 = vector.shape_cast %reduce_sum3A_46 : vector<128xf32> to vector<128x1xf32>
    %slice3A_48 = vector.extract_strided_slice %rsqrt3A {offsets = [0, 896], sizes = [1, 128], strides = [1, 1]} : vector<1x10240xf32> to vector<1x128xf32>
    %mul3A_49 = vector.broadcast %slice3A_48 : vector<1x128xf32> to vector<128x128xf32>
    %mul3A_50 = arith.mulf %convert_element_type3A_9, %mul3A_49 : vector<128x128xf32>
    %reduce_sum3A_51 = arith.constant dense<0.000000e+00> : vector<128xf32>
    %reduce_sum3A_52 = vector.multi_reduction <add>, %mul3A_50, %reduce_sum3A_51 [1] : vector<128x128xf32> to vector<128xf32>
    %broadcast_in_dim3A_53 = vector.shape_cast %reduce_sum3A_52 : vector<128xf32> to vector<128x1xf32>
    %slice3A_54 = vector.extract_strided_slice %rsqrt3A {offsets = [0, 1024], sizes = [1, 128], strides = [1, 1]} : vector<1x10240xf32> to vector<1x128xf32>
    %mul3A_55 = vector.broadcast %slice3A_54 : vector<1x128xf32> to vector<128x128xf32>
    %mul3A_56 = arith.mulf %convert_element_type3A_9, %mul3A_55 : vector<128x128xf32>
    %reduce_sum3A_57 = arith.constant dense<0.000000e+00> : vector<128xf32>
    %reduce_sum3A_58 = vector.multi_reduction <add>, %mul3A_56, %reduce_sum3A_57 [1] : vector<128x128xf32> to vector<128xf32>
    %broadcast_in_dim3A_59 = vector.shape_cast %reduce_sum3A_58 : vector<128xf32> to vector<128x1xf32>
    %slice3A_60 = vector.extract_strided_slice %rsqrt3A {offsets = [0, 1152], sizes = [1, 128], strides = [1, 1]} : vector<1x10240xf32> to vector<1x128xf32>
    %mul3A_61 = vector.broadcast %slice3A_60 : vector<1x128xf32> to vector<128x128xf32>
    %mul3A_62 = arith.mulf %convert_element_type3A_9, %mul3A_61 : vector<128x128xf32>
    %reduce_sum3A_63 = arith.constant dense<0.000000e+00> : vector<128xf32>
    %reduce_sum3A_64 = vector.multi_reduction <add>, %mul3A_62, %reduce_sum3A_63 [1] : vector<128x128xf32> to vector<128xf32>
    %broadcast_in_dim3A_65 = vector.shape_cast %reduce_sum3A_64 : vector<128xf32> to vector<128x1xf32>
    %slice3A_66 = vector.extract_strided_slice %rsqrt3A {offsets = [0, 1280], sizes = [1, 128], strides = [1, 1]} : vector<1x10240xf32> to vector<1x128xf32>
    %mul3A_67 = vector.broadcast %slice3A_66 : vector<1x128xf32> to vector<128x128xf32>
    %mul3A_68 = arith.mulf %convert_element_type3A_9, %mul3A_67 : vector<128x128xf32>
    %reduce_sum3A_69 = arith.constant dense<0.000000e+00> : vector<128xf32>
    %reduce_sum3A_70 = vector.multi_reduction <add>, %mul3A_68, %reduce_sum3A_69 [1] : vector<128x128xf32> to vector<128xf32>
    %broadcast_in_dim3A_71 = vector.shape_cast %reduce_sum3A_70 : vector<128xf32> to vector<128x1xf32>
    %slice3A_72 = vector.extract_strided_slice %rsqrt3A {offsets = [0, 1408], sizes = [1, 128], strides = [1, 1]} : vector<1x10240xf32> to vector<1x128xf32>
    %mul3A_73 = vector.broadcast %slice3A_72 : vector<1x128xf32> to vector<128x128xf32>
    %mul3A_74 = arith.mulf %convert_element_type3A_9, %mul3A_73 : vector<128x128xf32>
    %reduce_sum3A_75 = arith.constant dense<0.000000e+00> : vector<128xf32>
    %reduce_sum3A_76 = vector.multi_reduction <add>, %mul3A_74, %reduce_sum3A_75 [1] : vector<128x128xf32> to vector<128xf32>
    %broadcast_in_dim3A_77 = vector.shape_cast %reduce_sum3A_76 : vector<128xf32> to vector<128x1xf32>
    %slice3A_78 = vector.extract_strided_slice %rsqrt3A {offsets = [0, 1536], sizes = [1, 128], strides = [1, 1]} : vector<1x10240xf32> to vector<1x128xf32>
    %mul3A_79 = vector.broadcast %slice3A_78 : vector<1x128xf32> to vector<128x128xf32>
    %mul3A_80 = arith.mulf %convert_element_type3A_9, %mul3A_79 : vector<128x128xf32>
    %reduce_sum3A_81 = arith.constant dense<0.000000e+00> : vector<128xf32>
    %reduce_sum3A_82 = vector.multi_reduction <add>, %mul3A_80, %reduce_sum3A_81 [1] : vector<128x128xf32> to vector<128xf32>
    %broadcast_in_dim3A_83 = vector.shape_cast %reduce_sum3A_82 : vector<128xf32> to vector<128x1xf32>
    %slice3A_84 = vector.extract_strided_slice %rsqrt3A {offsets = [0, 1664], sizes = [1, 128], strides = [1, 1]} : vector<1x10240xf32> to vector<1x128xf32>
    %mul3A_85 = vector.broadcast %slice3A_84 : vector<1x128xf32> to vector<128x128xf32>
    %mul3A_86 = arith.mulf %convert_element_type3A_9, %mul3A_85 : vector<128x128xf32>
    %reduce_sum3A_87 = arith.constant dense<0.000000e+00> : vector<128xf32>
    %reduce_sum3A_88 = vector.multi_reduction <add>, %mul3A_86, %reduce_sum3A_87 [1] : vector<128x128xf32> to vector<128xf32>
    %broadcast_in_dim3A_89 = vector.shape_cast %reduce_sum3A_88 : vector<128xf32> to vector<128x1xf32>
    %slice3A_90 = vector.extract_strided_slice %rsqrt3A {offsets = [0, 1792], sizes = [1, 128], strides = [1, 1]} : vector<1x10240xf32> to vector<1x128xf32>
    %mul3A_91 = vector.broadcast %slice3A_90 : vector<1x128xf32> to vector<128x128xf32>
    %mul3A_92 = arith.mulf %convert_element_type3A_9, %mul3A_91 : vector<128x128xf32>
    %reduce_sum3A_93 = arith.constant dense<0.000000e+00> : vector<128xf32>
    %reduce_sum3A_94 = vector.multi_reduction <add>, %mul3A_92, %reduce_sum3A_93 [1] : vector<128x128xf32> to vector<128xf32>
    %broadcast_in_dim3A_95 = vector.shape_cast %reduce_sum3A_94 : vector<128xf32> to vector<128x1xf32>
    %slice3A_96 = vector.extract_strided_slice %rsqrt3A {offsets = [0, 1920], sizes = [1, 128], strides = [1, 1]} : vector<1x10240xf32> to vector<1x128xf32>
    %mul3A_97 = vector.broadcast %slice3A_96 : vector<1x128xf32> to vector<128x128xf32>
    %mul3A_98 = arith.mulf %convert_element_type3A_9, %mul3A_97 : vector<128x128xf32>
    %reduce_sum3A_99 = arith.constant dense<0.000000e+00> : vector<128xf32>
    %reduce_sum3A_100 = vector.multi_reduction <add>, %mul3A_98, %reduce_sum3A_99 [1] : vector<128x128xf32> to vector<128xf32>
    %broadcast_in_dim3A_101 = vector.shape_cast %reduce_sum3A_100 : vector<128xf32> to vector<128x1xf32>
    %slice3A_102 = vector.extract_strided_slice %rsqrt3A {offsets = [0, 2048], sizes = [1, 128], strides = [1, 1]} : vector<1x10240xf32> to vector<1x128xf32>
    %mul3A_103 = vector.broadcast %slice3A_102 : vector<1x128xf32> to vector<128x128xf32>
    %mul3A_104 = arith.mulf %convert_element_type3A_9, %mul3A_103 : vector<128x128xf32>
    %reduce_sum3A_105 = arith.constant dense<0.000000e+00> : vector<128xf32>
    %reduce_sum3A_106 = vector.multi_reduction <add>, %mul3A_104, %reduce_sum3A_105 [1] : vector<128x128xf32> to vector<128xf32>
    %broadcast_in_dim3A_107 = vector.shape_cast %reduce_sum3A_106 : vector<128xf32> to vector<128x1xf32>
    %slice3A_108 = vector.extract_strided_slice %rsqrt3A {offsets = [0, 2176], sizes = [1, 128], strides = [1, 1]} : vector<1x10240xf32> to vector<1x128xf32>
    %mul3A_109 = vector.broadcast %slice3A_108 : vector<1x128xf32> to vector<128x128xf32>
    %mul3A_110 = arith.mulf %convert_element_type3A_9, %mul3A_109 : vector<128x128xf32>
    %reduce_sum3A_111 = arith.constant dense<0.000000e+00> : vector<128xf32>
    %reduce_sum3A_112 = vector.multi_reduction <add>, %mul3A_110, %reduce_sum3A_111 [1] : vector<128x128xf32> to vector<128xf32>
    %broadcast_in_dim3A_113 = vector.shape_cast %reduce_sum3A_112 : vector<128xf32> to vector<128x1xf32>
    %slice3A_114 = vector.extract_strided_slice %rsqrt3A {offsets = [0, 2304], sizes = [1, 128], strides = [1, 1]} : vector<1x10240xf32> to vector<1x128xf32>
    %mul3A_115 = vector.broadcast %slice3A_114 : vector<1x128xf32> to vector<128x128xf32>
    %mul3A_116 = arith.mulf %convert_element_type3A_9, %mul3A_115 : vector<128x128xf32>
    %reduce_sum3A_117 = arith.constant dense<0.000000e+00> : vector<128xf32>
    %reduce_sum3A_118 = vector.multi_reduction <add>, %mul3A_116, %reduce_sum3A_117 [1] : vector<128x128xf32> to vector<128xf32>
    %broadcast_in_dim3A_119 = vector.shape_cast %reduce_sum3A_118 : vector<128xf32> to vector<128x1xf32>
    %slice3A_120 = vector.extract_strided_slice %rsqrt3A {offsets = [0, 2432], sizes = [1, 128], strides = [1, 1]} : vector<1x10240xf32> to vector<1x128xf32>
    %mul3A_121 = vector.broadcast %slice3A_120 : vector<1x128xf32> to vector<128x128xf32>
    %mul3A_122 = arith.mulf %convert_element_type3A_9, %mul3A_121 : vector<128x128xf32>
    %reduce_sum3A_123 = arith.constant dense<0.000000e+00> : vector<128xf32>
    %reduce_sum3A_124 = vector.multi_reduction <add>, %mul3A_122, %reduce_sum3A_123 [1] : vector<128x128xf32> to vector<128xf32>
    %broadcast_in_dim3A_125 = vector.shape_cast %reduce_sum3A_124 : vector<128xf32> to vector<128x1xf32>
    %slice3A_126 = vector.extract_strided_slice %rsqrt3A {offsets = [0, 2560], sizes = [1, 128], strides = [1, 1]} : vector<1x10240xf32> to vector<1x128xf32>
    %mul3A_127 = vector.broadcast %slice3A_126 : vector<1x128xf32> to vector<128x128xf32>
    %mul3A_128 = arith.mulf %convert_element_type3A_9, %mul3A_127 : vector<128x128xf32>
    %reduce_sum3A_129 = arith.constant dense<0.000000e+00> : vector<128xf32>
    %reduce_sum3A_130 = vector.multi_reduction <add>, %mul3A_128, %reduce_sum3A_129 [1] : vector<128x128xf32> to vector<128xf32>
    %broadcast_in_dim3A_131 = vector.shape_cast %reduce_sum3A_130 : vector<128xf32> to vector<128x1xf32>
    %slice3A_132 = vector.extract_strided_slice %rsqrt3A {offsets = [0, 2688], sizes = [1, 128], strides = [1, 1]} : vector<1x10240xf32> to vector<1x128xf32>
    %mul3A_133 = vector.broadcast %slice3A_132 : vector<1x128xf32> to vector<128x128xf32>
    %mul3A_134 = arith.mulf %convert_element_type3A_9, %mul3A_133 : vector<128x128xf32>
    %reduce_sum3A_135 = arith.constant dense<0.000000e+00> : vector<128xf32>
    %reduce_sum3A_136 = vector.multi_reduction <add>, %mul3A_134, %reduce_sum3A_135 [1] : vector<128x128xf32> to vector<128xf32>
    %broadcast_in_dim3A_137 = vector.shape_cast %reduce_sum3A_136 : vector<128xf32> to vector<128x1xf32>
    %slice3A_138 = vector.extract_strided_slice %rsqrt3A {offsets = [0, 2816], sizes = [1, 128], strides = [1, 1]} : vector<1x10240xf32> to vector<1x128xf32>
    %mul3A_139 = vector.broadcast %slice3A_138 : vector<1x128xf32> to vector<128x128xf32>
    %mul3A_140 = arith.mulf %convert_element_type3A_9, %mul3A_139 : vector<128x128xf32>
    %reduce_sum3A_141 = arith.constant dense<0.000000e+00> : vector<128xf32>
    %reduce_sum3A_142 = vector.multi_reduction <add>, %mul3A_140, %reduce_sum3A_141 [1] : vector<128x128xf32> to vector<128xf32>
    %broadcast_in_dim3A_143 = vector.shape_cast %reduce_sum3A_142 : vector<128xf32> to vector<128x1xf32>
    %slice3A_144 = vector.extract_strided_slice %rsqrt3A {offsets = [0, 2944], sizes = [1, 128], strides = [1, 1]} : vector<1x10240xf32> to vector<1x128xf32>
    %mul3A_145 = vector.broadcast %slice3A_144 : vector<1x128xf32> to vector<128x128xf32>
    %mul3A_146 = arith.mulf %convert_element_type3A_9, %mul3A_145 : vector<128x128xf32>
    %reduce_sum3A_147 = arith.constant dense<0.000000e+00> : vector<128xf32>
    %reduce_sum3A_148 = vector.multi_reduction <add>, %mul3A_146, %reduce_sum3A_147 [1] : vector<128x128xf32> to vector<128xf32>
    %broadcast_in_dim3A_149 = vector.shape_cast %reduce_sum3A_148 : vector<128xf32> to vector<128x1xf32>
    %slice3A_150 = vector.extract_strided_slice %rsqrt3A {offsets = [0, 3072], sizes = [1, 128], strides = [1, 1]} : vector<1x10240xf32> to vector<1x128xf32>
    %mul3A_151 = vector.broadcast %slice3A_150 : vector<1x128xf32> to vector<128x128xf32>
    %mul3A_152 = arith.mulf %convert_element_type3A_9, %mul3A_151 : vector<128x128xf32>
    %reduce_sum3A_153 = arith.constant dense<0.000000e+00> : vector<128xf32>
    %reduce_sum3A_154 = vector.multi_reduction <add>, %mul3A_152, %reduce_sum3A_153 [1] : vector<128x128xf32> to vector<128xf32>
    %broadcast_in_dim3A_155 = vector.shape_cast %reduce_sum3A_154 : vector<128xf32> to vector<128x1xf32>
    %slice3A_156 = vector.extract_strided_slice %rsqrt3A {offsets = [0, 3200], sizes = [1, 128], strides = [1, 1]} : vector<1x10240xf32> to vector<1x128xf32>
    %mul3A_157 = vector.broadcast %slice3A_156 : vector<1x128xf32> to vector<128x128xf32>
    %mul3A_158 = arith.mulf %convert_element_type3A_9, %mul3A_157 : vector<128x128xf32>
    %reduce_sum3A_159 = arith.constant dense<0.000000e+00> : vector<128xf32>
    %reduce_sum3A_160 = vector.multi_reduction <add>, %mul3A_158, %reduce_sum3A_159 [1] : vector<128x128xf32> to vector<128xf32>
    %broadcast_in_dim3A_161 = vector.shape_cast %reduce_sum3A_160 : vector<128xf32> to vector<128x1xf32>
    %slice3A_162 = vector.extract_strided_slice %rsqrt3A {offsets = [0, 3328], sizes = [1, 128], strides = [1, 1]} : vector<1x10240xf32> to vector<1x128xf32>
    %mul3A_163 = vector.broadcast %slice3A_162 : vector<1x128xf32> to vector<128x128xf32>
    %mul3A_164 = arith.mulf %convert_element_type3A_9, %mul3A_163 : vector<128x128xf32>
    %reduce_sum3A_165 = arith.constant dense<0.000000e+00> : vector<128xf32>
    %reduce_sum3A_166 = vector.multi_reduction <add>, %mul3A_164, %reduce_sum3A_165 [1] : vector<128x128xf32> to vector<128xf32>
    %broadcast_in_dim3A_167 = vector.shape_cast %reduce_sum3A_166 : vector<128xf32> to vector<128x1xf32>
    %slice3A_168 = vector.extract_strided_slice %rsqrt3A {offsets = [0, 3456], sizes = [1, 128], strides = [1, 1]} : vector<1x10240xf32> to vector<1x128xf32>
    %mul3A_169 = vector.broadcast %slice3A_168 : vector<1x128xf32> to vector<128x128xf32>
    %mul3A_170 = arith.mulf %convert_element_type3A_9, %mul3A_169 : vector<128x128xf32>
    %reduce_sum3A_171 = arith.constant dense<0.000000e+00> : vector<128xf32>
    %reduce_sum3A_172 = vector.multi_reduction <add>, %mul3A_170, %reduce_sum3A_171 [1] : vector<128x128xf32> to vector<128xf32>
    %broadcast_in_dim3A_173 = vector.shape_cast %reduce_sum3A_172 : vector<128xf32> to vector<128x1xf32>
    %slice3A_174 = vector.extract_strided_slice %rsqrt3A {offsets = [0, 3584], sizes = [1, 128], strides = [1, 1]} : vector<1x10240xf32> to vector<1x128xf32>
    %mul3A_175 = vector.broadcast %slice3A_174 : vector<1x128xf32> to vector<128x128xf32>
    %mul3A_176 = arith.mulf %convert_element_type3A_9, %mul3A_175 : vector<128x128xf32>
    %reduce_sum3A_177 = arith.constant dense<0.000000e+00> : vector<128xf32>
    %reduce_sum3A_178 = vector.multi_reduction <add>, %mul3A_176, %reduce_sum3A_177 [1] : vector<128x128xf32> to vector<128xf32>
    %broadcast_in_dim3A_179 = vector.shape_cast %reduce_sum3A_178 : vector<128xf32> to vector<128x1xf32>
    %slice3A_180 = vector.extract_strided_slice %rsqrt3A {offsets = [0, 3712], sizes = [1, 128], strides = [1, 1]} : vector<1x10240xf32> to vector<1x128xf32>
    %mul3A_181 = vector.broadcast %slice3A_180 : vector<1x128xf32> to vector<128x128xf32>
    %mul3A_182 = arith.mulf %convert_element_type3A_9, %mul3A_181 : vector<128x128xf32>
    %reduce_sum3A_183 = arith.constant dense<0.000000e+00> : vector<128xf32>
    %reduce_sum3A_184 = vector.multi_reduction <add>, %mul3A_182, %reduce_sum3A_183 [1] : vector<128x128xf32> to vector<128xf32>
    %broadcast_in_dim3A_185 = vector.shape_cast %reduce_sum3A_184 : vector<128xf32> to vector<128x1xf32>
    %slice3A_186 = vector.extract_strided_slice %rsqrt3A {offsets = [0, 3840], sizes = [1, 128], strides = [1, 1]} : vector<1x10240xf32> to vector<1x128xf32>
    %mul3A_187 = vector.broadcast %slice3A_186 : vector<1x128xf32> to vector<128x128xf32>
    %mul3A_188 = arith.mulf %convert_element_type3A_9, %mul3A_187 : vector<128x128xf32>
    %reduce_sum3A_189 = arith.constant dense<0.000000e+00> : vector<128xf32>
    %reduce_sum3A_190 = vector.multi_reduction <add>, %mul3A_188, %reduce_sum3A_189 [1] : vector<128x128xf32> to vector<128xf32>
    %broadcast_in_dim3A_191 = vector.shape_cast %reduce_sum3A_190 : vector<128xf32> to vector<128x1xf32>
    %slice3A_192 = vector.extract_strided_slice %rsqrt3A {offsets = [0, 3968], sizes = [1, 128], strides = [1, 1]} : vector<1x10240xf32> to vector<1x128xf32>
    %mul3A_193 = vector.broadcast %slice3A_192 : vector<1x128xf32> to vector<128x128xf32>
    %mul3A_194 = arith.mulf %convert_element_type3A_9, %mul3A_193 : vector<128x128xf32>
    %reduce_sum3A_195 = arith.constant dense<0.000000e+00> : vector<128xf32>
    %reduce_sum3A_196 = vector.multi_reduction <add>, %mul3A_194, %reduce_sum3A_195 [1] : vector<128x128xf32> to vector<128xf32>
    %broadcast_in_dim3A_197 = vector.shape_cast %reduce_sum3A_196 : vector<128xf32> to vector<128x1xf32>
    %slice3A_198 = vector.extract_strided_slice %rsqrt3A {offsets = [0, 4096], sizes = [1, 128], strides = [1, 1]} : vector<1x10240xf32> to vector<1x128xf32>
    %mul3A_199 = vector.broadcast %slice3A_198 : vector<1x128xf32> to vector<128x128xf32>
    %mul3A_200 = arith.mulf %convert_element_type3A_9, %mul3A_199 : vector<128x128xf32>
    %reduce_sum3A_201 = arith.constant dense<0.000000e+00> : vector<128xf32>
    %reduce_sum3A_202 = vector.multi_reduction <add>, %mul3A_200, %reduce_sum3A_201 [1] : vector<128x128xf32> to vector<128xf32>
    %broadcast_in_dim3A_203 = vector.shape_cast %reduce_sum3A_202 : vector<128xf32> to vector<128x1xf32>
    %slice3A_204 = vector.extract_strided_slice %rsqrt3A {offsets = [0, 4224], sizes = [1, 128], strides = [1, 1]} : vector<1x10240xf32> to vector<1x128xf32>
    %mul3A_205 = vector.broadcast %slice3A_204 : vector<1x128xf32> to vector<128x128xf32>
    %mul3A_206 = arith.mulf %convert_element_type3A_9, %mul3A_205 : vector<128x128xf32>
    %reduce_sum3A_207 = arith.constant dense<0.000000e+00> : vector<128xf32>
    %reduce_sum3A_208 = vector.multi_reduction <add>, %mul3A_206, %reduce_sum3A_207 [1] : vector<128x128xf32> to vector<128xf32>
    %broadcast_in_dim3A_209 = vector.shape_cast %reduce_sum3A_208 : vector<128xf32> to vector<128x1xf32>
    %slice3A_210 = vector.extract_strided_slice %rsqrt3A {offsets = [0, 4352], sizes = [1, 128], strides = [1, 1]} : vector<1x10240xf32> to vector<1x128xf32>
    %mul3A_211 = vector.broadcast %slice3A_210 : vector<1x128xf32> to vector<128x128xf32>
    %mul3A_212 = arith.mulf %convert_element_type3A_9, %mul3A_211 : vector<128x128xf32>
    %reduce_sum3A_213 = arith.constant dense<0.000000e+00> : vector<128xf32>
    %reduce_sum3A_214 = vector.multi_reduction <add>, %mul3A_212, %reduce_sum3A_213 [1] : vector<128x128xf32> to vector<128xf32>
    %broadcast_in_dim3A_215 = vector.shape_cast %reduce_sum3A_214 : vector<128xf32> to vector<128x1xf32>
    %slice3A_216 = vector.extract_strided_slice %rsqrt3A {offsets = [0, 4480], sizes = [1, 128], strides = [1, 1]} : vector<1x10240xf32> to vector<1x128xf32>
    %mul3A_217 = vector.broadcast %slice3A_216 : vector<1x128xf32> to vector<128x128xf32>
    %mul3A_218 = arith.mulf %convert_element_type3A_9, %mul3A_217 : vector<128x128xf32>
    %reduce_sum3A_219 = arith.constant dense<0.000000e+00> : vector<128xf32>
    %reduce_sum3A_220 = vector.multi_reduction <add>, %mul3A_218, %reduce_sum3A_219 [1] : vector<128x128xf32> to vector<128xf32>
    %broadcast_in_dim3A_221 = vector.shape_cast %reduce_sum3A_220 : vector<128xf32> to vector<128x1xf32>
    %slice3A_222 = vector.extract_strided_slice %rsqrt3A {offsets = [0, 4608], sizes = [1, 128], strides = [1, 1]} : vector<1x10240xf32> to vector<1x128xf32>
    %mul3A_223 = vector.broadcast %slice3A_222 : vector<1x128xf32> to vector<128x128xf32>
    %mul3A_224 = arith.mulf %convert_element_type3A_9, %mul3A_223 : vector<128x128xf32>
    %reduce_sum3A_225 = arith.constant dense<0.000000e+00> : vector<128xf32>
    %reduce_sum3A_226 = vector.multi_reduction <add>, %mul3A_224, %reduce_sum3A_225 [1] : vector<128x128xf32> to vector<128xf32>
    %broadcast_in_dim3A_227 = vector.shape_cast %reduce_sum3A_226 : vector<128xf32> to vector<128x1xf32>
    %slice3A_228 = vector.extract_strided_slice %rsqrt3A {offsets = [0, 4736], sizes = [1, 128], strides = [1, 1]} : vector<1x10240xf32> to vector<1x128xf32>
    %mul3A_229 = vector.broadcast %slice3A_228 : vector<1x128xf32> to vector<128x128xf32>
    %mul3A_230 = arith.mulf %convert_element_type3A_9, %mul3A_229 : vector<128x128xf32>
    %reduce_sum3A_231 = arith.constant dense<0.000000e+00> : vector<128xf32>
    %reduce_sum3A_232 = vector.multi_reduction <add>, %mul3A_230, %reduce_sum3A_231 [1] : vector<128x128xf32> to vector<128xf32>
    %broadcast_in_dim3A_233 = vector.shape_cast %reduce_sum3A_232 : vector<128xf32> to vector<128x1xf32>
    %slice3A_234 = vector.extract_strided_slice %rsqrt3A {offsets = [0, 4864], sizes = [1, 128], strides = [1, 1]} : vector<1x10240xf32> to vector<1x128xf32>
    %mul3A_235 = vector.broadcast %slice3A_234 : vector<1x128xf32> to vector<128x128xf32>
    %mul3A_236 = arith.mulf %convert_element_type3A_9, %mul3A_235 : vector<128x128xf32>
    %reduce_sum3A_237 = arith.constant dense<0.000000e+00> : vector<128xf32>
    %reduce_sum3A_238 = vector.multi_reduction <add>, %mul3A_236, %reduce_sum3A_237 [1] : vector<128x128xf32> to vector<128xf32>
    %broadcast_in_dim3A_239 = vector.shape_cast %reduce_sum3A_238 : vector<128xf32> to vector<128x1xf32>
    %slice3A_240 = vector.extract_strided_slice %rsqrt3A {offsets = [0, 4992], sizes = [1, 128], strides = [1, 1]} : vector<1x10240xf32> to vector<1x128xf32>
    %mul3A_241 = vector.broadcast %slice3A_240 : vector<1x128xf32> to vector<128x128xf32>
    %mul3A_242 = arith.mulf %convert_element_type3A_9, %mul3A_241 : vector<128x128xf32>
    %reduce_sum3A_243 = arith.constant dense<0.000000e+00> : vector<128xf32>
    %reduce_sum3A_244 = vector.multi_reduction <add>, %mul3A_242, %reduce_sum3A_243 [1] : vector<128x128xf32> to vector<128xf32>
    %broadcast_in_dim3A_245 = vector.shape_cast %reduce_sum3A_244 : vector<128xf32> to vector<128x1xf32>
    %slice3A_246 = vector.extract_strided_slice %rsqrt3A {offsets = [0, 5120], sizes = [1, 128], strides = [1, 1]} : vector<1x10240xf32> to vector<1x128xf32>
    %mul3A_247 = vector.broadcast %slice3A_246 : vector<1x128xf32> to vector<128x128xf32>
    %mul3A_248 = arith.mulf %convert_element_type3A_9, %mul3A_247 : vector<128x128xf32>
    %reduce_sum3A_249 = arith.constant dense<0.000000e+00> : vector<128xf32>
    %reduce_sum3A_250 = vector.multi_reduction <add>, %mul3A_248, %reduce_sum3A_249 [1] : vector<128x128xf32> to vector<128xf32>
    %broadcast_in_dim3A_251 = vector.shape_cast %reduce_sum3A_250 : vector<128xf32> to vector<128x1xf32>
    %slice3A_252 = vector.extract_strided_slice %rsqrt3A {offsets = [0, 5248], sizes = [1, 128], strides = [1, 1]} : vector<1x10240xf32> to vector<1x128xf32>
    %mul3A_253 = vector.broadcast %slice3A_252 : vector<1x128xf32> to vector<128x128xf32>
    %mul3A_254 = arith.mulf %convert_element_type3A_9, %mul3A_253 : vector<128x128xf32>
    %reduce_sum3A_255 = arith.constant dense<0.000000e+00> : vector<128xf32>
    %reduce_sum3A_256 = vector.multi_reduction <add>, %mul3A_254, %reduce_sum3A_255 [1] : vector<128x128xf32> to vector<128xf32>
    %broadcast_in_dim3A_257 = vector.shape_cast %reduce_sum3A_256 : vector<128xf32> to vector<128x1xf32>
    %slice3A_258 = vector.extract_strided_slice %rsqrt3A {offsets = [0, 5376], sizes = [1, 128], strides = [1, 1]} : vector<1x10240xf32> to vector<1x128xf32>
    %mul3A_259 = vector.broadcast %slice3A_258 : vector<1x128xf32> to vector<128x128xf32>
    %mul3A_260 = arith.mulf %convert_element_type3A_9, %mul3A_259 : vector<128x128xf32>
    %reduce_sum3A_261 = arith.constant dense<0.000000e+00> : vector<128xf32>
    %reduce_sum3A_262 = vector.multi_reduction <add>, %mul3A_260, %reduce_sum3A_261 [1] : vector<128x128xf32> to vector<128xf32>
    %broadcast_in_dim3A_263 = vector.shape_cast %reduce_sum3A_262 : vector<128xf32> to vector<128x1xf32>
    %slice3A_264 = vector.extract_strided_slice %rsqrt3A {offsets = [0, 5504], sizes = [1, 128], strides = [1, 1]} : vector<1x10240xf32> to vector<1x128xf32>
    %mul3A_265 = vector.broadcast %slice3A_264 : vector<1x128xf32> to vector<128x128xf32>
    %mul3A_266 = arith.mulf %convert_element_type3A_9, %mul3A_265 : vector<128x128xf32>
    %reduce_sum3A_267 = arith.constant dense<0.000000e+00> : vector<128xf32>
    %reduce_sum3A_268 = vector.multi_reduction <add>, %mul3A_266, %reduce_sum3A_267 [1] : vector<128x128xf32> to vector<128xf32>
    %broadcast_in_dim3A_269 = vector.shape_cast %reduce_sum3A_268 : vector<128xf32> to vector<128x1xf32>
    %slice3A_270 = vector.extract_strided_slice %rsqrt3A {offsets = [0, 5632], sizes = [1, 128], strides = [1, 1]} : vector<1x10240xf32> to vector<1x128xf32>
    %mul3A_271 = vector.broadcast %slice3A_270 : vector<1x128xf32> to vector<128x128xf32>
    %mul3A_272 = arith.mulf %convert_element_type3A_9, %mul3A_271 : vector<128x128xf32>
    %reduce_sum3A_273 = arith.constant dense<0.000000e+00> : vector<128xf32>
    %reduce_sum3A_274 = vector.multi_reduction <add>, %mul3A_272, %reduce_sum3A_273 [1] : vector<128x128xf32> to vector<128xf32>
    %broadcast_in_dim3A_275 = vector.shape_cast %reduce_sum3A_274 : vector<128xf32> to vector<128x1xf32>
    %slice3A_276 = vector.extract_strided_slice %rsqrt3A {offsets = [0, 5760], sizes = [1, 128], strides = [1, 1]} : vector<1x10240xf32> to vector<1x128xf32>
    %mul3A_277 = vector.broadcast %slice3A_276 : vector<1x128xf32> to vector<128x128xf32>
    %mul3A_278 = arith.mulf %convert_element_type3A_9, %mul3A_277 : vector<128x128xf32>
    %reduce_sum3A_279 = arith.constant dense<0.000000e+00> : vector<128xf32>
    %reduce_sum3A_280 = vector.multi_reduction <add>, %mul3A_278, %reduce_sum3A_279 [1] : vector<128x128xf32> to vector<128xf32>
    %broadcast_in_dim3A_281 = vector.shape_cast %reduce_sum3A_280 : vector<128xf32> to vector<128x1xf32>
    %slice3A_282 = vector.extract_strided_slice %rsqrt3A {offsets = [0, 5888], sizes = [1, 128], strides = [1, 1]} : vector<1x10240xf32> to vector<1x128xf32>
    %mul3A_283 = vector.broadcast %slice3A_282 : vector<1x128xf32> to vector<128x128xf32>
    %mul3A_284 = arith.mulf %convert_element_type3A_9, %mul3A_283 : vector<128x128xf32>
    %reduce_sum3A_285 = arith.constant dense<0.000000e+00> : vector<128xf32>
    %reduce_sum3A_286 = vector.multi_reduction <add>, %mul3A_284, %reduce_sum3A_285 [1] : vector<128x128xf32> to vector<128xf32>
    %broadcast_in_dim3A_287 = vector.shape_cast %reduce_sum3A_286 : vector<128xf32> to vector<128x1xf32>
    %slice3A_288 = vector.extract_strided_slice %rsqrt3A {offsets = [0, 6016], sizes = [1, 128], strides = [1, 1]} : vector<1x10240xf32> to vector<1x128xf32>
    %mul3A_289 = vector.broadcast %slice3A_288 : vector<1x128xf32> to vector<128x128xf32>
    %mul3A_290 = arith.mulf %convert_element_type3A_9, %mul3A_289 : vector<128x128xf32>
    %reduce_sum3A_291 = arith.constant dense<0.000000e+00> : vector<128xf32>
    %reduce_sum3A_292 = vector.multi_reduction <add>, %mul3A_290, %reduce_sum3A_291 [1] : vector<128x128xf32> to vector<128xf32>
    %broadcast_in_dim3A_293 = vector.shape_cast %reduce_sum3A_292 : vector<128xf32> to vector<128x1xf32>
    %slice3A_294 = vector.extract_strided_slice %rsqrt3A {offsets = [0, 6144], sizes = [1, 128], strides = [1, 1]} : vector<1x10240xf32> to vector<1x128xf32>
    %mul3A_295 = vector.broadcast %slice3A_294 : vector<1x128xf32> to vector<128x128xf32>
    %mul3A_296 = arith.mulf %convert_element_type3A_9, %mul3A_295 : vector<128x128xf32>
    %reduce_sum3A_297 = arith.constant dense<0.000000e+00> : vector<128xf32>
    %reduce_sum3A_298 = vector.multi_reduction <add>, %mul3A_296, %reduce_sum3A_297 [1] : vector<128x128xf32> to vector<128xf32>
    %broadcast_in_dim3A_299 = vector.shape_cast %reduce_sum3A_298 : vector<128xf32> to vector<128x1xf32>
    %slice3A_300 = vector.extract_strided_slice %rsqrt3A {offsets = [0, 6272], sizes = [1, 128], strides = [1, 1]} : vector<1x10240xf32> to vector<1x128xf32>
    %mul3A_301 = vector.broadcast %slice3A_300 : vector<1x128xf32> to vector<128x128xf32>
    %mul3A_302 = arith.mulf %convert_element_type3A_9, %mul3A_301 : vector<128x128xf32>
    %reduce_sum3A_303 = arith.constant dense<0.000000e+00> : vector<128xf32>
    %reduce_sum3A_304 = vector.multi_reduction <add>, %mul3A_302, %reduce_sum3A_303 [1] : vector<128x128xf32> to vector<128xf32>
    %broadcast_in_dim3A_305 = vector.shape_cast %reduce_sum3A_304 : vector<128xf32> to vector<128x1xf32>
    %slice3A_306 = vector.extract_strided_slice %rsqrt3A {offsets = [0, 6400], sizes = [1, 128], strides = [1, 1]} : vector<1x10240xf32> to vector<1x128xf32>
    %mul3A_307 = vector.broadcast %slice3A_306 : vector<1x128xf32> to vector<128x128xf32>
    %mul3A_308 = arith.mulf %convert_element_type3A_9, %mul3A_307 : vector<128x128xf32>
    %reduce_sum3A_309 = arith.constant dense<0.000000e+00> : vector<128xf32>
    %reduce_sum3A_310 = vector.multi_reduction <add>, %mul3A_308, %reduce_sum3A_309 [1] : vector<128x128xf32> to vector<128xf32>
    %broadcast_in_dim3A_311 = vector.shape_cast %reduce_sum3A_310 : vector<128xf32> to vector<128x1xf32>
    %slice3A_312 = vector.extract_strided_slice %rsqrt3A {offsets = [0, 6528], sizes = [1, 128], strides = [1, 1]} : vector<1x10240xf32> to vector<1x128xf32>
    %mul3A_313 = vector.broadcast %slice3A_312 : vector<1x128xf32> to vector<128x128xf32>
    %mul3A_314 = arith.mulf %convert_element_type3A_9, %mul3A_313 : vector<128x128xf32>
    %reduce_sum3A_315 = arith.constant dense<0.000000e+00> : vector<128xf32>
    %reduce_sum3A_316 = vector.multi_reduction <add>, %mul3A_314, %reduce_sum3A_315 [1] : vector<128x128xf32> to vector<128xf32>
    %broadcast_in_dim3A_317 = vector.shape_cast %reduce_sum3A_316 : vector<128xf32> to vector<128x1xf32>
    %slice3A_318 = vector.extract_strided_slice %rsqrt3A {offsets = [0, 6656], sizes = [1, 128], strides = [1, 1]} : vector<1x10240xf32> to vector<1x128xf32>
    %mul3A_319 = vector.broadcast %slice3A_318 : vector<1x128xf32> to vector<128x128xf32>
    %mul3A_320 = arith.mulf %convert_element_type3A_9, %mul3A_319 : vector<128x128xf32>
    %reduce_sum3A_321 = arith.constant dense<0.000000e+00> : vector<128xf32>
    %reduce_sum3A_322 = vector.multi_reduction <add>, %mul3A_320, %reduce_sum3A_321 [1] : vector<128x128xf32> to vector<128xf32>
    %broadcast_in_dim3A_323 = vector.shape_cast %reduce_sum3A_322 : vector<128xf32> to vector<128x1xf32>
    %slice3A_324 = vector.extract_strided_slice %rsqrt3A {offsets = [0, 6784], sizes = [1, 128], strides = [1, 1]} : vector<1x10240xf32> to vector<1x128xf32>
    %mul3A_325 = vector.broadcast %slice3A_324 : vector<1x128xf32> to vector<128x128xf32>
    %mul3A_326 = arith.mulf %convert_element_type3A_9, %mul3A_325 : vector<128x128xf32>
    %reduce_sum3A_327 = arith.constant dense<0.000000e+00> : vector<128xf32>
    %reduce_sum3A_328 = vector.multi_reduction <add>, %mul3A_326, %reduce_sum3A_327 [1] : vector<128x128xf32> to vector<128xf32>
    %broadcast_in_dim3A_329 = vector.shape_cast %reduce_sum3A_328 : vector<128xf32> to vector<128x1xf32>
    %slice3A_330 = vector.extract_strided_slice %rsqrt3A {offsets = [0, 6912], sizes = [1, 128], strides = [1, 1]} : vector<1x10240xf32> to vector<1x128xf32>
    %mul3A_331 = vector.broadcast %slice3A_330 : vector<1x128xf32> to vector<128x128xf32>
    %mul3A_332 = arith.mulf %convert_element_type3A_9, %mul3A_331 : vector<128x128xf32>
    %reduce_sum3A_333 = arith.constant dense<0.000000e+00> : vector<128xf32>
    %reduce_sum3A_334 = vector.multi_reduction <add>, %mul3A_332, %reduce_sum3A_333 [1] : vector<128x128xf32> to vector<128xf32>
    %broadcast_in_dim3A_335 = vector.shape_cast %reduce_sum3A_334 : vector<128xf32> to vector<128x1xf32>
    %slice3A_336 = vector.extract_strided_slice %rsqrt3A {offsets = [0, 7040], sizes = [1, 128], strides = [1, 1]} : vector<1x10240xf32> to vector<1x128xf32>
    %mul3A_337 = vector.broadcast %slice3A_336 : vector<1x128xf32> to vector<128x128xf32>
    %mul3A_338 = arith.mulf %convert_element_type3A_9, %mul3A_337 : vector<128x128xf32>
    %reduce_sum3A_339 = arith.constant dense<0.000000e+00> : vector<128xf32>
    %reduce_sum3A_340 = vector.multi_reduction <add>, %mul3A_338, %reduce_sum3A_339 [1] : vector<128x128xf32> to vector<128xf32>
    %broadcast_in_dim3A_341 = vector.shape_cast %reduce_sum3A_340 : vector<128xf32> to vector<128x1xf32>
    %slice3A_342 = vector.extract_strided_slice %rsqrt3A {offsets = [0, 7168], sizes = [1, 128], strides = [1, 1]} : vector<1x10240xf32> to vector<1x128xf32>
    %mul3A_343 = vector.broadcast %slice3A_342 : vector<1x128xf32> to vector<128x128xf32>
    %mul3A_344 = arith.mulf %convert_element_type3A_9, %mul3A_343 : vector<128x128xf32>
    %reduce_sum3A_345 = arith.constant dense<0.000000e+00> : vector<128xf32>
    %reduce_sum3A_346 = vector.multi_reduction <add>, %mul3A_344, %reduce_sum3A_345 [1] : vector<128x128xf32> to vector<128xf32>
    %broadcast_in_dim3A_347 = vector.shape_cast %reduce_sum3A_346 : vector<128xf32> to vector<128x1xf32>
    %slice3A_348 = vector.extract_strided_slice %rsqrt3A {offsets = [0, 7296], sizes = [1, 128], strides = [1, 1]} : vector<1x10240xf32> to vector<1x128xf32>
    %mul3A_349 = vector.broadcast %slice3A_348 : vector<1x128xf32> to vector<128x128xf32>
    %mul3A_350 = arith.mulf %convert_element_type3A_9, %mul3A_349 : vector<128x128xf32>
    %reduce_sum3A_351 = arith.constant dense<0.000000e+00> : vector<128xf32>
    %reduce_sum3A_352 = vector.multi_reduction <add>, %mul3A_350, %reduce_sum3A_351 [1] : vector<128x128xf32> to vector<128xf32>
    %broadcast_in_dim3A_353 = vector.shape_cast %reduce_sum3A_352 : vector<128xf32> to vector<128x1xf32>
    %slice3A_354 = vector.extract_strided_slice %rsqrt3A {offsets = [0, 7424], sizes = [1, 128], strides = [1, 1]} : vector<1x10240xf32> to vector<1x128xf32>
    %mul3A_355 = vector.broadcast %slice3A_354 : vector<1x128xf32> to vector<128x128xf32>
    %mul3A_356 = arith.mulf %convert_element_type3A_9, %mul3A_355 : vector<128x128xf32>
    %reduce_sum3A_357 = arith.constant dense<0.000000e+00> : vector<128xf32>
    %reduce_sum3A_358 = vector.multi_reduction <add>, %mul3A_356, %reduce_sum3A_357 [1] : vector<128x128xf32> to vector<128xf32>
    %broadcast_in_dim3A_359 = vector.shape_cast %reduce_sum3A_358 : vector<128xf32> to vector<128x1xf32>
    %slice3A_360 = vector.extract_strided_slice %rsqrt3A {offsets = [0, 7552], sizes = [1, 128], strides = [1, 1]} : vector<1x10240xf32> to vector<1x128xf32>
    %mul3A_361 = vector.broadcast %slice3A_360 : vector<1x128xf32> to vector<128x128xf32>
    %mul3A_362 = arith.mulf %convert_element_type3A_9, %mul3A_361 : vector<128x128xf32>
    %reduce_sum3A_363 = arith.constant dense<0.000000e+00> : vector<128xf32>
    %reduce_sum3A_364 = vector.multi_reduction <add>, %mul3A_362, %reduce_sum3A_363 [1] : vector<128x128xf32> to vector<128xf32>
    %broadcast_in_dim3A_365 = vector.shape_cast %reduce_sum3A_364 : vector<128xf32> to vector<128x1xf32>
    %slice3A_366 = vector.extract_strided_slice %rsqrt3A {offsets = [0, 7680], sizes = [1, 128], strides = [1, 1]} : vector<1x10240xf32> to vector<1x128xf32>
    %mul3A_367 = vector.broadcast %slice3A_366 : vector<1x128xf32> to vector<128x128xf32>
    %mul3A_368 = arith.mulf %convert_element_type3A_9, %mul3A_367 : vector<128x128xf32>
    %reduce_sum3A_369 = arith.constant dense<0.000000e+00> : vector<128xf32>
    %reduce_sum3A_370 = vector.multi_reduction <add>, %mul3A_368, %reduce_sum3A_369 [1] : vector<128x128xf32> to vector<128xf32>
    %broadcast_in_dim3A_371 = vector.shape_cast %reduce_sum3A_370 : vector<128xf32> to vector<128x1xf32>
    %slice3A_372 = vector.extract_strided_slice %rsqrt3A {offsets = [0, 7808], sizes = [1, 128], strides = [1, 1]} : vector<1x10240xf32> to vector<1x128xf32>
    %mul3A_373 = vector.broadcast %slice3A_372 : vector<1x128xf32> to vector<128x128xf32>
    %mul3A_374 = arith.mulf %convert_element_type3A_9, %mul3A_373 : vector<128x128xf32>
    %reduce_sum3A_375 = arith.constant dense<0.000000e+00> : vector<128xf32>
    %reduce_sum3A_376 = vector.multi_reduction <add>, %mul3A_374, %reduce_sum3A_375 [1] : vector<128x128xf32> to vector<128xf32>
    %broadcast_in_dim3A_377 = vector.shape_cast %reduce_sum3A_376 : vector<128xf32> to vector<128x1xf32>
    %slice3A_378 = vector.extract_strided_slice %rsqrt3A {offsets = [0, 7936], sizes = [1, 128], strides = [1, 1]} : vector<1x10240xf32> to vector<1x128xf32>
    %mul3A_379 = vector.broadcast %slice3A_378 : vector<1x128xf32> to vector<128x128xf32>
    %mul3A_380 = arith.mulf %convert_element_type3A_9, %mul3A_379 : vector<128x128xf32>
    %reduce_sum3A_381 = arith.constant dense<0.000000e+00> : vector<128xf32>
    %reduce_sum3A_382 = vector.multi_reduction <add>, %mul3A_380, %reduce_sum3A_381 [1] : vector<128x128xf32> to vector<128xf32>
    %broadcast_in_dim3A_383 = vector.shape_cast %reduce_sum3A_382 : vector<128xf32> to vector<128x1xf32>
    %slice3A_384 = vector.extract_strided_slice %rsqrt3A {offsets = [0, 8064], sizes = [1, 128], strides = [1, 1]} : vector<1x10240xf32> to vector<1x128xf32>
    %mul3A_385 = vector.broadcast %slice3A_384 : vector<1x128xf32> to vector<128x128xf32>
    %mul3A_386 = arith.mulf %convert_element_type3A_9, %mul3A_385 : vector<128x128xf32>
    %reduce_sum3A_387 = arith.constant dense<0.000000e+00> : vector<128xf32>
    %reduce_sum3A_388 = vector.multi_reduction <add>, %mul3A_386, %reduce_sum3A_387 [1] : vector<128x128xf32> to vector<128xf32>
    %broadcast_in_dim3A_389 = vector.shape_cast %reduce_sum3A_388 : vector<128xf32> to vector<128x1xf32>
    %slice3A_390 = vector.extract_strided_slice %rsqrt3A {offsets = [0, 8192], sizes = [1, 128], strides = [1, 1]} : vector<1x10240xf32> to vector<1x128xf32>
    %mul3A_391 = vector.broadcast %slice3A_390 : vector<1x128xf32> to vector<128x128xf32>
    %mul3A_392 = arith.mulf %convert_element_type3A_9, %mul3A_391 : vector<128x128xf32>
    %reduce_sum3A_393 = arith.constant dense<0.000000e+00> : vector<128xf32>
    %reduce_sum3A_394 = vector.multi_reduction <add>, %mul3A_392, %reduce_sum3A_393 [1] : vector<128x128xf32> to vector<128xf32>
    %broadcast_in_dim3A_395 = vector.shape_cast %reduce_sum3A_394 : vector<128xf32> to vector<128x1xf32>
    %slice3A_396 = vector.extract_strided_slice %rsqrt3A {offsets = [0, 8320], sizes = [1, 128], strides = [1, 1]} : vector<1x10240xf32> to vector<1x128xf32>
    %mul3A_397 = vector.broadcast %slice3A_396 : vector<1x128xf32> to vector<128x128xf32>
    %mul3A_398 = arith.mulf %convert_element_type3A_9, %mul3A_397 : vector<128x128xf32>
    %reduce_sum3A_399 = arith.constant dense<0.000000e+00> : vector<128xf32>
    %reduce_sum3A_400 = vector.multi_reduction <add>, %mul3A_398, %reduce_sum3A_399 [1] : vector<128x128xf32> to vector<128xf32>
    %broadcast_in_dim3A_401 = vector.shape_cast %reduce_sum3A_400 : vector<128xf32> to vector<128x1xf32>
    %slice3A_402 = vector.extract_strided_slice %rsqrt3A {offsets = [0, 8448], sizes = [1, 128], strides = [1, 1]} : vector<1x10240xf32> to vector<1x128xf32>
    %mul3A_403 = vector.broadcast %slice3A_402 : vector<1x128xf32> to vector<128x128xf32>
    %mul3A_404 = arith.mulf %convert_element_type3A_9, %mul3A_403 : vector<128x128xf32>
    %reduce_sum3A_405 = arith.constant dense<0.000000e+00> : vector<128xf32>
    %reduce_sum3A_406 = vector.multi_reduction <add>, %mul3A_404, %reduce_sum3A_405 [1] : vector<128x128xf32> to vector<128xf32>
    %broadcast_in_dim3A_407 = vector.shape_cast %reduce_sum3A_406 : vector<128xf32> to vector<128x1xf32>
    %slice3A_408 = vector.extract_strided_slice %rsqrt3A {offsets = [0, 8576], sizes = [1, 128], strides = [1, 1]} : vector<1x10240xf32> to vector<1x128xf32>
    %mul3A_409 = vector.broadcast %slice3A_408 : vector<1x128xf32> to vector<128x128xf32>
    %mul3A_410 = arith.mulf %convert_element_type3A_9, %mul3A_409 : vector<128x128xf32>
    %reduce_sum3A_411 = arith.constant dense<0.000000e+00> : vector<128xf32>
    %reduce_sum3A_412 = vector.multi_reduction <add>, %mul3A_410, %reduce_sum3A_411 [1] : vector<128x128xf32> to vector<128xf32>
    %broadcast_in_dim3A_413 = vector.shape_cast %reduce_sum3A_412 : vector<128xf32> to vector<128x1xf32>
    %slice3A_414 = vector.extract_strided_slice %rsqrt3A {offsets = [0, 8704], sizes = [1, 128], strides = [1, 1]} : vector<1x10240xf32> to vector<1x128xf32>
    %mul3A_415 = vector.broadcast %slice3A_414 : vector<1x128xf32> to vector<128x128xf32>
    %mul3A_416 = arith.mulf %convert_element_type3A_9, %mul3A_415 : vector<128x128xf32>
    %reduce_sum3A_417 = arith.constant dense<0.000000e+00> : vector<128xf32>
    %reduce_sum3A_418 = vector.multi_reduction <add>, %mul3A_416, %reduce_sum3A_417 [1] : vector<128x128xf32> to vector<128xf32>
    %broadcast_in_dim3A_419 = vector.shape_cast %reduce_sum3A_418 : vector<128xf32> to vector<128x1xf32>
    %slice3A_420 = vector.extract_strided_slice %rsqrt3A {offsets = [0, 8832], sizes = [1, 128], strides = [1, 1]} : vector<1x10240xf32> to vector<1x128xf32>
    %mul3A_421 = vector.broadcast %slice3A_420 : vector<1x128xf32> to vector<128x128xf32>
    %mul3A_422 = arith.mulf %convert_element_type3A_9, %mul3A_421 : vector<128x128xf32>
    %reduce_sum3A_423 = arith.constant dense<0.000000e+00> : vector<128xf32>
    %reduce_sum3A_424 = vector.multi_reduction <add>, %mul3A_422, %reduce_sum3A_423 [1] : vector<128x128xf32> to vector<128xf32>
    %broadcast_in_dim3A_425 = vector.shape_cast %reduce_sum3A_424 : vector<128xf32> to vector<128x1xf32>
    %slice3A_426 = vector.extract_strided_slice %rsqrt3A {offsets = [0, 8960], sizes = [1, 128], strides = [1, 1]} : vector<1x10240xf32> to vector<1x128xf32>
    %mul3A_427 = vector.broadcast %slice3A_426 : vector<1x128xf32> to vector<128x128xf32>
    %mul3A_428 = arith.mulf %convert_element_type3A_9, %mul3A_427 : vector<128x128xf32>
    %reduce_sum3A_429 = arith.constant dense<0.000000e+00> : vector<128xf32>
    %reduce_sum3A_430 = vector.multi_reduction <add>, %mul3A_428, %reduce_sum3A_429 [1] : vector<128x128xf32> to vector<128xf32>
    %broadcast_in_dim3A_431 = vector.shape_cast %reduce_sum3A_430 : vector<128xf32> to vector<128x1xf32>
    %slice3A_432 = vector.extract_strided_slice %rsqrt3A {offsets = [0, 9088], sizes = [1, 128], strides = [1, 1]} : vector<1x10240xf32> to vector<1x128xf32>
    %mul3A_433 = vector.broadcast %slice3A_432 : vector<1x128xf32> to vector<128x128xf32>
    %mul3A_434 = arith.mulf %convert_element_type3A_9, %mul3A_433 : vector<128x128xf32>
    %reduce_sum3A_435 = arith.constant dense<0.000000e+00> : vector<128xf32>
    %reduce_sum3A_436 = vector.multi_reduction <add>, %mul3A_434, %reduce_sum3A_435 [1] : vector<128x128xf32> to vector<128xf32>
    %broadcast_in_dim3A_437 = vector.shape_cast %reduce_sum3A_436 : vector<128xf32> to vector<128x1xf32>
    %slice3A_438 = vector.extract_strided_slice %rsqrt3A {offsets = [0, 9216], sizes = [1, 128], strides = [1, 1]} : vector<1x10240xf32> to vector<1x128xf32>
    %mul3A_439 = vector.broadcast %slice3A_438 : vector<1x128xf32> to vector<128x128xf32>
    %mul3A_440 = arith.mulf %convert_element_type3A_9, %mul3A_439 : vector<128x128xf32>
    %reduce_sum3A_441 = arith.constant dense<0.000000e+00> : vector<128xf32>
    %reduce_sum3A_442 = vector.multi_reduction <add>, %mul3A_440, %reduce_sum3A_441 [1] : vector<128x128xf32> to vector<128xf32>
    %broadcast_in_dim3A_443 = vector.shape_cast %reduce_sum3A_442 : vector<128xf32> to vector<128x1xf32>
    %slice3A_444 = vector.extract_strided_slice %rsqrt3A {offsets = [0, 9344], sizes = [1, 128], strides = [1, 1]} : vector<1x10240xf32> to vector<1x128xf32>
    %mul3A_445 = vector.broadcast %slice3A_444 : vector<1x128xf32> to vector<128x128xf32>
    %mul3A_446 = arith.mulf %convert_element_type3A_9, %mul3A_445 : vector<128x128xf32>
    %reduce_sum3A_447 = arith.constant dense<0.000000e+00> : vector<128xf32>
    %reduce_sum3A_448 = vector.multi_reduction <add>, %mul3A_446, %reduce_sum3A_447 [1] : vector<128x128xf32> to vector<128xf32>
    %broadcast_in_dim3A_449 = vector.shape_cast %reduce_sum3A_448 : vector<128xf32> to vector<128x1xf32>
    %slice3A_450 = vector.extract_strided_slice %rsqrt3A {offsets = [0, 9472], sizes = [1, 128], strides = [1, 1]} : vector<1x10240xf32> to vector<1x128xf32>
    %mul3A_451 = vector.broadcast %slice3A_450 : vector<1x128xf32> to vector<128x128xf32>
    %mul3A_452 = arith.mulf %convert_element_type3A_9, %mul3A_451 : vector<128x128xf32>
    %reduce_sum3A_453 = arith.constant dense<0.000000e+00> : vector<128xf32>
    %reduce_sum3A_454 = vector.multi_reduction <add>, %mul3A_452, %reduce_sum3A_453 [1] : vector<128x128xf32> to vector<128xf32>
    %broadcast_in_dim3A_455 = vector.shape_cast %reduce_sum3A_454 : vector<128xf32> to vector<128x1xf32>
    %slice3A_456 = vector.extract_strided_slice %rsqrt3A {offsets = [0, 9600], sizes = [1, 128], strides = [1, 1]} : vector<1x10240xf32> to vector<1x128xf32>
    %mul3A_457 = vector.broadcast %slice3A_456 : vector<1x128xf32> to vector<128x128xf32>
    %mul3A_458 = arith.mulf %convert_element_type3A_9, %mul3A_457 : vector<128x128xf32>
    %reduce_sum3A_459 = arith.constant dense<0.000000e+00> : vector<128xf32>
    %reduce_sum3A_460 = vector.multi_reduction <add>, %mul3A_458, %reduce_sum3A_459 [1] : vector<128x128xf32> to vector<128xf32>
    %broadcast_in_dim3A_461 = vector.shape_cast %reduce_sum3A_460 : vector<128xf32> to vector<128x1xf32>
    %slice3A_462 = vector.extract_strided_slice %rsqrt3A {offsets = [0, 9728], sizes = [1, 128], strides = [1, 1]} : vector<1x10240xf32> to vector<1x128xf32>
    %mul3A_463 = vector.broadcast %slice3A_462 : vector<1x128xf32> to vector<128x128xf32>
    %mul3A_464 = arith.mulf %convert_element_type3A_9, %mul3A_463 : vector<128x128xf32>
    %reduce_sum3A_465 = arith.constant dense<0.000000e+00> : vector<128xf32>
    %reduce_sum3A_466 = vector.multi_reduction <add>, %mul3A_464, %reduce_sum3A_465 [1] : vector<128x128xf32> to vector<128xf32>
    %broadcast_in_dim3A_467 = vector.shape_cast %reduce_sum3A_466 : vector<128xf32> to vector<128x1xf32>
    %slice3A_468 = vector.extract_strided_slice %rsqrt3A {offsets = [0, 9856], sizes = [1, 128], strides = [1, 1]} : vector<1x10240xf32> to vector<1x128xf32>
    %mul3A_469 = vector.broadcast %slice3A_468 : vector<1x128xf32> to vector<128x128xf32>
    %mul3A_470 = arith.mulf %convert_element_type3A_9, %mul3A_469 : vector<128x128xf32>
    %reduce_sum3A_471 = arith.constant dense<0.000000e+00> : vector<128xf32>
    %reduce_sum3A_472 = vector.multi_reduction <add>, %mul3A_470, %reduce_sum3A_471 [1] : vector<128x128xf32> to vector<128xf32>
    %broadcast_in_dim3A_473 = vector.shape_cast %reduce_sum3A_472 : vector<128xf32> to vector<128x1xf32>
    %slice3A_474 = vector.extract_strided_slice %rsqrt3A {offsets = [0, 9984], sizes = [1, 128], strides = [1, 1]} : vector<1x10240xf32> to vector<1x128xf32>
    %mul3A_475 = vector.broadcast %slice3A_474 : vector<1x128xf32> to vector<128x128xf32>
    %mul3A_476 = arith.mulf %convert_element_type3A_9, %mul3A_475 : vector<128x128xf32>
    %reduce_sum3A_477 = arith.constant dense<0.000000e+00> : vector<128xf32>
    %reduce_sum3A_478 = vector.multi_reduction <add>, %mul3A_476, %reduce_sum3A_477 [1] : vector<128x128xf32> to vector<128xf32>
    %broadcast_in_dim3A_479 = vector.shape_cast %reduce_sum3A_478 : vector<128xf32> to vector<128x1xf32>
    %slice3A_480 = vector.extract_strided_slice %rsqrt3A {offsets = [0, 10112], sizes = [1, 128], strides = [1, 1]} : vector<1x10240xf32> to vector<1x128xf32>
    %mul3A_481 = vector.broadcast %slice3A_480 : vector<1x128xf32> to vector<128x128xf32>
    %mul3A_482 = arith.mulf %convert_element_type3A_9, %mul3A_481 : vector<128x128xf32>
    %reduce_sum3A_483 = arith.constant dense<0.000000e+00> : vector<128xf32>
    %reduce_sum3A_484 = vector.multi_reduction <add>, %mul3A_482, %reduce_sum3A_483 [1] : vector<128x128xf32> to vector<128xf32>
    %broadcast_in_dim3A_485 = vector.shape_cast %reduce_sum3A_484 : vector<128xf32> to vector<128x1xf32>
    %concatenate3A = tpu.concatenate %broadcast_in_dim3A, %broadcast_in_dim3A_17, %broadcast_in_dim3A_23, %broadcast_in_dim3A_29, %broadcast_in_dim3A_35, %broadcast_in_dim3A_41, %broadcast_in_dim3A_47, %broadcast_in_dim3A_53, %broadcast_in_dim3A_59, %broadcast_in_dim3A_65, %broadcast_in_dim3A_71, %broadcast_in_dim3A_77, %broadcast_in_dim3A_83, %broadcast_in_dim3A_89, %broadcast_in_dim3A_95, %broadcast_in_dim3A_101, %broadcast_in_dim3A_107, %broadcast_in_dim3A_113, %broadcast_in_dim3A_119, %broadcast_in_dim3A_125, %broadcast_in_dim3A_131, %broadcast_in_dim3A_137, %broadcast_in_dim3A_143, %broadcast_in_dim3A_149, %broadcast_in_dim3A_155, %broadcast_in_dim3A_161, %broadcast_in_dim3A_167, %broadcast_in_dim3A_173, %broadcast_in_dim3A_179, %broadcast_in_dim3A_185, %broadcast_in_dim3A_191, %broadcast_in_dim3A_197, %broadcast_in_dim3A_203, %broadcast_in_dim3A_209, %broadcast_in_dim3A_215, %broadcast_in_dim3A_221, %broadcast_in_dim3A_227, %broadcast_in_dim3A_233, %broadcast_in_dim3A_239, %broadcast_in_dim3A_245, %broadcast_in_dim3A_251, %broadcast_in_dim3A_257, %broadcast_in_dim3A_263, %broadcast_in_dim3A_269, %broadcast_in_dim3A_275, %broadcast_in_dim3A_281, %broadcast_in_dim3A_287, %broadcast_in_dim3A_293, %broadcast_in_dim3A_299, %broadcast_in_dim3A_305, %broadcast_in_dim3A_311, %broadcast_in_dim3A_317, %broadcast_in_dim3A_323, %broadcast_in_dim3A_329, %broadcast_in_dim3A_335, %broadcast_in_dim3A_341, %broadcast_in_dim3A_347, %broadcast_in_dim3A_353, %broadcast_in_dim3A_359, %broadcast_in_dim3A_365, %broadcast_in_dim3A_371, %broadcast_in_dim3A_377, %broadcast_in_dim3A_383, %broadcast_in_dim3A_389, %broadcast_in_dim3A_395, %broadcast_in_dim3A_401, %broadcast_in_dim3A_407, %broadcast_in_dim3A_413, %broadcast_in_dim3A_419, %broadcast_in_dim3A_425, %broadcast_in_dim3A_431, %broadcast_in_dim3A_437, %broadcast_in_dim3A_443, %broadcast_in_dim3A_449, %broadcast_in_dim3A_455, %broadcast_in_dim3A_461, %broadcast_in_dim3A_467, %broadcast_in_dim3A_473, %broadcast_in_dim3A_479, %broadcast_in_dim3A_485 in 0 : vector<128x1xf32>, vector<128x1xf32>, vector<128x1xf32>, vector<128x1xf32>, vector<128x1xf32>, vector<128x1xf32>, vector<128x1xf32>, vector<128x1xf32>, vector<128x1xf32>, vector<128x1xf32>, vector<128x1xf32>, vector<128x1xf32>, vector<128x1xf32>, vector<128x1xf32>, vector<128x1xf32>, vector<128x1xf32>, vector<128x1xf32>, vector<128x1xf32>, vector<128x1xf32>, vector<128x1xf32>, vector<128x1xf32>, vector<128x1xf32>, vector<128x1xf32>, vector<128x1xf32>, vector<128x1xf32>, vector<128x1xf32>, vector<128x1xf32>, vector<128x1xf32>, vector<128x1xf32>, vector<128x1xf32>, vector<128x1xf32>, vector<128x1xf32>, vector<128x1xf32>, vector<128x1xf32>, vector<128x1xf32>, vector<128x1xf32>, vector<128x1xf32>, vector<128x1xf32>, vector<128x1xf32>, vector<128x1xf32>, vector<128x1xf32>, vector<128x1xf32>, vector<128x1xf32>, vector<128x1xf32>, vector<128x1xf32>, vector<128x1xf32>, vector<128x1xf32>, vector<128x1xf32>, vector<128x1xf32>, vector<128x1xf32>, vector<128x1xf32>, vector<128x1xf32>, vector<128x1xf32>, vector<128x1xf32>, vector<128x1xf32>, vector<128x1xf32>, vector<128x1xf32>, vector<128x1xf32>, vector<128x1xf32>, vector<128x1xf32>, vector<128x1xf32>, vector<128x1xf32>, vector<128x1xf32>, vector<128x1xf32>, vector<128x1xf32>, vector<128x1xf32>, vector<128x1xf32>, vector<128x1xf32>, vector<128x1xf32>, vector<128x1xf32>, vector<128x1xf32>, vector<128x1xf32>, vector<128x1xf32>, vector<128x1xf32>, vector<128x1xf32>, vector<128x1xf32>, vector<128x1xf32>, vector<128x1xf32>, vector<128x1xf32>, vector<128x1xf32> -> vector<10240x1xf32>
    %swap3A = arith.constant 0 : index
    %swap3A_486 = arith.constant 0 : index
    %swap3A_487 = vector.load %arg2[%swap3A, %swap3A_486] : memref<10240x1xf32, #tpu.memory_space<vmem>>, vector<10240x1xf32>
    tpu.vector_store %arg2[%swap3A, %swap3A_486], %concatenate3A {strides = array<i32>} : memref<10240x1xf32, #tpu.memory_space<vmem>>, vector<10240x1xf32>,
    %get3A_488 = arith.constant 0 : index
    %get3A_489 = arith.constant 0 : index
    %get3A_490 = vector.load %arg1[%get3A_488, %get3A_489] : memref<10240x128xf32, #tpu.memory_space<vmem>>, vector<10240x128xf32>
    %mul3A_491 = vector.broadcast %concatenate3A : vector<10240x1xf32> to vector<10240x128xf32>
    %mul3A_492 = arith.mulf %get3A_490, %mul3A_491 : vector<10240x128xf32>
    %swap3A_493 = arith.constant 0 : index
    %swap3A_494 = arith.constant 0 : index
    %swap3A_495 = vector.load %arg3[%swap3A_493, %swap3A_494] : memref<10240x128xf32, #tpu.memory_space<vmem>>, vector<10240x128xf32>
    tpu.vector_store %arg3[%swap3A_493, %swap3A_494], %mul3A_492 {strides = array<i32>} : memref<10240x128xf32, #tpu.memory_space<vmem>>, vector<10240x128xf32>,
    return
  }
}

module attributes {stable_mosaic.version = 14 : i64} {
  func.func @_tc_final_body(%arg0: memref<2x10240x128xf32, #tpu.memory_space<vmem>>, %arg1: memref<10240x128xf32, #tpu.memory_space<vmem>>, %arg2: memref<10240x1xf32, #tpu.memory_space<vmem>>, %arg3: memref<128x128xf32, #tpu.memory_space<vmem>>, %arg4: memref<1x128xf32, #tpu.memory_space<vmem>>, %arg5: memref<10240x128xf32, #tpu.memory_space<vmem>>, %arg6: memref<10240x128xf32, #tpu.memory_space<vmem>>) attributes {dimension_semantics = [], scalar_prefetch = 0 : i64, scratch_operands = 0 : i64, tpu.core_type = #tpu.core_type<tc>} {
    %get3A = arith.constant 0 : index
    %get3A_0 = arith.constant 0 : index
    %get3A_1 = arith.constant 0 : index
    %get3A_2 = vector.load %arg0[%get3A, %get3A_0, %get3A_1] : memref<2x10240x128xf32, #tpu.memory_space<vmem>>, vector<1x10240x128xf32>
    %get3A_3 = vector.shape_cast %get3A_2 : vector<1x10240x128xf32> to vector<10240x128xf32>
    %get3A_4 = arith.constant 1 : index
    %get3A_5 = arith.constant 0 : index
    %get3A_6 = arith.constant 0 : index
    %get3A_7 = vector.load %arg0[%get3A_4, %get3A_5, %get3A_6] : memref<2x10240x128xf32, #tpu.memory_space<vmem>>, vector<1x10240x128xf32>
    %get3A_8 = vector.shape_cast %get3A_7 : vector<1x10240x128xf32> to vector<10240x128xf32>
    %add3A = arith.addf %get3A_3, %get3A_8 : vector<10240x128xf32>
    %get3A_9 = arith.constant 0 : index
    %get3A_10 = arith.constant 0 : index
    %get3A_11 = vector.load %arg1[%get3A_9, %get3A_10] : memref<10240x128xf32, #tpu.memory_space<vmem>>, vector<10240x128xf32>
    %add3A_12 = arith.addf %add3A, %get3A_11 : vector<10240x128xf32>
    %get3A_13 = arith.constant 0 : index
    %get3A_14 = arith.constant 0 : index
    %get3A_15 = vector.load %arg2[%get3A_13, %get3A_14] : memref<10240x1xf32, #tpu.memory_space<vmem>>, vector<10240x1xf32>
    %mul3A = vector.broadcast %get3A_15 : vector<10240x1xf32> to vector<10240x128xf32>
    %mul3A_16 = arith.mulf %add3A_12, %mul3A : vector<10240x128xf32>
    %get3A_17 = arith.constant 0 : index
    %get3A_18 = arith.constant 0 : index
    %get3A_19 = vector.load %arg3[%get3A_17, %get3A_18] : memref<128x128xf32, #tpu.memory_space<vmem>>, vector<128x128xf32>
    %dot_general3A = arith.constant dense<0.000000e+00> : vector<10240x128xf32>
    %dot_general3A_20 = tpu.matmul %mul3A_16, %get3A_19, %dot_general3A {dimension_numbers = #tpu.dot_dimension_numbers<[1], [0], [0], [1], [0, 0, 1, 1], [], []>, transpose_lhs_hint = false} : vector<10240x128xf32>, vector<128x128xf32>, vector<10240x128xf32> -> vector<10240x128xf32>
    %get3A_21 = arith.constant 0 : index
    %get3A_22 = arith.constant 0 : index
    %get3A_23 = vector.load %arg4[%get3A_21, %get3A_22] : memref<1x128xf32, #tpu.memory_space<vmem>>, vector<1x128xf32>
    %add3A_24 = vector.broadcast %get3A_23 : vector<1x128xf32> to vector<10240x128xf32>
    %add3A_25 = arith.addf %dot_general3A_20, %add3A_24 : vector<10240x128xf32>
    %get3A_26 = arith.constant 0 : index
    %get3A_27 = arith.constant 0 : index
    %get3A_28 = vector.load %arg5[%get3A_26, %get3A_27] : memref<10240x128xf32, #tpu.memory_space<vmem>>, vector<10240x128xf32>
    %add3A_29 = arith.addf %add3A_25, %get3A_28 : vector<10240x128xf32>
    %swap3A = arith.constant 0 : index
    %swap3A_30 = arith.constant 0 : index
    %swap3A_31 = vector.load %arg6[%swap3A, %swap3A_30] : memref<10240x128xf32, #tpu.memory_space<vmem>>, vector<10240x128xf32>
    tpu.vector_store %arg6[%swap3A, %swap3A_30], %add3A_29 {strides = array<i32>} : memref<10240x128xf32, #tpu.memory_space<vmem>>, vector<10240x128xf32>,
    return
  }
}

module attributes {stable_mosaic.version = 14 : i64} {
  func.func @_tc_layer_body(%arg0: memref<2x10240x128xf32, #tpu.memory_space<vmem>>, %arg1: memref<10240x128xf32, #tpu.memory_space<vmem>>, %arg2: memref<10240x1xf32, #tpu.memory_space<vmem>>, %arg3: memref<128x128xf32, #tpu.memory_space<vmem>>, %arg4: memref<1x128xf32, #tpu.memory_space<vmem>>, %arg5: memref<1x128xf32, #tpu.memory_space<vmem>>, %arg6: memref<1x128xf32, #tpu.memory_space<vmem>>, %arg7: memref<10240x128xf32, #tpu.memory_space<vmem>>) attributes {dimension_semantics = [], scalar_prefetch = 0 : i64, scratch_operands = 0 : i64, tpu.core_type = #tpu.core_type<tc>} {
    %get3A = arith.constant 0 : index
    %get3A_0 = arith.constant 0 : index
    %get3A_1 = vector.load %arg2[%get3A, %get3A_0] : memref<10240x1xf32, #tpu.memory_space<vmem>>, vector<10240x1xf32>
    %get3A_2 = arith.constant 0 : index
    %get3A_3 = arith.constant 0 : index
    %get3A_4 = arith.constant 0 : index
    %get3A_5 = vector.load %arg0[%get3A_2, %get3A_3, %get3A_4] : memref<2x10240x128xf32, #tpu.memory_space<vmem>>, vector<1x10240x128xf32>
    %get3A_6 = vector.shape_cast %get3A_5 : vector<1x10240x128xf32> to vector<10240x128xf32>
    %get3A_7 = arith.constant 1 : index
    %get3A_8 = arith.constant 0 : index
    %get3A_9 = arith.constant 0 : index
    %get3A_10 = vector.load %arg0[%get3A_7, %get3A_8, %get3A_9] : memref<2x10240x128xf32, #tpu.memory_space<vmem>>, vector<1x10240x128xf32>
    %get3A_11 = vector.shape_cast %get3A_10 : vector<1x10240x128xf32> to vector<10240x128xf32>
    %add3A = arith.addf %get3A_6, %get3A_11 : vector<10240x128xf32>
    %get3A_12 = arith.constant 0 : index
    %get3A_13 = arith.constant 0 : index
    %get3A_14 = vector.load %arg1[%get3A_12, %get3A_13] : memref<10240x128xf32, #tpu.memory_space<vmem>>, vector<10240x128xf32>
    %add3A_15 = arith.addf %add3A, %get3A_14 : vector<10240x128xf32>
    %mul3A = vector.broadcast %get3A_1 : vector<10240x1xf32> to vector<10240x128xf32>
    %mul3A_16 = arith.mulf %add3A_15, %mul3A : vector<10240x128xf32>
    %get3A_17 = arith.constant 0 : index
    %get3A_18 = arith.constant 0 : index
    %get3A_19 = vector.load %arg3[%get3A_17, %get3A_18] : memref<128x128xf32, #tpu.memory_space<vmem>>, vector<128x128xf32>
    %dot_general3A = arith.constant dense<0.000000e+00> : vector<10240x128xf32>
    %dot_general3A_20 = tpu.matmul %mul3A_16, %get3A_19, %dot_general3A {dimension_numbers = #tpu.dot_dimension_numbers<[1], [0], [0], [1], [0, 0, 1, 1], [], []>, transpose_lhs_hint = false} : vector<10240x128xf32>, vector<128x128xf32>, vector<10240x128xf32> -> vector<10240x128xf32>
    %get3A_21 = arith.constant 0 : index
    %get3A_22 = arith.constant 0 : index
    %get3A_23 = vector.load %arg4[%get3A_21, %get3A_22] : memref<1x128xf32, #tpu.memory_space<vmem>>, vector<1x128xf32>
    %add3A_24 = vector.broadcast %get3A_23 : vector<1x128xf32> to vector<10240x128xf32>
    %add3A_25 = arith.addf %dot_general3A_20, %add3A_24 : vector<10240x128xf32>
    %slice3A = vector.extract_strided_slice %add3A_25 {offsets = [0, 0], sizes = [10000, 128], strides = [1, 1]} : vector<10240x128xf32> to vector<10000x128xf32>
    %reduce_sum3A = arith.constant dense<0.000000e+00> : vector<128xf32>
    %reduce_sum3A_26 = vector.multi_reduction <add>, %slice3A, %reduce_sum3A [0] : vector<10000x128xf32> to vector<128xf32>
    %broadcast_in_dim3A = vector.shape_cast %reduce_sum3A_26 : vector<128xf32> to vector<1x128xf32>
    %div3A = arith.constant 1.000000e+04 : f32
    %div3A_27 = vector.broadcast %div3A : f32 to vector<1x128xf32>
    %div3A_28 = arith.divf %broadcast_in_dim3A, %div3A_27 : vector<1x128xf32>
    %sub3A = vector.broadcast %div3A_28 : vector<1x128xf32> to vector<10000x128xf32>
    %sub3A_29 = arith.subf %slice3A, %sub3A : vector<10000x128xf32>
    %sub3A_30 = vector.broadcast %div3A_28 : vector<1x128xf32> to vector<10000x128xf32>
    %sub3A_31 = arith.subf %slice3A, %sub3A_30 : vector<10000x128xf32>
    %mul3A_32 = arith.mulf %sub3A_29, %sub3A_31 : vector<10000x128xf32>
    %reduce_sum3A_33 = arith.constant dense<0.000000e+00> : vector<128xf32>
    %reduce_sum3A_34 = vector.multi_reduction <add>, %mul3A_32, %reduce_sum3A_33 [0] : vector<10000x128xf32> to vector<128xf32>
    %broadcast_in_dim3A_35 = vector.shape_cast %reduce_sum3A_34 : vector<128xf32> to vector<1x128xf32>
    %div3A_36 = arith.constant 1.000000e+04 : f32
    %div3A_37 = vector.broadcast %div3A_36 : f32 to vector<1x128xf32>
    %div3A_38 = arith.divf %broadcast_in_dim3A_35, %div3A_37 : vector<1x128xf32>
    %sub3A_39 = vector.broadcast %div3A_28 : vector<1x128xf32> to vector<10240x128xf32>
    %sub3A_40 = arith.subf %add3A_25, %sub3A_39 : vector<10240x128xf32>
    %add3A_41 = arith.constant 9.99999974E-6 : f32
    %add3A_42 = vector.broadcast %add3A_41 : f32 to vector<1x128xf32>
    %add3A_43 = arith.addf %div3A_38, %add3A_42 : vector<1x128xf32>
    %rsqrt3A = math.rsqrt %add3A_43 : vector<1x128xf32>
    %mul3A_44 = vector.broadcast %rsqrt3A : vector<1x128xf32> to vector<10240x128xf32>
    %mul3A_45 = arith.mulf %sub3A_40, %mul3A_44 : vector<10240x128xf32>
    %get3A_46 = arith.constant 0 : index
    %get3A_47 = arith.constant 0 : index
    %get3A_48 = vector.load %arg5[%get3A_46, %get3A_47] : memref<1x128xf32, #tpu.memory_space<vmem>>, vector<1x128xf32>
    %mul3A_49 = vector.broadcast %get3A_48 : vector<1x128xf32> to vector<10240x128xf32>
    %mul3A_50 = arith.mulf %mul3A_45, %mul3A_49 : vector<10240x128xf32>
    %get3A_51 = arith.constant 0 : index
    %get3A_52 = arith.constant 0 : index
    %get3A_53 = vector.load %arg6[%get3A_51, %get3A_52] : memref<1x128xf32, #tpu.memory_space<vmem>>, vector<1x128xf32>
    %add3A_54 = vector.broadcast %get3A_53 : vector<1x128xf32> to vector<10240x128xf32>
    %add3A_55 = arith.addf %mul3A_50, %add3A_54 : vector<10240x128xf32>
    %max3A = arith.constant 0.000000e+00 : f32
    %max3A_56 = vector.broadcast %max3A : f32 to vector<10240x128xf32>
    %max3A_57 = arith.maximumf %add3A_55, %max3A_56 : vector<10240x128xf32>
    %mul3A_58 = vector.broadcast %get3A_1 : vector<10240x1xf32> to vector<10240x128xf32>
    %mul3A_59 = arith.mulf %max3A_57, %mul3A_58 : vector<10240x128xf32>
    %swap3A = arith.constant 0 : index
    %swap3A_60 = arith.constant 0 : index
    %swap3A_61 = vector.load %arg7[%swap3A, %swap3A_60] : memref<10240x128xf32, #tpu.memory_space<vmem>>, vector<10240x128xf32>
    tpu.vector_store %arg7[%swap3A, %swap3A_60], %mul3A_59 {strides = array<i32>} : memref<10240x128xf32, #tpu.memory_space<vmem>>, vector<10240x128xf32>,
    return
  }
}

</mosaic_0001>

<sc_bundles>
// kernel: kernel.10.cloned.1.call-start
scs
__scs_entry_jumppad:
0x0: {  	(pc) =	sbr.rel $0x88, $3  }
0x1: {  	(tag) =	ssettag $0x0;
	lr =	simm.s32 $0x1  }
0x2: {  	[smem:$0x3F95] =	sst lr;
	_ =	strace $0xD0000000  }
0x3: {  	_ = 	snop  }
0x4: {  	_ = 	snop  }
0x5: {  	_ = 	snop  }
0x6: {  	_ = 	snop  }
0x7: {  	_ = 	snop  }
__scs_overlays_trampoline_lowered:
0x8: {  	[smem:$0x3FA4] =	sst s0  }
0x9: {  	[smem:$0x3FA5] =	sst s1  }
0xa: {  	[smem:$0x3FA6] =	sst s2  }
0xb: {  	[smem:$0x3FA7] =	sst s3  }
0xc: {  	[smem:$0x3FA8] =	sst s4  }
0xd: {  	[smem:$0x3FA9] =	sst s5  }
0xe: {  	[smem:$0x3FAA] =	sst s6  }
0xf: {  	[smem:$0x3FAB] =	sst s7  }
0x10: {  	[smem:$0x3FAC] =	sst s8  }
0x11: {  	[smem:$0x3FAD] =	sst s9;
	s0 =	simm.s32 @!p0 $0x0  }
0x12: {  	s1 =	sld [smem:$0x3F93];
	s0 =	simm.s32 @p0 $0x1  }
0x13: {  	[smem:$0x3FAE] =	sst s0;
	s0 =	simm.s32 @!p1 $0x0  }
0x14: {  	s2 =	sld [smem:$0x3F92];
	s0 =	simm.s32 @p1 $0x1  }
0x15: {  	[smem:$0x3FAF] =	sst s0;
	s0 =	simm.s32 @!p2 $0x0  }
0x16: {  	s3 =	sld [smem:$0x3FDB];
	s0 =	simm.s32 @p2 $0x1  }
0x17: {  	s4 =	simm.s32 $0x1BF5;
	[smem:$0x3FB1] =	sst s0  }
0x18: {  	s0 =	sld [smem:$0x3F94];
	_ =	swait.ge [sflag:s4], $0x0  }
0x19: {  	s7 =	sld [smem:$0x3F95]  }
0x1a: {  	s8 =	sadd.s32 $0xFFFFE003, lr  }
0x1b: {  	s9 =	sadd.s32 $0xFFFFFEF7, lr;
	s5 =	simm.s32 $0xFFFFFFFF;
	p2 =	slt.u32 s8, $0xFFFFF086  }
0x1c: {  	p1 =	slt.u32 s9, $0xF7A;
	s5 =	simm.s32 @!p2 $0x0  }
0x1d: {  	s5 =	simm.s32 @p1 $0x1;
	p0 =	seq.s32 s7, s2  }
0x1e: {  	s7 =	smul.u32 @!p0 $0xF7A, s2;
	p2 =	seq.s32 @!p0 s5, $0x0  }
0x1f: {  	s9 =	smul.u32 $0xF7A, s1;
	s8 =	simm.s32 @!p0 $0x1BF5;
	p2 =	por !p2, p0  }
0x20: {  	[sflag:s8] =	ssyncset.s32 @!p0 $0xFFFFF086;
	s6 =	sadd.s32 @!p0 s3, s7;
	s7 =	simm.s32 @!p0 $0x108  }
0x21: {  	s3 =	sadd.s32 s3, s9;
	s6 =	sadd.s32 @!p0 $0x88, s6;
	s7 =	simm.s32 @p2 $0x1082  }
0x22: {  	[simem:s7], [sflag:s8] =	dma.local @!p0 [hbm:s6], $0xF7A  }
0x23: {  	s9 =	sor.u32 $0xD0000000, s2;
	s6 =	simm.s32 $0x108;
	_ =	swait.ge @!p0 [sflag:s8], $0x0  }
0x24: {  	s3 =	sadd.s32 $0x88, s3;
	s6 =	simm.s32 @!p1 $0x1082;
	[sflag:s4] =	ssyncset.s32 $0xFFFFF086  }
0x25: {  	[simem:s6], [sflag:s4] =	dma.local [hbm:s3], $0xF7A  }
0x26: {  	[smem:$0x3F95] =	sst s1;
	(tag) =	ssettag s2;
	_ =	strace s9  }
0x27: {  	s1 =	sld [smem:$0x3FA5]  }
0x28: {  	s2 =	sld [smem:$0x3FA6]  }
0x29: {  	s4 =	sld [smem:$0x3FA8]  }
0x2a: {  	p0 =	seq.s32 s5, $0x0;
	s5 =	sld [smem:$0x3FA9]  }
0x2b: {  	s6 =	sld [smem:$0x3FAA]  }
0x2c: {  	s7 =	sld [smem:$0x3FAB]  }
0x2d: {  	s3 =	simm.s32 $0x108;
	s8 =	sld [smem:$0x3FAC]  }
0x2e: {  	s3 =	simm.s32 @!p0 $0x1082;
	s9 =	sld [smem:$0x3FAD]  }
0x2f: {  	lr =	sadd.s32 s0, s3;
	s0 =	sld [smem:$0x3FA4]  }
0x30: {  	s3 =	sld [smem:$0x3FA7]  }
0x31: {  	[smem:$0x3FB0] =	sst s10  }
0x32: {  	s10 =	sld [smem:$0x3FAE];
	_ =	sdelay $0x3  }
0x33: {  	p0 =	seq.s32 s10, $0x1;
	s10 =	sld [smem:$0x3FB0];
	_ =	sdelay $0x3  }
0x34: {  	[smem:$0x3FB0] =	sst s10  }
0x35: {  	s10 =	sld [smem:$0x3FAF];
	_ =	sdelay $0x3  }
0x36: {  	p1 =	seq.s32 s10, $0x1;
	s10 =	sld [smem:$0x3FB0];
	_ =	sdelay $0x3  }
0x37: {  	[smem:$0x3FB0] =	sst s10  }
0x38: {  	s10 =	sld [smem:$0x3FB1]  }
0x39: {  	_ = 	snop;
	(pc) =	sbr.ind lr, $3  }
0x3a: {  	_ = 	snop  }
0x3b: {  	_ = 	snop  }
0x3c: {  	p2 =	seq.s32 s10, $0x1;
	s10 =	sld [smem:$0x3FB0]  }
0x3d: {  	_ =	shalt  }
0x3e: {  	_ =	shalt  }
0x3f: {  	_ =	shalt  }
0x40: {  	_ =	shalt  }
0x41: {  	_ =	shalt  }
0x42: {  	_ =	shalt  }
0x43: {  	_ =	shalt  }
0x44: {  	_ =	shalt  }
0x45: {  	_ =	shalt  }
0x46: {  	_ =	shalt  }
0x47: {  	_ =	shalt  }
0x48: {  	_ =	shalt  }
0x49: {  	_ =	shalt  }
0x4a: {  	_ =	shalt  }
0x4b: {  	_ =	shalt  }
0x4c: {  	_ =	shalt  }
0x4d: {  	_ =	shalt  }
0x4e: {  	_ =	shalt  }
0x4f: {  	_ =	shalt  }
0x50: {  	_ =	shalt  }
0x51: {  	_ =	shalt  }
0x52: {  	_ =	shalt  }
0x53: {  	_ =	shalt  }
0x54: {  	_ =	shalt  }
0x55: {  	_ =	shalt  }
0x56: {  	_ =	shalt  }
0x57: {  	_ =	shalt  }
0x58: {  	_ =	shalt  }
0x59: {  	_ =	shalt  }
0x5a: {  	_ =	shalt  }
0x5b: {  	_ =	shalt  }
0x5c: {  	_ =	shalt  }
0x5d: {  	_ =	shalt  }
0x5e: {  	_ =	shalt  }
0x5f: {  	_ =	shalt  }
0x60: {  	_ =	shalt  }
0x61: {  	_ =	shalt  }
0x62: {  	_ =	shalt  }
0x63: {  	_ =	shalt  }
0x64: {  	_ =	shalt  }
0x65: {  	_ =	shalt  }
0x66: {  	_ =	shalt  }
0x67: {  	_ =	shalt  }
0x68: {  	_ =	shalt  }
0x69: {  	_ =	shalt  }
0x6a: {  	_ =	shalt  }
0x6b: {  	_ =	shalt  }
0x6c: {  	_ =	shalt  }
0x6d: {  	_ =	shalt  }
0x6e: {  	_ =	shalt  }
0x6f: {  	_ =	shalt  }
0x70: {  	_ =	shalt  }
0x71: {  	_ =	shalt  }
0x72: {  	_ =	shalt  }
0x73: {  	_ =	shalt  }
0x74: {  	_ =	shalt  }
0x75: {  	_ =	shalt  }
0x76: {  	_ =	shalt  }
0x77: {  	_ =	shalt  }
0x78: {  	_ =	shalt  }
0x79: {  	_ =	shalt  }
0x7a: {  	_ =	shalt  }
0x7b: {  	_ =	shalt  }
0x7c: {  	_ =	shalt  }
0x7d: {  	_ =	shalt  }
0x7e: {  	_ =	shalt  }
0x7f: {  	_ =	shalt  }
0x80: {  	_ =	shalt  }
0x81: {  	_ =	shalt  }
0x82: {  	_ =	shalt  }
0x83: {  	_ =	shalt  }
0x84: {  	_ =	shalt  }
0x85: {  	_ =	shalt  }
0x86: {  	_ =	shalt  }
0x87: {  	_ =	shalt  }
.Lfunc_end0:
.L_simem_size_0:
called_computation_lowered:
.L_overlay_start_0:
0x88: {  	s2 =	sld [smem:$0x3FD9]  }
0x89: {  	s3 =	sld [smem:$0x3FFE];
	_ =	sdelay $0x1  }
0x8a: {  	s1 =	srdreg.scid  }
0x8b: {  	s0 =	sand.u32 $0x1, s1  }
0x8c: {  	s17 =	sshll.u32 s0, $0xA;
	s2 =	sadd.s32 s3, s2  }
0x8d: {  	s2 =	sadd.s32 s2, s17  }
0x8e: {  	[smem:$0x3FBC] =	sst s2  }
0x8f: {  	_ = 	snop  }
0x90: {  	s2 =	sld [smem:$0x3FD0];
	(tm) =	ssettm $0x1  }
0x91: {  	s18 =	sld [smem:$0x3FFB];
	_ =	sdelay $0x3  }
0x92: {  	_ =	strace s18  }
0x93: {  	s3 =	sld [smem:$0x3FFC];
	_ =	sdelay $0x3  }
0x94: {  	_ =	strace s3  }
0x95: {  	s3 =	sld [smem:$0x3FFD];
	_ =	sdelay $0x3  }
0x96: {  	_ =	strace s3  }
0x97: {  	_ =	strace $0x8FFFFFFF  }
0x98: {  	s19 =	sld [smem:$0x3FDB];
	_ =	sdelay $0x1  }
0x99: {  	s4 =	simm.s32 $_scs_section_size  }
0x9a: {  	s5 =	simm.s32 $_size__tile_overlayer_lowered;
	s6 =	simm.s32 $_tile_overlayer_lowered  }
0x9b: {  	s22 =	simm.s32 $0x1BFF;
	s21 =	sshll.u32 s6, $0x1;
	s3 =	sadd.s32 s4, s19  }
0x9c: {  	s7 =	simm.s32 $0x0;
	s20 =	sshll.u32 s5, $0x1;
	s5 =	sadd.s32 s21, s3  }
0x9d: {  	[timem:s7], [sflag:s22] =	dma.local [hbm:s5], s20  }
0x9e: {  	_ =	swait.ge [sflag:s22], s20  }
0x9f: {  	s4 =	ssub.s32 $0x0, s20;
	[sflag:s22] =	ssyncset.done $0x0  }
0xa0: {  	[sflag:s22] =	ssyncadd.s32 s4;
	_ =	sdelay $0x1  }
0xa1: {  	s23 =	simm.s32 $0x1B8B  }
0xa2: {  	_ =	swait.ge [sflag:s23], $0x1  }
0xa3: {  	[sflag:s23] =	ssyncset.done $0x0  }
0xa4: {  	s25 =	simm.s32 $0x1B8E;
	s24 =	sld [smem:$0x3FFE];
	[sflag:s23] =	ssyncadd.s32 $0xFFFFFFFF  }
0xa5: {  	s26 =	simm.s32 $execute0_lowered;
	[smem:$0x3FD2] =	sst s25  }
0xa6: {  	s5 =	sshll.u32 s26, $0x1;
	_ =	strace $0x80000046;
	[dreg:$0x1] =	wrdreg $0xFFFFFFFF  }
0xa7: {  	s28 =	simm.s32 $_size_execute0_lowered;
	s3 =	sadd.s32 s3, s5;
	[dreg:$0x0] =	wrdreg $0x0  }
0xa8: {  	s5 =	sshll.u32 s28, $0x1;
	[dreg:$0x2] =	wrdreg s3  }
0xa9: {  	[dreg:$0x3] =	wrdreg s5  }
0xaa: {  	[dreg:$0x4] =	wrdreg $0xC0  }
0xab: {  	_ =	task [dreg:s7], $0x5FFFF  }
0xac: {  	[dreg:$0x1] =	wrdreg $0xFFFFFFFF  }
0xad: {  	[dreg:$0x0] =	wrdreg $0x60  }
0xae: {  	[dreg:$0x2] =	wrdreg s2  }
0xaf: {  	[dreg:$0x3] =	wrdreg s24  }
0xb0: {  	[dreg:$0x4] =	wrdreg $0x2B800  }
0xb1: {  	[dreg:$0x5] =	wrdreg $0x9  }
0xb2: {  	_ =	task.clear_ibuf [dreg:s7], $0x6FFFF;
	_ =	strace $0x90000046  }
0xb3: {  	s29 =	simm.s32 $0x9;
	_ =	strace $0x80000048  }
0xb4: {  	_ =	swait.ge [sflag:s29], $0x1  }
0xb5: {  	[sflag:s29] =	ssyncadd.s32 $0xFFFFFFFF  }
0xb6: {  	_ =	strace $0x90000048  }
0xb7: {  	_ =	sfence  }
0xb8: {  	s30 =	sld [smem:$0x0];
	_ =	sdelay $0x2  }
0xb9: {  	s31 =	sshll.u32 s1, $0xD;
	s1 =	sshrl.u32 s1, $0x2  }
0xba: {  	s3 =	sand.u32 $0x4000, s31;
	s1 =	sadd.s32 s1, s30  }
0xbb: {  	s0 =	sor.u32 s3, s0;
	s1 =	sshll.u32 s1, $0x11  }
0xbc: {  	s0 =	sor.u32 s1, s0  }
0xbd: {  	s0 =	sadd.s32 $0x8F2B, s0  }
0xbe: {  	[sflag:s0] =	ssyncadd.remote.s32 $0x1  }
0xbf: {  	_ =	sfence.sel $0xFFFF  }
0xc0: {  	[dreg:$0x0] =	wrdreg $0xFFFFFFFF;
	(pc) =	sbr.abs _section_cstart, $3  }
0xc1: {  	[dreg:$0x1] =	wrdreg $0xFFFFFFFF  }
0xc2: {  	_ =	task.clear_ibuf [dreg:s7], $0x2FFFF;
	_ =	strace $0x9FFFFFFF  }
0xc3: {  	(tm) =	ssettm $0x7FFFFFFF  }
tec
execute0_lowered:
.L_overlay_start_1:
0x0: {  	(tag) =	ssettag $0x1  }
0x1: {  	s5 =	rddreg [dreg:$0x0]  }
0x2: {  	s4 =	rddreg [dreg:$0x1]  }
0x3: {  	s2 =	rddreg [dreg:$0x2]  }
0x4: {  	s0 =	rddreg [dreg:$0x3];
	s6 =	srdreg.scid  }
0x5: {  	s1 =	stileid.u32;
	s3 =	simm.s32 $0x0;
	s11 =	simm.s32 $0x2800  }
0x6: {  	s12 =	simm.s32 $0x2880;
	s15 =	simm.s32 $0x20;
	s16 =	simm.s32 $0x10  }
0x7: {  	s17 =	simm.s32 $0x0;
	s6 =	sand.u32 $0x1, s6;
	s7 =	smul.u32 $0x500, s1  }
0x8: {  	[smem:$0x7FF] =	sst s3;
	s29 =	sshll.u32 s1, $0x1;
	s30 =	smul.u32 $0xA00, s1  }
0x9: {  	s13 =	sshll.u32 s1, $0x6;
	s8 =	sshll.u32 s6, $0x7;
	_ =	strace $0x80000047  }
0xa: {  	s9 =	ssub.s32 $0x2, s6;
	s6 =	sor.u32 s6, s29;
	s13 =	sor.u32 $0x1C01, s13  }
0xb: {  	s7 =	sor.u32 s8, s7;
	s10 =	sshrl.u32 s9, $0x1;
	s6 =	smul.u32 $0x500, s6  }
0xc: {  	s31 =	sshrl.u32 s30, $0x2;
	s8 =	simm.s32 $0x2900;
	s7 =	sshrl.u32 s7, $0x3  }
0xd: {  	s9 =	ssub.s32 s9, s10;
	s10 =	simm.s32 $0x80;
	s7 =	sadd.s32 s7, s4  }
0xe: {  	s4 =	sadd.s32 s31, s2;
	s5 =	sadd.s32 s5, s6;
	s6 =	sadd.s32 $0x3400, s7  }
0xf: {  	v0 =	vimm.f32 $1.000000000e+00;
	v1 =	vimm.f32 $0.0e+00;
	s7 =	smax.u32 s9, $0x1;
	s9 =	simm.s32 $0x1;
	s14 =	sshrl.u32 s4, $0x3  }
.LBB2_1:
0x10: {  	[tilespmem:$0x2880] =	vst v0  }
0x11: {  	[tilespmem:$0x2890] =	vst v0  }
0x12: {  	[tilespmem:$0x28A0] =	vst v0  }
0x13: {  	[tilespmem:$0x28B0] =	vst v0  }
0x14: {  	[tilespmem:$0x28C0] =	vst v0  }
0x15: {  	[tilespmem:$0x28D0] =	vst v0  }
0x16: {  	[tilespmem:$0x28E0] =	vst v0  }
0x17: {  	[tilespmem:$0x28F0] =	vst v0  }
0x18: {  	[tilespmem:$0x2900] =	vst v1  }
0x19: {  	[tilespmem:$0x2910] =	vst v1  }
0x1a: {  	[tilespmem:$0x2920] =	vst v1  }
0x1b: {  	[tilespmem:$0x2930] =	vst v1  }
0x1c: {  	[tilespmem:$0x2940] =	vst v1  }
0x1d: {  	[tilespmem:$0x2950] =	vst v1  }
0x1e: {  	[tilespmem:$0x2960] =	vst v1  }
0x1f: {  	[tilespmem:$0x2970] =	vst v1  }
0x20: {  	[tilespmem:$0x2980] =	vst v1  }
0x21: {  	[tilespmem:$0x2990] =	vst v1  }
0x22: {  	[tilespmem:$0x29A0] =	vst v1  }
0x23: {  	[tilespmem:$0x29B0] =	vst v1  }
0x24: {  	[tilespmem:$0x29C0] =	vst v1  }
0x25: {  	[tilespmem:$0x29D0] =	vst v1  }
0x26: {  	[tilespmem:$0x29E0] =	vst v1  }
0x27: {  	[tilespmem:$0x29F0] =	vst v1  }
0x28: {  	[tilespmem:$0x2A00] =	vst v1  }
0x29: {  	[tilespmem:$0x2A10] =	vst v1  }
0x2a: {  	[tilespmem:$0x2A20] =	vst v1  }
0x2b: {  	[tilespmem:$0x2A30] =	vst v1  }
0x2c: {  	[tilespmem:$0x2A40] =	vst v1  }
0x2d: {  	[tilespmem:$0x2A50] =	vst v1  }
0x2e: {  	[tilespmem:$0x2A60] =	vst v1  }
0x2f: {  	[tilespmem:$0x2A70] =	vst v1  }
0x30: {  	[tilespmem:$0x2A80] =	vst v1  }
0x31: {  	[tilespmem:$0x2A90] =	vst v1  }
0x32: {  	[tilespmem:$0x2AA0] =	vst v1  }
0x33: {  	[tilespmem:$0x2AB0] =	vst v1  }
0x34: {  	[tilespmem:$0x2AC0] =	vst v1  }
0x35: {  	[tilespmem:$0x2AD0] =	vst v1  }
0x36: {  	[tilespmem:$0x2AE0] =	vst v1  }
0x37: {  	[tilespmem:$0x2AF0] =	vst v1  }
0x38: {  	[tilespmem:$0x2B00] =	vst v1  }
0x39: {  	[tilespmem:$0x2B10] =	vst v1  }
0x3a: {  	[tilespmem:$0x2B20] =	vst v1  }
0x3b: {  	[tilespmem:$0x2B30] =	vst v1  }
0x3c: {  	[tilespmem:$0x2B40] =	vst v1  }
0x3d: {  	[tilespmem:$0x2B50] =	vst v1  }
0x3e: {  	[tilespmem:$0x2B60] =	vst v1  }
0x3f: {  	[tilespmem:$0x2B70] =	vst v1  }
0x40: {  	[spmem:s4] =	stream.linear.scatter [tilespmem:s8], [sflag:$0x1], $0x280, $0x38;
	[tilespmem:$0x2E00] =	vst v63  }
0x41: {  	_ =	swait.ge [sflag:s9], $0x280  }
0x42: {  	[sflag:s9] =	ssyncset.done $0x0  }
0x43: {  	[sflag:s9] =	ssyncadd.s32 $0xFFFFFD80  }
0x44: {  	[tilespmem:s3], [sflag:$0x1] =	stream.linear.gather [hbm4b:s5+s3], $0x2800, $0x38;
	[tilespmem:$0x2E00] =	vst v63  }
0x45: {  	_ =	swait.ge [sflag:s9], $0x2800  }
0x46: {  	[sflag:s9] =	ssyncset.done $0x0  }
0x47: {  	[sflag:s9] =	ssyncadd.s32 $0xFFFFD800  }
0x48: {  	s18 =	simm.s32 $0x0;
	[bflag:$0x0] =	sbarrier.arrive $0xFFFF  }
0x49: {  	v2 =	vld [tilespmem:s18+$0x0];
	_ =	sdelay $0x4  }
0x4a: {  	[tilespmem:$0x2800] =	vst v2  }
0x4b: {  	v2 =	vld [tilespmem:s18+$0x10];
	_ =	sdelay $0x4  }
0x4c: {  	[tilespmem:$0x2810] =	vst v2  }
0x4d: {  	v2 =	vld [tilespmem:s18+$0x20];
	_ =	sdelay $0x4  }
0x4e: {  	[tilespmem:$0x2820] =	vst v2  }
0x4f: {  	v2 =	vld [tilespmem:s18+$0x30];
	_ =	sdelay $0x4  }
0x50: {  	[tilespmem:$0x2830] =	vst v2  }
0x51: {  	v2 =	vld [tilespmem:s18+$0x40];
	_ =	sdelay $0x4  }
0x52: {  	[tilespmem:$0x2840] =	vst v2  }
0x53: {  	v2 =	vld [tilespmem:s18+$0x50];
	_ =	sdelay $0x4  }
0x54: {  	[tilespmem:$0x2850] =	vst v2  }
0x55: {  	v2 =	vld [tilespmem:s18+$0x60];
	_ =	sdelay $0x4  }
0x56: {  	[tilespmem:$0x2860] =	vst v2  }
0x57: {  	v2 =	vld [tilespmem:s18+$0x70];
	_ =	sdelay $0x4  }
0x58: {  	[tilespmem:$0x2870] =	vst v2  }
0x59: {  	[spmem:s2] =	stream.indirect.scatter.add.f32 [tilespmem:s12], [sflag:$0x1], $0x1, s11, s10, $0xb8;
	[tilespmem:$0x2E00] =	vst v63  }
0x5a: {  	_ =	swait.ge [sflag:s9], $0x80  }
0x5b: {  	s20 =	simm.s32 $0x400;
	s18 =	simm.s32 $0x200;
	[sflag:s9] =	ssyncset.done $0x0  }
.LBB2_2:
0x5c: {  	s21 =	sshra.s32 s18, $0x2  }
0x5d: {  	[sflag:s9] =	ssyncadd.s32 $0xFFFFFF80;
	s18 =	smov.u32 s20;
	s19 =	sadd.s32 $0x200, s20  }
0x5e: {  	p0 =	sne.s32 s20, $0x9E00;
	v2 =	vld [tilespmem:s21+$0x0];
	_ =	sdelay $0x4  }
0x5f: {  	[tilespmem:$0x2800] =	vst v2  }
0x60: {  	v2 =	vld [tilespmem:s21+$0x10];
	_ =	sdelay $0x4  }
0x61: {  	[tilespmem:$0x2810] =	vst v2  }
0x62: {  	v2 =	vld [tilespmem:s21+$0x20];
	_ =	sdelay $0x4  }
0x63: {  	[tilespmem:$0x2820] =	vst v2  }
0x64: {  	v2 =	vld [tilespmem:s21+$0x30];
	_ =	sdelay $0x4  }
0x65: {  	[tilespmem:$0x2830] =	vst v2  }
0x66: {  	v2 =	vld [tilespmem:s21+$0x40];
	_ =	sdelay $0x4  }
0x67: {  	[tilespmem:$0x2840] =	vst v2  }
0x68: {  	v2 =	vld [tilespmem:s21+$0x50];
	_ =	sdelay $0x4  }
0x69: {  	[tilespmem:$0x2850] =	vst v2  }
0x6a: {  	v2 =	vld [tilespmem:s21+$0x60];
	_ =	sdelay $0x4  }
0x6b: {  	[tilespmem:$0x2860] =	vst v2  }
0x6c: {  	v2 =	vld [tilespmem:s21+$0x70];
	_ =	sdelay $0x3  }
.Ltmp0:
0x6d: {  	(pc) =	sbr.rel @p0 .LBB2_2-.Ltmp0, $4  }
0x6e: {  	[tilespmem:$0x2870] =	vst v2  }
0x6f: {  	[spmem:s2] =	stream.indirect.scatter.add.f32 [tilespmem:s12], [sflag:$0x1], $0x1, s11, s10, $0xb8;
	[tilespmem:$0x2E00] =	vst v63  }
0x70: {  	_ =	swait.ge [sflag:s9], $0x80  }
0x71: {  	s20 =	smov.u32 s19;
	[sflag:s9] =	ssyncset.done $0x0  }
0x72: {  	s18 =	sshra.s32 s18, $0x2;
	[sflag:s9] =	ssyncadd.s32 $0xFFFFFF80  }
0x73: {  	v2 =	vld [tilespmem:s18+$0x0];
	_ =	sdelay $0x4  }
0x74: {  	[tilespmem:$0x2800] =	vst v2  }
0x75: {  	v2 =	vld [tilespmem:s18+$0x10];
	_ =	sdelay $0x4  }
0x76: {  	[tilespmem:$0x2810] =	vst v2  }
0x77: {  	v2 =	vld [tilespmem:s18+$0x20];
	_ =	sdelay $0x4  }
0x78: {  	[tilespmem:$0x2820] =	vst v2  }
0x79: {  	v2 =	vld [tilespmem:s18+$0x30];
	_ =	sdelay $0x4  }
0x7a: {  	[tilespmem:$0x2830] =	vst v2  }
0x7b: {  	v2 =	vld [tilespmem:s18+$0x40];
	_ =	sdelay $0x4  }
0x7c: {  	[tilespmem:$0x2840] =	vst v2  }
0x7d: {  	v2 =	vld [tilespmem:s18+$0x50];
	_ =	sdelay $0x4  }
0x7e: {  	[tilespmem:$0x2850] =	vst v2  }
0x7f: {  	v2 =	vld [tilespmem:s18+$0x60];
	_ =	sdelay $0x4  }
0x80: {  	[tilespmem:$0x2860] =	vst v2  }
0x81: {  	v2 =	vld [tilespmem:s18+$0x70];
	_ =	sdelay $0x4  }
0x82: {  	[tilespmem:$0x2870] =	vst v2  }
0x83: {  	[spmem:s2] =	stream.indirect.scatter.add.f32 [tilespmem:s12], [sflag:$0x1], $0x1, s11, s10, $0xb8;
	[tilespmem:$0x2E00] =	vst v63  }
0x84: {  	_ =	swait.ge [sflag:s9], $0x80  }
0x85: {  	s17 =	sadd.s32 $0x1, s17;
	[sflag:s9] =	ssyncset.done $0x0  }
0x86: {  	p0 =	sne.s32 s17, s7;
	[sflag:s9] =	ssyncadd.s32 $0xFFFFFF80  }
.Ltmp1:
0x87: {  	[bflag:$0x0] =	sbarrier.arrive $0xFFFF;
	(pc) =	sbr.rel @p0 .LBB2_1-.Ltmp1, $4  }
0x88: {  	[hbm:s6@s15], [sflag:s13] =	dma.strided [spmem:s14@s16], $0x50, s9, $0x10   }
0x89: {  	_ =	swait.ge [sflag:s9], $0x50  }
0x8a: {  	[sflag:s9] =	ssyncset.done $0x0  }
0x8b: {  	[sflag:s9] =	ssyncadd.s32 $0xFFFFFFB0  }
0x8c: {  	_ =	sfence.sel $0x180000  }
0x8d: {  	[bflag:$0x0] =	sbarrier.arrive $0xFFFF  }
0x8e: {  	p0 =	sne.s32 s1, $0x0;
	_ =	strace $0x90000047  }
0x8f: {  	s0 =	sadd.s32 @!p0 $0x100000, s0;
	[bflag:$0x2] =	sbarrier.arrive $0xFFFF  }
0x90: {  	[sflag:s0] =	ssyncadd.tile.s32 @!p0 $0x1;
	_ =	shalt  }
.Lfunc_end2:
_tile_overlayer_lowered:
.L_overlay_start_2:
0x91: {  	(tag) =	ssettag $0x2  }
0x92: {  	s0 =	rddreg [dreg:$0x0];
	s2 =	stileid.u32  }
0x93: {  	s1 =	rddreg [dreg:$0x1];
	p0 =	sne.s32 s2, $0x0  }
0x94: {  	s3 =	rddreg [dreg:$0x2];
	[bflag:$0x3] =	sbarrier.arrive $0xFFFF;
	s2 =	simm.s32 @!p0 $0x1C01  }
0x95: {  	[timem:s3], [sflag:s2] =	dma.local @!p0 [hbm:s0], s1  }
0x96: {  	s0 =	simm.s32 @!p0 $0x1  }
0x97: {  	_ =	swait.ge @!p0 [sflag:s0], s1  }
0x98: {  	s1 =	ssub.s32 @!p0 $0x0, s1;
	[sflag:s0] =	ssyncset.done @!p0 $0x0  }
0x99: {  	[sflag:s0] =	ssyncadd.s32 @!p0 s1  }
0x9a: {  	[bflag:$0x3] =	sbarrier.arrive $0xFFFF  }
0x9b: {  	_ =	shalt  }

// kernel: kernel.13.cloned.1.call-start
scs
__scs_entry_jumppad:
0x0: {  	(pc) =	sbr.rel $0x88, $3  }
0x1: {  	(tag) =	ssettag $0x0;
	lr =	simm.s32 $0x1  }
0x2: {  	[smem:$0x3F95] =	sst lr;
	_ =	strace $0xD0000000  }
0x3: {  	_ = 	snop  }
0x4: {  	_ = 	snop  }
0x5: {  	_ = 	snop  }
0x6: {  	_ = 	snop  }
0x7: {  	_ = 	snop  }
__scs_overlays_trampoline_lowered:
0x8: {  	[smem:$0x3FA4] =	sst s0  }
0x9: {  	[smem:$0x3FA5] =	sst s1  }
0xa: {  	[smem:$0x3FA6] =	sst s2  }
0xb: {  	[smem:$0x3FA7] =	sst s3  }
0xc: {  	[smem:$0x3FA8] =	sst s4  }
0xd: {  	[smem:$0x3FA9] =	sst s5  }
0xe: {  	[smem:$0x3FAA] =	sst s6  }
0xf: {  	[smem:$0x3FAB] =	sst s7  }
0x10: {  	[smem:$0x3FAC] =	sst s8  }
0x11: {  	[smem:$0x3FAD] =	sst s9;
	s0 =	simm.s32 @!p0 $0x0  }
0x12: {  	s1 =	sld [smem:$0x3F93];
	s0 =	simm.s32 @p0 $0x1  }
0x13: {  	[smem:$0x3FAE] =	sst s0;
	s0 =	simm.s32 @!p1 $0x0  }
0x14: {  	s2 =	sld [smem:$0x3F92];
	s0 =	simm.s32 @p1 $0x1  }
0x15: {  	[smem:$0x3FAF] =	sst s0;
	s0 =	simm.s32 @!p2 $0x0  }
0x16: {  	s3 =	sld [smem:$0x3FDB];
	s0 =	simm.s32 @p2 $0x1  }
0x17: {  	s4 =	simm.s32 $0x1BF5;
	[smem:$0x3FB1] =	sst s0  }
0x18: {  	s0 =	sld [smem:$0x3F94];
	_ =	swait.ge [sflag:s4], $0x0  }
0x19: {  	s7 =	sld [smem:$0x3F95]  }
0x1a: {  	s8 =	sadd.s32 $0xFFFFE003, lr  }
0x1b: {  	s9 =	sadd.s32 $0xFFFFFEF7, lr;
	s5 =	simm.s32 $0xFFFFFFFF;
	p2 =	slt.u32 s8, $0xFFFFF086  }
0x1c: {  	p1 =	slt.u32 s9, $0xF7A;
	s5 =	simm.s32 @!p2 $0x0  }
0x1d: {  	s5 =	simm.s32 @p1 $0x1;
	p0 =	seq.s32 s7, s2  }
0x1e: {  	s7 =	smul.u32 @!p0 $0xF7A, s2;
	p2 =	seq.s32 @!p0 s5, $0x0  }
0x1f: {  	s9 =	smul.u32 $0xF7A, s1;
	s8 =	simm.s32 @!p0 $0x1BF5;
	p2 =	por !p2, p0  }
0x20: {  	[sflag:s8] =	ssyncset.s32 @!p0 $0xFFFFF086;
	s6 =	sadd.s32 @!p0 s3, s7;
	s7 =	simm.s32 @!p0 $0x108  }
0x21: {  	s3 =	sadd.s32 s3, s9;
	s6 =	sadd.s32 @!p0 $0x88, s6;
	s7 =	simm.s32 @p2 $0x1082  }
0x22: {  	[simem:s7], [sflag:s8] =	dma.local @!p0 [hbm:s6], $0xF7A  }
0x23: {  	s9 =	sor.u32 $0xD0000000, s2;
	s6 =	simm.s32 $0x108;
	_ =	swait.ge @!p0 [sflag:s8], $0x0  }
0x24: {  	s3 =	sadd.s32 $0x88, s3;
	s6 =	simm.s32 @!p1 $0x1082;
	[sflag:s4] =	ssyncset.s32 $0xFFFFF086  }
0x25: {  	[simem:s6], [sflag:s4] =	dma.local [hbm:s3], $0xF7A  }
0x26: {  	[smem:$0x3F95] =	sst s1;
	(tag) =	ssettag s2;
	_ =	strace s9  }
0x27: {  	s1 =	sld [smem:$0x3FA5]  }
0x28: {  	s2 =	sld [smem:$0x3FA6]  }
0x29: {  	s4 =	sld [smem:$0x3FA8]  }
0x2a: {  	p0 =	seq.s32 s5, $0x0;
	s5 =	sld [smem:$0x3FA9]  }
0x2b: {  	s6 =	sld [smem:$0x3FAA]  }
0x2c: {  	s7 =	sld [smem:$0x3FAB]  }
0x2d: {  	s3 =	simm.s32 $0x108;
	s8 =	sld [smem:$0x3FAC]  }
0x2e: {  	s3 =	simm.s32 @!p0 $0x1082;
	s9 =	sld [smem:$0x3FAD]  }
0x2f: {  	lr =	sadd.s32 s0, s3;
	s0 =	sld [smem:$0x3FA4]  }
0x30: {  	s3 =	sld [smem:$0x3FA7]  }
0x31: {  	[smem:$0x3FB0] =	sst s10  }
0x32: {  	s10 =	sld [smem:$0x3FAE];
	_ =	sdelay $0x3  }
0x33: {  	p0 =	seq.s32 s10, $0x1;
	s10 =	sld [smem:$0x3FB0];
	_ =	sdelay $0x3  }
0x34: {  	[smem:$0x3FB0] =	sst s10  }
0x35: {  	s10 =	sld [smem:$0x3FAF];
	_ =	sdelay $0x3  }
0x36: {  	p1 =	seq.s32 s10, $0x1;
	s10 =	sld [smem:$0x3FB0];
	_ =	sdelay $0x3  }
0x37: {  	[smem:$0x3FB0] =	sst s10  }
0x38: {  	s10 =	sld [smem:$0x3FB1]  }
0x39: {  	_ = 	snop;
	(pc) =	sbr.ind lr, $3  }
0x3a: {  	_ = 	snop  }
0x3b: {  	_ = 	snop  }
0x3c: {  	p2 =	seq.s32 s10, $0x1;
	s10 =	sld [smem:$0x3FB0]  }
0x3d: {  	_ =	shalt  }
0x3e: {  	_ =	shalt  }
0x3f: {  	_ =	shalt  }
0x40: {  	_ =	shalt  }
0x41: {  	_ =	shalt  }
0x42: {  	_ =	shalt  }
0x43: {  	_ =	shalt  }
0x44: {  	_ =	shalt  }
0x45: {  	_ =	shalt  }
0x46: {  	_ =	shalt  }
0x47: {  	_ =	shalt  }
0x48: {  	_ =	shalt  }
0x49: {  	_ =	shalt  }
0x4a: {  	_ =	shalt  }
0x4b: {  	_ =	shalt  }
0x4c: {  	_ =	shalt  }
0x4d: {  	_ =	shalt  }
0x4e: {  	_ =	shalt  }
0x4f: {  	_ =	shalt  }
0x50: {  	_ =	shalt  }
0x51: {  	_ =	shalt  }
0x52: {  	_ =	shalt  }
0x53: {  	_ =	shalt  }
0x54: {  	_ =	shalt  }
0x55: {  	_ =	shalt  }
0x56: {  	_ =	shalt  }
0x57: {  	_ =	shalt  }
0x58: {  	_ =	shalt  }
0x59: {  	_ =	shalt  }
0x5a: {  	_ =	shalt  }
0x5b: {  	_ =	shalt  }
0x5c: {  	_ =	shalt  }
0x5d: {  	_ =	shalt  }
0x5e: {  	_ =	shalt  }
0x5f: {  	_ =	shalt  }
0x60: {  	_ =	shalt  }
0x61: {  	_ =	shalt  }
0x62: {  	_ =	shalt  }
0x63: {  	_ =	shalt  }
0x64: {  	_ =	shalt  }
0x65: {  	_ =	shalt  }
0x66: {  	_ =	shalt  }
0x67: {  	_ =	shalt  }
0x68: {  	_ =	shalt  }
0x69: {  	_ =	shalt  }
0x6a: {  	_ =	shalt  }
0x6b: {  	_ =	shalt  }
0x6c: {  	_ =	shalt  }
0x6d: {  	_ =	shalt  }
0x6e: {  	_ =	shalt  }
0x6f: {  	_ =	shalt  }
0x70: {  	_ =	shalt  }
0x71: {  	_ =	shalt  }
0x72: {  	_ =	shalt  }
0x73: {  	_ =	shalt  }
0x74: {  	_ =	shalt  }
0x75: {  	_ =	shalt  }
0x76: {  	_ =	shalt  }
0x77: {  	_ =	shalt  }
0x78: {  	_ =	shalt  }
0x79: {  	_ =	shalt  }
0x7a: {  	_ =	shalt  }
0x7b: {  	_ =	shalt  }
0x7c: {  	_ =	shalt  }
0x7d: {  	_ =	shalt  }
0x7e: {  	_ =	shalt  }
0x7f: {  	_ =	shalt  }
0x80: {  	_ =	shalt  }
0x81: {  	_ =	shalt  }
0x82: {  	_ =	shalt  }
0x83: {  	_ =	shalt  }
0x84: {  	_ =	shalt  }
0x85: {  	_ =	shalt  }
0x86: {  	_ =	shalt  }
0x87: {  	_ =	shalt  }
.Lfunc_end0:
.L_simem_size_0:
called_computation.1_lowered:
.L_overlay_start_0:
0x88: {  	s2 =	sld [smem:$0x3FD9]  }
0x89: {  	s3 =	sld [smem:$0x3FFE];
	_ =	sdelay $0x1  }
0x8a: {  	s1 =	srdreg.scid  }
0x8b: {  	s0 =	sand.u32 $0x1, s1  }
0x8c: {  	s17 =	sshll.u32 s0, $0xA;
	s2 =	sadd.s32 s3, s2  }
0x8d: {  	s2 =	sadd.s32 s2, s17  }
0x8e: {  	[smem:$0x3FBC] =	sst s2  }
0x8f: {  	_ = 	snop  }
0x90: {  	s2 =	sld [smem:$0x3FD0];
	(tm) =	ssettm $0x1  }
0x91: {  	s18 =	sld [smem:$0x3FFB];
	_ =	sdelay $0x3  }
0x92: {  	_ =	strace s18  }
0x93: {  	s3 =	sld [smem:$0x3FFC];
	_ =	sdelay $0x3  }
0x94: {  	_ =	strace s3  }
0x95: {  	s3 =	sld [smem:$0x3FFD];
	_ =	sdelay $0x3  }
0x96: {  	_ =	strace s3  }
0x97: {  	_ =	strace $0x8FFFFFFF  }
0x98: {  	s19 =	sld [smem:$0x3FDB];
	_ =	sdelay $0x1  }
0x99: {  	s4 =	simm.s32 $_scs_section_size  }
0x9a: {  	s5 =	simm.s32 $_size__tile_overlayer_lowered;
	s6 =	simm.s32 $_tile_overlayer_lowered  }
0x9b: {  	s22 =	simm.s32 $0x1BFF;
	s21 =	sshll.u32 s6, $0x1;
	s3 =	sadd.s32 s4, s19  }
0x9c: {  	s7 =	simm.s32 $0x0;
	s20 =	sshll.u32 s5, $0x1;
	s5 =	sadd.s32 s21, s3  }
0x9d: {  	[timem:s7], [sflag:s22] =	dma.local [hbm:s5], s20  }
0x9e: {  	_ =	swait.ge [sflag:s22], s20  }
0x9f: {  	s4 =	ssub.s32 $0x0, s20;
	[sflag:s22] =	ssyncset.done $0x0  }
0xa0: {  	[sflag:s22] =	ssyncadd.s32 s4;
	_ =	sdelay $0x1  }
0xa1: {  	s23 =	simm.s32 $0x1B8B  }
0xa2: {  	_ =	swait.ge [sflag:s23], $0x1  }
0xa3: {  	[sflag:s23] =	ssyncset.done $0x0  }
0xa4: {  	s25 =	simm.s32 $0x1B8E;
	s24 =	sld [smem:$0x3FFE];
	[sflag:s23] =	ssyncadd.s32 $0xFFFFFFFF  }
0xa5: {  	s26 =	simm.s32 $execute0_lowered;
	[smem:$0x3FD2] =	sst s25  }
0xa6: {  	s5 =	sshll.u32 s26, $0x1;
	_ =	strace $0x80000049;
	[dreg:$0x1] =	wrdreg $0xFFFFFFFF  }
0xa7: {  	s28 =	simm.s32 $_size_execute0_lowered;
	s3 =	sadd.s32 s3, s5;
	[dreg:$0x0] =	wrdreg $0x0  }
0xa8: {  	s5 =	sshll.u32 s28, $0x1;
	[dreg:$0x2] =	wrdreg s3  }
0xa9: {  	[dreg:$0x3] =	wrdreg s5  }
0xaa: {  	[dreg:$0x4] =	wrdreg $0xC0  }
0xab: {  	_ =	task [dreg:s7], $0x5FFFF  }
0xac: {  	[dreg:$0x1] =	wrdreg $0xFFFFFFFF  }
0xad: {  	[dreg:$0x0] =	wrdreg $0x60  }
0xae: {  	[dreg:$0x2] =	wrdreg s24  }
0xaf: {  	[dreg:$0x3] =	wrdreg s2  }
0xb0: {  	[dreg:$0x4] =	wrdreg $0x82000  }
0xb1: {  	[dreg:$0x5] =	wrdreg $0x9  }
0xb2: {  	_ =	task.clear_ibuf [dreg:s7], $0x6FFFF;
	_ =	strace $0x90000049  }
0xb3: {  	s29 =	simm.s32 $0x9;
	_ =	strace $0x8000004B  }
0xb4: {  	_ =	swait.ge [sflag:s29], $0x1  }
0xb5: {  	[sflag:s29] =	ssyncadd.s32 $0xFFFFFFFF  }
0xb6: {  	_ =	strace $0x9000004B  }
0xb7: {  	_ =	sfence  }
0xb8: {  	s30 =	sld [smem:$0x0];
	_ =	sdelay $0x2  }
0xb9: {  	s31 =	sshll.u32 s1, $0xD;
	s1 =	sshrl.u32 s1, $0x2  }
0xba: {  	s3 =	sand.u32 $0x4000, s31;
	s1 =	sadd.s32 s1, s30  }
0xbb: {  	s0 =	sor.u32 s3, s0;
	s1 =	sshll.u32 s1, $0x11  }
0xbc: {  	s0 =	sor.u32 s1, s0  }
0xbd: {  	s0 =	sadd.s32 $0x8F2B, s0  }
0xbe: {  	[sflag:s0] =	ssyncadd.remote.s32 $0x1  }
0xbf: {  	_ =	sfence.sel $0xFFFF  }
0xc0: {  	[dreg:$0x0] =	wrdreg $0xFFFFFFFF;
	(pc) =	sbr.abs _section_cstart, $3  }
0xc1: {  	[dreg:$0x1] =	wrdreg $0xFFFFFFFF  }
0xc2: {  	_ =	task.clear_ibuf [dreg:s7], $0x2FFFF;
	_ =	strace $0x9FFFFFFF  }
0xc3: {  	(tm) =	ssettm $0x7FFFFFFF  }
tec
execute0_lowered:
.L_overlay_start_1:
0x0: {  	(tag) =	ssettag $0x1  }
0x1: {  	s0 =	rddreg [dreg:$0x0]  }
0x2: {  	s14 =	rddreg [dreg:$0x1]  }
0x3: {  	s2 =	rddreg [dreg:$0x2];
	s1 =	srdreg.scid  }
0x4: {  	s4 =	simm.s32 $0x0;
	s3 =	stileid.u32;
	s20 =	simm.s32 $0x200  }
0x5: {  	s21 =	simm.s32 $0x3;
	s22 =	simm.s32 $0x100;
	s23 =	simm.s32 $0x80  }
0x6: {  	s24 =	simm.s32 $0x180;
	s25 =	simm.s32 $0x4200;
	s26 =	simm.s32 $0x1  }
0x7: {  	s28 =	simm.s32 $0x2;
	s29 =	simm.s32 $0x0;
	s8 =	smul.u32 $0x14000, s3  }
0x8: {  	s1 =	sand.u32 $0x1, s1;
	[smem:$0x7FF] =	sst s4;
	s9 =	smul.u32 $0x50000, s3  }
0x9: {  	s5 =	sadd.s32 $0xDE00, s0;
	s6 =	sadd.s32 $0x3E00, s0;
	s19 =	smul.u32 $0xA00, s3  }
0xa: {  	s7 =	smul.u32 $0x140000, s1;
	_ =	strace $0x8000004A;
	s30 =	ssub.s32 $0x2, s1  }
0xb: {  	p0 =	seq.s32 s1, $0x1;
	s10 =	sshrl.u32 s30, $0x1;
	s9 =	sshrl.u32 s9, $0x2  }
0xc: {  	s12 =	sadd.s32 s6, s19;
	s13 =	sadd.s32 s14, s19;
	s31 =	sadd.s32 $0x760, s19  }
0xd: {  	s18 =	sadd.s32 $0x750, s19;
	s19 =	sadd.s32 $0x9F0, s19;
	s7 =	sadd.s32 s8, s7  }
.Ltmp0:
0xe: {  	s17 =	ssub.s32 s30, s10;
	s15 =	sadd.s32 s6, s31;
	(pc) =	sbr.rel .LBB2_1-.Ltmp0, $4  }
0xf: {  	s1 =	sadd.s32 s14, s31;
	s7 =	sshrl.u32 s7, $0x3;
	[dreg:$0x4] =	wrdreg s15  }
0x10: {  	[dreg:$0x5] =	wrdreg s1;
	s0 =	sadd.s32 s7, s0;
	s7 =	sadd.s32 s9, s2  }
0x11: {  	s17 =	smax.u32 s17, $0x1;
	s8 =	sadd.s32 $0x4000, s7;
	s9 =	sadd.s32 $0x8000, s7  }
0x12: {  	v0 =	vimm.f32 $0.0e+00;
	s10 =	sadd.s32 $0xC000, s7;
	s11 =	sadd.s32 $0x10000, s7;
	s16 =	sadd.s32 $0x35E00, s0  }
.LBB2_6:
0x13: {  	s1 =	sadd.s32 $0x750, s0;
	[sflag:s21] =	ssyncadd.s32 $0xFFFFC000  }
0x14: {  	[tilespmem:s23], [sflag:$0x3] =	stream.linear.gather [hbm4b:s1+s4], $0x80, $0x38;
	[tilespmem:$0x1C200] =	vst v63  }
0x15: {  	_ =	swait.ge [sflag:s21], $0x80  }
0x16: {  	s15 =	sadd.s32 s30, s13;
	[sflag:s21] =	ssyncset.done $0x0  }
0x17: {  	s14 =	sadd.s32 $0x750, s15;
	[sflag:s21] =	ssyncadd.s32 $0xFFFFFF80  }
0x18: {  	[tilespmem:s24], [sflag:$0x3] =	stream.linear.gather [hbm4b:s14+s4], $0x80, $0x38;
	[tilespmem:$0x1C200] =	vst v63  }
0x19: {  	_ =	swait.ge [sflag:s21], $0x80  }
0x1a: {  	[sflag:s21] =	ssyncset.done $0x0  }
0x1b: {  	[sflag:s21] =	ssyncadd.s32 $0xFFFFFF80  }
0x1c: {  	[tilespmem:s25], [sflag:$0x2] =	stream.indirect.gather [hbm4b:s5+s23], $0x80, s23, s23, $0xb8;
	[tilespmem:$0x1C200] =	vst v63  }
0x1d: {  	_ =	swait.ge [sflag:s26], $0x4000  }
0x1e: {  	[sflag:s26] =	ssyncset.done $0x0  }
0x1f: {  	[sflag:s26] =	ssyncadd.s32 $0xFFFFC000  }
0x20: {  	[spmem:s2] =	stream.indirect.scatter.add.f32 [tilespmem:s20], [sflag:$0x3], $0x80, s22, s23, $0xb8;
	[tilespmem:$0x1C200] =	vst v63  }
0x21: {  	_ =	swait.ge [sflag:s21], $0x4000  }
0x22: {  	[sflag:s21] =	ssyncset.done $0x0  }
0x23: {  	s30 =	sadd.s32 $0x760, s0;
	[sflag:s21] =	ssyncadd.s32 $0xFFFFC000  }
0x24: {  	[tilespmem:s4], [sflag:$0x3] =	stream.linear.gather [hbm4b:s30+s4], $0x80, $0x38;
	[tilespmem:$0x1C200] =	vst v63  }
0x25: {  	_ =	swait.ge [sflag:s21], $0x80  }
0x26: {  	[sflag:s21] =	ssyncset.done $0x0  }
0x27: {  	s31 =	sadd.s32 $0x760, s15;
	[sflag:s21] =	ssyncadd.s32 $0xFFFFFF80  }
0x28: {  	[tilespmem:s22], [sflag:$0x3] =	stream.linear.gather [hbm4b:s31+s4], $0x80, $0x38;
	[tilespmem:$0x1C200] =	vst v63  }
0x29: {  	_ =	swait.ge [sflag:s21], $0x80  }
0x2a: {  	[sflag:s21] =	ssyncset.done $0x0  }
0x2b: {  	[sflag:s21] =	ssyncadd.s32 $0xFFFFFF80  }
0x2c: {  	[tilespmem:s20], [sflag:$0x1] =	stream.indirect.gather [hbm4b:s5+s23], $0x80, s4, s23, $0xb8;
	[tilespmem:$0x1C200] =	vst v63  }
0x2d: {  	_ =	swait.ge [sflag:s28], $0x4000  }
0x2e: {  	[sflag:s28] =	ssyncset.done $0x0  }
0x2f: {  	[sflag:s28] =	ssyncadd.s32 $0xFFFFC000  }
0x30: {  	[spmem:s2] =	stream.indirect.scatter.add.f32 [tilespmem:s25], [sflag:$0x3], $0x80, s24, s23, $0xb8;
	[tilespmem:$0x1C200] =	vst v63  }
0x31: {  	_ =	swait.ge [sflag:s21], $0x4000  }
0x32: {  	[sflag:s21] =	ssyncset.done $0x0  }
0x33: {  	s0 =	smov.u32 s18;
	[sflag:s21] =	ssyncadd.s32 $0xFFFFC000  }
.LBB2_10:
0x34: {  	s1 =	sadd.s32 s6, s0  }
0x35: {  	[tilespmem:s23], [sflag:$0x3] =	stream.linear.gather [hbm4b:s1+s4], $0x80, $0x38;
	[tilespmem:$0x1C200] =	vst v63  }
0x36: {  	_ =	swait.ge [sflag:s21], $0x80  }
0x37: {  	[sflag:s21] =	ssyncset.done $0x0  }
0x38: {  	s14 =	rddreg [dreg:$0x1]  }
0x39: {  	[sflag:s21] =	ssyncadd.s32 $0xFFFFFF80;
	s15 =	sadd.s32 s14, s0  }
0x3a: {  	[tilespmem:s24], [sflag:$0x3] =	stream.linear.gather [hbm4b:s15+s4], $0x80, $0x38;
	[tilespmem:$0x1C200] =	vst v63  }
0x3b: {  	_ =	swait.ge [sflag:s21], $0x80  }
0x3c: {  	[sflag:s21] =	ssyncset.done $0x0  }
0x3d: {  	[sflag:s21] =	ssyncadd.s32 $0xFFFFFF80  }
0x3e: {  	[tilespmem:s25], [sflag:$0x2] =	stream.indirect.gather [hbm4b:s5+s23], $0x80, s23, s23, $0xb8;
	[tilespmem:$0x1C200] =	vst v63  }
0x3f: {  	_ =	swait.ge [sflag:s26], $0x4000  }
0x40: {  	[sflag:s26] =	ssyncset.done $0x0  }
0x41: {  	[sflag:s26] =	ssyncadd.s32 $0xFFFFC000  }
0x42: {  	[spmem:s2] =	stream.indirect.scatter.add.f32 [tilespmem:s20], [sflag:$0x3], $0x80, s22, s23, $0xb8;
	[tilespmem:$0x1C200] =	vst v63  }
0x43: {  	_ =	swait.ge [sflag:s21], $0x4000  }
0x44: {  	[sflag:s21] =	ssyncset.done $0x0  }
0x45: {  	[sflag:s21] =	ssyncadd.s32 $0xFFFFC000  }
0x46: {  	_ =	swait.ge [sflag:s28], $0x4000  }
0x47: {  	[sflag:s28] =	ssyncset.done $0x0  }
0x48: {  	[sflag:s28] =	ssyncadd.s32 $0xFFFFC000  }
0x49: {  	[spmem:s2] =	stream.indirect.scatter.add.f32 [tilespmem:s25], [sflag:$0x3], $0x80, s24, s23, $0xb8;
	[tilespmem:$0x1C200] =	vst v63  }
0x4a: {  	_ =	swait.ge [sflag:s21], $0x4000  }
0x4b: {  	s30 =	sshll.u32 s3, $0x6;
	s29 =	sadd.s32 $0x1, s29;
	[sflag:s21] =	ssyncset.done $0x0  }
0x4c: {  	s31 =	sshrl.u32 s7, $0x3;
	p1 =	sne.s32 s29, s17;
	[sflag:s21] =	ssyncadd.s32 $0xFFFFC000  }
.Ltmp1:
0x4d: {  	s0 =	sor.u32 $0x1C03, s30;
	[bflag:$0x0] =	sbarrier.arrive $0xFFFF;
	(pc) =	sbr.rel @!p1 .LBB2_11-.Ltmp1, $4  }
0x4e: {  	[hbm:s16], [sflag:s0] =	dma.local [spmem:s31], $0x2800  }
0x4f: {  	_ =	swait.ge [sflag:s21], $0x2800  }
0x50: {  	[sflag:s21] =	ssyncset.done $0x0  }
0x51: {  	[sflag:s21] =	ssyncadd.s32 $0xFFFFD800  }
.LBB2_1:
0x52: {  	s0 =	simm.s32 $0x0;
	s30 =	simm.s32 $0x200  }
.LBB2_2:
0x53: {  	p1 =	sne.s32 s30, $0xFE00;
	[tilespmem:s0+$0x270] =	vst v0  }
0x54: {  	[tilespmem:s0+$0x200] =	vst v0  }
0x55: {  	[tilespmem:s0+$0x210] =	vst v0  }
.Ltmp2:
0x56: {  	[tilespmem:s0+$0x220] =	vst v0;
	(pc) =	sbr.rel @p1 .LBB2_2-.Ltmp2, $4  }
0x57: {  	[tilespmem:s0+$0x230] =	vst v0  }
0x58: {  	[tilespmem:s0+$0x240] =	vst v0  }
0x59: {  	[tilespmem:s0+$0x250] =	vst v0  }
0x5a: {  	[tilespmem:s0+$0x260] =	vst v0;
	s0 =	sshra.s32 s30, $0x2;
	s30 =	sadd.s32 $0x200, s30  }
0x5b: {  	[tilespmem:s0+$0x270] =	vst v0  }
0x5c: {  	[tilespmem:s0+$0x200] =	vst v0  }
0x5d: {  	[tilespmem:s0+$0x210] =	vst v0  }
0x5e: {  	[tilespmem:s0+$0x220] =	vst v0  }
0x5f: {  	[tilespmem:s0+$0x230] =	vst v0  }
0x60: {  	[tilespmem:s0+$0x240] =	vst v0  }
0x61: {  	[tilespmem:s0+$0x250] =	vst v0  }
0x62: {  	[tilespmem:s0+$0x260] =	vst v0  }
0x63: {  	[spmem:s7] =	stream.linear.scatter [tilespmem:s20], [sflag:$0x3], $0x4000, $0x38;
	[tilespmem:$0x1C200] =	vst v63  }
0x64: {  	_ =	swait.ge [sflag:s21], $0x4000  }
0x65: {  	[sflag:s21] =	ssyncset.done $0x0  }
0x66: {  	[sflag:s21] =	ssyncadd.s32 $0xFFFFC000  }
0x67: {  	[spmem:s8] =	stream.linear.scatter [tilespmem:s20], [sflag:$0x3], $0x4000, $0x38;
	[tilespmem:$0x1C200] =	vst v63  }
0x68: {  	_ =	swait.ge [sflag:s21], $0x4000  }
0x69: {  	[sflag:s21] =	ssyncset.done $0x0  }
0x6a: {  	[sflag:s21] =	ssyncadd.s32 $0xFFFFC000  }
0x6b: {  	[spmem:s9] =	stream.linear.scatter [tilespmem:s20], [sflag:$0x3], $0x4000, $0x38;
	[tilespmem:$0x1C200] =	vst v63  }
0x6c: {  	_ =	swait.ge [sflag:s21], $0x4000  }
0x6d: {  	[sflag:s21] =	ssyncset.done $0x0  }
0x6e: {  	[sflag:s21] =	ssyncadd.s32 $0xFFFFC000  }
0x6f: {  	[spmem:s10] =	stream.linear.scatter [tilespmem:s20], [sflag:$0x3], $0x4000, $0x38;
	[tilespmem:$0x1C200] =	vst v63  }
0x70: {  	_ =	swait.ge [sflag:s21], $0x4000  }
0x71: {  	[sflag:s21] =	ssyncset.done $0x0  }
0x72: {  	[sflag:s21] =	ssyncadd.s32 $0xFFFFC000  }
0x73: {  	[spmem:s11] =	stream.linear.scatter [tilespmem:s20], [sflag:$0x3], $0x4000, $0x38;
	[tilespmem:$0x1C200] =	vst v63  }
.Ltmp3:
0x74: {  	_ =	swait.ge [sflag:s21], $0x4000;
	(pc) =	sbr.rel @!p0 .LBB2_4-.Ltmp3, $3  }
0x75: {  	[sflag:s21] =	ssyncset.done $0x0  }
0x76: {  	[sflag:s21] =	ssyncadd.s32 $0xFFFFC000  }
0x77: {  	[bflag:$0x0] =	sbarrier.arrive $0xFFFF;
	_ =	sdelay $0x1  }
0x78: {  	s0 =	rddreg [dreg:$0x4]  }
0x79: {  	[tilespmem:s4], [sflag:$0x3] =	stream.linear.gather [hbm4b:s0+s4], $0x80, $0x38;
	[tilespmem:$0x1C200] =	vst v63  }
0x7a: {  	_ =	swait.ge [sflag:s21], $0x80  }
0x7b: {  	[sflag:s21] =	ssyncset.done $0x0  }
0x7c: {  	s15 =	rddreg [dreg:$0x5];
	[sflag:s21] =	ssyncadd.s32 $0xFFFFFF80  }
0x7d: {  	[tilespmem:s22], [sflag:$0x3] =	stream.linear.gather [hbm4b:s15+s4], $0x80, $0x38;
	[tilespmem:$0x1C200] =	vst v63  }
0x7e: {  	_ =	swait.ge [sflag:s21], $0x80  }
0x7f: {  	[sflag:s21] =	ssyncset.done $0x0  }
0x80: {  	s31 =	sadd.s32 $0xFFFFFD80, s12;
	[sflag:s21] =	ssyncadd.s32 $0xFFFFFF80  }
0x81: {  	[tilespmem:s20], [sflag:$0x1] =	stream.indirect.gather [hbm4b:s5+s23], $0x80, s4, s23, $0xb8;
	[tilespmem:$0x1C200] =	vst v63  }
0x82: {  	s1 =	sadd.s32 $0x9F0, s31  }
0x83: {  	[tilespmem:s23], [sflag:$0x3] =	stream.linear.gather [hbm4b:s1+s4], $0x80, $0x38;
	[tilespmem:$0x1C200] =	vst v63  }
0x84: {  	_ =	swait.ge [sflag:s21], $0x80  }
0x85: {  	s15 =	sadd.s32 $0xFFFFFD80, s13;
	[sflag:s21] =	ssyncset.done $0x0  }
0x86: {  	s14 =	sadd.s32 $0x9F0, s15;
	[sflag:s21] =	ssyncadd.s32 $0xFFFFFF80  }
0x87: {  	[tilespmem:s24], [sflag:$0x3] =	stream.linear.gather [hbm4b:s14+s4], $0x80, $0x38;
	[tilespmem:$0x1C200] =	vst v63  }
0x88: {  	_ =	swait.ge [sflag:s21], $0x80  }
0x89: {  	[sflag:s21] =	ssyncset.done $0x0  }
0x8a: {  	[sflag:s21] =	ssyncadd.s32 $0xFFFFFF80  }
0x8b: {  	[tilespmem:s25], [sflag:$0x2] =	stream.indirect.gather [hbm4b:s5+s23], $0x80, s23, s23, $0xb8;
	[tilespmem:$0x1C200] =	vst v63  }
0x8c: {  	_ =	swait.ge [sflag:s26], $0x4000  }
0x8d: {  	[sflag:s26] =	ssyncset.done $0x0  }
0x8e: {  	[sflag:s26] =	ssyncadd.s32 $0xFFFFC000  }
0x8f: {  	[spmem:s2] =	stream.indirect.scatter.add.f32 [tilespmem:s20], [sflag:$0x3], $0x80, s22, s23, $0xb8;
	[tilespmem:$0x1C200] =	vst v63  }
0x90: {  	_ =	swait.ge [sflag:s21], $0x4000  }
0x91: {  	[sflag:s21] =	ssyncset.done $0x0  }
0x92: {  	s0 =	sadd.s32 $0xA00, s31;
	[sflag:s21] =	ssyncadd.s32 $0xFFFFC000  }
0x93: {  	[tilespmem:s4], [sflag:$0x3] =	stream.linear.gather [hbm4b:s0+s4], $0x80, $0x38;
	[tilespmem:$0x1C200] =	vst v63  }
0x94: {  	_ =	swait.ge [sflag:s21], $0x80  }
0x95: {  	[sflag:s21] =	ssyncset.done $0x0  }
0x96: {  	s31 =	sadd.s32 $0xA00, s15;
	[sflag:s21] =	ssyncadd.s32 $0xFFFFFF80  }
0x97: {  	[tilespmem:s22], [sflag:$0x3] =	stream.linear.gather [hbm4b:s31+s4], $0x80, $0x38;
	[tilespmem:$0x1C200] =	vst v63  }
0x98: {  	_ =	swait.ge [sflag:s21], $0x80  }
0x99: {  	[sflag:s21] =	ssyncset.done $0x0  }
0x9a: {  	[sflag:s21] =	ssyncadd.s32 $0xFFFFFF80  }
0x9b: {  	[tilespmem:s20], [sflag:$0x1] =	stream.indirect.gather [hbm4b:s5+s23], $0x80, s4, s23, $0xb8;
	[tilespmem:$0x1C200] =	vst v63  }
0x9c: {  	_ =	swait.ge [sflag:s28], $0x4000  }
0x9d: {  	[sflag:s28] =	ssyncset.done $0x0  }
0x9e: {  	[sflag:s28] =	ssyncadd.s32 $0xFFFFC000  }
0x9f: {  	[spmem:s2] =	stream.indirect.scatter.add.f32 [tilespmem:s25], [sflag:$0x3], $0x80, s24, s23, $0xb8;
	[tilespmem:$0x1C200] =	vst v63  }
0xa0: {  	s30 =	simm.s32 $0xFFFFFDA0;
	_ =	swait.ge [sflag:s21], $0x4000  }
0xa1: {  	s1 =	simm.s32 $0xFFFFFDC0;
	s0 =	sadd.s32 $0xFFFFFDA0, s12;
	[sflag:s21] =	ssyncset.done $0x0  }
.LBB2_8:
0xa2: {  	s14 =	sadd.s32 $0x9F0, s0  }
0xa3: {  	[sflag:s21] =	ssyncadd.s32 $0xFFFFC000;
	s15 =	smov.u32 s1;
	s31 =	sadd.s32 $0x20, s1  }
0xa4: {  	[tilespmem:s23], [sflag:$0x3] =	stream.linear.gather [hbm4b:s14+s4], $0x80, $0x38;
	[tilespmem:$0x1C200] =	vst v63  }
0xa5: {  	p1 =	sne.s32 s1, $0xFFFFFFE0;
	_ =	swait.ge [sflag:s21], $0x80  }
0xa6: {  	s1 =	sadd.s32 s30, s13;
	s30 =	smov.u32 s15;
	[sflag:s21] =	ssyncset.done $0x0  }
0xa7: {  	s14 =	sadd.s32 $0x9F0, s1;
	[sflag:s21] =	ssyncadd.s32 $0xFFFFFF80  }
0xa8: {  	[tilespmem:s24], [sflag:$0x3] =	stream.linear.gather [hbm4b:s14+s4], $0x80, $0x38;
	[tilespmem:$0x1C200] =	vst v63  }
0xa9: {  	_ =	swait.ge [sflag:s21], $0x80  }
0xaa: {  	[sflag:s21] =	ssyncset.done $0x0  }
0xab: {  	[sflag:s21] =	ssyncadd.s32 $0xFFFFFF80  }
0xac: {  	[tilespmem:s25], [sflag:$0x2] =	stream.indirect.gather [hbm4b:s5+s23], $0x80, s23, s23, $0xb8;
	[tilespmem:$0x1C200] =	vst v63  }
0xad: {  	_ =	swait.ge [sflag:s26], $0x4000  }
0xae: {  	[sflag:s26] =	ssyncset.done $0x0  }
0xaf: {  	[sflag:s26] =	ssyncadd.s32 $0xFFFFC000  }
0xb0: {  	[spmem:s2] =	stream.indirect.scatter.add.f32 [tilespmem:s20], [sflag:$0x3], $0x80, s22, s23, $0xb8;
	[tilespmem:$0x1C200] =	vst v63  }
0xb1: {  	_ =	swait.ge [sflag:s21], $0x4000  }
0xb2: {  	[sflag:s21] =	ssyncset.done $0x0  }
0xb3: {  	s0 =	sadd.s32 $0xA00, s0;
	[sflag:s21] =	ssyncadd.s32 $0xFFFFC000  }
0xb4: {  	[tilespmem:s4], [sflag:$0x3] =	stream.linear.gather [hbm4b:s0+s4], $0x80, $0x38;
	[tilespmem:$0x1C200] =	vst v63  }
0xb5: {  	_ =	swait.ge [sflag:s21], $0x80  }
0xb6: {  	[sflag:s21] =	ssyncset.done $0x0  }
0xb7: {  	s0 =	sadd.s32 $0xA00, s1;
	[sflag:s21] =	ssyncadd.s32 $0xFFFFFF80  }
0xb8: {  	[tilespmem:s22], [sflag:$0x3] =	stream.linear.gather [hbm4b:s0+s4], $0x80, $0x38;
	[tilespmem:$0x1C200] =	vst v63  }
0xb9: {  	_ =	swait.ge [sflag:s21], $0x80  }
0xba: {  	[sflag:s21] =	ssyncset.done $0x0  }
0xbb: {  	[sflag:s21] =	ssyncadd.s32 $0xFFFFFF80  }
0xbc: {  	[tilespmem:s20], [sflag:$0x1] =	stream.indirect.gather [hbm4b:s5+s23], $0x80, s4, s23, $0xb8;
	[tilespmem:$0x1C200] =	vst v63  }
0xbd: {  	_ =	swait.ge [sflag:s28], $0x4000  }
.Ltmp4:
0xbe: {  	[sflag:s28] =	ssyncset.done $0x0;
	(pc) =	sbr.rel @p1 .LBB2_8-.Ltmp4, $4  }
0xbf: {  	[sflag:s28] =	ssyncadd.s32 $0xFFFFC000  }
0xc0: {  	[spmem:s2] =	stream.indirect.scatter.add.f32 [tilespmem:s25], [sflag:$0x3], $0x80, s24, s23, $0xb8;
	[tilespmem:$0x1C200] =	vst v63  }
0xc1: {  	_ =	swait.ge [sflag:s21], $0x4000  }
0xc2: {  	s1 =	smov.u32 s31;
	s0 =	sadd.s32 s30, s12;
	[sflag:s21] =	ssyncset.done $0x0  }
0xc3: {  	s1 =	sadd.s32 $0x9F0, s0;
	[sflag:s21] =	ssyncadd.s32 $0xFFFFC000  }
0xc4: {  	[tilespmem:s23], [sflag:$0x3] =	stream.linear.gather [hbm4b:s1+s4], $0x80, $0x38;
	[tilespmem:$0x1C200] =	vst v63  }
0xc5: {  	_ =	swait.ge [sflag:s21], $0x80  }
0xc6: {  	s15 =	sadd.s32 s30, s13;
	[sflag:s21] =	ssyncset.done $0x0  }
0xc7: {  	s14 =	sadd.s32 $0x9F0, s15;
	[sflag:s21] =	ssyncadd.s32 $0xFFFFFF80  }
0xc8: {  	[tilespmem:s24], [sflag:$0x3] =	stream.linear.gather [hbm4b:s14+s4], $0x80, $0x38;
	[tilespmem:$0x1C200] =	vst v63  }
0xc9: {  	_ =	swait.ge [sflag:s21], $0x80  }
0xca: {  	[sflag:s21] =	ssyncset.done $0x0  }
0xcb: {  	[sflag:s21] =	ssyncadd.s32 $0xFFFFFF80  }
0xcc: {  	[tilespmem:s25], [sflag:$0x2] =	stream.indirect.gather [hbm4b:s5+s23], $0x80, s23, s23, $0xb8;
	[tilespmem:$0x1C200] =	vst v63  }
0xcd: {  	_ =	swait.ge [sflag:s26], $0x4000  }
0xce: {  	[sflag:s26] =	ssyncset.done $0x0  }
0xcf: {  	[sflag:s26] =	ssyncadd.s32 $0xFFFFC000  }
0xd0: {  	[spmem:s2] =	stream.indirect.scatter.add.f32 [tilespmem:s20], [sflag:$0x3], $0x80, s22, s23, $0xb8;
	[tilespmem:$0x1C200] =	vst v63  }
0xd1: {  	_ =	swait.ge [sflag:s21], $0x4000  }
0xd2: {  	[sflag:s21] =	ssyncset.done $0x0  }
0xd3: {  	s30 =	sadd.s32 $0xA00, s0;
	[sflag:s21] =	ssyncadd.s32 $0xFFFFC000  }
0xd4: {  	[tilespmem:s4], [sflag:$0x3] =	stream.linear.gather [hbm4b:s30+s4], $0x80, $0x38;
	[tilespmem:$0x1C200] =	vst v63  }
0xd5: {  	_ =	swait.ge [sflag:s21], $0x80  }
0xd6: {  	[sflag:s21] =	ssyncset.done $0x0  }
0xd7: {  	s31 =	sadd.s32 $0xA00, s15;
	[sflag:s21] =	ssyncadd.s32 $0xFFFFFF80  }
0xd8: {  	[tilespmem:s22], [sflag:$0x3] =	stream.linear.gather [hbm4b:s31+s4], $0x80, $0x38;
	[tilespmem:$0x1C200] =	vst v63  }
0xd9: {  	_ =	swait.ge [sflag:s21], $0x80  }
0xda: {  	[sflag:s21] =	ssyncset.done $0x0  }
0xdb: {  	[sflag:s21] =	ssyncadd.s32 $0xFFFFFF80  }
0xdc: {  	[tilespmem:s20], [sflag:$0x1] =	stream.indirect.gather [hbm4b:s5+s23], $0x80, s4, s23, $0xb8;
	[tilespmem:$0x1C200] =	vst v63  }
0xdd: {  	_ =	swait.ge [sflag:s28], $0x4000  }
0xde: {  	[sflag:s28] =	ssyncset.done $0x0  }
.Ltmp5:
0xdf: {  	[sflag:s28] =	ssyncadd.s32 $0xFFFFC000;
	(pc) =	sbr.rel .LBB2_10-.Ltmp5, $4  }
0xe0: {  	[spmem:s2] =	stream.indirect.scatter.add.f32 [tilespmem:s25], [sflag:$0x3], $0x80, s24, s23, $0xb8;
	[tilespmem:$0x1C200] =	vst v63  }
0xe1: {  	_ =	swait.ge [sflag:s21], $0x4000  }
0xe2: {  	[sflag:s21] =	ssyncset.done $0x0  }
0xe3: {  	s0 =	smov.u32 s19;
	[sflag:s21] =	ssyncadd.s32 $0xFFFFC000  }
.LBB2_4:
0xe4: {  	[tilespmem:s4], [sflag:$0x3] =	stream.linear.gather [hbm4b:s12+s4], $0x80, $0x38;
	[tilespmem:$0x1C200] =	vst v63  }
0xe5: {  	_ =	swait.ge [sflag:s21], $0x80  }
0xe6: {  	[sflag:s21] =	ssyncset.done $0x0  }
0xe7: {  	[sflag:s21] =	ssyncadd.s32 $0xFFFFFF80  }
0xe8: {  	[tilespmem:s22], [sflag:$0x3] =	stream.linear.gather [hbm4b:s13+s4], $0x80, $0x38;
	[tilespmem:$0x1C200] =	vst v63  }
0xe9: {  	_ =	swait.ge [sflag:s21], $0x80  }
0xea: {  	[sflag:s21] =	ssyncset.done $0x0  }
0xeb: {  	s0 =	sadd.s32 $0xFFFFF8C0, s12;
	[sflag:s21] =	ssyncadd.s32 $0xFFFFFF80  }
0xec: {  	[tilespmem:s20], [sflag:$0x1] =	stream.indirect.gather [hbm4b:s5+s23], $0x80, s4, s23, $0xb8;
	[tilespmem:$0x1C200] =	vst v63  }
0xed: {  	s1 =	sadd.s32 $0x750, s0  }
0xee: {  	[tilespmem:s23], [sflag:$0x3] =	stream.linear.gather [hbm4b:s1+s4], $0x80, $0x38;
	[tilespmem:$0x1C200] =	vst v63  }
0xef: {  	_ =	swait.ge [sflag:s21], $0x80  }
0xf0: {  	s14 =	sadd.s32 $0xFFFFF8C0, s13;
	[sflag:s21] =	ssyncset.done $0x0  }
0xf1: {  	s30 =	sadd.s32 $0x750, s14;
	[sflag:s21] =	ssyncadd.s32 $0xFFFFFF80  }
0xf2: {  	[tilespmem:s24], [sflag:$0x3] =	stream.linear.gather [hbm4b:s30+s4], $0x80, $0x38;
	[tilespmem:$0x1C200] =	vst v63  }
0xf3: {  	_ =	swait.ge [sflag:s21], $0x80  }
0xf4: {  	[sflag:s21] =	ssyncset.done $0x0  }
0xf5: {  	[sflag:s21] =	ssyncadd.s32 $0xFFFFFF80  }
0xf6: {  	[tilespmem:s25], [sflag:$0x2] =	stream.indirect.gather [hbm4b:s5+s23], $0x80, s23, s23, $0xb8;
	[tilespmem:$0x1C200] =	vst v63  }
0xf7: {  	_ =	swait.ge [sflag:s26], $0x4000  }
0xf8: {  	[sflag:s26] =	ssyncset.done $0x0  }
0xf9: {  	[sflag:s26] =	ssyncadd.s32 $0xFFFFC000  }
0xfa: {  	[spmem:s2] =	stream.indirect.scatter.add.f32 [tilespmem:s20], [sflag:$0x3], $0x80, s22, s23, $0xb8;
	[tilespmem:$0x1C200] =	vst v63  }
0xfb: {  	_ =	swait.ge [sflag:s21], $0x4000  }
0xfc: {  	[sflag:s21] =	ssyncset.done $0x0  }
0xfd: {  	s0 =	sadd.s32 $0x760, s0;
	[sflag:s21] =	ssyncadd.s32 $0xFFFFC000  }
0xfe: {  	[tilespmem:s4], [sflag:$0x3] =	stream.linear.gather [hbm4b:s0+s4], $0x80, $0x38;
	[tilespmem:$0x1C200] =	vst v63  }
0xff: {  	_ =	swait.ge [sflag:s21], $0x80  }
0x100: {  	[sflag:s21] =	ssyncset.done $0x0  }
0x101: {  	s15 =	sadd.s32 $0x760, s14;
	[sflag:s21] =	ssyncadd.s32 $0xFFFFFF80  }
0x102: {  	[tilespmem:s22], [sflag:$0x3] =	stream.linear.gather [hbm4b:s15+s4], $0x80, $0x38;
	[tilespmem:$0x1C200] =	vst v63  }
0x103: {  	_ =	swait.ge [sflag:s21], $0x80  }
0x104: {  	[sflag:s21] =	ssyncset.done $0x0  }
0x105: {  	[sflag:s21] =	ssyncadd.s32 $0xFFFFFF80  }
0x106: {  	[tilespmem:s20], [sflag:$0x1] =	stream.indirect.gather [hbm4b:s5+s23], $0x80, s4, s23, $0xb8;
	[tilespmem:$0x1C200] =	vst v63  }
0x107: {  	_ =	swait.ge [sflag:s28], $0x4000  }
0x108: {  	[sflag:s28] =	ssyncset.done $0x0  }
0x109: {  	[sflag:s28] =	ssyncadd.s32 $0xFFFFC000  }
0x10a: {  	[spmem:s2] =	stream.indirect.scatter.add.f32 [tilespmem:s25], [sflag:$0x3], $0x80, s24, s23, $0xb8;
	[tilespmem:$0x1C200] =	vst v63  }
0x10b: {  	s31 =	simm.s32 $0xFFFFF900;
	_ =	swait.ge [sflag:s21], $0x4000  }
0x10c: {  	s30 =	simm.s32 $0xFFFFF8E0;
	s0 =	sadd.s32 $0xFFFFF8E0, s12;
	[sflag:s21] =	ssyncset.done $0x0  }
.LBB2_5:
0x10d: {  	s14 =	sadd.s32 $0x750, s0  }
0x10e: {  	[sflag:s21] =	ssyncadd.s32 $0xFFFFC000;
	s15 =	smov.u32 s31;
	s1 =	sadd.s32 $0x20, s31  }
0x10f: {  	[tilespmem:s23], [sflag:$0x3] =	stream.linear.gather [hbm4b:s14+s4], $0x80, $0x38;
	[tilespmem:$0x1C200] =	vst v63  }
0x110: {  	p1 =	seq.s32 s31, $0xFFFFFFE0;
	_ =	swait.ge [sflag:s21], $0x80  }
0x111: {  	s14 =	sadd.s32 s30, s13;
	s30 =	smov.u32 s15;
	[sflag:s21] =	ssyncset.done $0x0  }
0x112: {  	s15 =	sadd.s32 $0x750, s14;
	[sflag:s21] =	ssyncadd.s32 $0xFFFFFF80  }
0x113: {  	[tilespmem:s24], [sflag:$0x3] =	stream.linear.gather [hbm4b:s15+s4], $0x80, $0x38;
	[tilespmem:$0x1C200] =	vst v63  }
0x114: {  	_ =	swait.ge [sflag:s21], $0x80  }
0x115: {  	[sflag:s21] =	ssyncset.done $0x0  }
0x116: {  	[sflag:s21] =	ssyncadd.s32 $0xFFFFFF80  }
0x117: {  	[tilespmem:s25], [sflag:$0x2] =	stream.indirect.gather [hbm4b:s5+s23], $0x80, s23, s23, $0xb8;
	[tilespmem:$0x1C200] =	vst v63  }
0x118: {  	_ =	swait.ge [sflag:s26], $0x4000  }
0x119: {  	[sflag:s26] =	ssyncset.done $0x0  }
0x11a: {  	[sflag:s26] =	ssyncadd.s32 $0xFFFFC000  }
0x11b: {  	[spmem:s2] =	stream.indirect.scatter.add.f32 [tilespmem:s20], [sflag:$0x3], $0x80, s22, s23, $0xb8;
	[tilespmem:$0x1C200] =	vst v63  }
0x11c: {  	_ =	swait.ge [sflag:s21], $0x4000  }
0x11d: {  	[sflag:s21] =	ssyncset.done $0x0  }
0x11e: {  	s0 =	sadd.s32 $0x760, s0;
	[sflag:s21] =	ssyncadd.s32 $0xFFFFC000  }
0x11f: {  	[tilespmem:s4], [sflag:$0x3] =	stream.linear.gather [hbm4b:s0+s4], $0x80, $0x38;
	[tilespmem:$0x1C200] =	vst v63  }
0x120: {  	_ =	swait.ge [sflag:s21], $0x80  }
0x121: {  	[sflag:s21] =	ssyncset.done $0x0  }
0x122: {  	s0 =	sadd.s32 $0x760, s14;
	[sflag:s21] =	ssyncadd.s32 $0xFFFFFF80  }
0x123: {  	[tilespmem:s22], [sflag:$0x3] =	stream.linear.gather [hbm4b:s0+s4], $0x80, $0x38;
	[tilespmem:$0x1C200] =	vst v63  }
0x124: {  	_ =	swait.ge [sflag:s21], $0x80  }
0x125: {  	[sflag:s21] =	ssyncset.done $0x0  }
0x126: {  	[sflag:s21] =	ssyncadd.s32 $0xFFFFFF80  }
0x127: {  	[tilespmem:s20], [sflag:$0x1] =	stream.indirect.gather [hbm4b:s5+s23], $0x80, s4, s23, $0xb8;
	[tilespmem:$0x1C200] =	vst v63  }
0x128: {  	_ =	swait.ge [sflag:s28], $0x4000  }
.Ltmp6:
0x129: {  	[sflag:s28] =	ssyncset.done $0x0;
	(pc) =	sbr.rel @!p1 .LBB2_5-.Ltmp6, $4  }
0x12a: {  	[sflag:s28] =	ssyncadd.s32 $0xFFFFC000  }
0x12b: {  	[spmem:s2] =	stream.indirect.scatter.add.f32 [tilespmem:s25], [sflag:$0x3], $0x80, s24, s23, $0xb8;
	[tilespmem:$0x1C200] =	vst v63  }
0x12c: {  	_ =	swait.ge [sflag:s21], $0x4000  }
0x12d: {  	s31 =	smov.u32 s1;
	s0 =	sadd.s32 s30, s12;
	[sflag:s21] =	ssyncset.done $0x0  }
.Ltmp7:
0x12e: {  	_ = 	snop;
	(pc) =	sbr.rel .LBB2_6-.Ltmp7, $1  }
0x12f: {  	_ =	sdelay $0x3  }
.LBB2_11:
0x130: {  	_ =	sfence.sel $0x180000  }
0x131: {  	[bflag:$0x0] =	sbarrier.arrive $0xFFFF  }
0x132: {  	_ =	strace $0x9000004A  }
0x133: {  	[bflag:$0x2] =	sbarrier.arrive $0xFFFF  }
0x134: {  	p0 =	sne.s32 s3, $0x0;
	s0 =	rddreg [dreg:$0x3]  }
0x135: {  	s0 =	sadd.s32 @!p0 $0x100000, s0  }
0x136: {  	[sflag:s0] =	ssyncadd.tile.s32 @!p0 $0x1;
	_ =	shalt  }
.Lfunc_end2:
_tile_overlayer_lowered:
.L_overlay_start_2:
0x137: {  	(tag) =	ssettag $0x2  }
0x138: {  	s0 =	rddreg [dreg:$0x0];
	s2 =	stileid.u32  }
0x139: {  	s1 =	rddreg [dreg:$0x1];
	p0 =	sne.s32 s2, $0x0  }
0x13a: {  	s3 =	rddreg [dreg:$0x2];
	[bflag:$0x3] =	sbarrier.arrive $0xFFFF;
	s2 =	simm.s32 @!p0 $0x1C03  }
0x13b: {  	[timem:s3], [sflag:s2] =	dma.local @!p0 [hbm:s0], s1  }
0x13c: {  	s0 =	simm.s32 @!p0 $0x3  }
0x13d: {  	_ =	swait.ge @!p0 [sflag:s0], s1  }
0x13e: {  	s1 =	ssub.s32 @!p0 $0x0, s1;
	[sflag:s0] =	ssyncset.done @!p0 $0x0  }
0x13f: {  	[sflag:s0] =	ssyncadd.s32 @!p0 s1  }
0x140: {  	[bflag:$0x3] =	sbarrier.arrive $0xFFFF  }
0x141: {  	_ =	shalt  }

// kernel: kernel.16.cloned.1.call-start
scs
__scs_entry_jumppad:
0x0: {  	(pc) =	sbr.rel $0x88, $3  }
0x1: {  	(tag) =	ssettag $0x0;
	lr =	simm.s32 $0x1  }
0x2: {  	[smem:$0x3F95] =	sst lr;
	_ =	strace $0xD0000000  }
0x3: {  	_ = 	snop  }
0x4: {  	_ = 	snop  }
0x5: {  	_ = 	snop  }
0x6: {  	_ = 	snop  }
0x7: {  	_ = 	snop  }
__scs_overlays_trampoline_lowered:
0x8: {  	[smem:$0x3FA4] =	sst s0  }
0x9: {  	[smem:$0x3FA5] =	sst s1  }
0xa: {  	[smem:$0x3FA6] =	sst s2  }
0xb: {  	[smem:$0x3FA7] =	sst s3  }
0xc: {  	[smem:$0x3FA8] =	sst s4  }
0xd: {  	[smem:$0x3FA9] =	sst s5  }
0xe: {  	[smem:$0x3FAA] =	sst s6  }
0xf: {  	[smem:$0x3FAB] =	sst s7  }
0x10: {  	[smem:$0x3FAC] =	sst s8  }
0x11: {  	[smem:$0x3FAD] =	sst s9;
	s0 =	simm.s32 @!p0 $0x0  }
0x12: {  	s1 =	sld [smem:$0x3F93];
	s0 =	simm.s32 @p0 $0x1  }
0x13: {  	[smem:$0x3FAE] =	sst s0;
	s0 =	simm.s32 @!p1 $0x0  }
0x14: {  	s2 =	sld [smem:$0x3F92];
	s0 =	simm.s32 @p1 $0x1  }
0x15: {  	[smem:$0x3FAF] =	sst s0;
	s0 =	simm.s32 @!p2 $0x0  }
0x16: {  	s3 =	sld [smem:$0x3FDB];
	s0 =	simm.s32 @p2 $0x1  }
0x17: {  	s4 =	simm.s32 $0x1BF5;
	[smem:$0x3FB1] =	sst s0  }
0x18: {  	s0 =	sld [smem:$0x3F94];
	_ =	swait.ge [sflag:s4], $0x0  }
0x19: {  	s7 =	sld [smem:$0x3F95]  }
0x1a: {  	s8 =	sadd.s32 $0xFFFFE003, lr  }
0x1b: {  	s9 =	sadd.s32 $0xFFFFFEF7, lr;
	s5 =	simm.s32 $0xFFFFFFFF;
	p2 =	slt.u32 s8, $0xFFFFF086  }
0x1c: {  	p1 =	slt.u32 s9, $0xF7A;
	s5 =	simm.s32 @!p2 $0x0  }
0x1d: {  	s5 =	simm.s32 @p1 $0x1;
	p0 =	seq.s32 s7, s2  }
0x1e: {  	s7 =	smul.u32 @!p0 $0xF7A, s2;
	p2 =	seq.s32 @!p0 s5, $0x0  }
0x1f: {  	s9 =	smul.u32 $0xF7A, s1;
	s8 =	simm.s32 @!p0 $0x1BF5;
	p2 =	por !p2, p0  }
0x20: {  	[sflag:s8] =	ssyncset.s32 @!p0 $0xFFFFF086;
	s6 =	sadd.s32 @!p0 s3, s7;
	s7 =	simm.s32 @!p0 $0x108  }
0x21: {  	s3 =	sadd.s32 s3, s9;
	s6 =	sadd.s32 @!p0 $0x88, s6;
	s7 =	simm.s32 @p2 $0x1082  }
0x22: {  	[simem:s7], [sflag:s8] =	dma.local @!p0 [hbm:s6], $0xF7A  }
0x23: {  	s9 =	sor.u32 $0xD0000000, s2;
	s6 =	simm.s32 $0x108;
	_ =	swait.ge @!p0 [sflag:s8], $0x0  }
0x24: {  	s3 =	sadd.s32 $0x88, s3;
	s6 =	simm.s32 @!p1 $0x1082;
	[sflag:s4] =	ssyncset.s32 $0xFFFFF086  }
0x25: {  	[simem:s6], [sflag:s4] =	dma.local [hbm:s3], $0xF7A  }
0x26: {  	[smem:$0x3F95] =	sst s1;
	(tag) =	ssettag s2;
	_ =	strace s9  }
0x27: {  	s1 =	sld [smem:$0x3FA5]  }
0x28: {  	s2 =	sld [smem:$0x3FA6]  }
0x29: {  	s4 =	sld [smem:$0x3FA8]  }
0x2a: {  	p0 =	seq.s32 s5, $0x0;
	s5 =	sld [smem:$0x3FA9]  }
0x2b: {  	s6 =	sld [smem:$0x3FAA]  }
0x2c: {  	s7 =	sld [smem:$0x3FAB]  }
0x2d: {  	s3 =	simm.s32 $0x108;
	s8 =	sld [smem:$0x3FAC]  }
0x2e: {  	s3 =	simm.s32 @!p0 $0x1082;
	s9 =	sld [smem:$0x3FAD]  }
0x2f: {  	lr =	sadd.s32 s0, s3;
	s0 =	sld [smem:$0x3FA4]  }
0x30: {  	s3 =	sld [smem:$0x3FA7]  }
0x31: {  	[smem:$0x3FB0] =	sst s10  }
0x32: {  	s10 =	sld [smem:$0x3FAE];
	_ =	sdelay $0x3  }
0x33: {  	p0 =	seq.s32 s10, $0x1;
	s10 =	sld [smem:$0x3FB0];
	_ =	sdelay $0x3  }
0x34: {  	[smem:$0x3FB0] =	sst s10  }
0x35: {  	s10 =	sld [smem:$0x3FAF];
	_ =	sdelay $0x3  }
0x36: {  	p1 =	seq.s32 s10, $0x1;
	s10 =	sld [smem:$0x3FB0];
	_ =	sdelay $0x3  }
0x37: {  	[smem:$0x3FB0] =	sst s10  }
0x38: {  	s10 =	sld [smem:$0x3FB1]  }
0x39: {  	_ = 	snop;
	(pc) =	sbr.ind lr, $3  }
0x3a: {  	_ = 	snop  }
0x3b: {  	_ = 	snop  }
0x3c: {  	p2 =	seq.s32 s10, $0x1;
	s10 =	sld [smem:$0x3FB0]  }
0x3d: {  	_ =	shalt  }
0x3e: {  	_ =	shalt  }
0x3f: {  	_ =	shalt  }
0x40: {  	_ =	shalt  }
0x41: {  	_ =	shalt  }
0x42: {  	_ =	shalt  }
0x43: {  	_ =	shalt  }
0x44: {  	_ =	shalt  }
0x45: {  	_ =	shalt  }
0x46: {  	_ =	shalt  }
0x47: {  	_ =	shalt  }
0x48: {  	_ =	shalt  }
0x49: {  	_ =	shalt  }
0x4a: {  	_ =	shalt  }
0x4b: {  	_ =	shalt  }
0x4c: {  	_ =	shalt  }
0x4d: {  	_ =	shalt  }
0x4e: {  	_ =	shalt  }
0x4f: {  	_ =	shalt  }
0x50: {  	_ =	shalt  }
0x51: {  	_ =	shalt  }
0x52: {  	_ =	shalt  }
0x53: {  	_ =	shalt  }
0x54: {  	_ =	shalt  }
0x55: {  	_ =	shalt  }
0x56: {  	_ =	shalt  }
0x57: {  	_ =	shalt  }
0x58: {  	_ =	shalt  }
0x59: {  	_ =	shalt  }
0x5a: {  	_ =	shalt  }
0x5b: {  	_ =	shalt  }
0x5c: {  	_ =	shalt  }
0x5d: {  	_ =	shalt  }
0x5e: {  	_ =	shalt  }
0x5f: {  	_ =	shalt  }
0x60: {  	_ =	shalt  }
0x61: {  	_ =	shalt  }
0x62: {  	_ =	shalt  }
0x63: {  	_ =	shalt  }
0x64: {  	_ =	shalt  }
0x65: {  	_ =	shalt  }
0x66: {  	_ =	shalt  }
0x67: {  	_ =	shalt  }
0x68: {  	_ =	shalt  }
0x69: {  	_ =	shalt  }
0x6a: {  	_ =	shalt  }
0x6b: {  	_ =	shalt  }
0x6c: {  	_ =	shalt  }
0x6d: {  	_ =	shalt  }
0x6e: {  	_ =	shalt  }
0x6f: {  	_ =	shalt  }
0x70: {  	_ =	shalt  }
0x71: {  	_ =	shalt  }
0x72: {  	_ =	shalt  }
0x73: {  	_ =	shalt  }
0x74: {  	_ =	shalt  }
0x75: {  	_ =	shalt  }
0x76: {  	_ =	shalt  }
0x77: {  	_ =	shalt  }
0x78: {  	_ =	shalt  }
0x79: {  	_ =	shalt  }
0x7a: {  	_ =	shalt  }
0x7b: {  	_ =	shalt  }
0x7c: {  	_ =	shalt  }
0x7d: {  	_ =	shalt  }
0x7e: {  	_ =	shalt  }
0x7f: {  	_ =	shalt  }
0x80: {  	_ =	shalt  }
0x81: {  	_ =	shalt  }
0x82: {  	_ =	shalt  }
0x83: {  	_ =	shalt  }
0x84: {  	_ =	shalt  }
0x85: {  	_ =	shalt  }
0x86: {  	_ =	shalt  }
0x87: {  	_ =	shalt  }
.Lfunc_end0:
.L_simem_size_0:
called_computation.2_lowered:
.L_overlay_start_0:
0x88: {  	s2 =	sld [smem:$0x3FD9]  }
0x89: {  	s3 =	sld [smem:$0x3FFE];
	_ =	sdelay $0x1  }
0x8a: {  	s1 =	srdreg.scid  }
0x8b: {  	s0 =	sand.u32 $0x1, s1  }
0x8c: {  	s17 =	sshll.u32 s0, $0xA;
	s2 =	sadd.s32 s3, s2  }
0x8d: {  	s2 =	sadd.s32 s2, s17  }
0x8e: {  	[smem:$0x3FBC] =	sst s2  }
0x8f: {  	_ = 	snop  }
0x90: {  	s2 =	sld [smem:$0x3FD0];
	(tm) =	ssettm $0x1  }
0x91: {  	s18 =	sld [smem:$0x3FFB];
	_ =	sdelay $0x3  }
0x92: {  	_ =	strace s18  }
0x93: {  	s3 =	sld [smem:$0x3FFC];
	_ =	sdelay $0x3  }
0x94: {  	_ =	strace s3  }
0x95: {  	s3 =	sld [smem:$0x3FFD];
	_ =	sdelay $0x3  }
0x96: {  	_ =	strace s3  }
0x97: {  	_ =	strace $0x8FFFFFFF  }
0x98: {  	s19 =	sld [smem:$0x3FDB];
	_ =	sdelay $0x1  }
0x99: {  	s4 =	simm.s32 $_scs_section_size  }
0x9a: {  	s5 =	simm.s32 $_size__tile_overlayer_lowered;
	s6 =	simm.s32 $_tile_overlayer_lowered  }
0x9b: {  	s22 =	simm.s32 $0x1BFF;
	s21 =	sshll.u32 s6, $0x1;
	s3 =	sadd.s32 s4, s19  }
0x9c: {  	s7 =	simm.s32 $0x0;
	s20 =	sshll.u32 s5, $0x1;
	s5 =	sadd.s32 s21, s3  }
0x9d: {  	[timem:s7], [sflag:s22] =	dma.local [hbm:s5], s20  }
0x9e: {  	_ =	swait.ge [sflag:s22], s20  }
0x9f: {  	s4 =	ssub.s32 $0x0, s20;
	[sflag:s22] =	ssyncset.done $0x0  }
0xa0: {  	[sflag:s22] =	ssyncadd.s32 s4;
	_ =	sdelay $0x1  }
0xa1: {  	s23 =	simm.s32 $0x1B8B  }
0xa2: {  	_ =	swait.ge [sflag:s23], $0x1  }
0xa3: {  	[sflag:s23] =	ssyncset.done $0x0  }
0xa4: {  	s25 =	simm.s32 $0x1B8E;
	s24 =	sld [smem:$0x3FFE];
	[sflag:s23] =	ssyncadd.s32 $0xFFFFFFFF  }
0xa5: {  	s26 =	simm.s32 $execute0_lowered;
	[smem:$0x3FD2] =	sst s25  }
0xa6: {  	s5 =	sshll.u32 s26, $0x1;
	_ =	strace $0x8000004C;
	[dreg:$0x1] =	wrdreg $0xFFFFFFFF  }
0xa7: {  	s28 =	simm.s32 $_size_execute0_lowered;
	s3 =	sadd.s32 s3, s5;
	[dreg:$0x0] =	wrdreg $0x0  }
0xa8: {  	s5 =	sshll.u32 s28, $0x1;
	[dreg:$0x2] =	wrdreg s3  }
0xa9: {  	[dreg:$0x3] =	wrdreg s5  }
0xaa: {  	[dreg:$0x4] =	wrdreg $0xC0  }
0xab: {  	_ =	task [dreg:s7], $0x5FFFF  }
0xac: {  	[dreg:$0x1] =	wrdreg $0xFFFFFFFF  }
0xad: {  	[dreg:$0x0] =	wrdreg $0x60  }
0xae: {  	[dreg:$0x2] =	wrdreg s24  }
0xaf: {  	[dreg:$0x3] =	wrdreg s2  }
0xb0: {  	[dreg:$0x4] =	wrdreg $0x82000  }
0xb1: {  	[dreg:$0x5] =	wrdreg $0x9  }
0xb2: {  	_ =	task.clear_ibuf [dreg:s7], $0x6FFFF;
	_ =	strace $0x9000004C  }
0xb3: {  	s29 =	simm.s32 $0x9;
	_ =	strace $0x8000004E  }
0xb4: {  	_ =	swait.ge [sflag:s29], $0x1  }
0xb5: {  	[sflag:s29] =	ssyncadd.s32 $0xFFFFFFFF  }
0xb6: {  	_ =	strace $0x9000004E  }
0xb7: {  	_ =	sfence  }
0xb8: {  	s30 =	sld [smem:$0x0];
	_ =	sdelay $0x2  }
0xb9: {  	s31 =	sshll.u32 s1, $0xD;
	s1 =	sshrl.u32 s1, $0x2  }
0xba: {  	s3 =	sand.u32 $0x4000, s31;
	s1 =	sadd.s32 s1, s30  }
0xbb: {  	s0 =	sor.u32 s3, s0;
	s1 =	sshll.u32 s1, $0x11  }
0xbc: {  	s0 =	sor.u32 s1, s0  }
0xbd: {  	s0 =	sadd.s32 $0x8F2B, s0  }
0xbe: {  	[sflag:s0] =	ssyncadd.remote.s32 $0x1  }
0xbf: {  	_ =	sfence.sel $0xFFFF  }
0xc0: {  	[dreg:$0x0] =	wrdreg $0xFFFFFFFF;
	(pc) =	sbr.abs _section_cstart, $3  }
0xc1: {  	[dreg:$0x1] =	wrdreg $0xFFFFFFFF  }
0xc2: {  	_ =	task.clear_ibuf [dreg:s7], $0x2FFFF;
	_ =	strace $0x9FFFFFFF  }
0xc3: {  	(tm) =	ssettm $0x7FFFFFFF  }
tec
execute0_lowered:
.L_overlay_start_1:
0x0: {  	(tag) =	ssettag $0x1  }
0x1: {  	s0 =	rddreg [dreg:$0x0]  }
0x2: {  	s14 =	rddreg [dreg:$0x1]  }
0x3: {  	s2 =	rddreg [dreg:$0x2];
	s1 =	srdreg.scid  }
0x4: {  	s4 =	simm.s32 $0x0;
	s3 =	stileid.u32;
	s20 =	simm.s32 $0x200  }
0x5: {  	s21 =	simm.s32 $0x3;
	s22 =	simm.s32 $0x100;
	s23 =	simm.s32 $0x80  }
0x6: {  	s24 =	simm.s32 $0x180;
	s25 =	simm.s32 $0x4200;
	s26 =	simm.s32 $0x1  }
0x7: {  	s28 =	simm.s32 $0x2;
	s29 =	simm.s32 $0x0;
	s8 =	smul.u32 $0x14000, s3  }
0x8: {  	s1 =	sand.u32 $0x1, s1;
	[smem:$0x7FF] =	sst s4;
	s9 =	smul.u32 $0x50000, s3  }
0x9: {  	s5 =	sadd.s32 $0xDE00, s0;
	s6 =	sadd.s32 $0x3E00, s0;
	s19 =	smul.u32 $0xA00, s3  }
0xa: {  	s7 =	smul.u32 $0x140000, s1;
	_ =	strace $0x8000004D;
	s30 =	ssub.s32 $0x2, s1  }
0xb: {  	p0 =	seq.s32 s1, $0x1;
	s10 =	sshrl.u32 s30, $0x1;
	s9 =	sshrl.u32 s9, $0x2  }
0xc: {  	s12 =	sadd.s32 s6, s19;
	s13 =	sadd.s32 s14, s19;
	s31 =	sadd.s32 $0x760, s19  }
0xd: {  	s18 =	sadd.s32 $0x750, s19;
	s19 =	sadd.s32 $0x9F0, s19;
	s7 =	sadd.s32 s8, s7  }
.Ltmp0:
0xe: {  	s17 =	ssub.s32 s30, s10;
	s15 =	sadd.s32 s6, s31;
	(pc) =	sbr.rel .LBB2_1-.Ltmp0, $4  }
0xf: {  	s1 =	sadd.s32 s14, s31;
	s7 =	sshrl.u32 s7, $0x3;
	[dreg:$0x4] =	wrdreg s15  }
0x10: {  	[dreg:$0x5] =	wrdreg s1;
	s0 =	sadd.s32 s7, s0;
	s7 =	sadd.s32 s9, s2  }
0x11: {  	s17 =	smax.u32 s17, $0x1;
	s8 =	sadd.s32 $0x4000, s7;
	s9 =	sadd.s32 $0x8000, s7  }
0x12: {  	v0 =	vimm.f32 $0.0e+00;
	s10 =	sadd.s32 $0xC000, s7;
	s11 =	sadd.s32 $0x10000, s7;
	s16 =	sadd.s32 $0x35E00, s0  }
.LBB2_6:
0x13: {  	s1 =	sadd.s32 $0x750, s0;
	[sflag:s21] =	ssyncadd.s32 $0xFFFFC000  }
0x14: {  	[tilespmem:s23], [sflag:$0x3] =	stream.linear.gather [hbm4b:s1+s4], $0x80, $0x38;
	[tilespmem:$0x1C200] =	vst v63  }
0x15: {  	_ =	swait.ge [sflag:s21], $0x80  }
0x16: {  	s15 =	sadd.s32 s30, s13;
	[sflag:s21] =	ssyncset.done $0x0  }
0x17: {  	s14 =	sadd.s32 $0x750, s15;
	[sflag:s21] =	ssyncadd.s32 $0xFFFFFF80  }
0x18: {  	[tilespmem:s24], [sflag:$0x3] =	stream.linear.gather [hbm4b:s14+s4], $0x80, $0x38;
	[tilespmem:$0x1C200] =	vst v63  }
0x19: {  	_ =	swait.ge [sflag:s21], $0x80  }
0x1a: {  	[sflag:s21] =	ssyncset.done $0x0  }
0x1b: {  	[sflag:s21] =	ssyncadd.s32 $0xFFFFFF80  }
0x1c: {  	[tilespmem:s25], [sflag:$0x2] =	stream.indirect.gather [hbm4b:s5+s23], $0x80, s23, s23, $0xb8;
	[tilespmem:$0x1C200] =	vst v63  }
0x1d: {  	_ =	swait.ge [sflag:s26], $0x4000  }
0x1e: {  	[sflag:s26] =	ssyncset.done $0x0  }
0x1f: {  	[sflag:s26] =	ssyncadd.s32 $0xFFFFC000  }
0x20: {  	[spmem:s2] =	stream.indirect.scatter.add.f32 [tilespmem:s20], [sflag:$0x3], $0x80, s22, s23, $0xb8;
	[tilespmem:$0x1C200] =	vst v63  }
0x21: {  	_ =	swait.ge [sflag:s21], $0x4000  }
0x22: {  	[sflag:s21] =	ssyncset.done $0x0  }
0x23: {  	s30 =	sadd.s32 $0x760, s0;
	[sflag:s21] =	ssyncadd.s32 $0xFFFFC000  }
0x24: {  	[tilespmem:s4], [sflag:$0x3] =	stream.linear.gather [hbm4b:s30+s4], $0x80, $0x38;
	[tilespmem:$0x1C200] =	vst v63  }
0x25: {  	_ =	swait.ge [sflag:s21], $0x80  }
0x26: {  	[sflag:s21] =	ssyncset.done $0x0  }
0x27: {  	s31 =	sadd.s32 $0x760, s15;
	[sflag:s21] =	ssyncadd.s32 $0xFFFFFF80  }
0x28: {  	[tilespmem:s22], [sflag:$0x3] =	stream.linear.gather [hbm4b:s31+s4], $0x80, $0x38;
	[tilespmem:$0x1C200] =	vst v63  }
0x29: {  	_ =	swait.ge [sflag:s21], $0x80  }
0x2a: {  	[sflag:s21] =	ssyncset.done $0x0  }
0x2b: {  	[sflag:s21] =	ssyncadd.s32 $0xFFFFFF80  }
0x2c: {  	[tilespmem:s20], [sflag:$0x1] =	stream.indirect.gather [hbm4b:s5+s23], $0x80, s4, s23, $0xb8;
	[tilespmem:$0x1C200] =	vst v63  }
0x2d: {  	_ =	swait.ge [sflag:s28], $0x4000  }
0x2e: {  	[sflag:s28] =	ssyncset.done $0x0  }
0x2f: {  	[sflag:s28] =	ssyncadd.s32 $0xFFFFC000  }
0x30: {  	[spmem:s2] =	stream.indirect.scatter.add.f32 [tilespmem:s25], [sflag:$0x3], $0x80, s24, s23, $0xb8;
	[tilespmem:$0x1C200] =	vst v63  }
0x31: {  	_ =	swait.ge [sflag:s21], $0x4000  }
0x32: {  	[sflag:s21] =	ssyncset.done $0x0  }
0x33: {  	s0 =	smov.u32 s18;
	[sflag:s21] =	ssyncadd.s32 $0xFFFFC000  }
.LBB2_10:
0x34: {  	s1 =	sadd.s32 s6, s0  }
0x35: {  	[tilespmem:s23], [sflag:$0x3] =	stream.linear.gather [hbm4b:s1+s4], $0x80, $0x38;
	[tilespmem:$0x1C200] =	vst v63  }
0x36: {  	_ =	swait.ge [sflag:s21], $0x80  }
0x37: {  	[sflag:s21] =	ssyncset.done $0x0  }
0x38: {  	s14 =	rddreg [dreg:$0x1]  }
0x39: {  	[sflag:s21] =	ssyncadd.s32 $0xFFFFFF80;
	s15 =	sadd.s32 s14, s0  }
0x3a: {  	[tilespmem:s24], [sflag:$0x3] =	stream.linear.gather [hbm4b:s15+s4], $0x80, $0x38;
	[tilespmem:$0x1C200] =	vst v63  }
0x3b: {  	_ =	swait.ge [sflag:s21], $0x80  }
0x3c: {  	[sflag:s21] =	ssyncset.done $0x0  }
0x3d: {  	[sflag:s21] =	ssyncadd.s32 $0xFFFFFF80  }
0x3e: {  	[tilespmem:s25], [sflag:$0x2] =	stream.indirect.gather [hbm4b:s5+s23], $0x80, s23, s23, $0xb8;
	[tilespmem:$0x1C200] =	vst v63  }
0x3f: {  	_ =	swait.ge [sflag:s26], $0x4000  }
0x40: {  	[sflag:s26] =	ssyncset.done $0x0  }
0x41: {  	[sflag:s26] =	ssyncadd.s32 $0xFFFFC000  }
0x42: {  	[spmem:s2] =	stream.indirect.scatter.add.f32 [tilespmem:s20], [sflag:$0x3], $0x80, s22, s23, $0xb8;
	[tilespmem:$0x1C200] =	vst v63  }
0x43: {  	_ =	swait.ge [sflag:s21], $0x4000  }
0x44: {  	[sflag:s21] =	ssyncset.done $0x0  }
0x45: {  	[sflag:s21] =	ssyncadd.s32 $0xFFFFC000  }
0x46: {  	_ =	swait.ge [sflag:s28], $0x4000  }
0x47: {  	[sflag:s28] =	ssyncset.done $0x0  }
0x48: {  	[sflag:s28] =	ssyncadd.s32 $0xFFFFC000  }
0x49: {  	[spmem:s2] =	stream.indirect.scatter.add.f32 [tilespmem:s25], [sflag:$0x3], $0x80, s24, s23, $0xb8;
	[tilespmem:$0x1C200] =	vst v63  }
0x4a: {  	_ =	swait.ge [sflag:s21], $0x4000  }
0x4b: {  	s30 =	sshll.u32 s3, $0x6;
	s29 =	sadd.s32 $0x1, s29;
	[sflag:s21] =	ssyncset.done $0x0  }
0x4c: {  	s31 =	sshrl.u32 s7, $0x3;
	p1 =	sne.s32 s29, s17;
	[sflag:s21] =	ssyncadd.s32 $0xFFFFC000  }
.Ltmp1:
0x4d: {  	s0 =	sor.u32 $0x1C03, s30;
	[bflag:$0x0] =	sbarrier.arrive $0xFFFF;
	(pc) =	sbr.rel @!p1 .LBB2_11-.Ltmp1, $4  }
0x4e: {  	[hbm:s16], [sflag:s0] =	dma.local [spmem:s31], $0x2800  }
0x4f: {  	_ =	swait.ge [sflag:s21], $0x2800  }
0x50: {  	[sflag:s21] =	ssyncset.done $0x0  }
0x51: {  	[sflag:s21] =	ssyncadd.s32 $0xFFFFD800  }
.LBB2_1:
0x52: {  	s0 =	simm.s32 $0x0;
	s30 =	simm.s32 $0x200  }
.LBB2_2:
0x53: {  	p1 =	sne.s32 s30, $0xFE00;
	[tilespmem:s0+$0x270] =	vst v0  }
0x54: {  	[tilespmem:s0+$0x200] =	vst v0  }
0x55: {  	[tilespmem:s0+$0x210] =	vst v0  }
.Ltmp2:
0x56: {  	[tilespmem:s0+$0x220] =	vst v0;
	(pc) =	sbr.rel @p1 .LBB2_2-.Ltmp2, $4  }
0x57: {  	[tilespmem:s0+$0x230] =	vst v0  }
0x58: {  	[tilespmem:s0+$0x240] =	vst v0  }
0x59: {  	[tilespmem:s0+$0x250] =	vst v0  }
0x5a: {  	[tilespmem:s0+$0x260] =	vst v0;
	s0 =	sshra.s32 s30, $0x2;
	s30 =	sadd.s32 $0x200, s30  }
0x5b: {  	[tilespmem:s0+$0x270] =	vst v0  }
0x5c: {  	[tilespmem:s0+$0x200] =	vst v0  }
0x5d: {  	[tilespmem:s0+$0x210] =	vst v0  }
0x5e: {  	[tilespmem:s0+$0x220] =	vst v0  }
0x5f: {  	[tilespmem:s0+$0x230] =	vst v0  }
0x60: {  	[tilespmem:s0+$0x240] =	vst v0  }
0x61: {  	[tilespmem:s0+$0x250] =	vst v0  }
0x62: {  	[tilespmem:s0+$0x260] =	vst v0  }
0x63: {  	[spmem:s7] =	stream.linear.scatter [tilespmem:s20], [sflag:$0x3], $0x4000, $0x38;
	[tilespmem:$0x1C200] =	vst v63  }
0x64: {  	_ =	swait.ge [sflag:s21], $0x4000  }
0x65: {  	[sflag:s21] =	ssyncset.done $0x0  }
0x66: {  	[sflag:s21] =	ssyncadd.s32 $0xFFFFC000  }
0x67: {  	[spmem:s8] =	stream.linear.scatter [tilespmem:s20], [sflag:$0x3], $0x4000, $0x38;
	[tilespmem:$0x1C200] =	vst v63  }
0x68: {  	_ =	swait.ge [sflag:s21], $0x4000  }
0x69: {  	[sflag:s21] =	ssyncset.done $0x0  }
0x6a: {  	[sflag:s21] =	ssyncadd.s32 $0xFFFFC000  }
0x6b: {  	[spmem:s9] =	stream.linear.scatter [tilespmem:s20], [sflag:$0x3], $0x4000, $0x38;
	[tilespmem:$0x1C200] =	vst v63  }
0x6c: {  	_ =	swait.ge [sflag:s21], $0x4000  }
0x6d: {  	[sflag:s21] =	ssyncset.done $0x0  }
0x6e: {  	[sflag:s21] =	ssyncadd.s32 $0xFFFFC000  }
0x6f: {  	[spmem:s10] =	stream.linear.scatter [tilespmem:s20], [sflag:$0x3], $0x4000, $0x38;
	[tilespmem:$0x1C200] =	vst v63  }
0x70: {  	_ =	swait.ge [sflag:s21], $0x4000  }
0x71: {  	[sflag:s21] =	ssyncset.done $0x0  }
0x72: {  	[sflag:s21] =	ssyncadd.s32 $0xFFFFC000  }
0x73: {  	[spmem:s11] =	stream.linear.scatter [tilespmem:s20], [sflag:$0x3], $0x4000, $0x38;
	[tilespmem:$0x1C200] =	vst v63  }
.Ltmp3:
0x74: {  	_ =	swait.ge [sflag:s21], $0x4000;
	(pc) =	sbr.rel @!p0 .LBB2_4-.Ltmp3, $3  }
0x75: {  	[sflag:s21] =	ssyncset.done $0x0  }
0x76: {  	[sflag:s21] =	ssyncadd.s32 $0xFFFFC000  }
0x77: {  	[bflag:$0x0] =	sbarrier.arrive $0xFFFF;
	_ =	sdelay $0x1  }
0x78: {  	s0 =	rddreg [dreg:$0x4]  }
0x79: {  	[tilespmem:s4], [sflag:$0x3] =	stream.linear.gather [hbm4b:s0+s4], $0x80, $0x38;
	[tilespmem:$0x1C200] =	vst v63  }
0x7a: {  	_ =	swait.ge [sflag:s21], $0x80  }
0x7b: {  	[sflag:s21] =	ssyncset.done $0x0  }
0x7c: {  	s15 =	rddreg [dreg:$0x5];
	[sflag:s21] =	ssyncadd.s32 $0xFFFFFF80  }
0x7d: {  	[tilespmem:s22], [sflag:$0x3] =	stream.linear.gather [hbm4b:s15+s4], $0x80, $0x38;
	[tilespmem:$0x1C200] =	vst v63  }
0x7e: {  	_ =	swait.ge [sflag:s21], $0x80  }
0x7f: {  	[sflag:s21] =	ssyncset.done $0x0  }
0x80: {  	s31 =	sadd.s32 $0xFFFFFD80, s12;
	[sflag:s21] =	ssyncadd.s32 $0xFFFFFF80  }
0x81: {  	[tilespmem:s20], [sflag:$0x1] =	stream.indirect.gather [hbm4b:s5+s23], $0x80, s4, s23, $0xb8;
	[tilespmem:$0x1C200] =	vst v63  }
0x82: {  	s1 =	sadd.s32 $0x9F0, s31  }
0x83: {  	[tilespmem:s23], [sflag:$0x3] =	stream.linear.gather [hbm4b:s1+s4], $0x80, $0x38;
	[tilespmem:$0x1C200] =	vst v63  }
0x84: {  	_ =	swait.ge [sflag:s21], $0x80  }
0x85: {  	s15 =	sadd.s32 $0xFFFFFD80, s13;
	[sflag:s21] =	ssyncset.done $0x0  }
0x86: {  	s14 =	sadd.s32 $0x9F0, s15;
	[sflag:s21] =	ssyncadd.s32 $0xFFFFFF80  }
0x87: {  	[tilespmem:s24], [sflag:$0x3] =	stream.linear.gather [hbm4b:s14+s4], $0x80, $0x38;
	[tilespmem:$0x1C200] =	vst v63  }
0x88: {  	_ =	swait.ge [sflag:s21], $0x80  }
0x89: {  	[sflag:s21] =	ssyncset.done $0x0  }
0x8a: {  	[sflag:s21] =	ssyncadd.s32 $0xFFFFFF80  }
0x8b: {  	[tilespmem:s25], [sflag:$0x2] =	stream.indirect.gather [hbm4b:s5+s23], $0x80, s23, s23, $0xb8;
	[tilespmem:$0x1C200] =	vst v63  }
0x8c: {  	_ =	swait.ge [sflag:s26], $0x4000  }
0x8d: {  	[sflag:s26] =	ssyncset.done $0x0  }
0x8e: {  	[sflag:s26] =	ssyncadd.s32 $0xFFFFC000  }
0x8f: {  	[spmem:s2] =	stream.indirect.scatter.add.f32 [tilespmem:s20], [sflag:$0x3], $0x80, s22, s23, $0xb8;
	[tilespmem:$0x1C200] =	vst v63  }
0x90: {  	_ =	swait.ge [sflag:s21], $0x4000  }
0x91: {  	[sflag:s21] =	ssyncset.done $0x0  }
0x92: {  	s0 =	sadd.s32 $0xA00, s31;
	[sflag:s21] =	ssyncadd.s32 $0xFFFFC000  }
0x93: {  	[tilespmem:s4], [sflag:$0x3] =	stream.linear.gather [hbm4b:s0+s4], $0x80, $0x38;
	[tilespmem:$0x1C200] =	vst v63  }
0x94: {  	_ =	swait.ge [sflag:s21], $0x80  }
0x95: {  	[sflag:s21] =	ssyncset.done $0x0  }
0x96: {  	s31 =	sadd.s32 $0xA00, s15;
	[sflag:s21] =	ssyncadd.s32 $0xFFFFFF80  }
0x97: {  	[tilespmem:s22], [sflag:$0x3] =	stream.linear.gather [hbm4b:s31+s4], $0x80, $0x38;
	[tilespmem:$0x1C200] =	vst v63  }
0x98: {  	_ =	swait.ge [sflag:s21], $0x80  }
0x99: {  	[sflag:s21] =	ssyncset.done $0x0  }
0x9a: {  	[sflag:s21] =	ssyncadd.s32 $0xFFFFFF80  }
0x9b: {  	[tilespmem:s20], [sflag:$0x1] =	stream.indirect.gather [hbm4b:s5+s23], $0x80, s4, s23, $0xb8;
	[tilespmem:$0x1C200] =	vst v63  }
0x9c: {  	_ =	swait.ge [sflag:s28], $0x4000  }
0x9d: {  	[sflag:s28] =	ssyncset.done $0x0  }
0x9e: {  	[sflag:s28] =	ssyncadd.s32 $0xFFFFC000  }
0x9f: {  	[spmem:s2] =	stream.indirect.scatter.add.f32 [tilespmem:s25], [sflag:$0x3], $0x80, s24, s23, $0xb8;
	[tilespmem:$0x1C200] =	vst v63  }
0xa0: {  	s30 =	simm.s32 $0xFFFFFDA0;
	_ =	swait.ge [sflag:s21], $0x4000  }
0xa1: {  	s1 =	simm.s32 $0xFFFFFDC0;
	s0 =	sadd.s32 $0xFFFFFDA0, s12;
	[sflag:s21] =	ssyncset.done $0x0  }
.LBB2_8:
0xa2: {  	s14 =	sadd.s32 $0x9F0, s0  }
0xa3: {  	[sflag:s21] =	ssyncadd.s32 $0xFFFFC000;
	s15 =	smov.u32 s1;
	s31 =	sadd.s32 $0x20, s1  }
0xa4: {  	[tilespmem:s23], [sflag:$0x3] =	stream.linear.gather [hbm4b:s14+s4], $0x80, $0x38;
	[tilespmem:$0x1C200] =	vst v63  }
0xa5: {  	p1 =	sne.s32 s1, $0xFFFFFFE0;
	_ =	swait.ge [sflag:s21], $0x80  }
0xa6: {  	s1 =	sadd.s32 s30, s13;
	s30 =	smov.u32 s15;
	[sflag:s21] =	ssyncset.done $0x0  }
0xa7: {  	s14 =	sadd.s32 $0x9F0, s1;
	[sflag:s21] =	ssyncadd.s32 $0xFFFFFF80  }
0xa8: {  	[tilespmem:s24], [sflag:$0x3] =	stream.linear.gather [hbm4b:s14+s4], $0x80, $0x38;
	[tilespmem:$0x1C200] =	vst v63  }
0xa9: {  	_ =	swait.ge [sflag:s21], $0x80  }
0xaa: {  	[sflag:s21] =	ssyncset.done $0x0  }
0xab: {  	[sflag:s21] =	ssyncadd.s32 $0xFFFFFF80  }
0xac: {  	[tilespmem:s25], [sflag:$0x2] =	stream.indirect.gather [hbm4b:s5+s23], $0x80, s23, s23, $0xb8;
	[tilespmem:$0x1C200] =	vst v63  }
0xad: {  	_ =	swait.ge [sflag:s26], $0x4000  }
0xae: {  	[sflag:s26] =	ssyncset.done $0x0  }
0xaf: {  	[sflag:s26] =	ssyncadd.s32 $0xFFFFC000  }
0xb0: {  	[spmem:s2] =	stream.indirect.scatter.add.f32 [tilespmem:s20], [sflag:$0x3], $0x80, s22, s23, $0xb8;
	[tilespmem:$0x1C200] =	vst v63  }
0xb1: {  	_ =	swait.ge [sflag:s21], $0x4000  }
0xb2: {  	[sflag:s21] =	ssyncset.done $0x0  }
0xb3: {  	s0 =	sadd.s32 $0xA00, s0;
	[sflag:s21] =	ssyncadd.s32 $0xFFFFC000  }
0xb4: {  	[tilespmem:s4], [sflag:$0x3] =	stream.linear.gather [hbm4b:s0+s4], $0x80, $0x38;
	[tilespmem:$0x1C200] =	vst v63  }
0xb5: {  	_ =	swait.ge [sflag:s21], $0x80  }
0xb6: {  	[sflag:s21] =	ssyncset.done $0x0  }
0xb7: {  	s0 =	sadd.s32 $0xA00, s1;
	[sflag:s21] =	ssyncadd.s32 $0xFFFFFF80  }
0xb8: {  	[tilespmem:s22], [sflag:$0x3] =	stream.linear.gather [hbm4b:s0+s4], $0x80, $0x38;
	[tilespmem:$0x1C200] =	vst v63  }
0xb9: {  	_ =	swait.ge [sflag:s21], $0x80  }
0xba: {  	[sflag:s21] =	ssyncset.done $0x0  }
0xbb: {  	[sflag:s21] =	ssyncadd.s32 $0xFFFFFF80  }
0xbc: {  	[tilespmem:s20], [sflag:$0x1] =	stream.indirect.gather [hbm4b:s5+s23], $0x80, s4, s23, $0xb8;
	[tilespmem:$0x1C200] =	vst v63  }
0xbd: {  	_ =	swait.ge [sflag:s28], $0x4000  }
.Ltmp4:
0xbe: {  	[sflag:s28] =	ssyncset.done $0x0;
	(pc) =	sbr.rel @p1 .LBB2_8-.Ltmp4, $4  }
0xbf: {  	[sflag:s28] =	ssyncadd.s32 $0xFFFFC000  }
0xc0: {  	[spmem:s2] =	stream.indirect.scatter.add.f32 [tilespmem:s25], [sflag:$0x3], $0x80, s24, s23, $0xb8;
	[tilespmem:$0x1C200] =	vst v63  }
0xc1: {  	_ =	swait.ge [sflag:s21], $0x4000  }
0xc2: {  	s1 =	smov.u32 s31;
	s0 =	sadd.s32 s30, s12;
	[sflag:s21] =	ssyncset.done $0x0  }
0xc3: {  	s1 =	sadd.s32 $0x9F0, s0;
	[sflag:s21] =	ssyncadd.s32 $0xFFFFC000  }
0xc4: {  	[tilespmem:s23], [sflag:$0x3] =	stream.linear.gather [hbm4b:s1+s4], $0x80, $0x38;
	[tilespmem:$0x1C200] =	vst v63  }
0xc5: {  	_ =	swait.ge [sflag:s21], $0x80  }
0xc6: {  	s15 =	sadd.s32 s30, s13;
	[sflag:s21] =	ssyncset.done $0x0  }
0xc7: {  	s14 =	sadd.s32 $0x9F0, s15;
	[sflag:s21] =	ssyncadd.s32 $0xFFFFFF80  }
0xc8: {  	[tilespmem:s24], [sflag:$0x3] =	stream.linear.gather [hbm4b:s14+s4], $0x80, $0x38;
	[tilespmem:$0x1C200] =	vst v63  }
0xc9: {  	_ =	swait.ge [sflag:s21], $0x80  }
0xca: {  	[sflag:s21] =	ssyncset.done $0x0  }
0xcb: {  	[sflag:s21] =	ssyncadd.s32 $0xFFFFFF80  }
0xcc: {  	[tilespmem:s25], [sflag:$0x2] =	stream.indirect.gather [hbm4b:s5+s23], $0x80, s23, s23, $0xb8;
	[tilespmem:$0x1C200] =	vst v63  }
0xcd: {  	_ =	swait.ge [sflag:s26], $0x4000  }
0xce: {  	[sflag:s26] =	ssyncset.done $0x0  }
0xcf: {  	[sflag:s26] =	ssyncadd.s32 $0xFFFFC000  }
0xd0: {  	[spmem:s2] =	stream.indirect.scatter.add.f32 [tilespmem:s20], [sflag:$0x3], $0x80, s22, s23, $0xb8;
	[tilespmem:$0x1C200] =	vst v63  }
0xd1: {  	_ =	swait.ge [sflag:s21], $0x4000  }
0xd2: {  	[sflag:s21] =	ssyncset.done $0x0  }
0xd3: {  	s30 =	sadd.s32 $0xA00, s0;
	[sflag:s21] =	ssyncadd.s32 $0xFFFFC000  }
0xd4: {  	[tilespmem:s4], [sflag:$0x3] =	stream.linear.gather [hbm4b:s30+s4], $0x80, $0x38;
	[tilespmem:$0x1C200] =	vst v63  }
0xd5: {  	_ =	swait.ge [sflag:s21], $0x80  }
0xd6: {  	[sflag:s21] =	ssyncset.done $0x0  }
0xd7: {  	s31 =	sadd.s32 $0xA00, s15;
	[sflag:s21] =	ssyncadd.s32 $0xFFFFFF80  }
0xd8: {  	[tilespmem:s22], [sflag:$0x3] =	stream.linear.gather [hbm4b:s31+s4], $0x80, $0x38;
	[tilespmem:$0x1C200] =	vst v63  }
0xd9: {  	_ =	swait.ge [sflag:s21], $0x80  }
0xda: {  	[sflag:s21] =	ssyncset.done $0x0  }
0xdb: {  	[sflag:s21] =	ssyncadd.s32 $0xFFFFFF80  }
0xdc: {  	[tilespmem:s20], [sflag:$0x1] =	stream.indirect.gather [hbm4b:s5+s23], $0x80, s4, s23, $0xb8;
	[tilespmem:$0x1C200] =	vst v63  }
0xdd: {  	_ =	swait.ge [sflag:s28], $0x4000  }
0xde: {  	[sflag:s28] =	ssyncset.done $0x0  }
.Ltmp5:
0xdf: {  	[sflag:s28] =	ssyncadd.s32 $0xFFFFC000;
	(pc) =	sbr.rel .LBB2_10-.Ltmp5, $4  }
0xe0: {  	[spmem:s2] =	stream.indirect.scatter.add.f32 [tilespmem:s25], [sflag:$0x3], $0x80, s24, s23, $0xb8;
	[tilespmem:$0x1C200] =	vst v63  }
0xe1: {  	_ =	swait.ge [sflag:s21], $0x4000  }
0xe2: {  	[sflag:s21] =	ssyncset.done $0x0  }
0xe3: {  	s0 =	smov.u32 s19;
	[sflag:s21] =	ssyncadd.s32 $0xFFFFC000  }
.LBB2_4:
0xe4: {  	[tilespmem:s4], [sflag:$0x3] =	stream.linear.gather [hbm4b:s12+s4], $0x80, $0x38;
	[tilespmem:$0x1C200] =	vst v63  }
0xe5: {  	_ =	swait.ge [sflag:s21], $0x80  }
0xe6: {  	[sflag:s21] =	ssyncset.done $0x0  }
0xe7: {  	[sflag:s21] =	ssyncadd.s32 $0xFFFFFF80  }
0xe8: {  	[tilespmem:s22], [sflag:$0x3] =	stream.linear.gather [hbm4b:s13+s4], $0x80, $0x38;
	[tilespmem:$0x1C200] =	vst v63  }
0xe9: {  	_ =	swait.ge [sflag:s21], $0x80  }
0xea: {  	[sflag:s21] =	ssyncset.done $0x0  }
0xeb: {  	s0 =	sadd.s32 $0xFFFFF8C0, s12;
	[sflag:s21] =	ssyncadd.s32 $0xFFFFFF80  }
0xec: {  	[tilespmem:s20], [sflag:$0x1] =	stream.indirect.gather [hbm4b:s5+s23], $0x80, s4, s23, $0xb8;
	[tilespmem:$0x1C200] =	vst v63  }
0xed: {  	s1 =	sadd.s32 $0x750, s0  }
0xee: {  	[tilespmem:s23], [sflag:$0x3] =	stream.linear.gather [hbm4b:s1+s4], $0x80, $0x38;
	[tilespmem:$0x1C200] =	vst v63  }
0xef: {  	_ =	swait.ge [sflag:s21], $0x80  }
0xf0: {  	s14 =	sadd.s32 $0xFFFFF8C0, s13;
	[sflag:s21] =	ssyncset.done $0x0  }
0xf1: {  	s30 =	sadd.s32 $0x750, s14;
	[sflag:s21] =	ssyncadd.s32 $0xFFFFFF80  }
0xf2: {  	[tilespmem:s24], [sflag:$0x3] =	stream.linear.gather [hbm4b:s30+s4], $0x80, $0x38;
	[tilespmem:$0x1C200] =	vst v63  }
0xf3: {  	_ =	swait.ge [sflag:s21], $0x80  }
0xf4: {  	[sflag:s21] =	ssyncset.done $0x0  }
0xf5: {  	[sflag:s21] =	ssyncadd.s32 $0xFFFFFF80  }
0xf6: {  	[tilespmem:s25], [sflag:$0x2] =	stream.indirect.gather [hbm4b:s5+s23], $0x80, s23, s23, $0xb8;
	[tilespmem:$0x1C200] =	vst v63  }
0xf7: {  	_ =	swait.ge [sflag:s26], $0x4000  }
0xf8: {  	[sflag:s26] =	ssyncset.done $0x0  }
0xf9: {  	[sflag:s26] =	ssyncadd.s32 $0xFFFFC000  }
0xfa: {  	[spmem:s2] =	stream.indirect.scatter.add.f32 [tilespmem:s20], [sflag:$0x3], $0x80, s22, s23, $0xb8;
	[tilespmem:$0x1C200] =	vst v63  }
0xfb: {  	_ =	swait.ge [sflag:s21], $0x4000  }
0xfc: {  	[sflag:s21] =	ssyncset.done $0x0  }
0xfd: {  	s0 =	sadd.s32 $0x760, s0;
	[sflag:s21] =	ssyncadd.s32 $0xFFFFC000  }
0xfe: {  	[tilespmem:s4], [sflag:$0x3] =	stream.linear.gather [hbm4b:s0+s4], $0x80, $0x38;
	[tilespmem:$0x1C200] =	vst v63  }
0xff: {  	_ =	swait.ge [sflag:s21], $0x80  }
0x100: {  	[sflag:s21] =	ssyncset.done $0x0  }
0x101: {  	s15 =	sadd.s32 $0x760, s14;
	[sflag:s21] =	ssyncadd.s32 $0xFFFFFF80  }
0x102: {  	[tilespmem:s22], [sflag:$0x3] =	stream.linear.gather [hbm4b:s15+s4], $0x80, $0x38;
	[tilespmem:$0x1C200] =	vst v63  }
0x103: {  	_ =	swait.ge [sflag:s21], $0x80  }
0x104: {  	[sflag:s21] =	ssyncset.done $0x0  }
0x105: {  	[sflag:s21] =	ssyncadd.s32 $0xFFFFFF80  }
0x106: {  	[tilespmem:s20], [sflag:$0x1] =	stream.indirect.gather [hbm4b:s5+s23], $0x80, s4, s23, $0xb8;
	[tilespmem:$0x1C200] =	vst v63  }
0x107: {  	_ =	swait.ge [sflag:s28], $0x4000  }
0x108: {  	[sflag:s28] =	ssyncset.done $0x0  }
0x109: {  	[sflag:s28] =	ssyncadd.s32 $0xFFFFC000  }
0x10a: {  	[spmem:s2] =	stream.indirect.scatter.add.f32 [tilespmem:s25], [sflag:$0x3], $0x80, s24, s23, $0xb8;
	[tilespmem:$0x1C200] =	vst v63  }
0x10b: {  	s31 =	simm.s32 $0xFFFFF900;
	_ =	swait.ge [sflag:s21], $0x4000  }
0x10c: {  	s30 =	simm.s32 $0xFFFFF8E0;
	s0 =	sadd.s32 $0xFFFFF8E0, s12;
	[sflag:s21] =	ssyncset.done $0x0  }
.LBB2_5:
0x10d: {  	s14 =	sadd.s32 $0x750, s0  }
0x10e: {  	[sflag:s21] =	ssyncadd.s32 $0xFFFFC000;
	s15 =	smov.u32 s31;
	s1 =	sadd.s32 $0x20, s31  }
0x10f: {  	[tilespmem:s23], [sflag:$0x3] =	stream.linear.gather [hbm4b:s14+s4], $0x80, $0x38;
	[tilespmem:$0x1C200] =	vst v63  }
0x110: {  	p1 =	seq.s32 s31, $0xFFFFFFE0;
	_ =	swait.ge [sflag:s21], $0x80  }
0x111: {  	s14 =	sadd.s32 s30, s13;
	s30 =	smov.u32 s15;
	[sflag:s21] =	ssyncset.done $0x0  }
0x112: {  	s15 =	sadd.s32 $0x750, s14;
	[sflag:s21] =	ssyncadd.s32 $0xFFFFFF80  }
0x113: {  	[tilespmem:s24], [sflag:$0x3] =	stream.linear.gather [hbm4b:s15+s4], $0x80, $0x38;
	[tilespmem:$0x1C200] =	vst v63  }
0x114: {  	_ =	swait.ge [sflag:s21], $0x80  }
0x115: {  	[sflag:s21] =	ssyncset.done $0x0  }
0x116: {  	[sflag:s21] =	ssyncadd.s32 $0xFFFFFF80  }
0x117: {  	[tilespmem:s25], [sflag:$0x2] =	stream.indirect.gather [hbm4b:s5+s23], $0x80, s23, s23, $0xb8;
	[tilespmem:$0x1C200] =	vst v63  }
0x118: {  	_ =	swait.ge [sflag:s26], $0x4000  }
0x119: {  	[sflag:s26] =	ssyncset.done $0x0  }
0x11a: {  	[sflag:s26] =	ssyncadd.s32 $0xFFFFC000  }
0x11b: {  	[spmem:s2] =	stream.indirect.scatter.add.f32 [tilespmem:s20], [sflag:$0x3], $0x80, s22, s23, $0xb8;
	[tilespmem:$0x1C200] =	vst v63  }
0x11c: {  	_ =	swait.ge [sflag:s21], $0x4000  }
0x11d: {  	[sflag:s21] =	ssyncset.done $0x0  }
0x11e: {  	s0 =	sadd.s32 $0x760, s0;
	[sflag:s21] =	ssyncadd.s32 $0xFFFFC000  }
0x11f: {  	[tilespmem:s4], [sflag:$0x3] =	stream.linear.gather [hbm4b:s0+s4], $0x80, $0x38;
	[tilespmem:$0x1C200] =	vst v63  }
0x120: {  	_ =	swait.ge [sflag:s21], $0x80  }
0x121: {  	[sflag:s21] =	ssyncset.done $0x0  }
0x122: {  	s0 =	sadd.s32 $0x760, s14;
	[sflag:s21] =	ssyncadd.s32 $0xFFFFFF80  }
0x123: {  	[tilespmem:s22], [sflag:$0x3] =	stream.linear.gather [hbm4b:s0+s4], $0x80, $0x38;
	[tilespmem:$0x1C200] =	vst v63  }
0x124: {  	_ =	swait.ge [sflag:s21], $0x80  }
0x125: {  	[sflag:s21] =	ssyncset.done $0x0  }
0x126: {  	[sflag:s21] =	ssyncadd.s32 $0xFFFFFF80  }
0x127: {  	[tilespmem:s20], [sflag:$0x1] =	stream.indirect.gather [hbm4b:s5+s23], $0x80, s4, s23, $0xb8;
	[tilespmem:$0x1C200] =	vst v63  }
0x128: {  	_ =	swait.ge [sflag:s28], $0x4000  }
.Ltmp6:
0x129: {  	[sflag:s28] =	ssyncset.done $0x0;
	(pc) =	sbr.rel @!p1 .LBB2_5-.Ltmp6, $4  }
0x12a: {  	[sflag:s28] =	ssyncadd.s32 $0xFFFFC000  }
0x12b: {  	[spmem:s2] =	stream.indirect.scatter.add.f32 [tilespmem:s25], [sflag:$0x3], $0x80, s24, s23, $0xb8;
	[tilespmem:$0x1C200] =	vst v63  }
0x12c: {  	_ =	swait.ge [sflag:s21], $0x4000  }
0x12d: {  	s31 =	smov.u32 s1;
	s0 =	sadd.s32 s30, s12;
	[sflag:s21] =	ssyncset.done $0x0  }
.Ltmp7:
0x12e: {  	_ = 	snop;
	(pc) =	sbr.rel .LBB2_6-.Ltmp7, $1  }
0x12f: {  	_ =	sdelay $0x3  }
.LBB2_11:
0x130: {  	_ =	sfence.sel $0x180000  }
0x131: {  	[bflag:$0x0] =	sbarrier.arrive $0xFFFF  }
0x132: {  	_ =	strace $0x9000004D  }
0x133: {  	[bflag:$0x2] =	sbarrier.arrive $0xFFFF  }
0x134: {  	p0 =	sne.s32 s3, $0x0;
	s0 =	rddreg [dreg:$0x3]  }
0x135: {  	s0 =	sadd.s32 @!p0 $0x100000, s0  }
0x136: {  	[sflag:s0] =	ssyncadd.tile.s32 @!p0 $0x1;
	_ =	shalt  }
.Lfunc_end2:
_tile_overlayer_lowered:
.L_overlay_start_2:
0x137: {  	(tag) =	ssettag $0x2  }
0x138: {  	s0 =	rddreg [dreg:$0x0];
	s2 =	stileid.u32  }
0x139: {  	s1 =	rddreg [dreg:$0x1];
	p0 =	sne.s32 s2, $0x0  }
0x13a: {  	s3 =	rddreg [dreg:$0x2];
	[bflag:$0x3] =	sbarrier.arrive $0xFFFF;
	s2 =	simm.s32 @!p0 $0x1C03  }
0x13b: {  	[timem:s3], [sflag:s2] =	dma.local @!p0 [hbm:s0], s1  }
0x13c: {  	s0 =	simm.s32 @!p0 $0x3  }
0x13d: {  	_ =	swait.ge @!p0 [sflag:s0], s1  }
0x13e: {  	s1 =	ssub.s32 @!p0 $0x0, s1;
	[sflag:s0] =	ssyncset.done @!p0 $0x0  }
0x13f: {  	[sflag:s0] =	ssyncadd.s32 @!p0 s1  }
0x140: {  	[bflag:$0x3] =	sbarrier.arrive $0xFFFF  }
0x141: {  	_ =	shalt  }

// kernel: kernel.19.cloned.1.call-start
scs
__scs_entry_jumppad:
0x0: {  	(pc) =	sbr.rel $0x88, $3  }
0x1: {  	(tag) =	ssettag $0x0;
	lr =	simm.s32 $0x1  }
0x2: {  	[smem:$0x3F95] =	sst lr;
	_ =	strace $0xD0000000  }
0x3: {  	_ = 	snop  }
0x4: {  	_ = 	snop  }
0x5: {  	_ = 	snop  }
0x6: {  	_ = 	snop  }
0x7: {  	_ = 	snop  }
__scs_overlays_trampoline_lowered:
0x8: {  	[smem:$0x3FA4] =	sst s0  }
0x9: {  	[smem:$0x3FA5] =	sst s1  }
0xa: {  	[smem:$0x3FA6] =	sst s2  }
0xb: {  	[smem:$0x3FA7] =	sst s3  }
0xc: {  	[smem:$0x3FA8] =	sst s4  }
0xd: {  	[smem:$0x3FA9] =	sst s5  }
0xe: {  	[smem:$0x3FAA] =	sst s6  }
0xf: {  	[smem:$0x3FAB] =	sst s7  }
0x10: {  	[smem:$0x3FAC] =	sst s8  }
0x11: {  	[smem:$0x3FAD] =	sst s9;
	s0 =	simm.s32 @!p0 $0x0  }
0x12: {  	s1 =	sld [smem:$0x3F93];
	s0 =	simm.s32 @p0 $0x1  }
0x13: {  	[smem:$0x3FAE] =	sst s0;
	s0 =	simm.s32 @!p1 $0x0  }
0x14: {  	s2 =	sld [smem:$0x3F92];
	s0 =	simm.s32 @p1 $0x1  }
0x15: {  	[smem:$0x3FAF] =	sst s0;
	s0 =	simm.s32 @!p2 $0x0  }
0x16: {  	s3 =	sld [smem:$0x3FDB];
	s0 =	simm.s32 @p2 $0x1  }
0x17: {  	s4 =	simm.s32 $0x1BF5;
	[smem:$0x3FB1] =	sst s0  }
0x18: {  	s0 =	sld [smem:$0x3F94];
	_ =	swait.ge [sflag:s4], $0x0  }
0x19: {  	s7 =	sld [smem:$0x3F95]  }
0x1a: {  	s8 =	sadd.s32 $0xFFFFE003, lr  }
0x1b: {  	s9 =	sadd.s32 $0xFFFFFEF7, lr;
	s5 =	simm.s32 $0xFFFFFFFF;
	p2 =	slt.u32 s8, $0xFFFFF086  }
0x1c: {  	p1 =	slt.u32 s9, $0xF7A;
	s5 =	simm.s32 @!p2 $0x0  }
0x1d: {  	s5 =	simm.s32 @p1 $0x1;
	p0 =	seq.s32 s7, s2  }
0x1e: {  	s7 =	smul.u32 @!p0 $0xF7A, s2;
	p2 =	seq.s32 @!p0 s5, $0x0  }
0x1f: {  	s9 =	smul.u32 $0xF7A, s1;
	s8 =	simm.s32 @!p0 $0x1BF5;
	p2 =	por !p2, p0  }
0x20: {  	[sflag:s8] =	ssyncset.s32 @!p0 $0xFFFFF086;
	s6 =	sadd.s32 @!p0 s3, s7;
	s7 =	simm.s32 @!p0 $0x108  }
0x21: {  	s3 =	sadd.s32 s3, s9;
	s6 =	sadd.s32 @!p0 $0x88, s6;
	s7 =	simm.s32 @p2 $0x1082  }
0x22: {  	[simem:s7], [sflag:s8] =	dma.local @!p0 [hbm:s6], $0xF7A  }
0x23: {  	s9 =	sor.u32 $0xD0000000, s2;
	s6 =	simm.s32 $0x108;
	_ =	swait.ge @!p0 [sflag:s8], $0x0  }
0x24: {  	s3 =	sadd.s32 $0x88, s3;
	s6 =	simm.s32 @!p1 $0x1082;
	[sflag:s4] =	ssyncset.s32 $0xFFFFF086  }
0x25: {  	[simem:s6], [sflag:s4] =	dma.local [hbm:s3], $0xF7A  }
0x26: {  	[smem:$0x3F95] =	sst s1;
	(tag) =	ssettag s2;
	_ =	strace s9  }
0x27: {  	s1 =	sld [smem:$0x3FA5]  }
0x28: {  	s2 =	sld [smem:$0x3FA6]  }
0x29: {  	s4 =	sld [smem:$0x3FA8]  }
0x2a: {  	p0 =	seq.s32 s5, $0x0;
	s5 =	sld [smem:$0x3FA9]  }
0x2b: {  	s6 =	sld [smem:$0x3FAA]  }
0x2c: {  	s7 =	sld [smem:$0x3FAB]  }
0x2d: {  	s3 =	simm.s32 $0x108;
	s8 =	sld [smem:$0x3FAC]  }
0x2e: {  	s3 =	simm.s32 @!p0 $0x1082;
	s9 =	sld [smem:$0x3FAD]  }
0x2f: {  	lr =	sadd.s32 s0, s3;
	s0 =	sld [smem:$0x3FA4]  }
0x30: {  	s3 =	sld [smem:$0x3FA7]  }
0x31: {  	[smem:$0x3FB0] =	sst s10  }
0x32: {  	s10 =	sld [smem:$0x3FAE];
	_ =	sdelay $0x3  }
0x33: {  	p0 =	seq.s32 s10, $0x1;
	s10 =	sld [smem:$0x3FB0];
	_ =	sdelay $0x3  }
0x34: {  	[smem:$0x3FB0] =	sst s10  }
0x35: {  	s10 =	sld [smem:$0x3FAF];
	_ =	sdelay $0x3  }
0x36: {  	p1 =	seq.s32 s10, $0x1;
	s10 =	sld [smem:$0x3FB0];
	_ =	sdelay $0x3  }
0x37: {  	[smem:$0x3FB0] =	sst s10  }
0x38: {  	s10 =	sld [smem:$0x3FB1]  }
0x39: {  	_ = 	snop;
	(pc) =	sbr.ind lr, $3  }
0x3a: {  	_ = 	snop  }
0x3b: {  	_ = 	snop  }
0x3c: {  	p2 =	seq.s32 s10, $0x1;
	s10 =	sld [smem:$0x3FB0]  }
0x3d: {  	_ =	shalt  }
0x3e: {  	_ =	shalt  }
0x3f: {  	_ =	shalt  }
0x40: {  	_ =	shalt  }
0x41: {  	_ =	shalt  }
0x42: {  	_ =	shalt  }
0x43: {  	_ =	shalt  }
0x44: {  	_ =	shalt  }
0x45: {  	_ =	shalt  }
0x46: {  	_ =	shalt  }
0x47: {  	_ =	shalt  }
0x48: {  	_ =	shalt  }
0x49: {  	_ =	shalt  }
0x4a: {  	_ =	shalt  }
0x4b: {  	_ =	shalt  }
0x4c: {  	_ =	shalt  }
0x4d: {  	_ =	shalt  }
0x4e: {  	_ =	shalt  }
0x4f: {  	_ =	shalt  }
0x50: {  	_ =	shalt  }
0x51: {  	_ =	shalt  }
0x52: {  	_ =	shalt  }
0x53: {  	_ =	shalt  }
0x54: {  	_ =	shalt  }
0x55: {  	_ =	shalt  }
0x56: {  	_ =	shalt  }
0x57: {  	_ =	shalt  }
0x58: {  	_ =	shalt  }
0x59: {  	_ =	shalt  }
0x5a: {  	_ =	shalt  }
0x5b: {  	_ =	shalt  }
0x5c: {  	_ =	shalt  }
0x5d: {  	_ =	shalt  }
0x5e: {  	_ =	shalt  }
0x5f: {  	_ =	shalt  }
0x60: {  	_ =	shalt  }
0x61: {  	_ =	shalt  }
0x62: {  	_ =	shalt  }
0x63: {  	_ =	shalt  }
0x64: {  	_ =	shalt  }
0x65: {  	_ =	shalt  }
0x66: {  	_ =	shalt  }
0x67: {  	_ =	shalt  }
0x68: {  	_ =	shalt  }
0x69: {  	_ =	shalt  }
0x6a: {  	_ =	shalt  }
0x6b: {  	_ =	shalt  }
0x6c: {  	_ =	shalt  }
0x6d: {  	_ =	shalt  }
0x6e: {  	_ =	shalt  }
0x6f: {  	_ =	shalt  }
0x70: {  	_ =	shalt  }
0x71: {  	_ =	shalt  }
0x72: {  	_ =	shalt  }
0x73: {  	_ =	shalt  }
0x74: {  	_ =	shalt  }
0x75: {  	_ =	shalt  }
0x76: {  	_ =	shalt  }
0x77: {  	_ =	shalt  }
0x78: {  	_ =	shalt  }
0x79: {  	_ =	shalt  }
0x7a: {  	_ =	shalt  }
0x7b: {  	_ =	shalt  }
0x7c: {  	_ =	shalt  }
0x7d: {  	_ =	shalt  }
0x7e: {  	_ =	shalt  }
0x7f: {  	_ =	shalt  }
0x80: {  	_ =	shalt  }
0x81: {  	_ =	shalt  }
0x82: {  	_ =	shalt  }
0x83: {  	_ =	shalt  }
0x84: {  	_ =	shalt  }
0x85: {  	_ =	shalt  }
0x86: {  	_ =	shalt  }
0x87: {  	_ =	shalt  }
.Lfunc_end0:
.L_simem_size_0:
called_computation.3_lowered:
.L_overlay_start_0:
0x88: {  	s2 =	sld [smem:$0x3FD9]  }
0x89: {  	s3 =	sld [smem:$0x3FFE];
	_ =	sdelay $0x1  }
0x8a: {  	s1 =	srdreg.scid  }
0x8b: {  	s0 =	sand.u32 $0x1, s1  }
0x8c: {  	s17 =	sshll.u32 s0, $0xA;
	s2 =	sadd.s32 s3, s2  }
0x8d: {  	s2 =	sadd.s32 s2, s17  }
0x8e: {  	[smem:$0x3FBC] =	sst s2  }
0x8f: {  	_ = 	snop  }
0x90: {  	s2 =	sld [smem:$0x3FD0];
	(tm) =	ssettm $0x1  }
0x91: {  	s18 =	sld [smem:$0x3FFB];
	_ =	sdelay $0x3  }
0x92: {  	_ =	strace s18  }
0x93: {  	s3 =	sld [smem:$0x3FFC];
	_ =	sdelay $0x3  }
0x94: {  	_ =	strace s3  }
0x95: {  	s3 =	sld [smem:$0x3FFD];
	_ =	sdelay $0x3  }
0x96: {  	_ =	strace s3  }
0x97: {  	_ =	strace $0x8FFFFFFF  }
0x98: {  	s19 =	sld [smem:$0x3FDB];
	_ =	sdelay $0x1  }
0x99: {  	s4 =	simm.s32 $_scs_section_size  }
0x9a: {  	s5 =	simm.s32 $_size__tile_overlayer_lowered;
	s6 =	simm.s32 $_tile_overlayer_lowered  }
0x9b: {  	s22 =	simm.s32 $0x1BFF;
	s21 =	sshll.u32 s6, $0x1;
	s3 =	sadd.s32 s4, s19  }
0x9c: {  	s7 =	simm.s32 $0x0;
	s20 =	sshll.u32 s5, $0x1;
	s5 =	sadd.s32 s21, s3  }
0x9d: {  	[timem:s7], [sflag:s22] =	dma.local [hbm:s5], s20  }
0x9e: {  	_ =	swait.ge [sflag:s22], s20  }
0x9f: {  	s4 =	ssub.s32 $0x0, s20;
	[sflag:s22] =	ssyncset.done $0x0  }
0xa0: {  	[sflag:s22] =	ssyncadd.s32 s4;
	_ =	sdelay $0x1  }
0xa1: {  	s23 =	simm.s32 $0x1B8B  }
0xa2: {  	_ =	swait.ge [sflag:s23], $0x1  }
0xa3: {  	[sflag:s23] =	ssyncset.done $0x0  }
0xa4: {  	s25 =	simm.s32 $0x1B8E;
	s24 =	sld [smem:$0x3FFE];
	[sflag:s23] =	ssyncadd.s32 $0xFFFFFFFF  }
0xa5: {  	s26 =	simm.s32 $execute0_lowered;
	[smem:$0x3FD2] =	sst s25  }
0xa6: {  	s5 =	sshll.u32 s26, $0x1;
	_ =	strace $0x8000004F;
	[dreg:$0x1] =	wrdreg $0xFFFFFFFF  }
0xa7: {  	s28 =	simm.s32 $_size_execute0_lowered;
	s3 =	sadd.s32 s3, s5;
	[dreg:$0x0] =	wrdreg $0x0  }
0xa8: {  	s5 =	sshll.u32 s28, $0x1;
	[dreg:$0x2] =	wrdreg s3  }
0xa9: {  	[dreg:$0x3] =	wrdreg s5  }
0xaa: {  	[dreg:$0x4] =	wrdreg $0xC0  }
0xab: {  	_ =	task [dreg:s7], $0x5FFFF  }
0xac: {  	[dreg:$0x1] =	wrdreg $0xFFFFFFFF  }
0xad: {  	[dreg:$0x0] =	wrdreg $0x60  }
0xae: {  	[dreg:$0x2] =	wrdreg s24  }
0xaf: {  	[dreg:$0x3] =	wrdreg s2  }
0xb0: {  	[dreg:$0x4] =	wrdreg $0x82000  }
0xb1: {  	[dreg:$0x5] =	wrdreg $0x9  }
0xb2: {  	_ =	task.clear_ibuf [dreg:s7], $0x6FFFF;
	_ =	strace $0x9000004F  }
0xb3: {  	s29 =	simm.s32 $0x9;
	_ =	strace $0x80000051  }
0xb4: {  	_ =	swait.ge [sflag:s29], $0x1  }
0xb5: {  	[sflag:s29] =	ssyncadd.s32 $0xFFFFFFFF  }
0xb6: {  	_ =	strace $0x90000051  }
0xb7: {  	_ =	sfence  }
0xb8: {  	s30 =	sld [smem:$0x0];
	_ =	sdelay $0x2  }
0xb9: {  	s31 =	sshll.u32 s1, $0xD;
	s1 =	sshrl.u32 s1, $0x2  }
0xba: {  	s3 =	sand.u32 $0x4000, s31;
	s1 =	sadd.s32 s1, s30  }
0xbb: {  	s0 =	sor.u32 s3, s0;
	s1 =	sshll.u32 s1, $0x11  }
0xbc: {  	s0 =	sor.u32 s1, s0  }
0xbd: {  	s0 =	sadd.s32 $0x8F2B, s0  }
0xbe: {  	[sflag:s0] =	ssyncadd.remote.s32 $0x1  }
0xbf: {  	_ =	sfence.sel $0xFFFF  }
0xc0: {  	[dreg:$0x0] =	wrdreg $0xFFFFFFFF;
	(pc) =	sbr.abs _section_cstart, $3  }
0xc1: {  	[dreg:$0x1] =	wrdreg $0xFFFFFFFF  }
0xc2: {  	_ =	task.clear_ibuf [dreg:s7], $0x2FFFF;
	_ =	strace $0x9FFFFFFF  }
0xc3: {  	(tm) =	ssettm $0x7FFFFFFF  }
tec
execute0_lowered:
.L_overlay_start_1:
0x0: {  	(tag) =	ssettag $0x1  }
0x1: {  	s0 =	rddreg [dreg:$0x0]  }
0x2: {  	s14 =	rddreg [dreg:$0x1]  }
0x3: {  	s2 =	rddreg [dreg:$0x2];
	s1 =	srdreg.scid  }
0x4: {  	s4 =	simm.s32 $0x0;
	s3 =	stileid.u32;
	s20 =	simm.s32 $0x200  }
0x5: {  	s21 =	simm.s32 $0x3;
	s22 =	simm.s32 $0x100;
	s23 =	simm.s32 $0x80  }
0x6: {  	s24 =	simm.s32 $0x180;
	s25 =	simm.s32 $0x4200;
	s26 =	simm.s32 $0x1  }
0x7: {  	s28 =	simm.s32 $0x2;
	s29 =	simm.s32 $0x0;
	s8 =	smul.u32 $0x14000, s3  }
0x8: {  	s1 =	sand.u32 $0x1, s1;
	[smem:$0x7FF] =	sst s4;
	s9 =	smul.u32 $0x50000, s3  }
0x9: {  	s5 =	sadd.s32 $0xDE00, s0;
	s6 =	sadd.s32 $0x3E00, s0;
	s19 =	smul.u32 $0xA00, s3  }
0xa: {  	s7 =	smul.u32 $0x140000, s1;
	_ =	strace $0x80000050;
	s30 =	ssub.s32 $0x2, s1  }
0xb: {  	p0 =	seq.s32 s1, $0x1;
	s10 =	sshrl.u32 s30, $0x1;
	s9 =	sshrl.u32 s9, $0x2  }
0xc: {  	s12 =	sadd.s32 s6, s19;
	s13 =	sadd.s32 s14, s19;
	s31 =	sadd.s32 $0x760, s19  }
0xd: {  	s18 =	sadd.s32 $0x750, s19;
	s19 =	sadd.s32 $0x9F0, s19;
	s7 =	sadd.s32 s8, s7  }
.Ltmp0:
0xe: {  	s17 =	ssub.s32 s30, s10;
	s15 =	sadd.s32 s6, s31;
	(pc) =	sbr.rel .LBB2_1-.Ltmp0, $4  }
0xf: {  	s1 =	sadd.s32 s14, s31;
	s7 =	sshrl.u32 s7, $0x3;
	[dreg:$0x4] =	wrdreg s15  }
0x10: {  	[dreg:$0x5] =	wrdreg s1;
	s0 =	sadd.s32 s7, s0;
	s7 =	sadd.s32 s9, s2  }
0x11: {  	s17 =	smax.u32 s17, $0x1;
	s8 =	sadd.s32 $0x4000, s7;
	s9 =	sadd.s32 $0x8000, s7  }
0x12: {  	v0 =	vimm.f32 $0.0e+00;
	s10 =	sadd.s32 $0xC000, s7;
	s11 =	sadd.s32 $0x10000, s7;
	s16 =	sadd.s32 $0x35E00, s0  }
.LBB2_6:
0x13: {  	s1 =	sadd.s32 $0x750, s0;
	[sflag:s21] =	ssyncadd.s32 $0xFFFFC000  }
0x14: {  	[tilespmem:s23], [sflag:$0x3] =	stream.linear.gather [hbm4b:s1+s4], $0x80, $0x38;
	[tilespmem:$0x1C200] =	vst v63  }
0x15: {  	_ =	swait.ge [sflag:s21], $0x80  }
0x16: {  	s15 =	sadd.s32 s30, s13;
	[sflag:s21] =	ssyncset.done $0x0  }
0x17: {  	s14 =	sadd.s32 $0x750, s15;
	[sflag:s21] =	ssyncadd.s32 $0xFFFFFF80  }
0x18: {  	[tilespmem:s24], [sflag:$0x3] =	stream.linear.gather [hbm4b:s14+s4], $0x80, $0x38;
	[tilespmem:$0x1C200] =	vst v63  }
0x19: {  	_ =	swait.ge [sflag:s21], $0x80  }
0x1a: {  	[sflag:s21] =	ssyncset.done $0x0  }
0x1b: {  	[sflag:s21] =	ssyncadd.s32 $0xFFFFFF80  }
0x1c: {  	[tilespmem:s25], [sflag:$0x2] =	stream.indirect.gather [hbm4b:s5+s23], $0x80, s23, s23, $0xb8;
	[tilespmem:$0x1C200] =	vst v63  }
0x1d: {  	_ =	swait.ge [sflag:s26], $0x4000  }
0x1e: {  	[sflag:s26] =	ssyncset.done $0x0  }
0x1f: {  	[sflag:s26] =	ssyncadd.s32 $0xFFFFC000  }
0x20: {  	[spmem:s2] =	stream.indirect.scatter.add.f32 [tilespmem:s20], [sflag:$0x3], $0x80, s22, s23, $0xb8;
	[tilespmem:$0x1C200] =	vst v63  }
0x21: {  	_ =	swait.ge [sflag:s21], $0x4000  }
0x22: {  	[sflag:s21] =	ssyncset.done $0x0  }
0x23: {  	s30 =	sadd.s32 $0x760, s0;
	[sflag:s21] =	ssyncadd.s32 $0xFFFFC000  }
0x24: {  	[tilespmem:s4], [sflag:$0x3] =	stream.linear.gather [hbm4b:s30+s4], $0x80, $0x38;
	[tilespmem:$0x1C200] =	vst v63  }
0x25: {  	_ =	swait.ge [sflag:s21], $0x80  }
0x26: {  	[sflag:s21] =	ssyncset.done $0x0  }
0x27: {  	s31 =	sadd.s32 $0x760, s15;
	[sflag:s21] =	ssyncadd.s32 $0xFFFFFF80  }
0x28: {  	[tilespmem:s22], [sflag:$0x3] =	stream.linear.gather [hbm4b:s31+s4], $0x80, $0x38;
	[tilespmem:$0x1C200] =	vst v63  }
0x29: {  	_ =	swait.ge [sflag:s21], $0x80  }
0x2a: {  	[sflag:s21] =	ssyncset.done $0x0  }
0x2b: {  	[sflag:s21] =	ssyncadd.s32 $0xFFFFFF80  }
0x2c: {  	[tilespmem:s20], [sflag:$0x1] =	stream.indirect.gather [hbm4b:s5+s23], $0x80, s4, s23, $0xb8;
	[tilespmem:$0x1C200] =	vst v63  }
0x2d: {  	_ =	swait.ge [sflag:s28], $0x4000  }
0x2e: {  	[sflag:s28] =	ssyncset.done $0x0  }
0x2f: {  	[sflag:s28] =	ssyncadd.s32 $0xFFFFC000  }
0x30: {  	[spmem:s2] =	stream.indirect.scatter.add.f32 [tilespmem:s25], [sflag:$0x3], $0x80, s24, s23, $0xb8;
	[tilespmem:$0x1C200] =	vst v63  }
0x31: {  	_ =	swait.ge [sflag:s21], $0x4000  }
0x32: {  	[sflag:s21] =	ssyncset.done $0x0  }
0x33: {  	s0 =	smov.u32 s18;
	[sflag:s21] =	ssyncadd.s32 $0xFFFFC000  }
.LBB2_10:
0x34: {  	s1 =	sadd.s32 s6, s0  }
0x35: {  	[tilespmem:s23], [sflag:$0x3] =	stream.linear.gather [hbm4b:s1+s4], $0x80, $0x38;
	[tilespmem:$0x1C200] =	vst v63  }
0x36: {  	_ =	swait.ge [sflag:s21], $0x80  }
0x37: {  	[sflag:s21] =	ssyncset.done $0x0  }
0x38: {  	s14 =	rddreg [dreg:$0x1]  }
0x39: {  	[sflag:s21] =	ssyncadd.s32 $0xFFFFFF80;
	s15 =	sadd.s32 s14, s0  }
0x3a: {  	[tilespmem:s24], [sflag:$0x3] =	stream.linear.gather [hbm4b:s15+s4], $0x80, $0x38;
	[tilespmem:$0x1C200] =	vst v63  }
0x3b: {  	_ =	swait.ge [sflag:s21], $0x80  }
0x3c: {  	[sflag:s21] =	ssyncset.done $0x0  }
0x3d: {  	[sflag:s21] =	ssyncadd.s32 $0xFFFFFF80  }
0x3e: {  	[tilespmem:s25], [sflag:$0x2] =	stream.indirect.gather [hbm4b:s5+s23], $0x80, s23, s23, $0xb8;
	[tilespmem:$0x1C200] =	vst v63  }
0x3f: {  	_ =	swait.ge [sflag:s26], $0x4000  }
0x40: {  	[sflag:s26] =	ssyncset.done $0x0  }
0x41: {  	[sflag:s26] =	ssyncadd.s32 $0xFFFFC000  }
0x42: {  	[spmem:s2] =	stream.indirect.scatter.add.f32 [tilespmem:s20], [sflag:$0x3], $0x80, s22, s23, $0xb8;
	[tilespmem:$0x1C200] =	vst v63  }
0x43: {  	_ =	swait.ge [sflag:s21], $0x4000  }
0x44: {  	[sflag:s21] =	ssyncset.done $0x0  }
0x45: {  	[sflag:s21] =	ssyncadd.s32 $0xFFFFC000  }
0x46: {  	_ =	swait.ge [sflag:s28], $0x4000  }
0x47: {  	[sflag:s28] =	ssyncset.done $0x0  }
0x48: {  	[sflag:s28] =	ssyncadd.s32 $0xFFFFC000  }
0x49: {  	[spmem:s2] =	stream.indirect.scatter.add.f32 [tilespmem:s25], [sflag:$0x3], $0x80, s24, s23, $0xb8;
	[tilespmem:$0x1C200] =	vst v63  }
0x4a: {  	_ =	swait.ge [sflag:s21], $0x4000  }
0x4b: {  	s30 =	sshll.u32 s3, $0x6;
	s29 =	sadd.s32 $0x1, s29;
	[sflag:s21] =	ssyncset.done $0x0  }
0x4c: {  	s31 =	sshrl.u32 s7, $0x3;
	p1 =	sne.s32 s29, s17;
	[sflag:s21] =	ssyncadd.s32 $0xFFFFC000  }
.Ltmp1:
0x4d: {  	s0 =	sor.u32 $0x1C03, s30;
	[bflag:$0x0] =	sbarrier.arrive $0xFFFF;
	(pc) =	sbr.rel @!p1 .LBB2_11-.Ltmp1, $4  }
0x4e: {  	[hbm:s16], [sflag:s0] =	dma.local [spmem:s31], $0x2800  }
0x4f: {  	_ =	swait.ge [sflag:s21], $0x2800  }
0x50: {  	[sflag:s21] =	ssyncset.done $0x0  }
0x51: {  	[sflag:s21] =	ssyncadd.s32 $0xFFFFD800  }
.LBB2_1:
0x52: {  	s0 =	simm.s32 $0x0;
	s30 =	simm.s32 $0x200  }
.LBB2_2:
0x53: {  	p1 =	sne.s32 s30, $0xFE00;
	[tilespmem:s0+$0x270] =	vst v0  }
0x54: {  	[tilespmem:s0+$0x200] =	vst v0  }
0x55: {  	[tilespmem:s0+$0x210] =	vst v0  }
.Ltmp2:
0x56: {  	[tilespmem:s0+$0x220] =	vst v0;
	(pc) =	sbr.rel @p1 .LBB2_2-.Ltmp2, $4  }
0x57: {  	[tilespmem:s0+$0x230] =	vst v0  }
0x58: {  	[tilespmem:s0+$0x240] =	vst v0  }
0x59: {  	[tilespmem:s0+$0x250] =	vst v0  }
0x5a: {  	[tilespmem:s0+$0x260] =	vst v0;
	s0 =	sshra.s32 s30, $0x2;
	s30 =	sadd.s32 $0x200, s30  }
0x5b: {  	[tilespmem:s0+$0x270] =	vst v0  }
0x5c: {  	[tilespmem:s0+$0x200] =	vst v0  }
0x5d: {  	[tilespmem:s0+$0x210] =	vst v0  }
0x5e: {  	[tilespmem:s0+$0x220] =	vst v0  }
0x5f: {  	[tilespmem:s0+$0x230] =	vst v0  }
0x60: {  	[tilespmem:s0+$0x240] =	vst v0  }
0x61: {  	[tilespmem:s0+$0x250] =	vst v0  }
0x62: {  	[tilespmem:s0+$0x260] =	vst v0  }
0x63: {  	[spmem:s7] =	stream.linear.scatter [tilespmem:s20], [sflag:$0x3], $0x4000, $0x38;
	[tilespmem:$0x1C200] =	vst v63  }
0x64: {  	_ =	swait.ge [sflag:s21], $0x4000  }
0x65: {  	[sflag:s21] =	ssyncset.done $0x0  }
0x66: {  	[sflag:s21] =	ssyncadd.s32 $0xFFFFC000  }
0x67: {  	[spmem:s8] =	stream.linear.scatter [tilespmem:s20], [sflag:$0x3], $0x4000, $0x38;
	[tilespmem:$0x1C200] =	vst v63  }
0x68: {  	_ =	swait.ge [sflag:s21], $0x4000  }
0x69: {  	[sflag:s21] =	ssyncset.done $0x0  }
0x6a: {  	[sflag:s21] =	ssyncadd.s32 $0xFFFFC000  }
0x6b: {  	[spmem:s9] =	stream.linear.scatter [tilespmem:s20], [sflag:$0x3], $0x4000, $0x38;
	[tilespmem:$0x1C200] =	vst v63  }
0x6c: {  	_ =	swait.ge [sflag:s21], $0x4000  }
0x6d: {  	[sflag:s21] =	ssyncset.done $0x0  }
0x6e: {  	[sflag:s21] =	ssyncadd.s32 $0xFFFFC000  }
0x6f: {  	[spmem:s10] =	stream.linear.scatter [tilespmem:s20], [sflag:$0x3], $0x4000, $0x38;
	[tilespmem:$0x1C200] =	vst v63  }
0x70: {  	_ =	swait.ge [sflag:s21], $0x4000  }
0x71: {  	[sflag:s21] =	ssyncset.done $0x0  }
0x72: {  	[sflag:s21] =	ssyncadd.s32 $0xFFFFC000  }
0x73: {  	[spmem:s11] =	stream.linear.scatter [tilespmem:s20], [sflag:$0x3], $0x4000, $0x38;
	[tilespmem:$0x1C200] =	vst v63  }
.Ltmp3:
0x74: {  	_ =	swait.ge [sflag:s21], $0x4000;
	(pc) =	sbr.rel @!p0 .LBB2_4-.Ltmp3, $3  }
0x75: {  	[sflag:s21] =	ssyncset.done $0x0  }
0x76: {  	[sflag:s21] =	ssyncadd.s32 $0xFFFFC000  }
0x77: {  	[bflag:$0x0] =	sbarrier.arrive $0xFFFF;
	_ =	sdelay $0x1  }
0x78: {  	s0 =	rddreg [dreg:$0x4]  }
0x79: {  	[tilespmem:s4], [sflag:$0x3] =	stream.linear.gather [hbm4b:s0+s4], $0x80, $0x38;
	[tilespmem:$0x1C200] =	vst v63  }
0x7a: {  	_ =	swait.ge [sflag:s21], $0x80  }
0x7b: {  	[sflag:s21] =	ssyncset.done $0x0  }
0x7c: {  	s15 =	rddreg [dreg:$0x5];
	[sflag:s21] =	ssyncadd.s32 $0xFFFFFF80  }
0x7d: {  	[tilespmem:s22], [sflag:$0x3] =	stream.linear.gather [hbm4b:s15+s4], $0x80, $0x38;
	[tilespmem:$0x1C200] =	vst v63  }
0x7e: {  	_ =	swait.ge [sflag:s21], $0x80  }
0x7f: {  	[sflag:s21] =	ssyncset.done $0x0  }
0x80: {  	s31 =	sadd.s32 $0xFFFFFD80, s12;
	[sflag:s21] =	ssyncadd.s32 $0xFFFFFF80  }
0x81: {  	[tilespmem:s20], [sflag:$0x1] =	stream.indirect.gather [hbm4b:s5+s23], $0x80, s4, s23, $0xb8;
	[tilespmem:$0x1C200] =	vst v63  }
0x82: {  	s1 =	sadd.s32 $0x9F0, s31  }
0x83: {  	[tilespmem:s23], [sflag:$0x3] =	stream.linear.gather [hbm4b:s1+s4], $0x80, $0x38;
	[tilespmem:$0x1C200] =	vst v63  }
0x84: {  	_ =	swait.ge [sflag:s21], $0x80  }
0x85: {  	s15 =	sadd.s32 $0xFFFFFD80, s13;
	[sflag:s21] =	ssyncset.done $0x0  }
0x86: {  	s14 =	sadd.s32 $0x9F0, s15;
	[sflag:s21] =	ssyncadd.s32 $0xFFFFFF80  }
0x87: {  	[tilespmem:s24], [sflag:$0x3] =	stream.linear.gather [hbm4b:s14+s4], $0x80, $0x38;
	[tilespmem:$0x1C200] =	vst v63  }
0x88: {  	_ =	swait.ge [sflag:s21], $0x80  }
0x89: {  	[sflag:s21] =	ssyncset.done $0x0  }
0x8a: {  	[sflag:s21] =	ssyncadd.s32 $0xFFFFFF80  }
0x8b: {  	[tilespmem:s25], [sflag:$0x2] =	stream.indirect.gather [hbm4b:s5+s23], $0x80, s23, s23, $0xb8;
	[tilespmem:$0x1C200] =	vst v63  }
0x8c: {  	_ =	swait.ge [sflag:s26], $0x4000  }
0x8d: {  	[sflag:s26] =	ssyncset.done $0x0  }
0x8e: {  	[sflag:s26] =	ssyncadd.s32 $0xFFFFC000  }
0x8f: {  	[spmem:s2] =	stream.indirect.scatter.add.f32 [tilespmem:s20], [sflag:$0x3], $0x80, s22, s23, $0xb8;
	[tilespmem:$0x1C200] =	vst v63  }
0x90: {  	_ =	swait.ge [sflag:s21], $0x4000  }
0x91: {  	[sflag:s21] =	ssyncset.done $0x0  }
0x92: {  	s0 =	sadd.s32 $0xA00, s31;
	[sflag:s21] =	ssyncadd.s32 $0xFFFFC000  }
0x93: {  	[tilespmem:s4], [sflag:$0x3] =	stream.linear.gather [hbm4b:s0+s4], $0x80, $0x38;
	[tilespmem:$0x1C200] =	vst v63  }
0x94: {  	_ =	swait.ge [sflag:s21], $0x80  }
0x95: {  	[sflag:s21] =	ssyncset.done $0x0  }
0x96: {  	s31 =	sadd.s32 $0xA00, s15;
	[sflag:s21] =	ssyncadd.s32 $0xFFFFFF80  }
0x97: {  	[tilespmem:s22], [sflag:$0x3] =	stream.linear.gather [hbm4b:s31+s4], $0x80, $0x38;
	[tilespmem:$0x1C200] =	vst v63  }
0x98: {  	_ =	swait.ge [sflag:s21], $0x80  }
0x99: {  	[sflag:s21] =	ssyncset.done $0x0  }
0x9a: {  	[sflag:s21] =	ssyncadd.s32 $0xFFFFFF80  }
0x9b: {  	[tilespmem:s20], [sflag:$0x1] =	stream.indirect.gather [hbm4b:s5+s23], $0x80, s4, s23, $0xb8;
	[tilespmem:$0x1C200] =	vst v63  }
0x9c: {  	_ =	swait.ge [sflag:s28], $0x4000  }
0x9d: {  	[sflag:s28] =	ssyncset.done $0x0  }
0x9e: {  	[sflag:s28] =	ssyncadd.s32 $0xFFFFC000  }
0x9f: {  	[spmem:s2] =	stream.indirect.scatter.add.f32 [tilespmem:s25], [sflag:$0x3], $0x80, s24, s23, $0xb8;
	[tilespmem:$0x1C200] =	vst v63  }
0xa0: {  	s30 =	simm.s32 $0xFFFFFDA0;
	_ =	swait.ge [sflag:s21], $0x4000  }
0xa1: {  	s1 =	simm.s32 $0xFFFFFDC0;
	s0 =	sadd.s32 $0xFFFFFDA0, s12;
	[sflag:s21] =	ssyncset.done $0x0  }
.LBB2_8:
0xa2: {  	s14 =	sadd.s32 $0x9F0, s0  }
0xa3: {  	[sflag:s21] =	ssyncadd.s32 $0xFFFFC000;
	s15 =	smov.u32 s1;
	s31 =	sadd.s32 $0x20, s1  }
0xa4: {  	[tilespmem:s23], [sflag:$0x3] =	stream.linear.gather [hbm4b:s14+s4], $0x80, $0x38;
	[tilespmem:$0x1C200] =	vst v63  }
0xa5: {  	p1 =	sne.s32 s1, $0xFFFFFFE0;
	_ =	swait.ge [sflag:s21], $0x80  }
0xa6: {  	s1 =	sadd.s32 s30, s13;
	s30 =	smov.u32 s15;
	[sflag:s21] =	ssyncset.done $0x0  }
0xa7: {  	s14 =	sadd.s32 $0x9F0, s1;
	[sflag:s21] =	ssyncadd.s32 $0xFFFFFF80  }
0xa8: {  	[tilespmem:s24], [sflag:$0x3] =	stream.linear.gather [hbm4b:s14+s4], $0x80, $0x38;
	[tilespmem:$0x1C200] =	vst v63  }
0xa9: {  	_ =	swait.ge [sflag:s21], $0x80  }
0xaa: {  	[sflag:s21] =	ssyncset.done $0x0  }
0xab: {  	[sflag:s21] =	ssyncadd.s32 $0xFFFFFF80  }
0xac: {  	[tilespmem:s25], [sflag:$0x2] =	stream.indirect.gather [hbm4b:s5+s23], $0x80, s23, s23, $0xb8;
	[tilespmem:$0x1C200] =	vst v63  }
0xad: {  	_ =	swait.ge [sflag:s26], $0x4000  }
0xae: {  	[sflag:s26] =	ssyncset.done $0x0  }
0xaf: {  	[sflag:s26] =	ssyncadd.s32 $0xFFFFC000  }
0xb0: {  	[spmem:s2] =	stream.indirect.scatter.add.f32 [tilespmem:s20], [sflag:$0x3], $0x80, s22, s23, $0xb8;
	[tilespmem:$0x1C200] =	vst v63  }
0xb1: {  	_ =	swait.ge [sflag:s21], $0x4000  }
0xb2: {  	[sflag:s21] =	ssyncset.done $0x0  }
0xb3: {  	s0 =	sadd.s32 $0xA00, s0;
	[sflag:s21] =	ssyncadd.s32 $0xFFFFC000  }
0xb4: {  	[tilespmem:s4], [sflag:$0x3] =	stream.linear.gather [hbm4b:s0+s4], $0x80, $0x38;
	[tilespmem:$0x1C200] =	vst v63  }
0xb5: {  	_ =	swait.ge [sflag:s21], $0x80  }
0xb6: {  	[sflag:s21] =	ssyncset.done $0x0  }
0xb7: {  	s0 =	sadd.s32 $0xA00, s1;
	[sflag:s21] =	ssyncadd.s32 $0xFFFFFF80  }
0xb8: {  	[tilespmem:s22], [sflag:$0x3] =	stream.linear.gather [hbm4b:s0+s4], $0x80, $0x38;
	[tilespmem:$0x1C200] =	vst v63  }
0xb9: {  	_ =	swait.ge [sflag:s21], $0x80  }
0xba: {  	[sflag:s21] =	ssyncset.done $0x0  }
0xbb: {  	[sflag:s21] =	ssyncadd.s32 $0xFFFFFF80  }
0xbc: {  	[tilespmem:s20], [sflag:$0x1] =	stream.indirect.gather [hbm4b:s5+s23], $0x80, s4, s23, $0xb8;
	[tilespmem:$0x1C200] =	vst v63  }
0xbd: {  	_ =	swait.ge [sflag:s28], $0x4000  }
.Ltmp4:
0xbe: {  	[sflag:s28] =	ssyncset.done $0x0;
	(pc) =	sbr.rel @p1 .LBB2_8-.Ltmp4, $4  }
0xbf: {  	[sflag:s28] =	ssyncadd.s32 $0xFFFFC000  }
0xc0: {  	[spmem:s2] =	stream.indirect.scatter.add.f32 [tilespmem:s25], [sflag:$0x3], $0x80, s24, s23, $0xb8;
	[tilespmem:$0x1C200] =	vst v63  }
0xc1: {  	_ =	swait.ge [sflag:s21], $0x4000  }
0xc2: {  	s1 =	smov.u32 s31;
	s0 =	sadd.s32 s30, s12;
	[sflag:s21] =	ssyncset.done $0x0  }
0xc3: {  	s1 =	sadd.s32 $0x9F0, s0;
	[sflag:s21] =	ssyncadd.s32 $0xFFFFC000  }
0xc4: {  	[tilespmem:s23], [sflag:$0x3] =	stream.linear.gather [hbm4b:s1+s4], $0x80, $0x38;
	[tilespmem:$0x1C200] =	vst v63  }
0xc5: {  	_ =	swait.ge [sflag:s21], $0x80  }
0xc6: {  	s15 =	sadd.s32 s30, s13;
	[sflag:s21] =	ssyncset.done $0x0  }
0xc7: {  	s14 =	sadd.s32 $0x9F0, s15;
	[sflag:s21] =	ssyncadd.s32 $0xFFFFFF80  }
0xc8: {  	[tilespmem:s24], [sflag:$0x3] =	stream.linear.gather [hbm4b:s14+s4], $0x80, $0x38;
	[tilespmem:$0x1C200] =	vst v63  }
0xc9: {  	_ =	swait.ge [sflag:s21], $0x80  }
0xca: {  	[sflag:s21] =	ssyncset.done $0x0  }
0xcb: {  	[sflag:s21] =	ssyncadd.s32 $0xFFFFFF80  }
0xcc: {  	[tilespmem:s25], [sflag:$0x2] =	stream.indirect.gather [hbm4b:s5+s23], $0x80, s23, s23, $0xb8;
	[tilespmem:$0x1C200] =	vst v63  }
0xcd: {  	_ =	swait.ge [sflag:s26], $0x4000  }
0xce: {  	[sflag:s26] =	ssyncset.done $0x0  }
0xcf: {  	[sflag:s26] =	ssyncadd.s32 $0xFFFFC000  }
0xd0: {  	[spmem:s2] =	stream.indirect.scatter.add.f32 [tilespmem:s20], [sflag:$0x3], $0x80, s22, s23, $0xb8;
	[tilespmem:$0x1C200] =	vst v63  }
0xd1: {  	_ =	swait.ge [sflag:s21], $0x4000  }
0xd2: {  	[sflag:s21] =	ssyncset.done $0x0  }
0xd3: {  	s30 =	sadd.s32 $0xA00, s0;
	[sflag:s21] =	ssyncadd.s32 $0xFFFFC000  }
0xd4: {  	[tilespmem:s4], [sflag:$0x3] =	stream.linear.gather [hbm4b:s30+s4], $0x80, $0x38;
	[tilespmem:$0x1C200] =	vst v63  }
0xd5: {  	_ =	swait.ge [sflag:s21], $0x80  }
0xd6: {  	[sflag:s21] =	ssyncset.done $0x0  }
0xd7: {  	s31 =	sadd.s32 $0xA00, s15;
	[sflag:s21] =	ssyncadd.s32 $0xFFFFFF80  }
0xd8: {  	[tilespmem:s22], [sflag:$0x3] =	stream.linear.gather [hbm4b:s31+s4], $0x80, $0x38;
	[tilespmem:$0x1C200] =	vst v63  }
0xd9: {  	_ =	swait.ge [sflag:s21], $0x80  }
0xda: {  	[sflag:s21] =	ssyncset.done $0x0  }
0xdb: {  	[sflag:s21] =	ssyncadd.s32 $0xFFFFFF80  }
0xdc: {  	[tilespmem:s20], [sflag:$0x1] =	stream.indirect.gather [hbm4b:s5+s23], $0x80, s4, s23, $0xb8;
	[tilespmem:$0x1C200] =	vst v63  }
0xdd: {  	_ =	swait.ge [sflag:s28], $0x4000  }
0xde: {  	[sflag:s28] =	ssyncset.done $0x0  }
.Ltmp5:
0xdf: {  	[sflag:s28] =	ssyncadd.s32 $0xFFFFC000;
	(pc) =	sbr.rel .LBB2_10-.Ltmp5, $4  }
0xe0: {  	[spmem:s2] =	stream.indirect.scatter.add.f32 [tilespmem:s25], [sflag:$0x3], $0x80, s24, s23, $0xb8;
	[tilespmem:$0x1C200] =	vst v63  }
0xe1: {  	_ =	swait.ge [sflag:s21], $0x4000  }
0xe2: {  	[sflag:s21] =	ssyncset.done $0x0  }
0xe3: {  	s0 =	smov.u32 s19;
	[sflag:s21] =	ssyncadd.s32 $0xFFFFC000  }
.LBB2_4:
0xe4: {  	[tilespmem:s4], [sflag:$0x3] =	stream.linear.gather [hbm4b:s12+s4], $0x80, $0x38;
	[tilespmem:$0x1C200] =	vst v63  }
0xe5: {  	_ =	swait.ge [sflag:s21], $0x80  }
0xe6: {  	[sflag:s21] =	ssyncset.done $0x0  }
0xe7: {  	[sflag:s21] =	ssyncadd.s32 $0xFFFFFF80  }
0xe8: {  	[tilespmem:s22], [sflag:$0x3] =	stream.linear.gather [hbm4b:s13+s4], $0x80, $0x38;
	[tilespmem:$0x1C200] =	vst v63  }
0xe9: {  	_ =	swait.ge [sflag:s21], $0x80  }
0xea: {  	[sflag:s21] =	ssyncset.done $0x0  }
0xeb: {  	s0 =	sadd.s32 $0xFFFFF8C0, s12;
	[sflag:s21] =	ssyncadd.s32 $0xFFFFFF80  }
0xec: {  	[tilespmem:s20], [sflag:$0x1] =	stream.indirect.gather [hbm4b:s5+s23], $0x80, s4, s23, $0xb8;
	[tilespmem:$0x1C200] =	vst v63  }
0xed: {  	s1 =	sadd.s32 $0x750, s0  }
0xee: {  	[tilespmem:s23], [sflag:$0x3] =	stream.linear.gather [hbm4b:s1+s4], $0x80, $0x38;
	[tilespmem:$0x1C200] =	vst v63  }
0xef: {  	_ =	swait.ge [sflag:s21], $0x80  }
0xf0: {  	s14 =	sadd.s32 $0xFFFFF8C0, s13;
	[sflag:s21] =	ssyncset.done $0x0  }
0xf1: {  	s30 =	sadd.s32 $0x750, s14;
	[sflag:s21] =	ssyncadd.s32 $0xFFFFFF80  }
0xf2: {  	[tilespmem:s24], [sflag:$0x3] =	stream.linear.gather [hbm4b:s30+s4], $0x80, $0x38;
	[tilespmem:$0x1C200] =	vst v63  }
0xf3: {  	_ =	swait.ge [sflag:s21], $0x80  }
0xf4: {  	[sflag:s21] =	ssyncset.done $0x0  }
0xf5: {  	[sflag:s21] =	ssyncadd.s32 $0xFFFFFF80  }
0xf6: {  	[tilespmem:s25], [sflag:$0x2] =	stream.indirect.gather [hbm4b:s5+s23], $0x80, s23, s23, $0xb8;
	[tilespmem:$0x1C200] =	vst v63  }
0xf7: {  	_ =	swait.ge [sflag:s26], $0x4000  }
0xf8: {  	[sflag:s26] =	ssyncset.done $0x0  }
0xf9: {  	[sflag:s26] =	ssyncadd.s32 $0xFFFFC000  }
0xfa: {  	[spmem:s2] =	stream.indirect.scatter.add.f32 [tilespmem:s20], [sflag:$0x3], $0x80, s22, s23, $0xb8;
	[tilespmem:$0x1C200] =	vst v63  }
0xfb: {  	_ =	swait.ge [sflag:s21], $0x4000  }
0xfc: {  	[sflag:s21] =	ssyncset.done $0x0  }
0xfd: {  	s0 =	sadd.s32 $0x760, s0;
	[sflag:s21] =	ssyncadd.s32 $0xFFFFC000  }
0xfe: {  	[tilespmem:s4], [sflag:$0x3] =	stream.linear.gather [hbm4b:s0+s4], $0x80, $0x38;
	[tilespmem:$0x1C200] =	vst v63  }
0xff: {  	_ =	swait.ge [sflag:s21], $0x80  }
0x100: {  	[sflag:s21] =	ssyncset.done $0x0  }
0x101: {  	s15 =	sadd.s32 $0x760, s14;
	[sflag:s21] =	ssyncadd.s32 $0xFFFFFF80  }
0x102: {  	[tilespmem:s22], [sflag:$0x3] =	stream.linear.gather [hbm4b:s15+s4], $0x80, $0x38;
	[tilespmem:$0x1C200] =	vst v63  }
0x103: {  	_ =	swait.ge [sflag:s21], $0x80  }
0x104: {  	[sflag:s21] =	ssyncset.done $0x0  }
0x105: {  	[sflag:s21] =	ssyncadd.s32 $0xFFFFFF80  }
0x106: {  	[tilespmem:s20], [sflag:$0x1] =	stream.indirect.gather [hbm4b:s5+s23], $0x80, s4, s23, $0xb8;
	[tilespmem:$0x1C200] =	vst v63  }
0x107: {  	_ =	swait.ge [sflag:s28], $0x4000  }
0x108: {  	[sflag:s28] =	ssyncset.done $0x0  }
0x109: {  	[sflag:s28] =	ssyncadd.s32 $0xFFFFC000  }
0x10a: {  	[spmem:s2] =	stream.indirect.scatter.add.f32 [tilespmem:s25], [sflag:$0x3], $0x80, s24, s23, $0xb8;
	[tilespmem:$0x1C200] =	vst v63  }
0x10b: {  	s31 =	simm.s32 $0xFFFFF900;
	_ =	swait.ge [sflag:s21], $0x4000  }
0x10c: {  	s30 =	simm.s32 $0xFFFFF8E0;
	s0 =	sadd.s32 $0xFFFFF8E0, s12;
	[sflag:s21] =	ssyncset.done $0x0  }
.LBB2_5:
0x10d: {  	s14 =	sadd.s32 $0x750, s0  }
0x10e: {  	[sflag:s21] =	ssyncadd.s32 $0xFFFFC000;
	s15 =	smov.u32 s31;
	s1 =	sadd.s32 $0x20, s31  }
0x10f: {  	[tilespmem:s23], [sflag:$0x3] =	stream.linear.gather [hbm4b:s14+s4], $0x80, $0x38;
	[tilespmem:$0x1C200] =	vst v63  }
0x110: {  	p1 =	seq.s32 s31, $0xFFFFFFE0;
	_ =	swait.ge [sflag:s21], $0x80  }
0x111: {  	s14 =	sadd.s32 s30, s13;
	s30 =	smov.u32 s15;
	[sflag:s21] =	ssyncset.done $0x0  }
0x112: {  	s15 =	sadd.s32 $0x750, s14;
	[sflag:s21] =	ssyncadd.s32 $0xFFFFFF80  }
0x113: {  	[tilespmem:s24], [sflag:$0x3] =	stream.linear.gather [hbm4b:s15+s4], $0x80, $0x38;
	[tilespmem:$0x1C200] =	vst v63  }
0x114: {  	_ =	swait.ge [sflag:s21], $0x80  }
0x115: {  	[sflag:s21] =	ssyncset.done $0x0  }
0x116: {  	[sflag:s21] =	ssyncadd.s32 $0xFFFFFF80  }
0x117: {  	[tilespmem:s25], [sflag:$0x2] =	stream.indirect.gather [hbm4b:s5+s23], $0x80, s23, s23, $0xb8;
	[tilespmem:$0x1C200] =	vst v63  }
0x118: {  	_ =	swait.ge [sflag:s26], $0x4000  }
0x119: {  	[sflag:s26] =	ssyncset.done $0x0  }
0x11a: {  	[sflag:s26] =	ssyncadd.s32 $0xFFFFC000  }
0x11b: {  	[spmem:s2] =	stream.indirect.scatter.add.f32 [tilespmem:s20], [sflag:$0x3], $0x80, s22, s23, $0xb8;
	[tilespmem:$0x1C200] =	vst v63  }
0x11c: {  	_ =	swait.ge [sflag:s21], $0x4000  }
0x11d: {  	[sflag:s21] =	ssyncset.done $0x0  }
0x11e: {  	s0 =	sadd.s32 $0x760, s0;
	[sflag:s21] =	ssyncadd.s32 $0xFFFFC000  }
0x11f: {  	[tilespmem:s4], [sflag:$0x3] =	stream.linear.gather [hbm4b:s0+s4], $0x80, $0x38;
	[tilespmem:$0x1C200] =	vst v63  }
0x120: {  	_ =	swait.ge [sflag:s21], $0x80  }
0x121: {  	[sflag:s21] =	ssyncset.done $0x0  }
0x122: {  	s0 =	sadd.s32 $0x760, s14;
	[sflag:s21] =	ssyncadd.s32 $0xFFFFFF80  }
0x123: {  	[tilespmem:s22], [sflag:$0x3] =	stream.linear.gather [hbm4b:s0+s4], $0x80, $0x38;
	[tilespmem:$0x1C200] =	vst v63  }
0x124: {  	_ =	swait.ge [sflag:s21], $0x80  }
0x125: {  	[sflag:s21] =	ssyncset.done $0x0  }
0x126: {  	[sflag:s21] =	ssyncadd.s32 $0xFFFFFF80  }
0x127: {  	[tilespmem:s20], [sflag:$0x1] =	stream.indirect.gather [hbm4b:s5+s23], $0x80, s4, s23, $0xb8;
	[tilespmem:$0x1C200] =	vst v63  }
0x128: {  	_ =	swait.ge [sflag:s28], $0x4000  }
.Ltmp6:
0x129: {  	[sflag:s28] =	ssyncset.done $0x0;
	(pc) =	sbr.rel @!p1 .LBB2_5-.Ltmp6, $4  }
0x12a: {  	[sflag:s28] =	ssyncadd.s32 $0xFFFFC000  }
0x12b: {  	[spmem:s2] =	stream.indirect.scatter.add.f32 [tilespmem:s25], [sflag:$0x3], $0x80, s24, s23, $0xb8;
	[tilespmem:$0x1C200] =	vst v63  }
0x12c: {  	_ =	swait.ge [sflag:s21], $0x4000  }
0x12d: {  	s31 =	smov.u32 s1;
	s0 =	sadd.s32 s30, s12;
	[sflag:s21] =	ssyncset.done $0x0  }
.Ltmp7:
0x12e: {  	_ = 	snop;
	(pc) =	sbr.rel .LBB2_6-.Ltmp7, $1  }
0x12f: {  	_ =	sdelay $0x3  }
.LBB2_11:
0x130: {  	_ =	sfence.sel $0x180000  }
0x131: {  	[bflag:$0x0] =	sbarrier.arrive $0xFFFF  }
0x132: {  	_ =	strace $0x90000050  }
0x133: {  	[bflag:$0x2] =	sbarrier.arrive $0xFFFF  }
0x134: {  	p0 =	sne.s32 s3, $0x0;
	s0 =	rddreg [dreg:$0x3]  }
0x135: {  	s0 =	sadd.s32 @!p0 $0x100000, s0  }
0x136: {  	[sflag:s0] =	ssyncadd.tile.s32 @!p0 $0x1;
	_ =	shalt  }
.Lfunc_end2:
_tile_overlayer_lowered:
.L_overlay_start_2:
0x137: {  	(tag) =	ssettag $0x2  }
0x138: {  	s0 =	rddreg [dreg:$0x0];
	s2 =	stileid.u32  }
0x139: {  	s1 =	rddreg [dreg:$0x1];
	p0 =	sne.s32 s2, $0x0  }
0x13a: {  	s3 =	rddreg [dreg:$0x2];
	[bflag:$0x3] =	sbarrier.arrive $0xFFFF;
	s2 =	simm.s32 @!p0 $0x1C03  }
0x13b: {  	[timem:s3], [sflag:s2] =	dma.local @!p0 [hbm:s0], s1  }
0x13c: {  	s0 =	simm.s32 @!p0 $0x3  }
0x13d: {  	_ =	swait.ge @!p0 [sflag:s0], s1  }
0x13e: {  	s1 =	ssub.s32 @!p0 $0x0, s1;
	[sflag:s0] =	ssyncset.done @!p0 $0x0  }
0x13f: {  	[sflag:s0] =	ssyncadd.s32 @!p0 s1  }
0x140: {  	[bflag:$0x3] =	sbarrier.arrive $0xFFFF  }
0x141: {  	_ =	shalt  }

</sc_bundles>
